<compile_context>
chip_gen: v7x
topology: tpu7x:2x2x1
jax: 0.10.2.dev20260603
libtpu: 0.0.44.dev20260713+nightly
codegen_flags: <defaults>
</compile_context>

<pallas_src>
import functools

import jax
import jax.numpy as jnp
from jax import lax
from jax.experimental import pallas as pl
from jax.experimental.pallas import tpu as pltpu
from jax.experimental.pallas import tpu_sc as plsc

_B, _L, _S = 16, 512, 16
_AFROMZERO = 0.02
_EXPMAX = 10.0
_OVER = 15.0
_LN2 = 0.6931471805599453

_LOGC = (
    2.643457467e-10, 0.9999999061, -0.5000000283, 0.3333473085,
    -0.250012529, 0.1994477744, -0.1657575011, 0.1505637611,
    -0.1429659855, 0.08383508477,
)


def _vlog(x):
    xi = lax.bitcast_convert_type(x, jnp.int32)
    e = (xi >> 23) - 127
    mi = (xi & 0x007FFFFF) | 0x3F800000
    m = lax.bitcast_convert_type(mi, jnp.float32)
    big = m > 1.4142135381698608
    m = jnp.where(big, m * 0.5, m)
    e = jnp.where(big, e + 1, e)
    t = m - 1.0
    p = jnp.full_like(x, _LOGC[9])
    for c in reversed(_LOGC[:9]):
        p = p * t + c
    return e.astype(jnp.float32) * _LN2 + p


def _vsqrt(x):
    xs = jnp.maximum(x, 1e-30)
    i = lax.bitcast_convert_type(xs, jnp.int32)
    y = lax.bitcast_convert_type(0x5F3759DF - (i >> 1), jnp.float32)
    y = y * (1.5 - 0.5 * xs * y * y)
    y = y * (1.5 - 0.5 * xs * y * y)
    y = y * (1.5 - 0.5 * xs * y * y)
    return xs * y


def _zmax_vec(a, b):
    denom = 1.0 - a
    denom_safe = jnp.where(jnp.abs(denom) < 1e-9, 1e-9, denom)
    bm1 = b - 1.0
    zmax_gen = 0.5 * (b + 1.0 - _vsqrt(bm1 * bm1 + 4.0 * a * b)) / denom_safe
    zmax_gen = jnp.where((zmax_gen > 0.9999) & (b > 100.0),
                         jnp.minimum(zmax_gen, 1.0 - a / jnp.maximum(b, 1e-12)),
                         zmax_gen)
    zmax_zero = jnp.where(b < 1.0, b, 1.0)
    zmax_c = b / (b + 1.0)
    return jnp.where(a < _AFROMZERO, zmax_zero,
                     jnp.where(jnp.abs(a - 1.0) < 0.01, zmax_c, zmax_gen))


def _sc_body(z_h, mT_h, po_h, out_h, z_v, mT_v, po_v, io_v, part_v):
    c = lax.axis_index("c")
    s = lax.axis_index("s")
    e = c * 8 + s // 2
    h = s % 2
    row0 = h * (_L // 2)

    pltpu.sync_copy(z_h.at[e, pl.ds(row0, _L // 2)], z_v)
    pltpu.sync_copy(mT_h.at[e, pl.ds(row0, _L // 2)], mT_v)
    pltpu.sync_copy(po_h, po_v)

    def _splat(idx):
        return plsc.load_gather(po_v, [jnp.full((16,), idx, jnp.int32)])

    obs_e = lax.bitcast_convert_type(_splat(e), jnp.int32)
    a1 = _splat(16)
    bp1 = _splat(17)
    a0 = _splat(18)
    bp0 = _splat(19)
    ae1 = jnp.where(a1 < _AFROMZERO, 0.0, a1)
    ae0 = jnp.where(a0 < _AFROMZERO, 0.0, a0)

    lane = lax.iota(jnp.int32, 16)

    def _prep(a, aeff, b):
        zm = _zmax_vec(a, b)
        linv = 1.0 / zm
        lzm = _vlog(zm)
        l1zm = _vlog(jnp.maximum(1.0 - zm, 1e-38))
        k = b * linv + lzm - aeff * l1zm
        return k

    def _block(i, lacc):
        mTv = mT_v[pl.ds(i * 16, 16)]
        valid = (lane + (row0 + i * 16)) < obs_e
        mt2 = mTv * mTv
        b1 = bp1 * mt2
        b0 = bp0 * mt2
        k1 = _prep(a1, ae1, b1)
        k0 = _prep(a0, ae0, b0)

        bp = jnp.ones(16, jnp.float32)
        rbase = i * 16
        for scol in range(_S):
            zr = plsc.load_gather(z_v, [lane + rbase, jnp.full((16,), scol, jnp.int32)])
            m = valid & (zr != 0.0)
            zs = jnp.where(m, zr, 0.5)
            lz = _vlog(zs)
            l1z = _vlog(1.0 - zs)
            invz = 1.0 / zs
            f1 = jnp.clip(k1 - b1 * invz - lz + ae1 * l1z, -_EXPMAX, _EXPMAX)
            f0 = jnp.clip(k0 - b0 * invz - lz + ae0 * l1z, -_EXPMAX, _EXPMAX)
            if scol == 0:
                w = jnp.exp(f1 - f0)
            else:
                w = (_OVER - jnp.exp(f1)) / (_OVER - jnp.exp(f0))
            bp = bp * jnp.where(m, w, 1.0)
        return lacc + _vlog(bp)

    lacc = lax.fori_loop(0, _L // 32, _block, jnp.zeros(16, jnp.float32))

    io_v[...] = lacc
    pltpu.sync_copy(io_v, out_h.at[16 + c * 16 + s])
    plsc.subcore_barrier()

    @pl.when(h == 0)
    def _():
        pltpu.sync_copy(out_h.at[16 + c * 16 + s + 1], part_v)
        tot = lacc + part_v[...]
        total = jnp.sum(tot)
        io_v[...] = jnp.exp(jnp.full((16,), total, jnp.float32))
        pltpu.sync_copy(io_v, out_h.at[e])


@functools.cache
def _make_sc_kernel():
    return pl.kernel(
        _sc_body,
        out_type=jax.ShapeDtypeStruct((_B + 32, 16), jnp.float32),
        mesh=plsc.VectorSubcoreMesh(core_axis_name="c", subcore_axis_name="s",
                                    num_cores=2, num_subcores=16),
        compiler_params=pltpu.CompilerParams(needs_layout_passes=False),
        scratch_types=[
            pltpu.VMEM((_L // 2, _S), jnp.float32),
            pltpu.VMEM((_L // 2,), jnp.float32),
            pltpu.VMEM((32,), jnp.float32),
            pltpu.VMEM((16,), jnp.float32),
            pltpu.VMEM((16,), jnp.float32),
        ],
    )


def kernel(z, mT, observable, params_a, params_b, params_base):
    obs_f = lax.bitcast_convert_type(observable, jnp.float32)
    pv = jnp.stack([params_a, params_b, params_base[0], params_base[1]])
    po = jnp.concatenate([obs_f, pv, pv, pv, pv])
    out = _make_sc_kernel()(z, mT, po)
    return out[:_B, 0]

# --- scband reference (transcript-rebuilt; emitter-appended) ---
"""Pipeline reference for scband-lund-weight-74491912782168 (READ-ONLY COPY).

The authoritative reference and input builder live on the scoring server;
editing this copy changes nothing except your own understanding.
"""

import jax, jax.numpy as jnp
import numpy as np

AFROMZERO = 0.02
AFROMC = 0.01
EXPMAX = 10.0


def _zmax(a, b, c):
    denom = c - a
    denom_safe = jnp.where(jnp.abs(denom) < 1e-9, 1e-9, denom)
    zmax_gen = 0.5 * (b + c - jnp.sqrt((b - c) ** 2 + 4.0 * a * b)) / denom_safe
    zmax_gen = jnp.where((zmax_gen > 0.9999) & (b > 100.0),
                         jnp.minimum(zmax_gen, 1.0 - a / jnp.maximum(b, 1e-12)),
                         zmax_gen)
    zmax_zero = jnp.where(c > b, b / jnp.maximum(c, 1e-12), 1.0)
    zmax_c = b / (b + c)
    return jnp.where(a < AFROMZERO, zmax_zero,
                     jnp.where(jnp.abs(a - c) < AFROMC, zmax_c, zmax_gen))


def _likelihood(z, mT, a, b_param, c=1.0):
    b = b_param * mT ** 2
    zmax = _zmax(a, b, c)
    aCoef = jnp.log(1.0 - z) - jnp.log(1.0 - zmax)
    bCoef = 1.0 / zmax - 1.0 / z
    cCoef = jnp.log(zmax) - jnp.log(z)
    fExp = b * bCoef + c * cCoef
    fExp = jnp.where(a < AFROMZERO, fExp, fExp + a * aCoef)
    return jnp.exp(jnp.clip(fExp, -EXPMAX, EXPMAX))


def setup_inputs(seed: int = 0) -> dict:
    key = jax.random.key(seed)
    kz, km, ko = jax.random.split(key, 3)
    B, L, S = 16, 512, 16
    z = jax.random.uniform(kz, (B, L, S), dtype=jnp.float32)
    # transverse mass kept away from 0 for numerical stability (physical mT ~ hadron mass scale)
    mT = jax.random.uniform(km, (B, L), dtype=jnp.float32, minval=0.25, maxval=1.5)
    observable = jax.random.randint(ko, (B,), 0, L).astype(jnp.int32)
    params_base = jnp.array([0.68, 0.98], dtype=jnp.float32)
    params_a = jnp.asarray(0.69, dtype=jnp.float32)
    params_b = jnp.asarray(1.0, dtype=jnp.float32)
    return {"z": z, "mT": mT, "observable": observable,
            "params_a": params_a, "params_b": params_b, "params_base": params_base}


def reference(z, mT, observable, params_a, params_b, params_base):
    over = 15.0
    B, L, S = z.shape
    token_valid = jnp.arange(L)[None, :] < observable[:, None]
    # accepted z values (column 0)
    z0 = z[:, :, 0]
    acc_mask = token_valid & (z0 != 0.0)
    z0s = jnp.where(acc_mask, z0, 0.5)
    mTs = jnp.where(token_valid, mT, 1.0)
    acc_num = _likelihood(z0s, mTs, params_a, params_b)
    acc_den = _likelihood(z0s, mTs, params_base[0], params_base[1])
    acc_w = jnp.where(acc_mask, acc_num / acc_den, 1.0)
    # rejected samples (columns 1:)
    zr = z[:, :, 1:]
    rej_mask = token_valid[:, :, None] & (zr != 0.0)
    zrs = jnp.where(rej_mask, zr, 0.5)
    mTr = mTs[:, :, None]
    rej_num = over - _likelihood(zrs, mTr, params_a, params_b)
    rej_den = over - _likelihood(zrs, mTr, params_base[0], params_base[1])
    rej_w = jnp.where(rej_mask, rej_num / rej_den, 1.0)
    weights = jnp.prod(acc_w, axis=1) * jnp.prod(rej_w, axis=(1, 2))
    return weights

if __name__ == "__main__":
    import jax
    _d = setup_inputs()
    print(jax.jit(kernel)(*tuple(_d.values())))

</pallas_src>

<mosaic_0001>
#map = affine_map<(d0, d1) -> (0, 0, 0)>
#map1 = affine_map<(d0, d1) -> (0, 0)>
#map2 = affine_map<(d0, d1) -> (0)>
module attributes {stable_mosaic.version = 14 : i64} {
  func.func @_sc_body(%arg0: i32, %arg1: i32, %arg2: memref<16x512x16xf32, #tpu.memory_space<hbm>>, %arg3: memref<16x512xf32, #tpu.memory_space<hbm>>, %arg4: memref<32xf32, #tpu.memory_space<hbm>>, %arg5: memref<48x16xf32, #tpu.memory_space<hbm>>, %arg6: memref<256x16xf32, #tpu.memory_space<vmem>>, %arg7: memref<256xf32, #tpu.memory_space<vmem>>, %arg8: memref<32xf32, #tpu.memory_space<vmem>>, %arg9: memref<16xf32, #tpu.memory_space<vmem>>, %arg10: memref<16xf32, #tpu.memory_space<vmem>>) attributes {dimension_semantics = [#tpu.dimension_semantics<core_parallel>, #tpu.dimension_semantics<subcore_parallel>], iteration_bounds = array<i64: 2, 16>, scalar_prefetch = 0 : i64, scratch_operands = 5 : i64, tpu.core_type = #tpu.core_type<sc_vector_subcore>, window_params = [{transform_indices = #map}, {transform_indices = #map1}, {transform_indices = #map2}, {transform_indices = #map1}]} {
    %mul3A = arith.constant 8 : i32
    %mul3A_0 = arith.muli %arg0, %mul3A : i32
    %jit3A = arith.constant 2 : i32
    %div3A = arith.divsi %arg1, %jit3A : i32
    %sign3A = arith.constant 0 : i32
    %sign3A_1 = arith.cmpi sgt, %arg1, %sign3A : i32
    %sign3A_2 = arith.extui %sign3A_1 : i1 to i32
    %sign3A_3 = arith.constant 0 : i32
    %sign3A_4 = arith.cmpi slt, %arg1, %sign3A_3 : i32
    %sign3A_5 = arith.extui %sign3A_4 : i1 to i32
    %sign3A_6 = arith.subi %sign3A_2, %sign3A_5 : i32
    %sign3A_7 = arith.constant 0 : i32
    %sign3A_8 = arith.cmpi sgt, %jit3A, %sign3A_7 : i32
    %sign3A_9 = arith.extui %sign3A_8 : i1 to i32
    %sign3A_10 = arith.constant 0 : i32
    %sign3A_11 = arith.cmpi slt, %jit3A, %sign3A_10 : i32
    %sign3A_12 = arith.extui %sign3A_11 : i1 to i32
    %sign3A_13 = arith.subi %sign3A_9, %sign3A_12 : i32
    %ne3A = arith.cmpi ne, %sign3A_6, %sign3A_13 : i32
    %rem3A = arith.remsi %arg1, %jit3A : i32
    %ne3A_14 = arith.constant 0 : i32
    %ne3A_15 = arith.cmpi ne, %rem3A, %ne3A_14 : i32
    %and3A = arith.andi %ne3A, %ne3A_15 : i1
    %sub3A = arith.constant 1 : i32
    %sub3A_16 = arith.subi %div3A, %sub3A : i32
    %select_n3A = arith.select %and3A, %sub3A_16, %div3A : i32
    %add3A = arith.addi %mul3A_0, %select_n3A : i32
    %jit3A_17 = arith.constant 2 : i32
    %eq3A = arith.constant 0 : i32
    %eq3A_18 = arith.cmpi eq, %jit3A_17, %eq3A : i32
    %jit3A_19 = arith.constant 1 : i32
    %select_n3A_20 = arith.select %eq3A_18, %jit3A_19, %jit3A_17 : i32
    %rem3A_21 = arith.remsi %arg1, %select_n3A_20 : i32
    %ne3A_22 = arith.constant 0 : i32
    %ne3A_23 = arith.cmpi ne, %rem3A_21, %ne3A_22 : i32
    %lt3A = arith.constant 0 : i32
    %lt3A_24 = arith.cmpi slt, %rem3A_21, %lt3A : i32
    %lt3A_25 = arith.constant 0 : i32
    %lt3A_26 = arith.cmpi slt, %select_n3A_20, %lt3A_25 : i32
    %ne3A_27 = arith.xori %lt3A_24, %lt3A_26 : i1
    %and3A_28 = arith.andi %ne3A_27, %ne3A_23 : i1
    %add3A_29 = arith.addi %rem3A_21, %select_n3A_20 : i32
    %select_n3A_30 = arith.select %and3A_28, %add3A_29, %rem3A_21 : i32
    %mul3A_31 = arith.constant 256 : i32
    %mul3A_32 = arith.muli %select_n3A_30, %mul3A_31 : i32
    "tpu.region"() ({
      %run_scoped3A = tpu.sem_alloc : memref<!tpu.dma_semaphore, #tpu.memory_space<semaphore_mem>>
      %dma_start3A = arith.constant 0 : i32
      %dma_start3A_73 = tpu.memref_slice %arg2[%add3A, %mul3A_32, %dma_start3A] : memref<16x512x16xf32, #tpu.memory_space<hbm>> -> memref<1x256x16xf32, #tpu.memory_space<hbm>>
      %dma_start3A_74 = tpu.memref_squeeze %dma_start3A_73 : memref<1x256x16xf32, #tpu.memory_space<hbm>> -> memref<256x16xf32, #tpu.memory_space<hbm>>
      %dma_start3A_75 = arith.constant 0 : i32
      %dma_start3A_76 = tpu.memref_slice %arg2[%add3A, %mul3A_32, %dma_start3A_75] : memref<16x512x16xf32, #tpu.memory_space<hbm>> -> memref<1x256x16xf32, #tpu.memory_space<hbm>>
      %dma_start3A_77 = tpu.memref_squeeze %dma_start3A_76 : memref<1x256x16xf32, #tpu.memory_space<hbm>> -> memref<256x16xf32, #tpu.memory_space<hbm>>
      tpu.enqueue_dma source(%dma_start3A_77 : memref<256x16xf32, #tpu.memory_space<hbm>>) target(%arg6 : memref<256x16xf32, #tpu.memory_space<vmem>>) target_semaphore(%run_scoped3A : memref<!tpu.dma_semaphore, #tpu.memory_space<semaphore_mem>>)
      %dma_wait3A = arith.constant 0 : i32
      %dma_wait3A_78 = tpu.memref_slice %arg2[%add3A, %mul3A_32, %dma_wait3A] : memref<16x512x16xf32, #tpu.memory_space<hbm>> -> memref<1x256x16xf32, #tpu.memory_space<hbm>>
      %dma_wait3A_79 = tpu.memref_squeeze %dma_wait3A_78 : memref<1x256x16xf32, #tpu.memory_space<hbm>> -> memref<256x16xf32, #tpu.memory_space<hbm>>
      %dma_wait3A_80 = arith.constant 0 : i32
      %dma_wait3A_81 = tpu.memref_slice %arg2[%add3A, %mul3A_32, %dma_wait3A_80] : memref<16x512x16xf32, #tpu.memory_space<hbm>> -> memref<1x256x16xf32, #tpu.memory_space<hbm>>
      %dma_wait3A_82 = tpu.memref_squeeze %dma_wait3A_81 : memref<1x256x16xf32, #tpu.memory_space<hbm>> -> memref<256x16xf32, #tpu.memory_space<hbm>>
      tpu.wait_dma2 semaphore(%run_scoped3A : memref<!tpu.dma_semaphore, #tpu.memory_space<semaphore_mem>>) src(%dma_wait3A_82 : memref<256x16xf32, #tpu.memory_space<hbm>>) dst(%arg6 : memref<256x16xf32, #tpu.memory_space<vmem>>)
      tpu.yield
    }) : () -> ()
    "tpu.region"() ({
      %run_scoped3A = tpu.sem_alloc : memref<!tpu.dma_semaphore, #tpu.memory_space<semaphore_mem>>
      %dma_start3A = tpu.memref_slice %arg3[%add3A, %mul3A_32] : memref<16x512xf32, #tpu.memory_space<hbm>> -> memref<1x256xf32, #tpu.memory_space<hbm>>
      %dma_start3A_73 = tpu.memref_squeeze %dma_start3A : memref<1x256xf32, #tpu.memory_space<hbm>> -> memref<256xf32, #tpu.memory_space<hbm>>
      %dma_start3A_74 = tpu.memref_slice %arg3[%add3A, %mul3A_32] : memref<16x512xf32, #tpu.memory_space<hbm>> -> memref<1x256xf32, #tpu.memory_space<hbm>>
      %dma_start3A_75 = tpu.memref_squeeze %dma_start3A_74 : memref<1x256xf32, #tpu.memory_space<hbm>> -> memref<256xf32, #tpu.memory_space<hbm>>
      tpu.enqueue_dma source(%dma_start3A_75 : memref<256xf32, #tpu.memory_space<hbm>>) target(%arg7 : memref<256xf32, #tpu.memory_space<vmem>>) target_semaphore(%run_scoped3A : memref<!tpu.dma_semaphore, #tpu.memory_space<semaphore_mem>>)
      %dma_wait3A = tpu.memref_slice %arg3[%add3A, %mul3A_32] : memref<16x512xf32, #tpu.memory_space<hbm>> -> memref<1x256xf32, #tpu.memory_space<hbm>>
      %dma_wait3A_76 = tpu.memref_squeeze %dma_wait3A : memref<1x256xf32, #tpu.memory_space<hbm>> -> memref<256xf32, #tpu.memory_space<hbm>>
      %dma_wait3A_77 = tpu.memref_slice %arg3[%add3A, %mul3A_32] : memref<16x512xf32, #tpu.memory_space<hbm>> -> memref<1x256xf32, #tpu.memory_space<hbm>>
      %dma_wait3A_78 = tpu.memref_squeeze %dma_wait3A_77 : memref<1x256xf32, #tpu.memory_space<hbm>> -> memref<256xf32, #tpu.memory_space<hbm>>
      tpu.wait_dma2 semaphore(%run_scoped3A : memref<!tpu.dma_semaphore, #tpu.memory_space<semaphore_mem>>) src(%dma_wait3A_78 : memref<256xf32, #tpu.memory_space<hbm>>) dst(%arg7 : memref<256xf32, #tpu.memory_space<vmem>>)
      tpu.yield
    }) : () -> ()
    "tpu.region"() ({
      %run_scoped3A = tpu.sem_alloc : memref<!tpu.dma_semaphore, #tpu.memory_space<semaphore_mem>>
      tpu.enqueue_dma source(%arg4 : memref<32xf32, #tpu.memory_space<hbm>>) target(%arg8 : memref<32xf32, #tpu.memory_space<vmem>>) target_semaphore(%run_scoped3A : memref<!tpu.dma_semaphore, #tpu.memory_space<semaphore_mem>>)
      tpu.wait_dma2 semaphore(%run_scoped3A : memref<!tpu.dma_semaphore, #tpu.memory_space<semaphore_mem>>) src(%arg4 : memref<32xf32, #tpu.memory_space<hbm>>) dst(%arg8 : memref<32xf32, #tpu.memory_space<vmem>>)
      tpu.yield
    }) : () -> ()
    %broadcast_in_dim3A = vector.broadcast %add3A : i32 to vector<16xi32>
    %gather3A = tpu.vector_load_idx %arg8[%broadcast_in_dim3A] : memref<32xf32, #tpu.memory_space<vmem>>[vector<16xi32>], vector<16xf32>,
    %bitcast_convert_type3A = tpu.bitcast %gather3A : vector<16xf32> -> vector<16xi32>
    %broadcast_in_dim3A_33 = arith.constant 16 : i32
    %broadcast_in_dim3A_34 = vector.broadcast %broadcast_in_dim3A_33 : i32 to vector<16xi32>
    %gather3A_35 = tpu.vector_load_idx %arg8[%broadcast_in_dim3A_34] : memref<32xf32, #tpu.memory_space<vmem>>[vector<16xi32>], vector<16xf32>,
    %broadcast_in_dim3A_36 = arith.constant 17 : i32
    %broadcast_in_dim3A_37 = vector.broadcast %broadcast_in_dim3A_36 : i32 to vector<16xi32>
    %gather3A_38 = tpu.vector_load_idx %arg8[%broadcast_in_dim3A_37] : memref<32xf32, #tpu.memory_space<vmem>>[vector<16xi32>], vector<16xf32>,
    %broadcast_in_dim3A_39 = arith.constant 18 : i32
    %broadcast_in_dim3A_40 = vector.broadcast %broadcast_in_dim3A_39 : i32 to vector<16xi32>
    %gather3A_41 = tpu.vector_load_idx %arg8[%broadcast_in_dim3A_40] : memref<32xf32, #tpu.memory_space<vmem>>[vector<16xi32>], vector<16xf32>,
    %broadcast_in_dim3A_42 = arith.constant 19 : i32
    %broadcast_in_dim3A_43 = vector.broadcast %broadcast_in_dim3A_42 : i32 to vector<16xi32>
    %gather3A_44 = tpu.vector_load_idx %arg8[%broadcast_in_dim3A_43] : memref<32xf32, #tpu.memory_space<vmem>>[vector<16xi32>], vector<16xf32>,
    %lt3A_45 = arith.constant 2.000000e-02 : f32
    %lt3A_46 = vector.broadcast %lt3A_45 : f32 to vector<16xf32>
    %lt3A_47 = arith.cmpf olt, %gather3A_35, %lt3A_46 : vector<16xf32>
    %jit3A_48 = arith.constant 0.000000e+00 : f32
    %broadcast_in_dim3A_49 = vector.broadcast %jit3A_48 : f32 to vector<16xf32>
    %select_n3A_50 = arith.select %lt3A_47, %broadcast_in_dim3A_49, %gather3A_35 : vector<16xi1>, vector<16xf32>
    %lt3A_51 = arith.constant 2.000000e-02 : f32
    %lt3A_52 = vector.broadcast %lt3A_51 : f32 to vector<16xf32>
    %lt3A_53 = arith.cmpf olt, %gather3A_41, %lt3A_52 : vector<16xf32>
    %jit3A_54 = arith.constant 0.000000e+00 : f32
    %broadcast_in_dim3A_55 = vector.broadcast %jit3A_54 : f32 to vector<16xf32>
    %select_n3A_56 = arith.select %lt3A_53, %broadcast_in_dim3A_55, %gather3A_41 : vector<16xi1>, vector<16xf32>
    %iota3A = tpu.iota {dimensions = array<i32: 0>} : vector<16xi32>
    %broadcast_in_dim3A_57 = arith.constant 0.000000e+00 : f32
    %broadcast_in_dim3A_58 = vector.broadcast %broadcast_in_dim3A_57 : f32 to vector<16xf32>
    %scan3A = arith.constant 0 : i32
    %scan3A_59 = arith.constant 16 : i32
    %scan3A_60 = arith.addi %scan3A, %scan3A_59 : i32
    %scan3A_61 = arith.constant 1 : i32
    %scan3A_62 = scf.for %scan3A_73 = %scan3A to %scan3A_60 step %scan3A_61 iter_args(%scan3A_74 = %broadcast_in_dim3A_58) -> (vector<16xf32>)  : i32 {
      %mul3A_75 = arith.constant 16 : i32
      %mul3A_76 = arith.muli %scan3A_73, %mul3A_75 : i32
      %get3A = arith.index_cast %mul3A_76 : i32 to index
      %get3A_77 = tpu.vector_load %arg7[%get3A] {strides = array<i32>} : memref<256xf32, #tpu.memory_space<vmem>>, vector<16xf32>,
      %mul3A_78 = arith.constant 16 : i32
      %mul3A_79 = arith.muli %scan3A_73, %mul3A_78 : i32
      %add3A_80 = arith.addi %mul3A_32, %mul3A_79 : i32
      %add3A_81 = vector.broadcast %add3A_80 : i32 to vector<16xi32>
      %add3A_82 = arith.addi %iota3A, %add3A_81 : vector<16xi32>
      %lt3A_83 = arith.cmpi slt, %add3A_82, %bitcast_convert_type3A : vector<16xi32>
      %mul3A_84 = arith.mulf %get3A_77, %get3A_77 : vector<16xf32>
      %mul3A_85 = arith.mulf %gather3A_38, %mul3A_84 : vector<16xf32>
      %mul3A_86 = arith.mulf %gather3A_44, %mul3A_84 : vector<16xf32>
      %sub3A_87 = arith.constant 1.000000e+00 : f32
      %sub3A_88 = vector.broadcast %sub3A_87 : f32 to vector<16xf32>
      %sub3A_89 = arith.subf %sub3A_88, %gather3A_35 : vector<16xf32>
      %abs3A = math.absf %sub3A_89 : vector<16xf32>
      %lt3A_90 = arith.constant 9.99999971E-10 : f32
      %lt3A_91 = vector.broadcast %lt3A_90 : f32 to vector<16xf32>
      %lt3A_92 = arith.cmpf olt, %abs3A, %lt3A_91 : vector<16xf32>
      %jit3A_93 = arith.constant 9.99999971E-10 : f32
      %broadcast_in_dim3A_94 = vector.broadcast %jit3A_93 : f32 to vector<16xf32>
      %select_n3A_95 = arith.select %lt3A_92, %broadcast_in_dim3A_94, %sub3A_89 : vector<16xi1>, vector<16xf32>
      %sub3A_96 = arith.constant 1.000000e+00 : f32
      %sub3A_97 = vector.broadcast %sub3A_96 : f32 to vector<16xf32>
      %sub3A_98 = arith.subf %mul3A_85, %sub3A_97 : vector<16xf32>
      %add3A_99 = arith.constant 1.000000e+00 : f32
      %add3A_100 = vector.broadcast %add3A_99 : f32 to vector<16xf32>
      %add3A_101 = arith.addf %mul3A_85, %add3A_100 : vector<16xf32>
      %mul3A_102 = arith.mulf %sub3A_98, %sub3A_98 : vector<16xf32>
      %mul3A_103 = arith.constant 4.000000e+00 : f32
      %mul3A_104 = vector.broadcast %mul3A_103 : f32 to vector<16xf32>
      %mul3A_105 = arith.mulf %mul3A_104, %gather3A_35 : vector<16xf32>
      %mul3A_106 = arith.mulf %mul3A_105, %mul3A_85 : vector<16xf32>
      %add3A_107 = arith.addf %mul3A_102, %mul3A_106 : vector<16xf32>
      %max3A = arith.constant 1.000000e-30 : f32
      %max3A_108 = vector.broadcast %max3A : f32 to vector<16xf32>
      %max3A_109 = arith.maximumf %add3A_107, %max3A_108 : vector<16xf32>
      %bitcast_convert_type3A_110 = tpu.bitcast %max3A_109 : vector<16xf32> -> vector<16xi32>
      %shift_right_arithmetic3A = arith.constant 1 : i32
      %shift_right_arithmetic3A_111 = vector.broadcast %shift_right_arithmetic3A : i32 to vector<16xi32>
      %shift_right_arithmetic3A_112 = arith.shrsi %bitcast_convert_type3A_110, %shift_right_arithmetic3A_111 : vector<16xi32>
      %sub3A_113 = arith.constant 1597463007 : i32
      %sub3A_114 = vector.broadcast %sub3A_113 : i32 to vector<16xi32>
      %sub3A_115 = arith.subi %sub3A_114, %shift_right_arithmetic3A_112 : vector<16xi32>
      %bitcast_convert_type3A_116 = tpu.bitcast %sub3A_115 : vector<16xi32> -> vector<16xf32>
      %mul3A_117 = arith.constant 5.000000e-01 : f32
      %mul3A_118 = vector.broadcast %mul3A_117 : f32 to vector<16xf32>
      %mul3A_119 = arith.mulf %mul3A_118, %max3A_109 : vector<16xf32>
      %mul3A_120 = arith.mulf %mul3A_119, %bitcast_convert_type3A_116 : vector<16xf32>
      %mul3A_121 = arith.mulf %mul3A_120, %bitcast_convert_type3A_116 : vector<16xf32>
      %sub3A_122 = arith.constant 1.500000e+00 : f32
      %sub3A_123 = vector.broadcast %sub3A_122 : f32 to vector<16xf32>
      %sub3A_124 = arith.subf %sub3A_123, %mul3A_121 : vector<16xf32>
      %mul3A_125 = arith.mulf %bitcast_convert_type3A_116, %sub3A_124 : vector<16xf32>
      %mul3A_126 = arith.constant 5.000000e-01 : f32
      %mul3A_127 = vector.broadcast %mul3A_126 : f32 to vector<16xf32>
      %mul3A_128 = arith.mulf %mul3A_127, %max3A_109 : vector<16xf32>
      %mul3A_129 = arith.mulf %mul3A_128, %mul3A_125 : vector<16xf32>
      %mul3A_130 = arith.mulf %mul3A_129, %mul3A_125 : vector<16xf32>
      %sub3A_131 = arith.constant 1.500000e+00 : f32
      %sub3A_132 = vector.broadcast %sub3A_131 : f32 to vector<16xf32>
      %sub3A_133 = arith.subf %sub3A_132, %mul3A_130 : vector<16xf32>
      %mul3A_134 = arith.mulf %mul3A_125, %sub3A_133 : vector<16xf32>
      %mul3A_135 = arith.constant 5.000000e-01 : f32
      %mul3A_136 = vector.broadcast %mul3A_135 : f32 to vector<16xf32>
      %mul3A_137 = arith.mulf %mul3A_136, %max3A_109 : vector<16xf32>
      %mul3A_138 = arith.mulf %mul3A_137, %mul3A_134 : vector<16xf32>
      %mul3A_139 = arith.mulf %mul3A_138, %mul3A_134 : vector<16xf32>
      %sub3A_140 = arith.constant 1.500000e+00 : f32
      %sub3A_141 = vector.broadcast %sub3A_140 : f32 to vector<16xf32>
      %sub3A_142 = arith.subf %sub3A_141, %mul3A_139 : vector<16xf32>
      %mul3A_143 = arith.mulf %mul3A_134, %sub3A_142 : vector<16xf32>
      %mul3A_144 = arith.mulf %max3A_109, %mul3A_143 : vector<16xf32>
      %sub3A_145 = arith.subf %add3A_101, %mul3A_144 : vector<16xf32>
      %mul3A_146 = arith.constant 5.000000e-01 : f32
      %mul3A_147 = vector.broadcast %mul3A_146 : f32 to vector<16xf32>
      %mul3A_148 = arith.mulf %mul3A_147, %sub3A_145 : vector<16xf32>
      %div3A_149 = arith.divf %mul3A_148, %select_n3A_95 : vector<16xf32>
      %gt3A = arith.constant 0.999899983 : f32
      %gt3A_150 = vector.broadcast %gt3A : f32 to vector<16xf32>
      %gt3A_151 = arith.cmpf ogt, %div3A_149, %gt3A_150 : vector<16xf32>
      %gt3A_152 = arith.constant 1.000000e+02 : f32
      %gt3A_153 = vector.broadcast %gt3A_152 : f32 to vector<16xf32>
      %gt3A_154 = arith.cmpf ogt, %mul3A_85, %gt3A_153 : vector<16xf32>
      %and3A_155 = arith.andi %gt3A_151, %gt3A_154 : vector<16xi1>
      %max3A_156 = arith.constant 9.99999996E-13 : f32
      %max3A_157 = vector.broadcast %max3A_156 : f32 to vector<16xf32>
      %max3A_158 = arith.maximumf %mul3A_85, %max3A_157 : vector<16xf32>
      %div3A_159 = arith.divf %gather3A_35, %max3A_158 : vector<16xf32>
      %sub3A_160 = arith.constant 1.000000e+00 : f32
      %sub3A_161 = vector.broadcast %sub3A_160 : f32 to vector<16xf32>
      %sub3A_162 = arith.subf %sub3A_161, %div3A_159 : vector<16xf32>
      %min3A = arith.minimumf %div3A_149, %sub3A_162 : vector<16xf32>
      %select_n3A_163 = arith.select %and3A_155, %min3A, %div3A_149 : vector<16xi1>, vector<16xf32>
      %lt3A_164 = arith.constant 1.000000e+00 : f32
      %lt3A_165 = vector.broadcast %lt3A_164 : f32 to vector<16xf32>
      %lt3A_166 = arith.cmpf olt, %mul3A_85, %lt3A_165 : vector<16xf32>
      %jit3A_167 = arith.constant 1.000000e+00 : f32
      %broadcast_in_dim3A_168 = vector.broadcast %jit3A_167 : f32 to vector<16xf32>
      %select_n3A_169 = arith.select %lt3A_166, %mul3A_85, %broadcast_in_dim3A_168 : vector<16xi1>, vector<16xf32>
      %add3A_170 = arith.constant 1.000000e+00 : f32
      %add3A_171 = vector.broadcast %add3A_170 : f32 to vector<16xf32>
      %add3A_172 = arith.addf %mul3A_85, %add3A_171 : vector<16xf32>
      %div3A_173 = arith.divf %mul3A_85, %add3A_172 : vector<16xf32>
      %lt3A_174 = arith.constant 2.000000e-02 : f32
      %lt3A_175 = vector.broadcast %lt3A_174 : f32 to vector<16xf32>
      %lt3A_176 = arith.cmpf olt, %gather3A_35, %lt3A_175 : vector<16xf32>
      %sub3A_177 = arith.constant 1.000000e+00 : f32
      %sub3A_178 = vector.broadcast %sub3A_177 : f32 to vector<16xf32>
      %sub3A_179 = arith.subf %gather3A_35, %sub3A_178 : vector<16xf32>
      %abs3A_180 = math.absf %sub3A_179 : vector<16xf32>
      %lt3A_181 = arith.constant 0.00999999977 : f32
      %lt3A_182 = vector.broadcast %lt3A_181 : f32 to vector<16xf32>
      %lt3A_183 = arith.cmpf olt, %abs3A_180, %lt3A_182 : vector<16xf32>
      %select_n3A_184 = arith.select %lt3A_183, %div3A_173, %select_n3A_163 : vector<16xi1>, vector<16xf32>
      %select_n3A_185 = arith.select %lt3A_176, %select_n3A_169, %select_n3A_184 : vector<16xi1>, vector<16xf32>
      %div3A_186 = arith.constant 1.000000e+00 : f32
      %div3A_187 = vector.broadcast %div3A_186 : f32 to vector<16xf32>
      %div3A_188 = arith.divf %div3A_187, %select_n3A_185 : vector<16xf32>
      %bitcast_convert_type3A_189 = tpu.bitcast %select_n3A_185 : vector<16xf32> -> vector<16xi32>
      %shift_right_arithmetic3A_190 = arith.constant 23 : i32
      %shift_right_arithmetic3A_191 = vector.broadcast %shift_right_arithmetic3A_190 : i32 to vector<16xi32>
      %shift_right_arithmetic3A_192 = arith.shrsi %bitcast_convert_type3A_189, %shift_right_arithmetic3A_191 : vector<16xi32>
      %sub3A_193 = arith.constant 127 : i32
      %sub3A_194 = vector.broadcast %sub3A_193 : i32 to vector<16xi32>
      %sub3A_195 = arith.subi %shift_right_arithmetic3A_192, %sub3A_194 : vector<16xi32>
      %and3A_196 = arith.constant 8388607 : i32
      %and3A_197 = vector.broadcast %and3A_196 : i32 to vector<16xi32>
      %and3A_198 = arith.andi %bitcast_convert_type3A_189, %and3A_197 : vector<16xi32>
      %or3A = arith.constant 1065353216 : i32
      %or3A_199 = vector.broadcast %or3A : i32 to vector<16xi32>
      %or3A_200 = arith.ori %and3A_198, %or3A_199 : vector<16xi32>
      %bitcast_convert_type3A_201 = tpu.bitcast %or3A_200 : vector<16xi32> -> vector<16xf32>
      %gt3A_202 = arith.constant 1.41421354 : f32
      %gt3A_203 = vector.broadcast %gt3A_202 : f32 to vector<16xf32>
      %gt3A_204 = arith.cmpf ogt, %bitcast_convert_type3A_201, %gt3A_203 : vector<16xf32>
      %mul3A_205 = arith.constant 5.000000e-01 : f32
      %mul3A_206 = vector.broadcast %mul3A_205 : f32 to vector<16xf32>
      %mul3A_207 = arith.mulf %bitcast_convert_type3A_201, %mul3A_206 : vector<16xf32>
      %select_n3A_208 = arith.select %gt3A_204, %mul3A_207, %bitcast_convert_type3A_201 : vector<16xi1>, vector<16xf32>
      %add3A_209 = arith.constant 1 : i32
      %add3A_210 = vector.broadcast %add3A_209 : i32 to vector<16xi32>
      %add3A_211 = arith.addi %sub3A_195, %add3A_210 : vector<16xi32>
      %select_n3A_212 = arith.select %gt3A_204, %add3A_211, %sub3A_195 : vector<16xi1>, vector<16xi32>
      %sub3A_213 = arith.constant 1.000000e+00 : f32
      %sub3A_214 = vector.broadcast %sub3A_213 : f32 to vector<16xf32>
      %sub3A_215 = arith.subf %select_n3A_208, %sub3A_214 : vector<16xf32>
      %broadcast_in_dim3A_216 = arith.constant 0.0838350877 : f32
      %broadcast_in_dim3A_217 = vector.broadcast %broadcast_in_dim3A_216 : f32 to vector<16xf32>
      %mul3A_218 = arith.mulf %broadcast_in_dim3A_217, %sub3A_215 : vector<16xf32>
      %add3A_219 = arith.constant -0.142965987 : f32
      %add3A_220 = vector.broadcast %add3A_219 : f32 to vector<16xf32>
      %add3A_221 = arith.addf %mul3A_218, %add3A_220 : vector<16xf32>
      %mul3A_222 = arith.mulf %add3A_221, %sub3A_215 : vector<16xf32>
      %add3A_223 = arith.constant 0.150563762 : f32
      %add3A_224 = vector.broadcast %add3A_223 : f32 to vector<16xf32>
      %add3A_225 = arith.addf %mul3A_222, %add3A_224 : vector<16xf32>
      %mul3A_226 = arith.mulf %add3A_225, %sub3A_215 : vector<16xf32>
      %add3A_227 = arith.constant -0.165757507 : f32
      %add3A_228 = vector.broadcast %add3A_227 : f32 to vector<16xf32>
      %add3A_229 = arith.addf %mul3A_226, %add3A_228 : vector<16xf32>
      %mul3A_230 = arith.mulf %add3A_229, %sub3A_215 : vector<16xf32>
      %add3A_231 = arith.constant 0.199447781 : f32
      %add3A_232 = vector.broadcast %add3A_231 : f32 to vector<16xf32>
      %add3A_233 = arith.addf %mul3A_230, %add3A_232 : vector<16xf32>
      %mul3A_234 = arith.mulf %add3A_233, %sub3A_215 : vector<16xf32>
      %add3A_235 = arith.constant -0.250012517 : f32
      %add3A_236 = vector.broadcast %add3A_235 : f32 to vector<16xf32>
      %add3A_237 = arith.addf %mul3A_234, %add3A_236 : vector<16xf32>
      %mul3A_238 = arith.mulf %add3A_237, %sub3A_215 : vector<16xf32>
      %add3A_239 = arith.constant 0.333347321 : f32
      %add3A_240 = vector.broadcast %add3A_239 : f32 to vector<16xf32>
      %add3A_241 = arith.addf %mul3A_238, %add3A_240 : vector<16xf32>
      %mul3A_242 = arith.mulf %add3A_241, %sub3A_215 : vector<16xf32>
      %add3A_243 = arith.constant -5.000000e-01 : f32
      %add3A_244 = vector.broadcast %add3A_243 : f32 to vector<16xf32>
      %add3A_245 = arith.addf %mul3A_242, %add3A_244 : vector<16xf32>
      %mul3A_246 = arith.mulf %add3A_245, %sub3A_215 : vector<16xf32>
      %add3A_247 = arith.constant 0.99999988 : f32
      %add3A_248 = vector.broadcast %add3A_247 : f32 to vector<16xf32>
      %add3A_249 = arith.addf %mul3A_246, %add3A_248 : vector<16xf32>
      %mul3A_250 = arith.mulf %add3A_249, %sub3A_215 : vector<16xf32>
      %add3A_251 = arith.constant 2.6434574E-10 : f32
      %add3A_252 = vector.broadcast %add3A_251 : f32 to vector<16xf32>
      %add3A_253 = arith.addf %mul3A_250, %add3A_252 : vector<16xf32>
      %convert_element_type3A_254 = arith.sitofp %select_n3A_212 : vector<16xi32> to vector<16xf32>
      %mul3A_255 = arith.constant 0.693147182 : f32
      %mul3A_256 = vector.broadcast %mul3A_255 : f32 to vector<16xf32>
      %mul3A_257 = arith.mulf %convert_element_type3A_254, %mul3A_256 : vector<16xf32>
      %add3A_258 = arith.addf %mul3A_257, %add3A_253 : vector<16xf32>
      %sub3A_259 = arith.constant 1.000000e+00 : f32
      %sub3A_260 = vector.broadcast %sub3A_259 : f32 to vector<16xf32>
      %sub3A_261 = arith.subf %sub3A_260, %select_n3A_185 : vector<16xf32>
      %max3A_262 = arith.constant 9.99999935E-39 : f32
      %max3A_263 = vector.broadcast %max3A_262 : f32 to vector<16xf32>
      %max3A_264 = arith.maximumf %sub3A_261, %max3A_263 : vector<16xf32>
      %bitcast_convert_type3A_265 = tpu.bitcast %max3A_264 : vector<16xf32> -> vector<16xi32>
      %shift_right_arithmetic3A_266 = arith.constant 23 : i32
      %shift_right_arithmetic3A_267 = vector.broadcast %shift_right_arithmetic3A_266 : i32 to vector<16xi32>
      %shift_right_arithmetic3A_268 = arith.shrsi %bitcast_convert_type3A_265, %shift_right_arithmetic3A_267 : vector<16xi32>
      %sub3A_269 = arith.constant 127 : i32
      %sub3A_270 = vector.broadcast %sub3A_269 : i32 to vector<16xi32>
      %sub3A_271 = arith.subi %shift_right_arithmetic3A_268, %sub3A_270 : vector<16xi32>
      %and3A_272 = arith.constant 8388607 : i32
      %and3A_273 = vector.broadcast %and3A_272 : i32 to vector<16xi32>
      %and3A_274 = arith.andi %bitcast_convert_type3A_265, %and3A_273 : vector<16xi32>
      %or3A_275 = arith.constant 1065353216 : i32
      %or3A_276 = vector.broadcast %or3A_275 : i32 to vector<16xi32>
      %or3A_277 = arith.ori %and3A_274, %or3A_276 : vector<16xi32>
      %bitcast_convert_type3A_278 = tpu.bitcast %or3A_277 : vector<16xi32> -> vector<16xf32>
      %gt3A_279 = arith.constant 1.41421354 : f32
      %gt3A_280 = vector.broadcast %gt3A_279 : f32 to vector<16xf32>
      %gt3A_281 = arith.cmpf ogt, %bitcast_convert_type3A_278, %gt3A_280 : vector<16xf32>
      %mul3A_282 = arith.constant 5.000000e-01 : f32
      %mul3A_283 = vector.broadcast %mul3A_282 : f32 to vector<16xf32>
      %mul3A_284 = arith.mulf %bitcast_convert_type3A_278, %mul3A_283 : vector<16xf32>
      %select_n3A_285 = arith.select %gt3A_281, %mul3A_284, %bitcast_convert_type3A_278 : vector<16xi1>, vector<16xf32>
      %add3A_286 = arith.constant 1 : i32
      %add3A_287 = vector.broadcast %add3A_286 : i32 to vector<16xi32>
      %add3A_288 = arith.addi %sub3A_271, %add3A_287 : vector<16xi32>
      %select_n3A_289 = arith.select %gt3A_281, %add3A_288, %sub3A_271 : vector<16xi1>, vector<16xi32>
      %sub3A_290 = arith.constant 1.000000e+00 : f32
      %sub3A_291 = vector.broadcast %sub3A_290 : f32 to vector<16xf32>
      %sub3A_292 = arith.subf %select_n3A_285, %sub3A_291 : vector<16xf32>
      %broadcast_in_dim3A_293 = arith.constant 0.0838350877 : f32
      %broadcast_in_dim3A_294 = vector.broadcast %broadcast_in_dim3A_293 : f32 to vector<16xf32>
      %mul3A_295 = arith.mulf %broadcast_in_dim3A_294, %sub3A_292 : vector<16xf32>
      %add3A_296 = arith.constant -0.142965987 : f32
      %add3A_297 = vector.broadcast %add3A_296 : f32 to vector<16xf32>
      %add3A_298 = arith.addf %mul3A_295, %add3A_297 : vector<16xf32>
      %mul3A_299 = arith.mulf %add3A_298, %sub3A_292 : vector<16xf32>
      %add3A_300 = arith.constant 0.150563762 : f32
      %add3A_301 = vector.broadcast %add3A_300 : f32 to vector<16xf32>
      %add3A_302 = arith.addf %mul3A_299, %add3A_301 : vector<16xf32>
      %mul3A_303 = arith.mulf %add3A_302, %sub3A_292 : vector<16xf32>
      %add3A_304 = arith.constant -0.165757507 : f32
      %add3A_305 = vector.broadcast %add3A_304 : f32 to vector<16xf32>
      %add3A_306 = arith.addf %mul3A_303, %add3A_305 : vector<16xf32>
      %mul3A_307 = arith.mulf %add3A_306, %sub3A_292 : vector<16xf32>
      %add3A_308 = arith.constant 0.199447781 : f32
      %add3A_309 = vector.broadcast %add3A_308 : f32 to vector<16xf32>
      %add3A_310 = arith.addf %mul3A_307, %add3A_309 : vector<16xf32>
      %mul3A_311 = arith.mulf %add3A_310, %sub3A_292 : vector<16xf32>
      %add3A_312 = arith.constant -0.250012517 : f32
      %add3A_313 = vector.broadcast %add3A_312 : f32 to vector<16xf32>
      %add3A_314 = arith.addf %mul3A_311, %add3A_313 : vector<16xf32>
      %mul3A_315 = arith.mulf %add3A_314, %sub3A_292 : vector<16xf32>
      %add3A_316 = arith.constant 0.333347321 : f32
      %add3A_317 = vector.broadcast %add3A_316 : f32 to vector<16xf32>
      %add3A_318 = arith.addf %mul3A_315, %add3A_317 : vector<16xf32>
      %mul3A_319 = arith.mulf %add3A_318, %sub3A_292 : vector<16xf32>
      %add3A_320 = arith.constant -5.000000e-01 : f32
      %add3A_321 = vector.broadcast %add3A_320 : f32 to vector<16xf32>
      %add3A_322 = arith.addf %mul3A_319, %add3A_321 : vector<16xf32>
      %mul3A_323 = arith.mulf %add3A_322, %sub3A_292 : vector<16xf32>
      %add3A_324 = arith.constant 0.99999988 : f32
      %add3A_325 = vector.broadcast %add3A_324 : f32 to vector<16xf32>
      %add3A_326 = arith.addf %mul3A_323, %add3A_325 : vector<16xf32>
      %mul3A_327 = arith.mulf %add3A_326, %sub3A_292 : vector<16xf32>
      %add3A_328 = arith.constant 2.6434574E-10 : f32
      %add3A_329 = vector.broadcast %add3A_328 : f32 to vector<16xf32>
      %add3A_330 = arith.addf %mul3A_327, %add3A_329 : vector<16xf32>
      %convert_element_type3A_331 = arith.sitofp %select_n3A_289 : vector<16xi32> to vector<16xf32>
      %mul3A_332 = arith.constant 0.693147182 : f32
      %mul3A_333 = vector.broadcast %mul3A_332 : f32 to vector<16xf32>
      %mul3A_334 = arith.mulf %convert_element_type3A_331, %mul3A_333 : vector<16xf32>
      %add3A_335 = arith.addf %mul3A_334, %add3A_330 : vector<16xf32>
      %mul3A_336 = arith.mulf %mul3A_85, %div3A_188 : vector<16xf32>
      %add3A_337 = arith.addf %mul3A_336, %add3A_258 : vector<16xf32>
      %mul3A_338 = arith.mulf %select_n3A_50, %add3A_335 : vector<16xf32>
      %sub3A_339 = arith.subf %add3A_337, %mul3A_338 : vector<16xf32>
      %sub3A_340 = arith.constant 1.000000e+00 : f32
      %sub3A_341 = vector.broadcast %sub3A_340 : f32 to vector<16xf32>
      %sub3A_342 = arith.subf %sub3A_341, %gather3A_41 : vector<16xf32>
      %abs3A_343 = math.absf %sub3A_342 : vector<16xf32>
      %lt3A_344 = arith.constant 9.99999971E-10 : f32
      %lt3A_345 = vector.broadcast %lt3A_344 : f32 to vector<16xf32>
      %lt3A_346 = arith.cmpf olt, %abs3A_343, %lt3A_345 : vector<16xf32>
      %jit3A_347 = arith.constant 9.99999971E-10 : f32
      %broadcast_in_dim3A_348 = vector.broadcast %jit3A_347 : f32 to vector<16xf32>
      %select_n3A_349 = arith.select %lt3A_346, %broadcast_in_dim3A_348, %sub3A_342 : vector<16xi1>, vector<16xf32>
      %sub3A_350 = arith.constant 1.000000e+00 : f32
      %sub3A_351 = vector.broadcast %sub3A_350 : f32 to vector<16xf32>
      %sub3A_352 = arith.subf %mul3A_86, %sub3A_351 : vector<16xf32>
      %add3A_353 = arith.constant 1.000000e+00 : f32
      %add3A_354 = vector.broadcast %add3A_353 : f32 to vector<16xf32>
      %add3A_355 = arith.addf %mul3A_86, %add3A_354 : vector<16xf32>
      %mul3A_356 = arith.mulf %sub3A_352, %sub3A_352 : vector<16xf32>
      %mul3A_357 = arith.constant 4.000000e+00 : f32
      %mul3A_358 = vector.broadcast %mul3A_357 : f32 to vector<16xf32>
      %mul3A_359 = arith.mulf %mul3A_358, %gather3A_41 : vector<16xf32>
      %mul3A_360 = arith.mulf %mul3A_359, %mul3A_86 : vector<16xf32>
      %add3A_361 = arith.addf %mul3A_356, %mul3A_360 : vector<16xf32>
      %max3A_362 = arith.constant 1.000000e-30 : f32
      %max3A_363 = vector.broadcast %max3A_362 : f32 to vector<16xf32>
      %max3A_364 = arith.maximumf %add3A_361, %max3A_363 : vector<16xf32>
      %bitcast_convert_type3A_365 = tpu.bitcast %max3A_364 : vector<16xf32> -> vector<16xi32>
      %shift_right_arithmetic3A_366 = arith.constant 1 : i32
      %shift_right_arithmetic3A_367 = vector.broadcast %shift_right_arithmetic3A_366 : i32 to vector<16xi32>
      %shift_right_arithmetic3A_368 = arith.shrsi %bitcast_convert_type3A_365, %shift_right_arithmetic3A_367 : vector<16xi32>
      %sub3A_369 = arith.constant 1597463007 : i32
      %sub3A_370 = vector.broadcast %sub3A_369 : i32 to vector<16xi32>
      %sub3A_371 = arith.subi %sub3A_370, %shift_right_arithmetic3A_368 : vector<16xi32>
      %bitcast_convert_type3A_372 = tpu.bitcast %sub3A_371 : vector<16xi32> -> vector<16xf32>
      %mul3A_373 = arith.constant 5.000000e-01 : f32
      %mul3A_374 = vector.broadcast %mul3A_373 : f32 to vector<16xf32>
      %mul3A_375 = arith.mulf %mul3A_374, %max3A_364 : vector<16xf32>
      %mul3A_376 = arith.mulf %mul3A_375, %bitcast_convert_type3A_372 : vector<16xf32>
      %mul3A_377 = arith.mulf %mul3A_376, %bitcast_convert_type3A_372 : vector<16xf32>
      %sub3A_378 = arith.constant 1.500000e+00 : f32
      %sub3A_379 = vector.broadcast %sub3A_378 : f32 to vector<16xf32>
      %sub3A_380 = arith.subf %sub3A_379, %mul3A_377 : vector<16xf32>
      %mul3A_381 = arith.mulf %bitcast_convert_type3A_372, %sub3A_380 : vector<16xf32>
      %mul3A_382 = arith.constant 5.000000e-01 : f32
      %mul3A_383 = vector.broadcast %mul3A_382 : f32 to vector<16xf32>
      %mul3A_384 = arith.mulf %mul3A_383, %max3A_364 : vector<16xf32>
      %mul3A_385 = arith.mulf %mul3A_384, %mul3A_381 : vector<16xf32>
      %mul3A_386 = arith.mulf %mul3A_385, %mul3A_381 : vector<16xf32>
      %sub3A_387 = arith.constant 1.500000e+00 : f32
      %sub3A_388 = vector.broadcast %sub3A_387 : f32 to vector<16xf32>
      %sub3A_389 = arith.subf %sub3A_388, %mul3A_386 : vector<16xf32>
      %mul3A_390 = arith.mulf %mul3A_381, %sub3A_389 : vector<16xf32>
      %mul3A_391 = arith.constant 5.000000e-01 : f32
      %mul3A_392 = vector.broadcast %mul3A_391 : f32 to vector<16xf32>
      %mul3A_393 = arith.mulf %mul3A_392, %max3A_364 : vector<16xf32>
      %mul3A_394 = arith.mulf %mul3A_393, %mul3A_390 : vector<16xf32>
      %mul3A_395 = arith.mulf %mul3A_394, %mul3A_390 : vector<16xf32>
      %sub3A_396 = arith.constant 1.500000e+00 : f32
      %sub3A_397 = vector.broadcast %sub3A_396 : f32 to vector<16xf32>
      %sub3A_398 = arith.subf %sub3A_397, %mul3A_395 : vector<16xf32>
      %mul3A_399 = arith.mulf %mul3A_390, %sub3A_398 : vector<16xf32>
      %mul3A_400 = arith.mulf %max3A_364, %mul3A_399 : vector<16xf32>
      %sub3A_401 = arith.subf %add3A_355, %mul3A_400 : vector<16xf32>
      %mul3A_402 = arith.constant 5.000000e-01 : f32
      %mul3A_403 = vector.broadcast %mul3A_402 : f32 to vector<16xf32>
      %mul3A_404 = arith.mulf %mul3A_403, %sub3A_401 : vector<16xf32>
      %div3A_405 = arith.divf %mul3A_404, %select_n3A_349 : vector<16xf32>
      %gt3A_406 = arith.constant 0.999899983 : f32
      %gt3A_407 = vector.broadcast %gt3A_406 : f32 to vector<16xf32>
      %gt3A_408 = arith.cmpf ogt, %div3A_405, %gt3A_407 : vector<16xf32>
      %gt3A_409 = arith.constant 1.000000e+02 : f32
      %gt3A_410 = vector.broadcast %gt3A_409 : f32 to vector<16xf32>
      %gt3A_411 = arith.cmpf ogt, %mul3A_86, %gt3A_410 : vector<16xf32>
      %and3A_412 = arith.andi %gt3A_408, %gt3A_411 : vector<16xi1>
      %max3A_413 = arith.constant 9.99999996E-13 : f32
      %max3A_414 = vector.broadcast %max3A_413 : f32 to vector<16xf32>
      %max3A_415 = arith.maximumf %mul3A_86, %max3A_414 : vector<16xf32>
      %div3A_416 = arith.divf %gather3A_41, %max3A_415 : vector<16xf32>
      %sub3A_417 = arith.constant 1.000000e+00 : f32
      %sub3A_418 = vector.broadcast %sub3A_417 : f32 to vector<16xf32>
      %sub3A_419 = arith.subf %sub3A_418, %div3A_416 : vector<16xf32>
      %min3A_420 = arith.minimumf %div3A_405, %sub3A_419 : vector<16xf32>
      %select_n3A_421 = arith.select %and3A_412, %min3A_420, %div3A_405 : vector<16xi1>, vector<16xf32>
      %lt3A_422 = arith.constant 1.000000e+00 : f32
      %lt3A_423 = vector.broadcast %lt3A_422 : f32 to vector<16xf32>
      %lt3A_424 = arith.cmpf olt, %mul3A_86, %lt3A_423 : vector<16xf32>
      %jit3A_425 = arith.constant 1.000000e+00 : f32
      %broadcast_in_dim3A_426 = vector.broadcast %jit3A_425 : f32 to vector<16xf32>
      %select_n3A_427 = arith.select %lt3A_424, %mul3A_86, %broadcast_in_dim3A_426 : vector<16xi1>, vector<16xf32>
      %add3A_428 = arith.constant 1.000000e+00 : f32
      %add3A_429 = vector.broadcast %add3A_428 : f32 to vector<16xf32>
      %add3A_430 = arith.addf %mul3A_86, %add3A_429 : vector<16xf32>
      %div3A_431 = arith.divf %mul3A_86, %add3A_430 : vector<16xf32>
      %lt3A_432 = arith.constant 2.000000e-02 : f32
      %lt3A_433 = vector.broadcast %lt3A_432 : f32 to vector<16xf32>
      %lt3A_434 = arith.cmpf olt, %gather3A_41, %lt3A_433 : vector<16xf32>
      %sub3A_435 = arith.constant 1.000000e+00 : f32
      %sub3A_436 = vector.broadcast %sub3A_435 : f32 to vector<16xf32>
      %sub3A_437 = arith.subf %gather3A_41, %sub3A_436 : vector<16xf32>
      %abs3A_438 = math.absf %sub3A_437 : vector<16xf32>
      %lt3A_439 = arith.constant 0.00999999977 : f32
      %lt3A_440 = vector.broadcast %lt3A_439 : f32 to vector<16xf32>
      %lt3A_441 = arith.cmpf olt, %abs3A_438, %lt3A_440 : vector<16xf32>
      %select_n3A_442 = arith.select %lt3A_441, %div3A_431, %select_n3A_421 : vector<16xi1>, vector<16xf32>
      %select_n3A_443 = arith.select %lt3A_434, %select_n3A_427, %select_n3A_442 : vector<16xi1>, vector<16xf32>
      %div3A_444 = arith.constant 1.000000e+00 : f32
      %div3A_445 = vector.broadcast %div3A_444 : f32 to vector<16xf32>
      %div3A_446 = arith.divf %div3A_445, %select_n3A_443 : vector<16xf32>
      %bitcast_convert_type3A_447 = tpu.bitcast %select_n3A_443 : vector<16xf32> -> vector<16xi32>
      %shift_right_arithmetic3A_448 = arith.constant 23 : i32
      %shift_right_arithmetic3A_449 = vector.broadcast %shift_right_arithmetic3A_448 : i32 to vector<16xi32>
      %shift_right_arithmetic3A_450 = arith.shrsi %bitcast_convert_type3A_447, %shift_right_arithmetic3A_449 : vector<16xi32>
      %sub3A_451 = arith.constant 127 : i32
      %sub3A_452 = vector.broadcast %sub3A_451 : i32 to vector<16xi32>
      %sub3A_453 = arith.subi %shift_right_arithmetic3A_450, %sub3A_452 : vector<16xi32>
      %and3A_454 = arith.constant 8388607 : i32
      %and3A_455 = vector.broadcast %and3A_454 : i32 to vector<16xi32>
      %and3A_456 = arith.andi %bitcast_convert_type3A_447, %and3A_455 : vector<16xi32>
      %or3A_457 = arith.constant 1065353216 : i32
      %or3A_458 = vector.broadcast %or3A_457 : i32 to vector<16xi32>
      %or3A_459 = arith.ori %and3A_456, %or3A_458 : vector<16xi32>
      %bitcast_convert_type3A_460 = tpu.bitcast %or3A_459 : vector<16xi32> -> vector<16xf32>
      %gt3A_461 = arith.constant 1.41421354 : f32
      %gt3A_462 = vector.broadcast %gt3A_461 : f32 to vector<16xf32>
      %gt3A_463 = arith.cmpf ogt, %bitcast_convert_type3A_460, %gt3A_462 : vector<16xf32>
      %mul3A_464 = arith.constant 5.000000e-01 : f32
      %mul3A_465 = vector.broadcast %mul3A_464 : f32 to vector<16xf32>
      %mul3A_466 = arith.mulf %bitcast_convert_type3A_460, %mul3A_465 : vector<16xf32>
      %select_n3A_467 = arith.select %gt3A_463, %mul3A_466, %bitcast_convert_type3A_460 : vector<16xi1>, vector<16xf32>
      %add3A_468 = arith.constant 1 : i32
      %add3A_469 = vector.broadcast %add3A_468 : i32 to vector<16xi32>
      %add3A_470 = arith.addi %sub3A_453, %add3A_469 : vector<16xi32>
      %select_n3A_471 = arith.select %gt3A_463, %add3A_470, %sub3A_453 : vector<16xi1>, vector<16xi32>
      %sub3A_472 = arith.constant 1.000000e+00 : f32
      %sub3A_473 = vector.broadcast %sub3A_472 : f32 to vector<16xf32>
      %sub3A_474 = arith.subf %select_n3A_467, %sub3A_473 : vector<16xf32>
      %broadcast_in_dim3A_475 = arith.constant 0.0838350877 : f32
      %broadcast_in_dim3A_476 = vector.broadcast %broadcast_in_dim3A_475 : f32 to vector<16xf32>
      %mul3A_477 = arith.mulf %broadcast_in_dim3A_476, %sub3A_474 : vector<16xf32>
      %add3A_478 = arith.constant -0.142965987 : f32
      %add3A_479 = vector.broadcast %add3A_478 : f32 to vector<16xf32>
      %add3A_480 = arith.addf %mul3A_477, %add3A_479 : vector<16xf32>
      %mul3A_481 = arith.mulf %add3A_480, %sub3A_474 : vector<16xf32>
      %add3A_482 = arith.constant 0.150563762 : f32
      %add3A_483 = vector.broadcast %add3A_482 : f32 to vector<16xf32>
      %add3A_484 = arith.addf %mul3A_481, %add3A_483 : vector<16xf32>
      %mul3A_485 = arith.mulf %add3A_484, %sub3A_474 : vector<16xf32>
      %add3A_486 = arith.constant -0.165757507 : f32
      %add3A_487 = vector.broadcast %add3A_486 : f32 to vector<16xf32>
      %add3A_488 = arith.addf %mul3A_485, %add3A_487 : vector<16xf32>
      %mul3A_489 = arith.mulf %add3A_488, %sub3A_474 : vector<16xf32>
      %add3A_490 = arith.constant 0.199447781 : f32
      %add3A_491 = vector.broadcast %add3A_490 : f32 to vector<16xf32>
      %add3A_492 = arith.addf %mul3A_489, %add3A_491 : vector<16xf32>
      %mul3A_493 = arith.mulf %add3A_492, %sub3A_474 : vector<16xf32>
      %add3A_494 = arith.constant -0.250012517 : f32
      %add3A_495 = vector.broadcast %add3A_494 : f32 to vector<16xf32>
      %add3A_496 = arith.addf %mul3A_493, %add3A_495 : vector<16xf32>
      %mul3A_497 = arith.mulf %add3A_496, %sub3A_474 : vector<16xf32>
      %add3A_498 = arith.constant 0.333347321 : f32
      %add3A_499 = vector.broadcast %add3A_498 : f32 to vector<16xf32>
      %add3A_500 = arith.addf %mul3A_497, %add3A_499 : vector<16xf32>
      %mul3A_501 = arith.mulf %add3A_500, %sub3A_474 : vector<16xf32>
      %add3A_502 = arith.constant -5.000000e-01 : f32
      %add3A_503 = vector.broadcast %add3A_502 : f32 to vector<16xf32>
      %add3A_504 = arith.addf %mul3A_501, %add3A_503 : vector<16xf32>
      %mul3A_505 = arith.mulf %add3A_504, %sub3A_474 : vector<16xf32>
      %add3A_506 = arith.constant 0.99999988 : f32
      %add3A_507 = vector.broadcast %add3A_506 : f32 to vector<16xf32>
      %add3A_508 = arith.addf %mul3A_505, %add3A_507 : vector<16xf32>
      %mul3A_509 = arith.mulf %add3A_508, %sub3A_474 : vector<16xf32>
      %add3A_510 = arith.constant 2.6434574E-10 : f32
      %add3A_511 = vector.broadcast %add3A_510 : f32 to vector<16xf32>
      %add3A_512 = arith.addf %mul3A_509, %add3A_511 : vector<16xf32>
      %convert_element_type3A_513 = arith.sitofp %select_n3A_471 : vector<16xi32> to vector<16xf32>
      %mul3A_514 = arith.constant 0.693147182 : f32
      %mul3A_515 = vector.broadcast %mul3A_514 : f32 to vector<16xf32>
      %mul3A_516 = arith.mulf %convert_element_type3A_513, %mul3A_515 : vector<16xf32>
      %add3A_517 = arith.addf %mul3A_516, %add3A_512 : vector<16xf32>
      %sub3A_518 = arith.constant 1.000000e+00 : f32
      %sub3A_519 = vector.broadcast %sub3A_518 : f32 to vector<16xf32>
      %sub3A_520 = arith.subf %sub3A_519, %select_n3A_443 : vector<16xf32>
      %max3A_521 = arith.constant 9.99999935E-39 : f32
      %max3A_522 = vector.broadcast %max3A_521 : f32 to vector<16xf32>
      %max3A_523 = arith.maximumf %sub3A_520, %max3A_522 : vector<16xf32>
      %bitcast_convert_type3A_524 = tpu.bitcast %max3A_523 : vector<16xf32> -> vector<16xi32>
      %shift_right_arithmetic3A_525 = arith.constant 23 : i32
      %shift_right_arithmetic3A_526 = vector.broadcast %shift_right_arithmetic3A_525 : i32 to vector<16xi32>
      %shift_right_arithmetic3A_527 = arith.shrsi %bitcast_convert_type3A_524, %shift_right_arithmetic3A_526 : vector<16xi32>
      %sub3A_528 = arith.constant 127 : i32
      %sub3A_529 = vector.broadcast %sub3A_528 : i32 to vector<16xi32>
      %sub3A_530 = arith.subi %shift_right_arithmetic3A_527, %sub3A_529 : vector<16xi32>
      %and3A_531 = arith.constant 8388607 : i32
      %and3A_532 = vector.broadcast %and3A_531 : i32 to vector<16xi32>
      %and3A_533 = arith.andi %bitcast_convert_type3A_524, %and3A_532 : vector<16xi32>
      %or3A_534 = arith.constant 1065353216 : i32
      %or3A_535 = vector.broadcast %or3A_534 : i32 to vector<16xi32>
      %or3A_536 = arith.ori %and3A_533, %or3A_535 : vector<16xi32>
      %bitcast_convert_type3A_537 = tpu.bitcast %or3A_536 : vector<16xi32> -> vector<16xf32>
      %gt3A_538 = arith.constant 1.41421354 : f32
      %gt3A_539 = vector.broadcast %gt3A_538 : f32 to vector<16xf32>
      %gt3A_540 = arith.cmpf ogt, %bitcast_convert_type3A_537, %gt3A_539 : vector<16xf32>
      %mul3A_541 = arith.constant 5.000000e-01 : f32
      %mul3A_542 = vector.broadcast %mul3A_541 : f32 to vector<16xf32>
      %mul3A_543 = arith.mulf %bitcast_convert_type3A_537, %mul3A_542 : vector<16xf32>
      %select_n3A_544 = arith.select %gt3A_540, %mul3A_543, %bitcast_convert_type3A_537 : vector<16xi1>, vector<16xf32>
      %add3A_545 = arith.constant 1 : i32
      %add3A_546 = vector.broadcast %add3A_545 : i32 to vector<16xi32>
      %add3A_547 = arith.addi %sub3A_530, %add3A_546 : vector<16xi32>
      %select_n3A_548 = arith.select %gt3A_540, %add3A_547, %sub3A_530 : vector<16xi1>, vector<16xi32>
      %sub3A_549 = arith.constant 1.000000e+00 : f32
      %sub3A_550 = vector.broadcast %sub3A_549 : f32 to vector<16xf32>
      %sub3A_551 = arith.subf %select_n3A_544, %sub3A_550 : vector<16xf32>
      %broadcast_in_dim3A_552 = arith.constant 0.0838350877 : f32
      %broadcast_in_dim3A_553 = vector.broadcast %broadcast_in_dim3A_552 : f32 to vector<16xf32>
      %mul3A_554 = arith.mulf %broadcast_in_dim3A_553, %sub3A_551 : vector<16xf32>
      %add3A_555 = arith.constant -0.142965987 : f32
      %add3A_556 = vector.broadcast %add3A_555 : f32 to vector<16xf32>
      %add3A_557 = arith.addf %mul3A_554, %add3A_556 : vector<16xf32>
      %mul3A_558 = arith.mulf %add3A_557, %sub3A_551 : vector<16xf32>
      %add3A_559 = arith.constant 0.150563762 : f32
      %add3A_560 = vector.broadcast %add3A_559 : f32 to vector<16xf32>
      %add3A_561 = arith.addf %mul3A_558, %add3A_560 : vector<16xf32>
      %mul3A_562 = arith.mulf %add3A_561, %sub3A_551 : vector<16xf32>
      %add3A_563 = arith.constant -0.165757507 : f32
      %add3A_564 = vector.broadcast %add3A_563 : f32 to vector<16xf32>
      %add3A_565 = arith.addf %mul3A_562, %add3A_564 : vector<16xf32>
      %mul3A_566 = arith.mulf %add3A_565, %sub3A_551 : vector<16xf32>
      %add3A_567 = arith.constant 0.199447781 : f32
      %add3A_568 = vector.broadcast %add3A_567 : f32 to vector<16xf32>
      %add3A_569 = arith.addf %mul3A_566, %add3A_568 : vector<16xf32>
      %mul3A_570 = arith.mulf %add3A_569, %sub3A_551 : vector<16xf32>
      %add3A_571 = arith.constant -0.250012517 : f32
      %add3A_572 = vector.broadcast %add3A_571 : f32 to vector<16xf32>
      %add3A_573 = arith.addf %mul3A_570, %add3A_572 : vector<16xf32>
      %mul3A_574 = arith.mulf %add3A_573, %sub3A_551 : vector<16xf32>
      %add3A_575 = arith.constant 0.333347321 : f32
      %add3A_576 = vector.broadcast %add3A_575 : f32 to vector<16xf32>
      %add3A_577 = arith.addf %mul3A_574, %add3A_576 : vector<16xf32>
      %mul3A_578 = arith.mulf %add3A_577, %sub3A_551 : vector<16xf32>
      %add3A_579 = arith.constant -5.000000e-01 : f32
      %add3A_580 = vector.broadcast %add3A_579 : f32 to vector<16xf32>
      %add3A_581 = arith.addf %mul3A_578, %add3A_580 : vector<16xf32>
      %mul3A_582 = arith.mulf %add3A_581, %sub3A_551 : vector<16xf32>
      %add3A_583 = arith.constant 0.99999988 : f32
      %add3A_584 = vector.broadcast %add3A_583 : f32 to vector<16xf32>
      %add3A_585 = arith.addf %mul3A_582, %add3A_584 : vector<16xf32>
      %mul3A_586 = arith.mulf %add3A_585, %sub3A_551 : vector<16xf32>
      %add3A_587 = arith.constant 2.6434574E-10 : f32
      %add3A_588 = vector.broadcast %add3A_587 : f32 to vector<16xf32>
      %add3A_589 = arith.addf %mul3A_586, %add3A_588 : vector<16xf32>
      %convert_element_type3A_590 = arith.sitofp %select_n3A_548 : vector<16xi32> to vector<16xf32>
      %mul3A_591 = arith.constant 0.693147182 : f32
      %mul3A_592 = vector.broadcast %mul3A_591 : f32 to vector<16xf32>
      %mul3A_593 = arith.mulf %convert_element_type3A_590, %mul3A_592 : vector<16xf32>
      %add3A_594 = arith.addf %mul3A_593, %add3A_589 : vector<16xf32>
      %mul3A_595 = arith.mulf %mul3A_86, %div3A_446 : vector<16xf32>
      %add3A_596 = arith.addf %mul3A_595, %add3A_517 : vector<16xf32>
      %mul3A_597 = arith.mulf %select_n3A_56, %add3A_594 : vector<16xf32>
      %sub3A_598 = arith.subf %add3A_596, %mul3A_597 : vector<16xf32>
      %broadcast_in_dim3A_599 = arith.constant 1.000000e+00 : f32
      %broadcast_in_dim3A_600 = vector.broadcast %broadcast_in_dim3A_599 : f32 to vector<16xf32>
      %mul3A_601 = arith.constant 16 : i32
      %mul3A_602 = arith.muli %scan3A_73, %mul3A_601 : i32
      %add3A_603 = vector.broadcast %mul3A_602 : i32 to vector<16xi32>
      %add3A_604 = arith.addi %iota3A, %add3A_603 : vector<16xi32>
      %broadcast_in_dim3A_605 = arith.constant 0 : i32
      %broadcast_in_dim3A_606 = vector.broadcast %broadcast_in_dim3A_605 : i32 to vector<16xi32>
      %gather3A_607 = tpu.vector_load_idx %arg6[%add3A_604, %broadcast_in_dim3A_606] : memref<256x16xf32, #tpu.memory_space<vmem>>[vector<16xi32>, vector<16xi32>], vector<16xf32>,
      %ne3A_608 = arith.constant 0.000000e+00 : f32
      %ne3A_609 = vector.broadcast %ne3A_608 : f32 to vector<16xf32>
      %ne3A_610 = arith.cmpf one, %gather3A_607, %ne3A_609 : vector<16xf32>
      %and3A_611 = arith.andi %lt3A_83, %ne3A_610 : vector<16xi1>
      %jit3A_612 = arith.constant 5.000000e-01 : f32
      %broadcast_in_dim3A_613 = vector.broadcast %jit3A_612 : f32 to vector<16xf32>
      %select_n3A_614 = arith.select %and3A_611, %gather3A_607, %broadcast_in_dim3A_613 : vector<16xi1>, vector<16xf32>
      %bitcast_convert_type3A_615 = tpu.bitcast %select_n3A_614 : vector<16xf32> -> vector<16xi32>
      %shift_right_arithmetic3A_616 = arith.constant 23 : i32
      %shift_right_arithmetic3A_617 = vector.broadcast %shift_right_arithmetic3A_616 : i32 to vector<16xi32>
      %shift_right_arithmetic3A_618 = arith.shrsi %bitcast_convert_type3A_615, %shift_right_arithmetic3A_617 : vector<16xi32>
      %sub3A_619 = arith.constant 127 : i32
      %sub3A_620 = vector.broadcast %sub3A_619 : i32 to vector<16xi32>
      %sub3A_621 = arith.subi %shift_right_arithmetic3A_618, %sub3A_620 : vector<16xi32>
      %and3A_622 = arith.constant 8388607 : i32
      %and3A_623 = vector.broadcast %and3A_622 : i32 to vector<16xi32>
      %and3A_624 = arith.andi %bitcast_convert_type3A_615, %and3A_623 : vector<16xi32>
      %or3A_625 = arith.constant 1065353216 : i32
      %or3A_626 = vector.broadcast %or3A_625 : i32 to vector<16xi32>
      %or3A_627 = arith.ori %and3A_624, %or3A_626 : vector<16xi32>
      %bitcast_convert_type3A_628 = tpu.bitcast %or3A_627 : vector<16xi32> -> vector<16xf32>
      %gt3A_629 = arith.constant 1.41421354 : f32
      %gt3A_630 = vector.broadcast %gt3A_629 : f32 to vector<16xf32>
      %gt3A_631 = arith.cmpf ogt, %bitcast_convert_type3A_628, %gt3A_630 : vector<16xf32>
      %mul3A_632 = arith.constant 5.000000e-01 : f32
      %mul3A_633 = vector.broadcast %mul3A_632 : f32 to vector<16xf32>
      %mul3A_634 = arith.mulf %bitcast_convert_type3A_628, %mul3A_633 : vector<16xf32>
      %select_n3A_635 = arith.select %gt3A_631, %mul3A_634, %bitcast_convert_type3A_628 : vector<16xi1>, vector<16xf32>
      %add3A_636 = arith.constant 1 : i32
      %add3A_637 = vector.broadcast %add3A_636 : i32 to vector<16xi32>
      %add3A_638 = arith.addi %sub3A_621, %add3A_637 : vector<16xi32>
      %select_n3A_639 = arith.select %gt3A_631, %add3A_638, %sub3A_621 : vector<16xi1>, vector<16xi32>
      %sub3A_640 = arith.constant 1.000000e+00 : f32
      %sub3A_641 = vector.broadcast %sub3A_640 : f32 to vector<16xf32>
      %sub3A_642 = arith.subf %select_n3A_635, %sub3A_641 : vector<16xf32>
      %broadcast_in_dim3A_643 = arith.constant 0.0838350877 : f32
      %broadcast_in_dim3A_644 = vector.broadcast %broadcast_in_dim3A_643 : f32 to vector<16xf32>
      %mul3A_645 = arith.mulf %broadcast_in_dim3A_644, %sub3A_642 : vector<16xf32>
      %add3A_646 = arith.constant -0.142965987 : f32
      %add3A_647 = vector.broadcast %add3A_646 : f32 to vector<16xf32>
      %add3A_648 = arith.addf %mul3A_645, %add3A_647 : vector<16xf32>
      %mul3A_649 = arith.mulf %add3A_648, %sub3A_642 : vector<16xf32>
      %add3A_650 = arith.constant 0.150563762 : f32
      %add3A_651 = vector.broadcast %add3A_650 : f32 to vector<16xf32>
      %add3A_652 = arith.addf %mul3A_649, %add3A_651 : vector<16xf32>
      %mul3A_653 = arith.mulf %add3A_652, %sub3A_642 : vector<16xf32>
      %add3A_654 = arith.constant -0.165757507 : f32
      %add3A_655 = vector.broadcast %add3A_654 : f32 to vector<16xf32>
      %add3A_656 = arith.addf %mul3A_653, %add3A_655 : vector<16xf32>
      %mul3A_657 = arith.mulf %add3A_656, %sub3A_642 : vector<16xf32>
      %add3A_658 = arith.constant 0.199447781 : f32
      %add3A_659 = vector.broadcast %add3A_658 : f32 to vector<16xf32>
      %add3A_660 = arith.addf %mul3A_657, %add3A_659 : vector<16xf32>
      %mul3A_661 = arith.mulf %add3A_660, %sub3A_642 : vector<16xf32>
      %add3A_662 = arith.constant -0.250012517 : f32
      %add3A_663 = vector.broadcast %add3A_662 : f32 to vector<16xf32>
      %add3A_664 = arith.addf %mul3A_661, %add3A_663 : vector<16xf32>
      %mul3A_665 = arith.mulf %add3A_664, %sub3A_642 : vector<16xf32>
      %add3A_666 = arith.constant 0.333347321 : f32
      %add3A_667 = vector.broadcast %add3A_666 : f32 to vector<16xf32>
      %add3A_668 = arith.addf %mul3A_665, %add3A_667 : vector<16xf32>
      %mul3A_669 = arith.mulf %add3A_668, %sub3A_642 : vector<16xf32>
      %add3A_670 = arith.constant -5.000000e-01 : f32
      %add3A_671 = vector.broadcast %add3A_670 : f32 to vector<16xf32>
      %add3A_672 = arith.addf %mul3A_669, %add3A_671 : vector<16xf32>
      %mul3A_673 = arith.mulf %add3A_672, %sub3A_642 : vector<16xf32>
      %add3A_674 = arith.constant 0.99999988 : f32
      %add3A_675 = vector.broadcast %add3A_674 : f32 to vector<16xf32>
      %add3A_676 = arith.addf %mul3A_673, %add3A_675 : vector<16xf32>
      %mul3A_677 = arith.mulf %add3A_676, %sub3A_642 : vector<16xf32>
      %add3A_678 = arith.constant 2.6434574E-10 : f32
      %add3A_679 = vector.broadcast %add3A_678 : f32 to vector<16xf32>
      %add3A_680 = arith.addf %mul3A_677, %add3A_679 : vector<16xf32>
      %convert_element_type3A_681 = arith.sitofp %select_n3A_639 : vector<16xi32> to vector<16xf32>
      %mul3A_682 = arith.constant 0.693147182 : f32
      %mul3A_683 = vector.broadcast %mul3A_682 : f32 to vector<16xf32>
      %mul3A_684 = arith.mulf %convert_element_type3A_681, %mul3A_683 : vector<16xf32>
      %add3A_685 = arith.addf %mul3A_684, %add3A_680 : vector<16xf32>
      %sub3A_686 = arith.constant 1.000000e+00 : f32
      %sub3A_687 = vector.broadcast %sub3A_686 : f32 to vector<16xf32>
      %sub3A_688 = arith.subf %sub3A_687, %select_n3A_614 : vector<16xf32>
      %bitcast_convert_type3A_689 = tpu.bitcast %sub3A_688 : vector<16xf32> -> vector<16xi32>
      %shift_right_arithmetic3A_690 = arith.constant 23 : i32
      %shift_right_arithmetic3A_691 = vector.broadcast %shift_right_arithmetic3A_690 : i32 to vector<16xi32>
      %shift_right_arithmetic3A_692 = arith.shrsi %bitcast_convert_type3A_689, %shift_right_arithmetic3A_691 : vector<16xi32>
      %sub3A_693 = arith.constant 127 : i32
      %sub3A_694 = vector.broadcast %sub3A_693 : i32 to vector<16xi32>
      %sub3A_695 = arith.subi %shift_right_arithmetic3A_692, %sub3A_694 : vector<16xi32>
      %and3A_696 = arith.constant 8388607 : i32
      %and3A_697 = vector.broadcast %and3A_696 : i32 to vector<16xi32>
      %and3A_698 = arith.andi %bitcast_convert_type3A_689, %and3A_697 : vector<16xi32>
      %or3A_699 = arith.constant 1065353216 : i32
      %or3A_700 = vector.broadcast %or3A_699 : i32 to vector<16xi32>
      %or3A_701 = arith.ori %and3A_698, %or3A_700 : vector<16xi32>
      %bitcast_convert_type3A_702 = tpu.bitcast %or3A_701 : vector<16xi32> -> vector<16xf32>
      %gt3A_703 = arith.constant 1.41421354 : f32
      %gt3A_704 = vector.broadcast %gt3A_703 : f32 to vector<16xf32>
      %gt3A_705 = arith.cmpf ogt, %bitcast_convert_type3A_702, %gt3A_704 : vector<16xf32>
      %mul3A_706 = arith.constant 5.000000e-01 : f32
      %mul3A_707 = vector.broadcast %mul3A_706 : f32 to vector<16xf32>
      %mul3A_708 = arith.mulf %bitcast_convert_type3A_702, %mul3A_707 : vector<16xf32>
      %select_n3A_709 = arith.select %gt3A_705, %mul3A_708, %bitcast_convert_type3A_702 : vector<16xi1>, vector<16xf32>
      %add3A_710 = arith.constant 1 : i32
      %add3A_711 = vector.broadcast %add3A_710 : i32 to vector<16xi32>
      %add3A_712 = arith.addi %sub3A_695, %add3A_711 : vector<16xi32>
      %select_n3A_713 = arith.select %gt3A_705, %add3A_712, %sub3A_695 : vector<16xi1>, vector<16xi32>
      %sub3A_714 = arith.constant 1.000000e+00 : f32
      %sub3A_715 = vector.broadcast %sub3A_714 : f32 to vector<16xf32>
      %sub3A_716 = arith.subf %select_n3A_709, %sub3A_715 : vector<16xf32>
      %broadcast_in_dim3A_717 = arith.constant 0.0838350877 : f32
      %broadcast_in_dim3A_718 = vector.broadcast %broadcast_in_dim3A_717 : f32 to vector<16xf32>
      %mul3A_719 = arith.mulf %broadcast_in_dim3A_718, %sub3A_716 : vector<16xf32>
      %add3A_720 = arith.constant -0.142965987 : f32
      %add3A_721 = vector.broadcast %add3A_720 : f32 to vector<16xf32>
      %add3A_722 = arith.addf %mul3A_719, %add3A_721 : vector<16xf32>
      %mul3A_723 = arith.mulf %add3A_722, %sub3A_716 : vector<16xf32>
      %add3A_724 = arith.constant 0.150563762 : f32
      %add3A_725 = vector.broadcast %add3A_724 : f32 to vector<16xf32>
      %add3A_726 = arith.addf %mul3A_723, %add3A_725 : vector<16xf32>
      %mul3A_727 = arith.mulf %add3A_726, %sub3A_716 : vector<16xf32>
      %add3A_728 = arith.constant -0.165757507 : f32
      %add3A_729 = vector.broadcast %add3A_728 : f32 to vector<16xf32>
      %add3A_730 = arith.addf %mul3A_727, %add3A_729 : vector<16xf32>
      %mul3A_731 = arith.mulf %add3A_730, %sub3A_716 : vector<16xf32>
      %add3A_732 = arith.constant 0.199447781 : f32
      %add3A_733 = vector.broadcast %add3A_732 : f32 to vector<16xf32>
      %add3A_734 = arith.addf %mul3A_731, %add3A_733 : vector<16xf32>
      %mul3A_735 = arith.mulf %add3A_734, %sub3A_716 : vector<16xf32>
      %add3A_736 = arith.constant -0.250012517 : f32
      %add3A_737 = vector.broadcast %add3A_736 : f32 to vector<16xf32>
      %add3A_738 = arith.addf %mul3A_735, %add3A_737 : vector<16xf32>
      %mul3A_739 = arith.mulf %add3A_738, %sub3A_716 : vector<16xf32>
      %add3A_740 = arith.constant 0.333347321 : f32
      %add3A_741 = vector.broadcast %add3A_740 : f32 to vector<16xf32>
      %add3A_742 = arith.addf %mul3A_739, %add3A_741 : vector<16xf32>
      %mul3A_743 = arith.mulf %add3A_742, %sub3A_716 : vector<16xf32>
      %add3A_744 = arith.constant -5.000000e-01 : f32
      %add3A_745 = vector.broadcast %add3A_744 : f32 to vector<16xf32>
      %add3A_746 = arith.addf %mul3A_743, %add3A_745 : vector<16xf32>
      %mul3A_747 = arith.mulf %add3A_746, %sub3A_716 : vector<16xf32>
      %add3A_748 = arith.constant 0.99999988 : f32
      %add3A_749 = vector.broadcast %add3A_748 : f32 to vector<16xf32>
      %add3A_750 = arith.addf %mul3A_747, %add3A_749 : vector<16xf32>
      %mul3A_751 = arith.mulf %add3A_750, %sub3A_716 : vector<16xf32>
      %add3A_752 = arith.constant 2.6434574E-10 : f32
      %add3A_753 = vector.broadcast %add3A_752 : f32 to vector<16xf32>
      %add3A_754 = arith.addf %mul3A_751, %add3A_753 : vector<16xf32>
      %convert_element_type3A_755 = arith.sitofp %select_n3A_713 : vector<16xi32> to vector<16xf32>
      %mul3A_756 = arith.constant 0.693147182 : f32
      %mul3A_757 = vector.broadcast %mul3A_756 : f32 to vector<16xf32>
      %mul3A_758 = arith.mulf %convert_element_type3A_755, %mul3A_757 : vector<16xf32>
      %add3A_759 = arith.addf %mul3A_758, %add3A_754 : vector<16xf32>
      %div3A_760 = arith.constant 1.000000e+00 : f32
      %div3A_761 = vector.broadcast %div3A_760 : f32 to vector<16xf32>
      %div3A_762 = arith.divf %div3A_761, %select_n3A_614 : vector<16xf32>
      %mul3A_763 = arith.mulf %mul3A_85, %div3A_762 : vector<16xf32>
      %sub3A_764 = arith.subf %sub3A_339, %mul3A_763 : vector<16xf32>
      %sub3A_765 = arith.subf %sub3A_764, %add3A_685 : vector<16xf32>
      %mul3A_766 = arith.mulf %select_n3A_50, %add3A_759 : vector<16xf32>
      %add3A_767 = arith.addf %sub3A_765, %mul3A_766 : vector<16xf32>
      %jit3A_768 = arith.constant -1.000000e+01 : f32
      %jit3A_769 = arith.constant 1.000000e+01 : f32
      %max3A_770 = vector.broadcast %jit3A_768 : f32 to vector<16xf32>
      %max3A_771 = arith.maximumf %max3A_770, %add3A_767 : vector<16xf32>
      %min3A_772 = vector.broadcast %jit3A_769 : f32 to vector<16xf32>
      %min3A_773 = arith.minimumf %min3A_772, %max3A_771 : vector<16xf32>
      %mul3A_774 = arith.mulf %mul3A_86, %div3A_762 : vector<16xf32>
      %sub3A_775 = arith.subf %sub3A_598, %mul3A_774 : vector<16xf32>
      %sub3A_776 = arith.subf %sub3A_775, %add3A_685 : vector<16xf32>
      %mul3A_777 = arith.mulf %select_n3A_56, %add3A_759 : vector<16xf32>
      %add3A_778 = arith.addf %sub3A_776, %mul3A_777 : vector<16xf32>
      %jit3A_779 = arith.constant -1.000000e+01 : f32
      %jit3A_780 = arith.constant 1.000000e+01 : f32
      %max3A_781 = vector.broadcast %jit3A_779 : f32 to vector<16xf32>
      %max3A_782 = arith.maximumf %max3A_781, %add3A_778 : vector<16xf32>
      %min3A_783 = vector.broadcast %jit3A_780 : f32 to vector<16xf32>
      %min3A_784 = arith.minimumf %min3A_783, %max3A_782 : vector<16xf32>
      %sub3A_785 = arith.subf %min3A_773, %min3A_784 : vector<16xf32>
      %exp3A = math.exp %sub3A_785 : vector<16xf32>
      %jit3A_786 = arith.constant 1.000000e+00 : f32
      %broadcast_in_dim3A_787 = vector.broadcast %jit3A_786 : f32 to vector<16xf32>
      %select_n3A_788 = arith.select %and3A_611, %exp3A, %broadcast_in_dim3A_787 : vector<16xi1>, vector<16xf32>
      %mul3A_789 = arith.mulf %broadcast_in_dim3A_600, %select_n3A_788 : vector<16xf32>
      %add3A_790 = vector.broadcast %mul3A_602 : i32 to vector<16xi32>
      %add3A_791 = arith.addi %iota3A, %add3A_790 : vector<16xi32>
      %broadcast_in_dim3A_792 = arith.constant 1 : i32
      %broadcast_in_dim3A_793 = vector.broadcast %broadcast_in_dim3A_792 : i32 to vector<16xi32>
      %gather3A_794 = tpu.vector_load_idx %arg6[%add3A_791, %broadcast_in_dim3A_793] : memref<256x16xf32, #tpu.memory_space<vmem>>[vector<16xi32>, vector<16xi32>], vector<16xf32>,
      %ne3A_795 = arith.constant 0.000000e+00 : f32
      %ne3A_796 = vector.broadcast %ne3A_795 : f32 to vector<16xf32>
      %ne3A_797 = arith.cmpf one, %gather3A_794, %ne3A_796 : vector<16xf32>
      %and3A_798 = arith.andi %lt3A_83, %ne3A_797 : vector<16xi1>
      %jit3A_799 = arith.constant 5.000000e-01 : f32
      %broadcast_in_dim3A_800 = vector.broadcast %jit3A_799 : f32 to vector<16xf32>
      %select_n3A_801 = arith.select %and3A_798, %gather3A_794, %broadcast_in_dim3A_800 : vector<16xi1>, vector<16xf32>
      %bitcast_convert_type3A_802 = tpu.bitcast %select_n3A_801 : vector<16xf32> -> vector<16xi32>
      %shift_right_arithmetic3A_803 = arith.constant 23 : i32
      %shift_right_arithmetic3A_804 = vector.broadcast %shift_right_arithmetic3A_803 : i32 to vector<16xi32>
      %shift_right_arithmetic3A_805 = arith.shrsi %bitcast_convert_type3A_802, %shift_right_arithmetic3A_804 : vector<16xi32>
      %sub3A_806 = arith.constant 127 : i32
      %sub3A_807 = vector.broadcast %sub3A_806 : i32 to vector<16xi32>
      %sub3A_808 = arith.subi %shift_right_arithmetic3A_805, %sub3A_807 : vector<16xi32>
      %and3A_809 = arith.constant 8388607 : i32
      %and3A_810 = vector.broadcast %and3A_809 : i32 to vector<16xi32>
      %and3A_811 = arith.andi %bitcast_convert_type3A_802, %and3A_810 : vector<16xi32>
      %or3A_812 = arith.constant 1065353216 : i32
      %or3A_813 = vector.broadcast %or3A_812 : i32 to vector<16xi32>
      %or3A_814 = arith.ori %and3A_811, %or3A_813 : vector<16xi32>
      %bitcast_convert_type3A_815 = tpu.bitcast %or3A_814 : vector<16xi32> -> vector<16xf32>
      %gt3A_816 = arith.constant 1.41421354 : f32
      %gt3A_817 = vector.broadcast %gt3A_816 : f32 to vector<16xf32>
      %gt3A_818 = arith.cmpf ogt, %bitcast_convert_type3A_815, %gt3A_817 : vector<16xf32>
      %mul3A_819 = arith.constant 5.000000e-01 : f32
      %mul3A_820 = vector.broadcast %mul3A_819 : f32 to vector<16xf32>
      %mul3A_821 = arith.mulf %bitcast_convert_type3A_815, %mul3A_820 : vector<16xf32>
      %select_n3A_822 = arith.select %gt3A_818, %mul3A_821, %bitcast_convert_type3A_815 : vector<16xi1>, vector<16xf32>
      %add3A_823 = arith.constant 1 : i32
      %add3A_824 = vector.broadcast %add3A_823 : i32 to vector<16xi32>
      %add3A_825 = arith.addi %sub3A_808, %add3A_824 : vector<16xi32>
      %select_n3A_826 = arith.select %gt3A_818, %add3A_825, %sub3A_808 : vector<16xi1>, vector<16xi32>
      %sub3A_827 = arith.constant 1.000000e+00 : f32
      %sub3A_828 = vector.broadcast %sub3A_827 : f32 to vector<16xf32>
      %sub3A_829 = arith.subf %select_n3A_822, %sub3A_828 : vector<16xf32>
      %broadcast_in_dim3A_830 = arith.constant 0.0838350877 : f32
      %broadcast_in_dim3A_831 = vector.broadcast %broadcast_in_dim3A_830 : f32 to vector<16xf32>
      %mul3A_832 = arith.mulf %broadcast_in_dim3A_831, %sub3A_829 : vector<16xf32>
      %add3A_833 = arith.constant -0.142965987 : f32
      %add3A_834 = vector.broadcast %add3A_833 : f32 to vector<16xf32>
      %add3A_835 = arith.addf %mul3A_832, %add3A_834 : vector<16xf32>
      %mul3A_836 = arith.mulf %add3A_835, %sub3A_829 : vector<16xf32>
      %add3A_837 = arith.constant 0.150563762 : f32
      %add3A_838 = vector.broadcast %add3A_837 : f32 to vector<16xf32>
      %add3A_839 = arith.addf %mul3A_836, %add3A_838 : vector<16xf32>
      %mul3A_840 = arith.mulf %add3A_839, %sub3A_829 : vector<16xf32>
      %add3A_841 = arith.constant -0.165757507 : f32
      %add3A_842 = vector.broadcast %add3A_841 : f32 to vector<16xf32>
      %add3A_843 = arith.addf %mul3A_840, %add3A_842 : vector<16xf32>
      %mul3A_844 = arith.mulf %add3A_843, %sub3A_829 : vector<16xf32>
      %add3A_845 = arith.constant 0.199447781 : f32
      %add3A_846 = vector.broadcast %add3A_845 : f32 to vector<16xf32>
      %add3A_847 = arith.addf %mul3A_844, %add3A_846 : vector<16xf32>
      %mul3A_848 = arith.mulf %add3A_847, %sub3A_829 : vector<16xf32>
      %add3A_849 = arith.constant -0.250012517 : f32
      %add3A_850 = vector.broadcast %add3A_849 : f32 to vector<16xf32>
      %add3A_851 = arith.addf %mul3A_848, %add3A_850 : vector<16xf32>
      %mul3A_852 = arith.mulf %add3A_851, %sub3A_829 : vector<16xf32>
      %add3A_853 = arith.constant 0.333347321 : f32
      %add3A_854 = vector.broadcast %add3A_853 : f32 to vector<16xf32>
      %add3A_855 = arith.addf %mul3A_852, %add3A_854 : vector<16xf32>
      %mul3A_856 = arith.mulf %add3A_855, %sub3A_829 : vector<16xf32>
      %add3A_857 = arith.constant -5.000000e-01 : f32
      %add3A_858 = vector.broadcast %add3A_857 : f32 to vector<16xf32>
      %add3A_859 = arith.addf %mul3A_856, %add3A_858 : vector<16xf32>
      %mul3A_860 = arith.mulf %add3A_859, %sub3A_829 : vector<16xf32>
      %add3A_861 = arith.constant 0.99999988 : f32
      %add3A_862 = vector.broadcast %add3A_861 : f32 to vector<16xf32>
      %add3A_863 = arith.addf %mul3A_860, %add3A_862 : vector<16xf32>
      %mul3A_864 = arith.mulf %add3A_863, %sub3A_829 : vector<16xf32>
      %add3A_865 = arith.constant 2.6434574E-10 : f32
      %add3A_866 = vector.broadcast %add3A_865 : f32 to vector<16xf32>
      %add3A_867 = arith.addf %mul3A_864, %add3A_866 : vector<16xf32>
      %convert_element_type3A_868 = arith.sitofp %select_n3A_826 : vector<16xi32> to vector<16xf32>
      %mul3A_869 = arith.constant 0.693147182 : f32
      %mul3A_870 = vector.broadcast %mul3A_869 : f32 to vector<16xf32>
      %mul3A_871 = arith.mulf %convert_element_type3A_868, %mul3A_870 : vector<16xf32>
      %add3A_872 = arith.addf %mul3A_871, %add3A_867 : vector<16xf32>
      %sub3A_873 = arith.constant 1.000000e+00 : f32
      %sub3A_874 = vector.broadcast %sub3A_873 : f32 to vector<16xf32>
      %sub3A_875 = arith.subf %sub3A_874, %select_n3A_801 : vector<16xf32>
      %bitcast_convert_type3A_876 = tpu.bitcast %sub3A_875 : vector<16xf32> -> vector<16xi32>
      %shift_right_arithmetic3A_877 = arith.constant 23 : i32
      %shift_right_arithmetic3A_878 = vector.broadcast %shift_right_arithmetic3A_877 : i32 to vector<16xi32>
      %shift_right_arithmetic3A_879 = arith.shrsi %bitcast_convert_type3A_876, %shift_right_arithmetic3A_878 : vector<16xi32>
      %sub3A_880 = arith.constant 127 : i32
      %sub3A_881 = vector.broadcast %sub3A_880 : i32 to vector<16xi32>
      %sub3A_882 = arith.subi %shift_right_arithmetic3A_879, %sub3A_881 : vector<16xi32>
      %and3A_883 = arith.constant 8388607 : i32
      %and3A_884 = vector.broadcast %and3A_883 : i32 to vector<16xi32>
      %and3A_885 = arith.andi %bitcast_convert_type3A_876, %and3A_884 : vector<16xi32>
      %or3A_886 = arith.constant 1065353216 : i32
      %or3A_887 = vector.broadcast %or3A_886 : i32 to vector<16xi32>
      %or3A_888 = arith.ori %and3A_885, %or3A_887 : vector<16xi32>
      %bitcast_convert_type3A_889 = tpu.bitcast %or3A_888 : vector<16xi32> -> vector<16xf32>
      %gt3A_890 = arith.constant 1.41421354 : f32
      %gt3A_891 = vector.broadcast %gt3A_890 : f32 to vector<16xf32>
      %gt3A_892 = arith.cmpf ogt, %bitcast_convert_type3A_889, %gt3A_891 : vector<16xf32>
      %mul3A_893 = arith.constant 5.000000e-01 : f32
      %mul3A_894 = vector.broadcast %mul3A_893 : f32 to vector<16xf32>
      %mul3A_895 = arith.mulf %bitcast_convert_type3A_889, %mul3A_894 : vector<16xf32>
      %select_n3A_896 = arith.select %gt3A_892, %mul3A_895, %bitcast_convert_type3A_889 : vector<16xi1>, vector<16xf32>
      %add3A_897 = arith.constant 1 : i32
      %add3A_898 = vector.broadcast %add3A_897 : i32 to vector<16xi32>
      %add3A_899 = arith.addi %sub3A_882, %add3A_898 : vector<16xi32>
      %select_n3A_900 = arith.select %gt3A_892, %add3A_899, %sub3A_882 : vector<16xi1>, vector<16xi32>
      %sub3A_901 = arith.constant 1.000000e+00 : f32
      %sub3A_902 = vector.broadcast %sub3A_901 : f32 to vector<16xf32>
      %sub3A_903 = arith.subf %select_n3A_896, %sub3A_902 : vector<16xf32>
      %broadcast_in_dim3A_904 = arith.constant 0.0838350877 : f32
      %broadcast_in_dim3A_905 = vector.broadcast %broadcast_in_dim3A_904 : f32 to vector<16xf32>
      %mul3A_906 = arith.mulf %broadcast_in_dim3A_905, %sub3A_903 : vector<16xf32>
      %add3A_907 = arith.constant -0.142965987 : f32
      %add3A_908 = vector.broadcast %add3A_907 : f32 to vector<16xf32>
      %add3A_909 = arith.addf %mul3A_906, %add3A_908 : vector<16xf32>
      %mul3A_910 = arith.mulf %add3A_909, %sub3A_903 : vector<16xf32>
      %add3A_911 = arith.constant 0.150563762 : f32
      %add3A_912 = vector.broadcast %add3A_911 : f32 to vector<16xf32>
      %add3A_913 = arith.addf %mul3A_910, %add3A_912 : vector<16xf32>
      %mul3A_914 = arith.mulf %add3A_913, %sub3A_903 : vector<16xf32>
      %add3A_915 = arith.constant -0.165757507 : f32
      %add3A_916 = vector.broadcast %add3A_915 : f32 to vector<16xf32>
      %add3A_917 = arith.addf %mul3A_914, %add3A_916 : vector<16xf32>
      %mul3A_918 = arith.mulf %add3A_917, %sub3A_903 : vector<16xf32>
      %add3A_919 = arith.constant 0.199447781 : f32
      %add3A_920 = vector.broadcast %add3A_919 : f32 to vector<16xf32>
      %add3A_921 = arith.addf %mul3A_918, %add3A_920 : vector<16xf32>
      %mul3A_922 = arith.mulf %add3A_921, %sub3A_903 : vector<16xf32>
      %add3A_923 = arith.constant -0.250012517 : f32
      %add3A_924 = vector.broadcast %add3A_923 : f32 to vector<16xf32>
      %add3A_925 = arith.addf %mul3A_922, %add3A_924 : vector<16xf32>
      %mul3A_926 = arith.mulf %add3A_925, %sub3A_903 : vector<16xf32>
      %add3A_927 = arith.constant 0.333347321 : f32
      %add3A_928 = vector.broadcast %add3A_927 : f32 to vector<16xf32>
      %add3A_929 = arith.addf %mul3A_926, %add3A_928 : vector<16xf32>
      %mul3A_930 = arith.mulf %add3A_929, %sub3A_903 : vector<16xf32>
      %add3A_931 = arith.constant -5.000000e-01 : f32
      %add3A_932 = vector.broadcast %add3A_931 : f32 to vector<16xf32>
      %add3A_933 = arith.addf %mul3A_930, %add3A_932 : vector<16xf32>
      %mul3A_934 = arith.mulf %add3A_933, %sub3A_903 : vector<16xf32>
      %add3A_935 = arith.constant 0.99999988 : f32
      %add3A_936 = vector.broadcast %add3A_935 : f32 to vector<16xf32>
      %add3A_937 = arith.addf %mul3A_934, %add3A_936 : vector<16xf32>
      %mul3A_938 = arith.mulf %add3A_937, %sub3A_903 : vector<16xf32>
      %add3A_939 = arith.constant 2.6434574E-10 : f32
      %add3A_940 = vector.broadcast %add3A_939 : f32 to vector<16xf32>
      %add3A_941 = arith.addf %mul3A_938, %add3A_940 : vector<16xf32>
      %convert_element_type3A_942 = arith.sitofp %select_n3A_900 : vector<16xi32> to vector<16xf32>
      %mul3A_943 = arith.constant 0.693147182 : f32
      %mul3A_944 = vector.broadcast %mul3A_943 : f32 to vector<16xf32>
      %mul3A_945 = arith.mulf %convert_element_type3A_942, %mul3A_944 : vector<16xf32>
      %add3A_946 = arith.addf %mul3A_945, %add3A_941 : vector<16xf32>
      %div3A_947 = arith.constant 1.000000e+00 : f32
      %div3A_948 = vector.broadcast %div3A_947 : f32 to vector<16xf32>
      %div3A_949 = arith.divf %div3A_948, %select_n3A_801 : vector<16xf32>
      %mul3A_950 = arith.mulf %mul3A_85, %div3A_949 : vector<16xf32>
      %sub3A_951 = arith.subf %sub3A_339, %mul3A_950 : vector<16xf32>
      %sub3A_952 = arith.subf %sub3A_951, %add3A_872 : vector<16xf32>
      %mul3A_953 = arith.mulf %select_n3A_50, %add3A_946 : vector<16xf32>
      %add3A_954 = arith.addf %sub3A_952, %mul3A_953 : vector<16xf32>
      %jit3A_955 = arith.constant -1.000000e+01 : f32
      %jit3A_956 = arith.constant 1.000000e+01 : f32
      %max3A_957 = vector.broadcast %jit3A_955 : f32 to vector<16xf32>
      %max3A_958 = arith.maximumf %max3A_957, %add3A_954 : vector<16xf32>
      %min3A_959 = vector.broadcast %jit3A_956 : f32 to vector<16xf32>
      %min3A_960 = arith.minimumf %min3A_959, %max3A_958 : vector<16xf32>
      %mul3A_961 = arith.mulf %mul3A_86, %div3A_949 : vector<16xf32>
      %sub3A_962 = arith.subf %sub3A_598, %mul3A_961 : vector<16xf32>
      %sub3A_963 = arith.subf %sub3A_962, %add3A_872 : vector<16xf32>
      %mul3A_964 = arith.mulf %select_n3A_56, %add3A_946 : vector<16xf32>
      %add3A_965 = arith.addf %sub3A_963, %mul3A_964 : vector<16xf32>
      %jit3A_966 = arith.constant -1.000000e+01 : f32
      %jit3A_967 = arith.constant 1.000000e+01 : f32
      %max3A_968 = vector.broadcast %jit3A_966 : f32 to vector<16xf32>
      %max3A_969 = arith.maximumf %max3A_968, %add3A_965 : vector<16xf32>
      %min3A_970 = vector.broadcast %jit3A_967 : f32 to vector<16xf32>
      %min3A_971 = arith.minimumf %min3A_970, %max3A_969 : vector<16xf32>
      %exp3A_972 = math.exp %min3A_960 : vector<16xf32>
      %sub3A_973 = arith.constant 1.500000e+01 : f32
      %sub3A_974 = vector.broadcast %sub3A_973 : f32 to vector<16xf32>
      %sub3A_975 = arith.subf %sub3A_974, %exp3A_972 : vector<16xf32>
      %exp3A_976 = math.exp %min3A_971 : vector<16xf32>
      %sub3A_977 = arith.constant 1.500000e+01 : f32
      %sub3A_978 = vector.broadcast %sub3A_977 : f32 to vector<16xf32>
      %sub3A_979 = arith.subf %sub3A_978, %exp3A_976 : vector<16xf32>
      %div3A_980 = arith.divf %sub3A_975, %sub3A_979 : vector<16xf32>
      %jit3A_981 = arith.constant 1.000000e+00 : f32
      %broadcast_in_dim3A_982 = vector.broadcast %jit3A_981 : f32 to vector<16xf32>
      %select_n3A_983 = arith.select %and3A_798, %div3A_980, %broadcast_in_dim3A_982 : vector<16xi1>, vector<16xf32>
      %mul3A_984 = arith.mulf %mul3A_789, %select_n3A_983 : vector<16xf32>
      %add3A_985 = vector.broadcast %mul3A_602 : i32 to vector<16xi32>
      %add3A_986 = arith.addi %iota3A, %add3A_985 : vector<16xi32>
      %broadcast_in_dim3A_987 = arith.constant 2 : i32
      %broadcast_in_dim3A_988 = vector.broadcast %broadcast_in_dim3A_987 : i32 to vector<16xi32>
      %gather3A_989 = tpu.vector_load_idx %arg6[%add3A_986, %broadcast_in_dim3A_988] : memref<256x16xf32, #tpu.memory_space<vmem>>[vector<16xi32>, vector<16xi32>], vector<16xf32>,
      %ne3A_990 = arith.constant 0.000000e+00 : f32
      %ne3A_991 = vector.broadcast %ne3A_990 : f32 to vector<16xf32>
      %ne3A_992 = arith.cmpf one, %gather3A_989, %ne3A_991 : vector<16xf32>
      %and3A_993 = arith.andi %lt3A_83, %ne3A_992 : vector<16xi1>
      %jit3A_994 = arith.constant 5.000000e-01 : f32
      %broadcast_in_dim3A_995 = vector.broadcast %jit3A_994 : f32 to vector<16xf32>
      %select_n3A_996 = arith.select %and3A_993, %gather3A_989, %broadcast_in_dim3A_995 : vector<16xi1>, vector<16xf32>
      %bitcast_convert_type3A_997 = tpu.bitcast %select_n3A_996 : vector<16xf32> -> vector<16xi32>
      %shift_right_arithmetic3A_998 = arith.constant 23 : i32
      %shift_right_arithmetic3A_999 = vector.broadcast %shift_right_arithmetic3A_998 : i32 to vector<16xi32>
      %shift_right_arithmetic3A_1000 = arith.shrsi %bitcast_convert_type3A_997, %shift_right_arithmetic3A_999 : vector<16xi32>
      %sub3A_1001 = arith.constant 127 : i32
      %sub3A_1002 = vector.broadcast %sub3A_1001 : i32 to vector<16xi32>
      %sub3A_1003 = arith.subi %shift_right_arithmetic3A_1000, %sub3A_1002 : vector<16xi32>
      %and3A_1004 = arith.constant 8388607 : i32
      %and3A_1005 = vector.broadcast %and3A_1004 : i32 to vector<16xi32>
      %and3A_1006 = arith.andi %bitcast_convert_type3A_997, %and3A_1005 : vector<16xi32>
      %or3A_1007 = arith.constant 1065353216 : i32
      %or3A_1008 = vector.broadcast %or3A_1007 : i32 to vector<16xi32>
      %or3A_1009 = arith.ori %and3A_1006, %or3A_1008 : vector<16xi32>
      %bitcast_convert_type3A_1010 = tpu.bitcast %or3A_1009 : vector<16xi32> -> vector<16xf32>
      %gt3A_1011 = arith.constant 1.41421354 : f32
      %gt3A_1012 = vector.broadcast %gt3A_1011 : f32 to vector<16xf32>
      %gt3A_1013 = arith.cmpf ogt, %bitcast_convert_type3A_1010, %gt3A_1012 : vector<16xf32>
      %mul3A_1014 = arith.constant 5.000000e-01 : f32
      %mul3A_1015 = vector.broadcast %mul3A_1014 : f32 to vector<16xf32>
      %mul3A_1016 = arith.mulf %bitcast_convert_type3A_1010, %mul3A_1015 : vector<16xf32>
      %select_n3A_1017 = arith.select %gt3A_1013, %mul3A_1016, %bitcast_convert_type3A_1010 : vector<16xi1>, vector<16xf32>
      %add3A_1018 = arith.constant 1 : i32
      %add3A_1019 = vector.broadcast %add3A_1018 : i32 to vector<16xi32>
      %add3A_1020 = arith.addi %sub3A_1003, %add3A_1019 : vector<16xi32>
      %select_n3A_1021 = arith.select %gt3A_1013, %add3A_1020, %sub3A_1003 : vector<16xi1>, vector<16xi32>
      %sub3A_1022 = arith.constant 1.000000e+00 : f32
      %sub3A_1023 = vector.broadcast %sub3A_1022 : f32 to vector<16xf32>
      %sub3A_1024 = arith.subf %select_n3A_1017, %sub3A_1023 : vector<16xf32>
      %broadcast_in_dim3A_1025 = arith.constant 0.0838350877 : f32
      %broadcast_in_dim3A_1026 = vector.broadcast %broadcast_in_dim3A_1025 : f32 to vector<16xf32>
      %mul3A_1027 = arith.mulf %broadcast_in_dim3A_1026, %sub3A_1024 : vector<16xf32>
      %add3A_1028 = arith.constant -0.142965987 : f32
      %add3A_1029 = vector.broadcast %add3A_1028 : f32 to vector<16xf32>
      %add3A_1030 = arith.addf %mul3A_1027, %add3A_1029 : vector<16xf32>
      %mul3A_1031 = arith.mulf %add3A_1030, %sub3A_1024 : vector<16xf32>
      %add3A_1032 = arith.constant 0.150563762 : f32
      %add3A_1033 = vector.broadcast %add3A_1032 : f32 to vector<16xf32>
      %add3A_1034 = arith.addf %mul3A_1031, %add3A_1033 : vector<16xf32>
      %mul3A_1035 = arith.mulf %add3A_1034, %sub3A_1024 : vector<16xf32>
      %add3A_1036 = arith.constant -0.165757507 : f32
      %add3A_1037 = vector.broadcast %add3A_1036 : f32 to vector<16xf32>
      %add3A_1038 = arith.addf %mul3A_1035, %add3A_1037 : vector<16xf32>
      %mul3A_1039 = arith.mulf %add3A_1038, %sub3A_1024 : vector<16xf32>
      %add3A_1040 = arith.constant 0.199447781 : f32
      %add3A_1041 = vector.broadcast %add3A_1040 : f32 to vector<16xf32>
      %add3A_1042 = arith.addf %mul3A_1039, %add3A_1041 : vector<16xf32>
      %mul3A_1043 = arith.mulf %add3A_1042, %sub3A_1024 : vector<16xf32>
      %add3A_1044 = arith.constant -0.250012517 : f32
      %add3A_1045 = vector.broadcast %add3A_1044 : f32 to vector<16xf32>
      %add3A_1046 = arith.addf %mul3A_1043, %add3A_1045 : vector<16xf32>
      %mul3A_1047 = arith.mulf %add3A_1046, %sub3A_1024 : vector<16xf32>
      %add3A_1048 = arith.constant 0.333347321 : f32
      %add3A_1049 = vector.broadcast %add3A_1048 : f32 to vector<16xf32>
      %add3A_1050 = arith.addf %mul3A_1047, %add3A_1049 : vector<16xf32>
      %mul3A_1051 = arith.mulf %add3A_1050, %sub3A_1024 : vector<16xf32>
      %add3A_1052 = arith.constant -5.000000e-01 : f32
      %add3A_1053 = vector.broadcast %add3A_1052 : f32 to vector<16xf32>
      %add3A_1054 = arith.addf %mul3A_1051, %add3A_1053 : vector<16xf32>
      %mul3A_1055 = arith.mulf %add3A_1054, %sub3A_1024 : vector<16xf32>
      %add3A_1056 = arith.constant 0.99999988 : f32
      %add3A_1057 = vector.broadcast %add3A_1056 : f32 to vector<16xf32>
      %add3A_1058 = arith.addf %mul3A_1055, %add3A_1057 : vector<16xf32>
      %mul3A_1059 = arith.mulf %add3A_1058, %sub3A_1024 : vector<16xf32>
      %add3A_1060 = arith.constant 2.6434574E-10 : f32
      %add3A_1061 = vector.broadcast %add3A_1060 : f32 to vector<16xf32>
      %add3A_1062 = arith.addf %mul3A_1059, %add3A_1061 : vector<16xf32>
      %convert_element_type3A_1063 = arith.sitofp %select_n3A_1021 : vector<16xi32> to vector<16xf32>
      %mul3A_1064 = arith.constant 0.693147182 : f32
      %mul3A_1065 = vector.broadcast %mul3A_1064 : f32 to vector<16xf32>
      %mul3A_1066 = arith.mulf %convert_element_type3A_1063, %mul3A_1065 : vector<16xf32>
      %add3A_1067 = arith.addf %mul3A_1066, %add3A_1062 : vector<16xf32>
      %sub3A_1068 = arith.constant 1.000000e+00 : f32
      %sub3A_1069 = vector.broadcast %sub3A_1068 : f32 to vector<16xf32>
      %sub3A_1070 = arith.subf %sub3A_1069, %select_n3A_996 : vector<16xf32>
      %bitcast_convert_type3A_1071 = tpu.bitcast %sub3A_1070 : vector<16xf32> -> vector<16xi32>
      %shift_right_arithmetic3A_1072 = arith.constant 23 : i32
      %shift_right_arithmetic3A_1073 = vector.broadcast %shift_right_arithmetic3A_1072 : i32 to vector<16xi32>
      %shift_right_arithmetic3A_1074 = arith.shrsi %bitcast_convert_type3A_1071, %shift_right_arithmetic3A_1073 : vector<16xi32>
      %sub3A_1075 = arith.constant 127 : i32
      %sub3A_1076 = vector.broadcast %sub3A_1075 : i32 to vector<16xi32>
      %sub3A_1077 = arith.subi %shift_right_arithmetic3A_1074, %sub3A_1076 : vector<16xi32>
      %and3A_1078 = arith.constant 8388607 : i32
      %and3A_1079 = vector.broadcast %and3A_1078 : i32 to vector<16xi32>
      %and3A_1080 = arith.andi %bitcast_convert_type3A_1071, %and3A_1079 : vector<16xi32>
      %or3A_1081 = arith.constant 1065353216 : i32
      %or3A_1082 = vector.broadcast %or3A_1081 : i32 to vector<16xi32>
      %or3A_1083 = arith.ori %and3A_1080, %or3A_1082 : vector<16xi32>
      %bitcast_convert_type3A_1084 = tpu.bitcast %or3A_1083 : vector<16xi32> -> vector<16xf32>
      %gt3A_1085 = arith.constant 1.41421354 : f32
      %gt3A_1086 = vector.broadcast %gt3A_1085 : f32 to vector<16xf32>
      %gt3A_1087 = arith.cmpf ogt, %bitcast_convert_type3A_1084, %gt3A_1086 : vector<16xf32>
      %mul3A_1088 = arith.constant 5.000000e-01 : f32
      %mul3A_1089 = vector.broadcast %mul3A_1088 : f32 to vector<16xf32>
      %mul3A_1090 = arith.mulf %bitcast_convert_type3A_1084, %mul3A_1089 : vector<16xf32>
      %select_n3A_1091 = arith.select %gt3A_1087, %mul3A_1090, %bitcast_convert_type3A_1084 : vector<16xi1>, vector<16xf32>
      %add3A_1092 = arith.constant 1 : i32
      %add3A_1093 = vector.broadcast %add3A_1092 : i32 to vector<16xi32>
      %add3A_1094 = arith.addi %sub3A_1077, %add3A_1093 : vector<16xi32>
      %select_n3A_1095 = arith.select %gt3A_1087, %add3A_1094, %sub3A_1077 : vector<16xi1>, vector<16xi32>
      %sub3A_1096 = arith.constant 1.000000e+00 : f32
      %sub3A_1097 = vector.broadcast %sub3A_1096 : f32 to vector<16xf32>
      %sub3A_1098 = arith.subf %select_n3A_1091, %sub3A_1097 : vector<16xf32>
      %broadcast_in_dim3A_1099 = arith.constant 0.0838350877 : f32
      %broadcast_in_dim3A_1100 = vector.broadcast %broadcast_in_dim3A_1099 : f32 to vector<16xf32>
      %mul3A_1101 = arith.mulf %broadcast_in_dim3A_1100, %sub3A_1098 : vector<16xf32>
      %add3A_1102 = arith.constant -0.142965987 : f32
      %add3A_1103 = vector.broadcast %add3A_1102 : f32 to vector<16xf32>
      %add3A_1104 = arith.addf %mul3A_1101, %add3A_1103 : vector<16xf32>
      %mul3A_1105 = arith.mulf %add3A_1104, %sub3A_1098 : vector<16xf32>
      %add3A_1106 = arith.constant 0.150563762 : f32
      %add3A_1107 = vector.broadcast %add3A_1106 : f32 to vector<16xf32>
      %add3A_1108 = arith.addf %mul3A_1105, %add3A_1107 : vector<16xf32>
      %mul3A_1109 = arith.mulf %add3A_1108, %sub3A_1098 : vector<16xf32>
      %add3A_1110 = arith.constant -0.165757507 : f32
      %add3A_1111 = vector.broadcast %add3A_1110 : f32 to vector<16xf32>
      %add3A_1112 = arith.addf %mul3A_1109, %add3A_1111 : vector<16xf32>
      %mul3A_1113 = arith.mulf %add3A_1112, %sub3A_1098 : vector<16xf32>
      %add3A_1114 = arith.constant 0.199447781 : f32
      %add3A_1115 = vector.broadcast %add3A_1114 : f32 to vector<16xf32>
      %add3A_1116 = arith.addf %mul3A_1113, %add3A_1115 : vector<16xf32>
      %mul3A_1117 = arith.mulf %add3A_1116, %sub3A_1098 : vector<16xf32>
      %add3A_1118 = arith.constant -0.250012517 : f32
      %add3A_1119 = vector.broadcast %add3A_1118 : f32 to vector<16xf32>
      %add3A_1120 = arith.addf %mul3A_1117, %add3A_1119 : vector<16xf32>
      %mul3A_1121 = arith.mulf %add3A_1120, %sub3A_1098 : vector<16xf32>
      %add3A_1122 = arith.constant 0.333347321 : f32
      %add3A_1123 = vector.broadcast %add3A_1122 : f32 to vector<16xf32>
      %add3A_1124 = arith.addf %mul3A_1121, %add3A_1123 : vector<16xf32>
      %mul3A_1125 = arith.mulf %add3A_1124, %sub3A_1098 : vector<16xf32>
      %add3A_1126 = arith.constant -5.000000e-01 : f32
      %add3A_1127 = vector.broadcast %add3A_1126 : f32 to vector<16xf32>
      %add3A_1128 = arith.addf %mul3A_1125, %add3A_1127 : vector<16xf32>
      %mul3A_1129 = arith.mulf %add3A_1128, %sub3A_1098 : vector<16xf32>
      %add3A_1130 = arith.constant 0.99999988 : f32
      %add3A_1131 = vector.broadcast %add3A_1130 : f32 to vector<16xf32>
      %add3A_1132 = arith.addf %mul3A_1129, %add3A_1131 : vector<16xf32>
      %mul3A_1133 = arith.mulf %add3A_1132, %sub3A_1098 : vector<16xf32>
      %add3A_1134 = arith.constant 2.6434574E-10 : f32
      %add3A_1135 = vector.broadcast %add3A_1134 : f32 to vector<16xf32>
      %add3A_1136 = arith.addf %mul3A_1133, %add3A_1135 : vector<16xf32>
      %convert_element_type3A_1137 = arith.sitofp %select_n3A_1095 : vector<16xi32> to vector<16xf32>
      %mul3A_1138 = arith.constant 0.693147182 : f32
      %mul3A_1139 = vector.broadcast %mul3A_1138 : f32 to vector<16xf32>
      %mul3A_1140 = arith.mulf %convert_element_type3A_1137, %mul3A_1139 : vector<16xf32>
      %add3A_1141 = arith.addf %mul3A_1140, %add3A_1136 : vector<16xf32>
      %div3A_1142 = arith.constant 1.000000e+00 : f32
      %div3A_1143 = vector.broadcast %div3A_1142 : f32 to vector<16xf32>
      %div3A_1144 = arith.divf %div3A_1143, %select_n3A_996 : vector<16xf32>
      %mul3A_1145 = arith.mulf %mul3A_85, %div3A_1144 : vector<16xf32>
      %sub3A_1146 = arith.subf %sub3A_339, %mul3A_1145 : vector<16xf32>
      %sub3A_1147 = arith.subf %sub3A_1146, %add3A_1067 : vector<16xf32>
      %mul3A_1148 = arith.mulf %select_n3A_50, %add3A_1141 : vector<16xf32>
      %add3A_1149 = arith.addf %sub3A_1147, %mul3A_1148 : vector<16xf32>
      %jit3A_1150 = arith.constant -1.000000e+01 : f32
      %jit3A_1151 = arith.constant 1.000000e+01 : f32
      %max3A_1152 = vector.broadcast %jit3A_1150 : f32 to vector<16xf32>
      %max3A_1153 = arith.maximumf %max3A_1152, %add3A_1149 : vector<16xf32>
      %min3A_1154 = vector.broadcast %jit3A_1151 : f32 to vector<16xf32>
      %min3A_1155 = arith.minimumf %min3A_1154, %max3A_1153 : vector<16xf32>
      %mul3A_1156 = arith.mulf %mul3A_86, %div3A_1144 : vector<16xf32>
      %sub3A_1157 = arith.subf %sub3A_598, %mul3A_1156 : vector<16xf32>
      %sub3A_1158 = arith.subf %sub3A_1157, %add3A_1067 : vector<16xf32>
      %mul3A_1159 = arith.mulf %select_n3A_56, %add3A_1141 : vector<16xf32>
      %add3A_1160 = arith.addf %sub3A_1158, %mul3A_1159 : vector<16xf32>
      %jit3A_1161 = arith.constant -1.000000e+01 : f32
      %jit3A_1162 = arith.constant 1.000000e+01 : f32
      %max3A_1163 = vector.broadcast %jit3A_1161 : f32 to vector<16xf32>
      %max3A_1164 = arith.maximumf %max3A_1163, %add3A_1160 : vector<16xf32>
      %min3A_1165 = vector.broadcast %jit3A_1162 : f32 to vector<16xf32>
      %min3A_1166 = arith.minimumf %min3A_1165, %max3A_1164 : vector<16xf32>
      %exp3A_1167 = math.exp %min3A_1155 : vector<16xf32>
      %sub3A_1168 = arith.constant 1.500000e+01 : f32
      %sub3A_1169 = vector.broadcast %sub3A_1168 : f32 to vector<16xf32>
      %sub3A_1170 = arith.subf %sub3A_1169, %exp3A_1167 : vector<16xf32>
      %exp3A_1171 = math.exp %min3A_1166 : vector<16xf32>
      %sub3A_1172 = arith.constant 1.500000e+01 : f32
      %sub3A_1173 = vector.broadcast %sub3A_1172 : f32 to vector<16xf32>
      %sub3A_1174 = arith.subf %sub3A_1173, %exp3A_1171 : vector<16xf32>
      %div3A_1175 = arith.divf %sub3A_1170, %sub3A_1174 : vector<16xf32>
      %jit3A_1176 = arith.constant 1.000000e+00 : f32
      %broadcast_in_dim3A_1177 = vector.broadcast %jit3A_1176 : f32 to vector<16xf32>
      %select_n3A_1178 = arith.select %and3A_993, %div3A_1175, %broadcast_in_dim3A_1177 : vector<16xi1>, vector<16xf32>
      %mul3A_1179 = arith.mulf %mul3A_984, %select_n3A_1178 : vector<16xf32>
      %add3A_1180 = vector.broadcast %mul3A_602 : i32 to vector<16xi32>
      %add3A_1181 = arith.addi %iota3A, %add3A_1180 : vector<16xi32>
      %broadcast_in_dim3A_1182 = arith.constant 3 : i32
      %broadcast_in_dim3A_1183 = vector.broadcast %broadcast_in_dim3A_1182 : i32 to vector<16xi32>
      %gather3A_1184 = tpu.vector_load_idx %arg6[%add3A_1181, %broadcast_in_dim3A_1183] : memref<256x16xf32, #tpu.memory_space<vmem>>[vector<16xi32>, vector<16xi32>], vector<16xf32>,
      %ne3A_1185 = arith.constant 0.000000e+00 : f32
      %ne3A_1186 = vector.broadcast %ne3A_1185 : f32 to vector<16xf32>
      %ne3A_1187 = arith.cmpf one, %gather3A_1184, %ne3A_1186 : vector<16xf32>
      %and3A_1188 = arith.andi %lt3A_83, %ne3A_1187 : vector<16xi1>
      %jit3A_1189 = arith.constant 5.000000e-01 : f32
      %broadcast_in_dim3A_1190 = vector.broadcast %jit3A_1189 : f32 to vector<16xf32>
      %select_n3A_1191 = arith.select %and3A_1188, %gather3A_1184, %broadcast_in_dim3A_1190 : vector<16xi1>, vector<16xf32>
      %bitcast_convert_type3A_1192 = tpu.bitcast %select_n3A_1191 : vector<16xf32> -> vector<16xi32>
      %shift_right_arithmetic3A_1193 = arith.constant 23 : i32
      %shift_right_arithmetic3A_1194 = vector.broadcast %shift_right_arithmetic3A_1193 : i32 to vector<16xi32>
      %shift_right_arithmetic3A_1195 = arith.shrsi %bitcast_convert_type3A_1192, %shift_right_arithmetic3A_1194 : vector<16xi32>
      %sub3A_1196 = arith.constant 127 : i32
      %sub3A_1197 = vector.broadcast %sub3A_1196 : i32 to vector<16xi32>
      %sub3A_1198 = arith.subi %shift_right_arithmetic3A_1195, %sub3A_1197 : vector<16xi32>
      %and3A_1199 = arith.constant 8388607 : i32
      %and3A_1200 = vector.broadcast %and3A_1199 : i32 to vector<16xi32>
      %and3A_1201 = arith.andi %bitcast_convert_type3A_1192, %and3A_1200 : vector<16xi32>
      %or3A_1202 = arith.constant 1065353216 : i32
      %or3A_1203 = vector.broadcast %or3A_1202 : i32 to vector<16xi32>
      %or3A_1204 = arith.ori %and3A_1201, %or3A_1203 : vector<16xi32>
      %bitcast_convert_type3A_1205 = tpu.bitcast %or3A_1204 : vector<16xi32> -> vector<16xf32>
      %gt3A_1206 = arith.constant 1.41421354 : f32
      %gt3A_1207 = vector.broadcast %gt3A_1206 : f32 to vector<16xf32>
      %gt3A_1208 = arith.cmpf ogt, %bitcast_convert_type3A_1205, %gt3A_1207 : vector<16xf32>
      %mul3A_1209 = arith.constant 5.000000e-01 : f32
      %mul3A_1210 = vector.broadcast %mul3A_1209 : f32 to vector<16xf32>
      %mul3A_1211 = arith.mulf %bitcast_convert_type3A_1205, %mul3A_1210 : vector<16xf32>
      %select_n3A_1212 = arith.select %gt3A_1208, %mul3A_1211, %bitcast_convert_type3A_1205 : vector<16xi1>, vector<16xf32>
      %add3A_1213 = arith.constant 1 : i32
      %add3A_1214 = vector.broadcast %add3A_1213 : i32 to vector<16xi32>
      %add3A_1215 = arith.addi %sub3A_1198, %add3A_1214 : vector<16xi32>
      %select_n3A_1216 = arith.select %gt3A_1208, %add3A_1215, %sub3A_1198 : vector<16xi1>, vector<16xi32>
      %sub3A_1217 = arith.constant 1.000000e+00 : f32
      %sub3A_1218 = vector.broadcast %sub3A_1217 : f32 to vector<16xf32>
      %sub3A_1219 = arith.subf %select_n3A_1212, %sub3A_1218 : vector<16xf32>
      %broadcast_in_dim3A_1220 = arith.constant 0.0838350877 : f32
      %broadcast_in_dim3A_1221 = vector.broadcast %broadcast_in_dim3A_1220 : f32 to vector<16xf32>
      %mul3A_1222 = arith.mulf %broadcast_in_dim3A_1221, %sub3A_1219 : vector<16xf32>
      %add3A_1223 = arith.constant -0.142965987 : f32
      %add3A_1224 = vector.broadcast %add3A_1223 : f32 to vector<16xf32>
      %add3A_1225 = arith.addf %mul3A_1222, %add3A_1224 : vector<16xf32>
      %mul3A_1226 = arith.mulf %add3A_1225, %sub3A_1219 : vector<16xf32>
      %add3A_1227 = arith.constant 0.150563762 : f32
      %add3A_1228 = vector.broadcast %add3A_1227 : f32 to vector<16xf32>
      %add3A_1229 = arith.addf %mul3A_1226, %add3A_1228 : vector<16xf32>
      %mul3A_1230 = arith.mulf %add3A_1229, %sub3A_1219 : vector<16xf32>
      %add3A_1231 = arith.constant -0.165757507 : f32
      %add3A_1232 = vector.broadcast %add3A_1231 : f32 to vector<16xf32>
      %add3A_1233 = arith.addf %mul3A_1230, %add3A_1232 : vector<16xf32>
      %mul3A_1234 = arith.mulf %add3A_1233, %sub3A_1219 : vector<16xf32>
      %add3A_1235 = arith.constant 0.199447781 : f32
      %add3A_1236 = vector.broadcast %add3A_1235 : f32 to vector<16xf32>
      %add3A_1237 = arith.addf %mul3A_1234, %add3A_1236 : vector<16xf32>
      %mul3A_1238 = arith.mulf %add3A_1237, %sub3A_1219 : vector<16xf32>
      %add3A_1239 = arith.constant -0.250012517 : f32
      %add3A_1240 = vector.broadcast %add3A_1239 : f32 to vector<16xf32>
      %add3A_1241 = arith.addf %mul3A_1238, %add3A_1240 : vector<16xf32>
      %mul3A_1242 = arith.mulf %add3A_1241, %sub3A_1219 : vector<16xf32>
      %add3A_1243 = arith.constant 0.333347321 : f32
      %add3A_1244 = vector.broadcast %add3A_1243 : f32 to vector<16xf32>
      %add3A_1245 = arith.addf %mul3A_1242, %add3A_1244 : vector<16xf32>
      %mul3A_1246 = arith.mulf %add3A_1245, %sub3A_1219 : vector<16xf32>
      %add3A_1247 = arith.constant -5.000000e-01 : f32
      %add3A_1248 = vector.broadcast %add3A_1247 : f32 to vector<16xf32>
      %add3A_1249 = arith.addf %mul3A_1246, %add3A_1248 : vector<16xf32>
      %mul3A_1250 = arith.mulf %add3A_1249, %sub3A_1219 : vector<16xf32>
      %add3A_1251 = arith.constant 0.99999988 : f32
      %add3A_1252 = vector.broadcast %add3A_1251 : f32 to vector<16xf32>
      %add3A_1253 = arith.addf %mul3A_1250, %add3A_1252 : vector<16xf32>
      %mul3A_1254 = arith.mulf %add3A_1253, %sub3A_1219 : vector<16xf32>
      %add3A_1255 = arith.constant 2.6434574E-10 : f32
      %add3A_1256 = vector.broadcast %add3A_1255 : f32 to vector<16xf32>
      %add3A_1257 = arith.addf %mul3A_1254, %add3A_1256 : vector<16xf32>
      %convert_element_type3A_1258 = arith.sitofp %select_n3A_1216 : vector<16xi32> to vector<16xf32>
      %mul3A_1259 = arith.constant 0.693147182 : f32
      %mul3A_1260 = vector.broadcast %mul3A_1259 : f32 to vector<16xf32>
      %mul3A_1261 = arith.mulf %convert_element_type3A_1258, %mul3A_1260 : vector<16xf32>
      %add3A_1262 = arith.addf %mul3A_1261, %add3A_1257 : vector<16xf32>
      %sub3A_1263 = arith.constant 1.000000e+00 : f32
      %sub3A_1264 = vector.broadcast %sub3A_1263 : f32 to vector<16xf32>
      %sub3A_1265 = arith.subf %sub3A_1264, %select_n3A_1191 : vector<16xf32>
      %bitcast_convert_type3A_1266 = tpu.bitcast %sub3A_1265 : vector<16xf32> -> vector<16xi32>
      %shift_right_arithmetic3A_1267 = arith.constant 23 : i32
      %shift_right_arithmetic3A_1268 = vector.broadcast %shift_right_arithmetic3A_1267 : i32 to vector<16xi32>
      %shift_right_arithmetic3A_1269 = arith.shrsi %bitcast_convert_type3A_1266, %shift_right_arithmetic3A_1268 : vector<16xi32>
      %sub3A_1270 = arith.constant 127 : i32
      %sub3A_1271 = vector.broadcast %sub3A_1270 : i32 to vector<16xi32>
      %sub3A_1272 = arith.subi %shift_right_arithmetic3A_1269, %sub3A_1271 : vector<16xi32>
      %and3A_1273 = arith.constant 8388607 : i32
      %and3A_1274 = vector.broadcast %and3A_1273 : i32 to vector<16xi32>
      %and3A_1275 = arith.andi %bitcast_convert_type3A_1266, %and3A_1274 : vector<16xi32>
      %or3A_1276 = arith.constant 1065353216 : i32
      %or3A_1277 = vector.broadcast %or3A_1276 : i32 to vector<16xi32>
      %or3A_1278 = arith.ori %and3A_1275, %or3A_1277 : vector<16xi32>
      %bitcast_convert_type3A_1279 = tpu.bitcast %or3A_1278 : vector<16xi32> -> vector<16xf32>
      %gt3A_1280 = arith.constant 1.41421354 : f32
      %gt3A_1281 = vector.broadcast %gt3A_1280 : f32 to vector<16xf32>
      %gt3A_1282 = arith.cmpf ogt, %bitcast_convert_type3A_1279, %gt3A_1281 : vector<16xf32>
      %mul3A_1283 = arith.constant 5.000000e-01 : f32
      %mul3A_1284 = vector.broadcast %mul3A_1283 : f32 to vector<16xf32>
      %mul3A_1285 = arith.mulf %bitcast_convert_type3A_1279, %mul3A_1284 : vector<16xf32>
      %select_n3A_1286 = arith.select %gt3A_1282, %mul3A_1285, %bitcast_convert_type3A_1279 : vector<16xi1>, vector<16xf32>
      %add3A_1287 = arith.constant 1 : i32
      %add3A_1288 = vector.broadcast %add3A_1287 : i32 to vector<16xi32>
      %add3A_1289 = arith.addi %sub3A_1272, %add3A_1288 : vector<16xi32>
      %select_n3A_1290 = arith.select %gt3A_1282, %add3A_1289, %sub3A_1272 : vector<16xi1>, vector<16xi32>
      %sub3A_1291 = arith.constant 1.000000e+00 : f32
      %sub3A_1292 = vector.broadcast %sub3A_1291 : f32 to vector<16xf32>
      %sub3A_1293 = arith.subf %select_n3A_1286, %sub3A_1292 : vector<16xf32>
      %broadcast_in_dim3A_1294 = arith.constant 0.0838350877 : f32
      %broadcast_in_dim3A_1295 = vector.broadcast %broadcast_in_dim3A_1294 : f32 to vector<16xf32>
      %mul3A_1296 = arith.mulf %broadcast_in_dim3A_1295, %sub3A_1293 : vector<16xf32>
      %add3A_1297 = arith.constant -0.142965987 : f32
      %add3A_1298 = vector.broadcast %add3A_1297 : f32 to vector<16xf32>
      %add3A_1299 = arith.addf %mul3A_1296, %add3A_1298 : vector<16xf32>
      %mul3A_1300 = arith.mulf %add3A_1299, %sub3A_1293 : vector<16xf32>
      %add3A_1301 = arith.constant 0.150563762 : f32
      %add3A_1302 = vector.broadcast %add3A_1301 : f32 to vector<16xf32>
      %add3A_1303 = arith.addf %mul3A_1300, %add3A_1302 : vector<16xf32>
      %mul3A_1304 = arith.mulf %add3A_1303, %sub3A_1293 : vector<16xf32>
      %add3A_1305 = arith.constant -0.165757507 : f32
      %add3A_1306 = vector.broadcast %add3A_1305 : f32 to vector<16xf32>
      %add3A_1307 = arith.addf %mul3A_1304, %add3A_1306 : vector<16xf32>
      %mul3A_1308 = arith.mulf %add3A_1307, %sub3A_1293 : vector<16xf32>
      %add3A_1309 = arith.constant 0.199447781 : f32
      %add3A_1310 = vector.broadcast %add3A_1309 : f32 to vector<16xf32>
      %add3A_1311 = arith.addf %mul3A_1308, %add3A_1310 : vector<16xf32>
      %mul3A_1312 = arith.mulf %add3A_1311, %sub3A_1293 : vector<16xf32>
      %add3A_1313 = arith.constant -0.250012517 : f32
      %add3A_1314 = vector.broadcast %add3A_1313 : f32 to vector<16xf32>
      %add3A_1315 = arith.addf %mul3A_1312, %add3A_1314 : vector<16xf32>
      %mul3A_1316 = arith.mulf %add3A_1315, %sub3A_1293 : vector<16xf32>
      %add3A_1317 = arith.constant 0.333347321 : f32
      %add3A_1318 = vector.broadcast %add3A_1317 : f32 to vector<16xf32>
      %add3A_1319 = arith.addf %mul3A_1316, %add3A_1318 : vector<16xf32>
      %mul3A_1320 = arith.mulf %add3A_1319, %sub3A_1293 : vector<16xf32>
      %add3A_1321 = arith.constant -5.000000e-01 : f32
      %add3A_1322 = vector.broadcast %add3A_1321 : f32 to vector<16xf32>
      %add3A_1323 = arith.addf %mul3A_1320, %add3A_1322 : vector<16xf32>
      %mul3A_1324 = arith.mulf %add3A_1323, %sub3A_1293 : vector<16xf32>
      %add3A_1325 = arith.constant 0.99999988 : f32
      %add3A_1326 = vector.broadcast %add3A_1325 : f32 to vector<16xf32>
      %add3A_1327 = arith.addf %mul3A_1324, %add3A_1326 : vector<16xf32>
      %mul3A_1328 = arith.mulf %add3A_1327, %sub3A_1293 : vector<16xf32>
      %add3A_1329 = arith.constant 2.6434574E-10 : f32
      %add3A_1330 = vector.broadcast %add3A_1329 : f32 to vector<16xf32>
      %add3A_1331 = arith.addf %mul3A_1328, %add3A_1330 : vector<16xf32>
      %convert_element_type3A_1332 = arith.sitofp %select_n3A_1290 : vector<16xi32> to vector<16xf32>
      %mul3A_1333 = arith.constant 0.693147182 : f32
      %mul3A_1334 = vector.broadcast %mul3A_1333 : f32 to vector<16xf32>
      %mul3A_1335 = arith.mulf %convert_element_type3A_1332, %mul3A_1334 : vector<16xf32>
      %add3A_1336 = arith.addf %mul3A_1335, %add3A_1331 : vector<16xf32>
      %div3A_1337 = arith.constant 1.000000e+00 : f32
      %div3A_1338 = vector.broadcast %div3A_1337 : f32 to vector<16xf32>
      %div3A_1339 = arith.divf %div3A_1338, %select_n3A_1191 : vector<16xf32>
      %mul3A_1340 = arith.mulf %mul3A_85, %div3A_1339 : vector<16xf32>
      %sub3A_1341 = arith.subf %sub3A_339, %mul3A_1340 : vector<16xf32>
      %sub3A_1342 = arith.subf %sub3A_1341, %add3A_1262 : vector<16xf32>
      %mul3A_1343 = arith.mulf %select_n3A_50, %add3A_1336 : vector<16xf32>
      %add3A_1344 = arith.addf %sub3A_1342, %mul3A_1343 : vector<16xf32>
      %jit3A_1345 = arith.constant -1.000000e+01 : f32
      %jit3A_1346 = arith.constant 1.000000e+01 : f32
      %max3A_1347 = vector.broadcast %jit3A_1345 : f32 to vector<16xf32>
      %max3A_1348 = arith.maximumf %max3A_1347, %add3A_1344 : vector<16xf32>
      %min3A_1349 = vector.broadcast %jit3A_1346 : f32 to vector<16xf32>
      %min3A_1350 = arith.minimumf %min3A_1349, %max3A_1348 : vector<16xf32>
      %mul3A_1351 = arith.mulf %mul3A_86, %div3A_1339 : vector<16xf32>
      %sub3A_1352 = arith.subf %sub3A_598, %mul3A_1351 : vector<16xf32>
      %sub3A_1353 = arith.subf %sub3A_1352, %add3A_1262 : vector<16xf32>
      %mul3A_1354 = arith.mulf %select_n3A_56, %add3A_1336 : vector<16xf32>
      %add3A_1355 = arith.addf %sub3A_1353, %mul3A_1354 : vector<16xf32>
      %jit3A_1356 = arith.constant -1.000000e+01 : f32
      %jit3A_1357 = arith.constant 1.000000e+01 : f32
      %max3A_1358 = vector.broadcast %jit3A_1356 : f32 to vector<16xf32>
      %max3A_1359 = arith.maximumf %max3A_1358, %add3A_1355 : vector<16xf32>
      %min3A_1360 = vector.broadcast %jit3A_1357 : f32 to vector<16xf32>
      %min3A_1361 = arith.minimumf %min3A_1360, %max3A_1359 : vector<16xf32>
      %exp3A_1362 = math.exp %min3A_1350 : vector<16xf32>
      %sub3A_1363 = arith.constant 1.500000e+01 : f32
      %sub3A_1364 = vector.broadcast %sub3A_1363 : f32 to vector<16xf32>
      %sub3A_1365 = arith.subf %sub3A_1364, %exp3A_1362 : vector<16xf32>
      %exp3A_1366 = math.exp %min3A_1361 : vector<16xf32>
      %sub3A_1367 = arith.constant 1.500000e+01 : f32
      %sub3A_1368 = vector.broadcast %sub3A_1367 : f32 to vector<16xf32>
      %sub3A_1369 = arith.subf %sub3A_1368, %exp3A_1366 : vector<16xf32>
      %div3A_1370 = arith.divf %sub3A_1365, %sub3A_1369 : vector<16xf32>
      %jit3A_1371 = arith.constant 1.000000e+00 : f32
      %broadcast_in_dim3A_1372 = vector.broadcast %jit3A_1371 : f32 to vector<16xf32>
      %select_n3A_1373 = arith.select %and3A_1188, %div3A_1370, %broadcast_in_dim3A_1372 : vector<16xi1>, vector<16xf32>
      %mul3A_1374 = arith.mulf %mul3A_1179, %select_n3A_1373 : vector<16xf32>
      %add3A_1375 = vector.broadcast %mul3A_602 : i32 to vector<16xi32>
      %add3A_1376 = arith.addi %iota3A, %add3A_1375 : vector<16xi32>
      %broadcast_in_dim3A_1377 = arith.constant 4 : i32
      %broadcast_in_dim3A_1378 = vector.broadcast %broadcast_in_dim3A_1377 : i32 to vector<16xi32>
      %gather3A_1379 = tpu.vector_load_idx %arg6[%add3A_1376, %broadcast_in_dim3A_1378] : memref<256x16xf32, #tpu.memory_space<vmem>>[vector<16xi32>, vector<16xi32>], vector<16xf32>,
      %ne3A_1380 = arith.constant 0.000000e+00 : f32
      %ne3A_1381 = vector.broadcast %ne3A_1380 : f32 to vector<16xf32>
      %ne3A_1382 = arith.cmpf one, %gather3A_1379, %ne3A_1381 : vector<16xf32>
      %and3A_1383 = arith.andi %lt3A_83, %ne3A_1382 : vector<16xi1>
      %jit3A_1384 = arith.constant 5.000000e-01 : f32
      %broadcast_in_dim3A_1385 = vector.broadcast %jit3A_1384 : f32 to vector<16xf32>
      %select_n3A_1386 = arith.select %and3A_1383, %gather3A_1379, %broadcast_in_dim3A_1385 : vector<16xi1>, vector<16xf32>
      %bitcast_convert_type3A_1387 = tpu.bitcast %select_n3A_1386 : vector<16xf32> -> vector<16xi32>
      %shift_right_arithmetic3A_1388 = arith.constant 23 : i32
      %shift_right_arithmetic3A_1389 = vector.broadcast %shift_right_arithmetic3A_1388 : i32 to vector<16xi32>
      %shift_right_arithmetic3A_1390 = arith.shrsi %bitcast_convert_type3A_1387, %shift_right_arithmetic3A_1389 : vector<16xi32>
      %sub3A_1391 = arith.constant 127 : i32
      %sub3A_1392 = vector.broadcast %sub3A_1391 : i32 to vector<16xi32>
      %sub3A_1393 = arith.subi %shift_right_arithmetic3A_1390, %sub3A_1392 : vector<16xi32>
      %and3A_1394 = arith.constant 8388607 : i32
      %and3A_1395 = vector.broadcast %and3A_1394 : i32 to vector<16xi32>
      %and3A_1396 = arith.andi %bitcast_convert_type3A_1387, %and3A_1395 : vector<16xi32>
      %or3A_1397 = arith.constant 1065353216 : i32
      %or3A_1398 = vector.broadcast %or3A_1397 : i32 to vector<16xi32>
      %or3A_1399 = arith.ori %and3A_1396, %or3A_1398 : vector<16xi32>
      %bitcast_convert_type3A_1400 = tpu.bitcast %or3A_1399 : vector<16xi32> -> vector<16xf32>
      %gt3A_1401 = arith.constant 1.41421354 : f32
      %gt3A_1402 = vector.broadcast %gt3A_1401 : f32 to vector<16xf32>
      %gt3A_1403 = arith.cmpf ogt, %bitcast_convert_type3A_1400, %gt3A_1402 : vector<16xf32>
      %mul3A_1404 = arith.constant 5.000000e-01 : f32
      %mul3A_1405 = vector.broadcast %mul3A_1404 : f32 to vector<16xf32>
      %mul3A_1406 = arith.mulf %bitcast_convert_type3A_1400, %mul3A_1405 : vector<16xf32>
      %select_n3A_1407 = arith.select %gt3A_1403, %mul3A_1406, %bitcast_convert_type3A_1400 : vector<16xi1>, vector<16xf32>
      %add3A_1408 = arith.constant 1 : i32
      %add3A_1409 = vector.broadcast %add3A_1408 : i32 to vector<16xi32>
      %add3A_1410 = arith.addi %sub3A_1393, %add3A_1409 : vector<16xi32>
      %select_n3A_1411 = arith.select %gt3A_1403, %add3A_1410, %sub3A_1393 : vector<16xi1>, vector<16xi32>
      %sub3A_1412 = arith.constant 1.000000e+00 : f32
      %sub3A_1413 = vector.broadcast %sub3A_1412 : f32 to vector<16xf32>
      %sub3A_1414 = arith.subf %select_n3A_1407, %sub3A_1413 : vector<16xf32>
      %broadcast_in_dim3A_1415 = arith.constant 0.0838350877 : f32
      %broadcast_in_dim3A_1416 = vector.broadcast %broadcast_in_dim3A_1415 : f32 to vector<16xf32>
      %mul3A_1417 = arith.mulf %broadcast_in_dim3A_1416, %sub3A_1414 : vector<16xf32>
      %add3A_1418 = arith.constant -0.142965987 : f32
      %add3A_1419 = vector.broadcast %add3A_1418 : f32 to vector<16xf32>
      %add3A_1420 = arith.addf %mul3A_1417, %add3A_1419 : vector<16xf32>
      %mul3A_1421 = arith.mulf %add3A_1420, %sub3A_1414 : vector<16xf32>
      %add3A_1422 = arith.constant 0.150563762 : f32
      %add3A_1423 = vector.broadcast %add3A_1422 : f32 to vector<16xf32>
      %add3A_1424 = arith.addf %mul3A_1421, %add3A_1423 : vector<16xf32>
      %mul3A_1425 = arith.mulf %add3A_1424, %sub3A_1414 : vector<16xf32>
      %add3A_1426 = arith.constant -0.165757507 : f32
      %add3A_1427 = vector.broadcast %add3A_1426 : f32 to vector<16xf32>
      %add3A_1428 = arith.addf %mul3A_1425, %add3A_1427 : vector<16xf32>
      %mul3A_1429 = arith.mulf %add3A_1428, %sub3A_1414 : vector<16xf32>
      %add3A_1430 = arith.constant 0.199447781 : f32
      %add3A_1431 = vector.broadcast %add3A_1430 : f32 to vector<16xf32>
      %add3A_1432 = arith.addf %mul3A_1429, %add3A_1431 : vector<16xf32>
      %mul3A_1433 = arith.mulf %add3A_1432, %sub3A_1414 : vector<16xf32>
      %add3A_1434 = arith.constant -0.250012517 : f32
      %add3A_1435 = vector.broadcast %add3A_1434 : f32 to vector<16xf32>
      %add3A_1436 = arith.addf %mul3A_1433, %add3A_1435 : vector<16xf32>
      %mul3A_1437 = arith.mulf %add3A_1436, %sub3A_1414 : vector<16xf32>
      %add3A_1438 = arith.constant 0.333347321 : f32
      %add3A_1439 = vector.broadcast %add3A_1438 : f32 to vector<16xf32>
      %add3A_1440 = arith.addf %mul3A_1437, %add3A_1439 : vector<16xf32>
      %mul3A_1441 = arith.mulf %add3A_1440, %sub3A_1414 : vector<16xf32>
      %add3A_1442 = arith.constant -5.000000e-01 : f32
      %add3A_1443 = vector.broadcast %add3A_1442 : f32 to vector<16xf32>
      %add3A_1444 = arith.addf %mul3A_1441, %add3A_1443 : vector<16xf32>
      %mul3A_1445 = arith.mulf %add3A_1444, %sub3A_1414 : vector<16xf32>
      %add3A_1446 = arith.constant 0.99999988 : f32
      %add3A_1447 = vector.broadcast %add3A_1446 : f32 to vector<16xf32>
      %add3A_1448 = arith.addf %mul3A_1445, %add3A_1447 : vector<16xf32>
      %mul3A_1449 = arith.mulf %add3A_1448, %sub3A_1414 : vector<16xf32>
      %add3A_1450 = arith.constant 2.6434574E-10 : f32
      %add3A_1451 = vector.broadcast %add3A_1450 : f32 to vector<16xf32>
      %add3A_1452 = arith.addf %mul3A_1449, %add3A_1451 : vector<16xf32>
      %convert_element_type3A_1453 = arith.sitofp %select_n3A_1411 : vector<16xi32> to vector<16xf32>
      %mul3A_1454 = arith.constant 0.693147182 : f32
      %mul3A_1455 = vector.broadcast %mul3A_1454 : f32 to vector<16xf32>
      %mul3A_1456 = arith.mulf %convert_element_type3A_1453, %mul3A_1455 : vector<16xf32>
      %add3A_1457 = arith.addf %mul3A_1456, %add3A_1452 : vector<16xf32>
      %sub3A_1458 = arith.constant 1.000000e+00 : f32
      %sub3A_1459 = vector.broadcast %sub3A_1458 : f32 to vector<16xf32>
      %sub3A_1460 = arith.subf %sub3A_1459, %select_n3A_1386 : vector<16xf32>
      %bitcast_convert_type3A_1461 = tpu.bitcast %sub3A_1460 : vector<16xf32> -> vector<16xi32>
      %shift_right_arithmetic3A_1462 = arith.constant 23 : i32
      %shift_right_arithmetic3A_1463 = vector.broadcast %shift_right_arithmetic3A_1462 : i32 to vector<16xi32>
      %shift_right_arithmetic3A_1464 = arith.shrsi %bitcast_convert_type3A_1461, %shift_right_arithmetic3A_1463 : vector<16xi32>
      %sub3A_1465 = arith.constant 127 : i32
      %sub3A_1466 = vector.broadcast %sub3A_1465 : i32 to vector<16xi32>
      %sub3A_1467 = arith.subi %shift_right_arithmetic3A_1464, %sub3A_1466 : vector<16xi32>
      %and3A_1468 = arith.constant 8388607 : i32
      %and3A_1469 = vector.broadcast %and3A_1468 : i32 to vector<16xi32>
      %and3A_1470 = arith.andi %bitcast_convert_type3A_1461, %and3A_1469 : vector<16xi32>
      %or3A_1471 = arith.constant 1065353216 : i32
      %or3A_1472 = vector.broadcast %or3A_1471 : i32 to vector<16xi32>
      %or3A_1473 = arith.ori %and3A_1470, %or3A_1472 : vector<16xi32>
      %bitcast_convert_type3A_1474 = tpu.bitcast %or3A_1473 : vector<16xi32> -> vector<16xf32>
      %gt3A_1475 = arith.constant 1.41421354 : f32
      %gt3A_1476 = vector.broadcast %gt3A_1475 : f32 to vector<16xf32>
      %gt3A_1477 = arith.cmpf ogt, %bitcast_convert_type3A_1474, %gt3A_1476 : vector<16xf32>
      %mul3A_1478 = arith.constant 5.000000e-01 : f32
      %mul3A_1479 = vector.broadcast %mul3A_1478 : f32 to vector<16xf32>
      %mul3A_1480 = arith.mulf %bitcast_convert_type3A_1474, %mul3A_1479 : vector<16xf32>
      %select_n3A_1481 = arith.select %gt3A_1477, %mul3A_1480, %bitcast_convert_type3A_1474 : vector<16xi1>, vector<16xf32>
      %add3A_1482 = arith.constant 1 : i32
      %add3A_1483 = vector.broadcast %add3A_1482 : i32 to vector<16xi32>
      %add3A_1484 = arith.addi %sub3A_1467, %add3A_1483 : vector<16xi32>
      %select_n3A_1485 = arith.select %gt3A_1477, %add3A_1484, %sub3A_1467 : vector<16xi1>, vector<16xi32>
      %sub3A_1486 = arith.constant 1.000000e+00 : f32
      %sub3A_1487 = vector.broadcast %sub3A_1486 : f32 to vector<16xf32>
      %sub3A_1488 = arith.subf %select_n3A_1481, %sub3A_1487 : vector<16xf32>
      %broadcast_in_dim3A_1489 = arith.constant 0.0838350877 : f32
      %broadcast_in_dim3A_1490 = vector.broadcast %broadcast_in_dim3A_1489 : f32 to vector<16xf32>
      %mul3A_1491 = arith.mulf %broadcast_in_dim3A_1490, %sub3A_1488 : vector<16xf32>
      %add3A_1492 = arith.constant -0.142965987 : f32
      %add3A_1493 = vector.broadcast %add3A_1492 : f32 to vector<16xf32>
      %add3A_1494 = arith.addf %mul3A_1491, %add3A_1493 : vector<16xf32>
      %mul3A_1495 = arith.mulf %add3A_1494, %sub3A_1488 : vector<16xf32>
      %add3A_1496 = arith.constant 0.150563762 : f32
      %add3A_1497 = vector.broadcast %add3A_1496 : f32 to vector<16xf32>
      %add3A_1498 = arith.addf %mul3A_1495, %add3A_1497 : vector<16xf32>
      %mul3A_1499 = arith.mulf %add3A_1498, %sub3A_1488 : vector<16xf32>
      %add3A_1500 = arith.constant -0.165757507 : f32
      %add3A_1501 = vector.broadcast %add3A_1500 : f32 to vector<16xf32>
      %add3A_1502 = arith.addf %mul3A_1499, %add3A_1501 : vector<16xf32>
      %mul3A_1503 = arith.mulf %add3A_1502, %sub3A_1488 : vector<16xf32>
      %add3A_1504 = arith.constant 0.199447781 : f32
      %add3A_1505 = vector.broadcast %add3A_1504 : f32 to vector<16xf32>
      %add3A_1506 = arith.addf %mul3A_1503, %add3A_1505 : vector<16xf32>
      %mul3A_1507 = arith.mulf %add3A_1506, %sub3A_1488 : vector<16xf32>
      %add3A_1508 = arith.constant -0.250012517 : f32
      %add3A_1509 = vector.broadcast %add3A_1508 : f32 to vector<16xf32>
      %add3A_1510 = arith.addf %mul3A_1507, %add3A_1509 : vector<16xf32>
      %mul3A_1511 = arith.mulf %add3A_1510, %sub3A_1488 : vector<16xf32>
      %add3A_1512 = arith.constant 0.333347321 : f32
      %add3A_1513 = vector.broadcast %add3A_1512 : f32 to vector<16xf32>
      %add3A_1514 = arith.addf %mul3A_1511, %add3A_1513 : vector<16xf32>
      %mul3A_1515 = arith.mulf %add3A_1514, %sub3A_1488 : vector<16xf32>
      %add3A_1516 = arith.constant -5.000000e-01 : f32
      %add3A_1517 = vector.broadcast %add3A_1516 : f32 to vector<16xf32>
      %add3A_1518 = arith.addf %mul3A_1515, %add3A_1517 : vector<16xf32>
      %mul3A_1519 = arith.mulf %add3A_1518, %sub3A_1488 : vector<16xf32>
      %add3A_1520 = arith.constant 0.99999988 : f32
      %add3A_1521 = vector.broadcast %add3A_1520 : f32 to vector<16xf32>
      %add3A_1522 = arith.addf %mul3A_1519, %add3A_1521 : vector<16xf32>
      %mul3A_1523 = arith.mulf %add3A_1522, %sub3A_1488 : vector<16xf32>
      %add3A_1524 = arith.constant 2.6434574E-10 : f32
      %add3A_1525 = vector.broadcast %add3A_1524 : f32 to vector<16xf32>
      %add3A_1526 = arith.addf %mul3A_1523, %add3A_1525 : vector<16xf32>
      %convert_element_type3A_1527 = arith.sitofp %select_n3A_1485 : vector<16xi32> to vector<16xf32>
      %mul3A_1528 = arith.constant 0.693147182 : f32
      %mul3A_1529 = vector.broadcast %mul3A_1528 : f32 to vector<16xf32>
      %mul3A_1530 = arith.mulf %convert_element_type3A_1527, %mul3A_1529 : vector<16xf32>
      %add3A_1531 = arith.addf %mul3A_1530, %add3A_1526 : vector<16xf32>
      %div3A_1532 = arith.constant 1.000000e+00 : f32
      %div3A_1533 = vector.broadcast %div3A_1532 : f32 to vector<16xf32>
      %div3A_1534 = arith.divf %div3A_1533, %select_n3A_1386 : vector<16xf32>
      %mul3A_1535 = arith.mulf %mul3A_85, %div3A_1534 : vector<16xf32>
      %sub3A_1536 = arith.subf %sub3A_339, %mul3A_1535 : vector<16xf32>
      %sub3A_1537 = arith.subf %sub3A_1536, %add3A_1457 : vector<16xf32>
      %mul3A_1538 = arith.mulf %select_n3A_50, %add3A_1531 : vector<16xf32>
      %add3A_1539 = arith.addf %sub3A_1537, %mul3A_1538 : vector<16xf32>
      %jit3A_1540 = arith.constant -1.000000e+01 : f32
      %jit3A_1541 = arith.constant 1.000000e+01 : f32
      %max3A_1542 = vector.broadcast %jit3A_1540 : f32 to vector<16xf32>
      %max3A_1543 = arith.maximumf %max3A_1542, %add3A_1539 : vector<16xf32>
      %min3A_1544 = vector.broadcast %jit3A_1541 : f32 to vector<16xf32>
      %min3A_1545 = arith.minimumf %min3A_1544, %max3A_1543 : vector<16xf32>
      %mul3A_1546 = arith.mulf %mul3A_86, %div3A_1534 : vector<16xf32>
      %sub3A_1547 = arith.subf %sub3A_598, %mul3A_1546 : vector<16xf32>
      %sub3A_1548 = arith.subf %sub3A_1547, %add3A_1457 : vector<16xf32>
      %mul3A_1549 = arith.mulf %select_n3A_56, %add3A_1531 : vector<16xf32>
      %add3A_1550 = arith.addf %sub3A_1548, %mul3A_1549 : vector<16xf32>
      %jit3A_1551 = arith.constant -1.000000e+01 : f32
      %jit3A_1552 = arith.constant 1.000000e+01 : f32
      %max3A_1553 = vector.broadcast %jit3A_1551 : f32 to vector<16xf32>
      %max3A_1554 = arith.maximumf %max3A_1553, %add3A_1550 : vector<16xf32>
      %min3A_1555 = vector.broadcast %jit3A_1552 : f32 to vector<16xf32>
      %min3A_1556 = arith.minimumf %min3A_1555, %max3A_1554 : vector<16xf32>
      %exp3A_1557 = math.exp %min3A_1545 : vector<16xf32>
      %sub3A_1558 = arith.constant 1.500000e+01 : f32
      %sub3A_1559 = vector.broadcast %sub3A_1558 : f32 to vector<16xf32>
      %sub3A_1560 = arith.subf %sub3A_1559, %exp3A_1557 : vector<16xf32>
      %exp3A_1561 = math.exp %min3A_1556 : vector<16xf32>
      %sub3A_1562 = arith.constant 1.500000e+01 : f32
      %sub3A_1563 = vector.broadcast %sub3A_1562 : f32 to vector<16xf32>
      %sub3A_1564 = arith.subf %sub3A_1563, %exp3A_1561 : vector<16xf32>
      %div3A_1565 = arith.divf %sub3A_1560, %sub3A_1564 : vector<16xf32>
      %jit3A_1566 = arith.constant 1.000000e+00 : f32
      %broadcast_in_dim3A_1567 = vector.broadcast %jit3A_1566 : f32 to vector<16xf32>
      %select_n3A_1568 = arith.select %and3A_1383, %div3A_1565, %broadcast_in_dim3A_1567 : vector<16xi1>, vector<16xf32>
      %mul3A_1569 = arith.mulf %mul3A_1374, %select_n3A_1568 : vector<16xf32>
      %add3A_1570 = vector.broadcast %mul3A_602 : i32 to vector<16xi32>
      %add3A_1571 = arith.addi %iota3A, %add3A_1570 : vector<16xi32>
      %broadcast_in_dim3A_1572 = arith.constant 5 : i32
      %broadcast_in_dim3A_1573 = vector.broadcast %broadcast_in_dim3A_1572 : i32 to vector<16xi32>
      %gather3A_1574 = tpu.vector_load_idx %arg6[%add3A_1571, %broadcast_in_dim3A_1573] : memref<256x16xf32, #tpu.memory_space<vmem>>[vector<16xi32>, vector<16xi32>], vector<16xf32>,
      %ne3A_1575 = arith.constant 0.000000e+00 : f32
      %ne3A_1576 = vector.broadcast %ne3A_1575 : f32 to vector<16xf32>
      %ne3A_1577 = arith.cmpf one, %gather3A_1574, %ne3A_1576 : vector<16xf32>
      %and3A_1578 = arith.andi %lt3A_83, %ne3A_1577 : vector<16xi1>
      %jit3A_1579 = arith.constant 5.000000e-01 : f32
      %broadcast_in_dim3A_1580 = vector.broadcast %jit3A_1579 : f32 to vector<16xf32>
      %select_n3A_1581 = arith.select %and3A_1578, %gather3A_1574, %broadcast_in_dim3A_1580 : vector<16xi1>, vector<16xf32>
      %bitcast_convert_type3A_1582 = tpu.bitcast %select_n3A_1581 : vector<16xf32> -> vector<16xi32>
      %shift_right_arithmetic3A_1583 = arith.constant 23 : i32
      %shift_right_arithmetic3A_1584 = vector.broadcast %shift_right_arithmetic3A_1583 : i32 to vector<16xi32>
      %shift_right_arithmetic3A_1585 = arith.shrsi %bitcast_convert_type3A_1582, %shift_right_arithmetic3A_1584 : vector<16xi32>
      %sub3A_1586 = arith.constant 127 : i32
      %sub3A_1587 = vector.broadcast %sub3A_1586 : i32 to vector<16xi32>
      %sub3A_1588 = arith.subi %shift_right_arithmetic3A_1585, %sub3A_1587 : vector<16xi32>
      %and3A_1589 = arith.constant 8388607 : i32
      %and3A_1590 = vector.broadcast %and3A_1589 : i32 to vector<16xi32>
      %and3A_1591 = arith.andi %bitcast_convert_type3A_1582, %and3A_1590 : vector<16xi32>
      %or3A_1592 = arith.constant 1065353216 : i32
      %or3A_1593 = vector.broadcast %or3A_1592 : i32 to vector<16xi32>
      %or3A_1594 = arith.ori %and3A_1591, %or3A_1593 : vector<16xi32>
      %bitcast_convert_type3A_1595 = tpu.bitcast %or3A_1594 : vector<16xi32> -> vector<16xf32>
      %gt3A_1596 = arith.constant 1.41421354 : f32
      %gt3A_1597 = vector.broadcast %gt3A_1596 : f32 to vector<16xf32>
      %gt3A_1598 = arith.cmpf ogt, %bitcast_convert_type3A_1595, %gt3A_1597 : vector<16xf32>
      %mul3A_1599 = arith.constant 5.000000e-01 : f32
      %mul3A_1600 = vector.broadcast %mul3A_1599 : f32 to vector<16xf32>
      %mul3A_1601 = arith.mulf %bitcast_convert_type3A_1595, %mul3A_1600 : vector<16xf32>
      %select_n3A_1602 = arith.select %gt3A_1598, %mul3A_1601, %bitcast_convert_type3A_1595 : vector<16xi1>, vector<16xf32>
      %add3A_1603 = arith.constant 1 : i32
      %add3A_1604 = vector.broadcast %add3A_1603 : i32 to vector<16xi32>
      %add3A_1605 = arith.addi %sub3A_1588, %add3A_1604 : vector<16xi32>
      %select_n3A_1606 = arith.select %gt3A_1598, %add3A_1605, %sub3A_1588 : vector<16xi1>, vector<16xi32>
      %sub3A_1607 = arith.constant 1.000000e+00 : f32
      %sub3A_1608 = vector.broadcast %sub3A_1607 : f32 to vector<16xf32>
      %sub3A_1609 = arith.subf %select_n3A_1602, %sub3A_1608 : vector<16xf32>
      %broadcast_in_dim3A_1610 = arith.constant 0.0838350877 : f32
      %broadcast_in_dim3A_1611 = vector.broadcast %broadcast_in_dim3A_1610 : f32 to vector<16xf32>
      %mul3A_1612 = arith.mulf %broadcast_in_dim3A_1611, %sub3A_1609 : vector<16xf32>
      %add3A_1613 = arith.constant -0.142965987 : f32
      %add3A_1614 = vector.broadcast %add3A_1613 : f32 to vector<16xf32>
      %add3A_1615 = arith.addf %mul3A_1612, %add3A_1614 : vector<16xf32>
      %mul3A_1616 = arith.mulf %add3A_1615, %sub3A_1609 : vector<16xf32>
      %add3A_1617 = arith.constant 0.150563762 : f32
      %add3A_1618 = vector.broadcast %add3A_1617 : f32 to vector<16xf32>
      %add3A_1619 = arith.addf %mul3A_1616, %add3A_1618 : vector<16xf32>
      %mul3A_1620 = arith.mulf %add3A_1619, %sub3A_1609 : vector<16xf32>
      %add3A_1621 = arith.constant -0.165757507 : f32
      %add3A_1622 = vector.broadcast %add3A_1621 : f32 to vector<16xf32>
      %add3A_1623 = arith.addf %mul3A_1620, %add3A_1622 : vector<16xf32>
      %mul3A_1624 = arith.mulf %add3A_1623, %sub3A_1609 : vector<16xf32>
      %add3A_1625 = arith.constant 0.199447781 : f32
      %add3A_1626 = vector.broadcast %add3A_1625 : f32 to vector<16xf32>
      %add3A_1627 = arith.addf %mul3A_1624, %add3A_1626 : vector<16xf32>
      %mul3A_1628 = arith.mulf %add3A_1627, %sub3A_1609 : vector<16xf32>
      %add3A_1629 = arith.constant -0.250012517 : f32
      %add3A_1630 = vector.broadcast %add3A_1629 : f32 to vector<16xf32>
      %add3A_1631 = arith.addf %mul3A_1628, %add3A_1630 : vector<16xf32>
      %mul3A_1632 = arith.mulf %add3A_1631, %sub3A_1609 : vector<16xf32>
      %add3A_1633 = arith.constant 0.333347321 : f32
      %add3A_1634 = vector.broadcast %add3A_1633 : f32 to vector<16xf32>
      %add3A_1635 = arith.addf %mul3A_1632, %add3A_1634 : vector<16xf32>
      %mul3A_1636 = arith.mulf %add3A_1635, %sub3A_1609 : vector<16xf32>
      %add3A_1637 = arith.constant -5.000000e-01 : f32
      %add3A_1638 = vector.broadcast %add3A_1637 : f32 to vector<16xf32>
      %add3A_1639 = arith.addf %mul3A_1636, %add3A_1638 : vector<16xf32>
      %mul3A_1640 = arith.mulf %add3A_1639, %sub3A_1609 : vector<16xf32>
      %add3A_1641 = arith.constant 0.99999988 : f32
      %add3A_1642 = vector.broadcast %add3A_1641 : f32 to vector<16xf32>
      %add3A_1643 = arith.addf %mul3A_1640, %add3A_1642 : vector<16xf32>
      %mul3A_1644 = arith.mulf %add3A_1643, %sub3A_1609 : vector<16xf32>
      %add3A_1645 = arith.constant 2.6434574E-10 : f32
      %add3A_1646 = vector.broadcast %add3A_1645 : f32 to vector<16xf32>
      %add3A_1647 = arith.addf %mul3A_1644, %add3A_1646 : vector<16xf32>
      %convert_element_type3A_1648 = arith.sitofp %select_n3A_1606 : vector<16xi32> to vector<16xf32>
      %mul3A_1649 = arith.constant 0.693147182 : f32
      %mul3A_1650 = vector.broadcast %mul3A_1649 : f32 to vector<16xf32>
      %mul3A_1651 = arith.mulf %convert_element_type3A_1648, %mul3A_1650 : vector<16xf32>
      %add3A_1652 = arith.addf %mul3A_1651, %add3A_1647 : vector<16xf32>
      %sub3A_1653 = arith.constant 1.000000e+00 : f32
      %sub3A_1654 = vector.broadcast %sub3A_1653 : f32 to vector<16xf32>
      %sub3A_1655 = arith.subf %sub3A_1654, %select_n3A_1581 : vector<16xf32>
      %bitcast_convert_type3A_1656 = tpu.bitcast %sub3A_1655 : vector<16xf32> -> vector<16xi32>
      %shift_right_arithmetic3A_1657 = arith.constant 23 : i32
      %shift_right_arithmetic3A_1658 = vector.broadcast %shift_right_arithmetic3A_1657 : i32 to vector<16xi32>
      %shift_right_arithmetic3A_1659 = arith.shrsi %bitcast_convert_type3A_1656, %shift_right_arithmetic3A_1658 : vector<16xi32>
      %sub3A_1660 = arith.constant 127 : i32
      %sub3A_1661 = vector.broadcast %sub3A_1660 : i32 to vector<16xi32>
      %sub3A_1662 = arith.subi %shift_right_arithmetic3A_1659, %sub3A_1661 : vector<16xi32>
      %and3A_1663 = arith.constant 8388607 : i32
      %and3A_1664 = vector.broadcast %and3A_1663 : i32 to vector<16xi32>
      %and3A_1665 = arith.andi %bitcast_convert_type3A_1656, %and3A_1664 : vector<16xi32>
      %or3A_1666 = arith.constant 1065353216 : i32
      %or3A_1667 = vector.broadcast %or3A_1666 : i32 to vector<16xi32>
      %or3A_1668 = arith.ori %and3A_1665, %or3A_1667 : vector<16xi32>
      %bitcast_convert_type3A_1669 = tpu.bitcast %or3A_1668 : vector<16xi32> -> vector<16xf32>
      %gt3A_1670 = arith.constant 1.41421354 : f32
      %gt3A_1671 = vector.broadcast %gt3A_1670 : f32 to vector<16xf32>
      %gt3A_1672 = arith.cmpf ogt, %bitcast_convert_type3A_1669, %gt3A_1671 : vector<16xf32>
      %mul3A_1673 = arith.constant 5.000000e-01 : f32
      %mul3A_1674 = vector.broadcast %mul3A_1673 : f32 to vector<16xf32>
      %mul3A_1675 = arith.mulf %bitcast_convert_type3A_1669, %mul3A_1674 : vector<16xf32>
      %select_n3A_1676 = arith.select %gt3A_1672, %mul3A_1675, %bitcast_convert_type3A_1669 : vector<16xi1>, vector<16xf32>
      %add3A_1677 = arith.constant 1 : i32
      %add3A_1678 = vector.broadcast %add3A_1677 : i32 to vector<16xi32>
      %add3A_1679 = arith.addi %sub3A_1662, %add3A_1678 : vector<16xi32>
      %select_n3A_1680 = arith.select %gt3A_1672, %add3A_1679, %sub3A_1662 : vector<16xi1>, vector<16xi32>
      %sub3A_1681 = arith.constant 1.000000e+00 : f32
      %sub3A_1682 = vector.broadcast %sub3A_1681 : f32 to vector<16xf32>
      %sub3A_1683 = arith.subf %select_n3A_1676, %sub3A_1682 : vector<16xf32>
      %broadcast_in_dim3A_1684 = arith.constant 0.0838350877 : f32
      %broadcast_in_dim3A_1685 = vector.broadcast %broadcast_in_dim3A_1684 : f32 to vector<16xf32>
      %mul3A_1686 = arith.mulf %broadcast_in_dim3A_1685, %sub3A_1683 : vector<16xf32>
      %add3A_1687 = arith.constant -0.142965987 : f32
      %add3A_1688 = vector.broadcast %add3A_1687 : f32 to vector<16xf32>
      %add3A_1689 = arith.addf %mul3A_1686, %add3A_1688 : vector<16xf32>
      %mul3A_1690 = arith.mulf %add3A_1689, %sub3A_1683 : vector<16xf32>
      %add3A_1691 = arith.constant 0.150563762 : f32
      %add3A_1692 = vector.broadcast %add3A_1691 : f32 to vector<16xf32>
      %add3A_1693 = arith.addf %mul3A_1690, %add3A_1692 : vector<16xf32>
      %mul3A_1694 = arith.mulf %add3A_1693, %sub3A_1683 : vector<16xf32>
      %add3A_1695 = arith.constant -0.165757507 : f32
      %add3A_1696 = vector.broadcast %add3A_1695 : f32 to vector<16xf32>
      %add3A_1697 = arith.addf %mul3A_1694, %add3A_1696 : vector<16xf32>
      %mul3A_1698 = arith.mulf %add3A_1697, %sub3A_1683 : vector<16xf32>
      %add3A_1699 = arith.constant 0.199447781 : f32
      %add3A_1700 = vector.broadcast %add3A_1699 : f32 to vector<16xf32>
      %add3A_1701 = arith.addf %mul3A_1698, %add3A_1700 : vector<16xf32>
      %mul3A_1702 = arith.mulf %add3A_1701, %sub3A_1683 : vector<16xf32>
      %add3A_1703 = arith.constant -0.250012517 : f32
      %add3A_1704 = vector.broadcast %add3A_1703 : f32 to vector<16xf32>
      %add3A_1705 = arith.addf %mul3A_1702, %add3A_1704 : vector<16xf32>
      %mul3A_1706 = arith.mulf %add3A_1705, %sub3A_1683 : vector<16xf32>
      %add3A_1707 = arith.constant 0.333347321 : f32
      %add3A_1708 = vector.broadcast %add3A_1707 : f32 to vector<16xf32>
      %add3A_1709 = arith.addf %mul3A_1706, %add3A_1708 : vector<16xf32>
      %mul3A_1710 = arith.mulf %add3A_1709, %sub3A_1683 : vector<16xf32>
      %add3A_1711 = arith.constant -5.000000e-01 : f32
      %add3A_1712 = vector.broadcast %add3A_1711 : f32 to vector<16xf32>
      %add3A_1713 = arith.addf %mul3A_1710, %add3A_1712 : vector<16xf32>
      %mul3A_1714 = arith.mulf %add3A_1713, %sub3A_1683 : vector<16xf32>
      %add3A_1715 = arith.constant 0.99999988 : f32
      %add3A_1716 = vector.broadcast %add3A_1715 : f32 to vector<16xf32>
      %add3A_1717 = arith.addf %mul3A_1714, %add3A_1716 : vector<16xf32>
      %mul3A_1718 = arith.mulf %add3A_1717, %sub3A_1683 : vector<16xf32>
      %add3A_1719 = arith.constant 2.6434574E-10 : f32
      %add3A_1720 = vector.broadcast %add3A_1719 : f32 to vector<16xf32>
      %add3A_1721 = arith.addf %mul3A_1718, %add3A_1720 : vector<16xf32>
      %convert_element_type3A_1722 = arith.sitofp %select_n3A_1680 : vector<16xi32> to vector<16xf32>
      %mul3A_1723 = arith.constant 0.693147182 : f32
      %mul3A_1724 = vector.broadcast %mul3A_1723 : f32 to vector<16xf32>
      %mul3A_1725 = arith.mulf %convert_element_type3A_1722, %mul3A_1724 : vector<16xf32>
      %add3A_1726 = arith.addf %mul3A_1725, %add3A_1721 : vector<16xf32>
      %div3A_1727 = arith.constant 1.000000e+00 : f32
      %div3A_1728 = vector.broadcast %div3A_1727 : f32 to vector<16xf32>
      %div3A_1729 = arith.divf %div3A_1728, %select_n3A_1581 : vector<16xf32>
      %mul3A_1730 = arith.mulf %mul3A_85, %div3A_1729 : vector<16xf32>
      %sub3A_1731 = arith.subf %sub3A_339, %mul3A_1730 : vector<16xf32>
      %sub3A_1732 = arith.subf %sub3A_1731, %add3A_1652 : vector<16xf32>
      %mul3A_1733 = arith.mulf %select_n3A_50, %add3A_1726 : vector<16xf32>
      %add3A_1734 = arith.addf %sub3A_1732, %mul3A_1733 : vector<16xf32>
      %jit3A_1735 = arith.constant -1.000000e+01 : f32
      %jit3A_1736 = arith.constant 1.000000e+01 : f32
      %max3A_1737 = vector.broadcast %jit3A_1735 : f32 to vector<16xf32>
      %max3A_1738 = arith.maximumf %max3A_1737, %add3A_1734 : vector<16xf32>
      %min3A_1739 = vector.broadcast %jit3A_1736 : f32 to vector<16xf32>
      %min3A_1740 = arith.minimumf %min3A_1739, %max3A_1738 : vector<16xf32>
      %mul3A_1741 = arith.mulf %mul3A_86, %div3A_1729 : vector<16xf32>
      %sub3A_1742 = arith.subf %sub3A_598, %mul3A_1741 : vector<16xf32>
      %sub3A_1743 = arith.subf %sub3A_1742, %add3A_1652 : vector<16xf32>
      %mul3A_1744 = arith.mulf %select_n3A_56, %add3A_1726 : vector<16xf32>
      %add3A_1745 = arith.addf %sub3A_1743, %mul3A_1744 : vector<16xf32>
      %jit3A_1746 = arith.constant -1.000000e+01 : f32
      %jit3A_1747 = arith.constant 1.000000e+01 : f32
      %max3A_1748 = vector.broadcast %jit3A_1746 : f32 to vector<16xf32>
      %max3A_1749 = arith.maximumf %max3A_1748, %add3A_1745 : vector<16xf32>
      %min3A_1750 = vector.broadcast %jit3A_1747 : f32 to vector<16xf32>
      %min3A_1751 = arith.minimumf %min3A_1750, %max3A_1749 : vector<16xf32>
      %exp3A_1752 = math.exp %min3A_1740 : vector<16xf32>
      %sub3A_1753 = arith.constant 1.500000e+01 : f32
      %sub3A_1754 = vector.broadcast %sub3A_1753 : f32 to vector<16xf32>
      %sub3A_1755 = arith.subf %sub3A_1754, %exp3A_1752 : vector<16xf32>
      %exp3A_1756 = math.exp %min3A_1751 : vector<16xf32>
      %sub3A_1757 = arith.constant 1.500000e+01 : f32
      %sub3A_1758 = vector.broadcast %sub3A_1757 : f32 to vector<16xf32>
      %sub3A_1759 = arith.subf %sub3A_1758, %exp3A_1756 : vector<16xf32>
      %div3A_1760 = arith.divf %sub3A_1755, %sub3A_1759 : vector<16xf32>
      %jit3A_1761 = arith.constant 1.000000e+00 : f32
      %broadcast_in_dim3A_1762 = vector.broadcast %jit3A_1761 : f32 to vector<16xf32>
      %select_n3A_1763 = arith.select %and3A_1578, %div3A_1760, %broadcast_in_dim3A_1762 : vector<16xi1>, vector<16xf32>
      %mul3A_1764 = arith.mulf %mul3A_1569, %select_n3A_1763 : vector<16xf32>
      %add3A_1765 = vector.broadcast %mul3A_602 : i32 to vector<16xi32>
      %add3A_1766 = arith.addi %iota3A, %add3A_1765 : vector<16xi32>
      %broadcast_in_dim3A_1767 = arith.constant 6 : i32
      %broadcast_in_dim3A_1768 = vector.broadcast %broadcast_in_dim3A_1767 : i32 to vector<16xi32>
      %gather3A_1769 = tpu.vector_load_idx %arg6[%add3A_1766, %broadcast_in_dim3A_1768] : memref<256x16xf32, #tpu.memory_space<vmem>>[vector<16xi32>, vector<16xi32>], vector<16xf32>,
      %ne3A_1770 = arith.constant 0.000000e+00 : f32
      %ne3A_1771 = vector.broadcast %ne3A_1770 : f32 to vector<16xf32>
      %ne3A_1772 = arith.cmpf one, %gather3A_1769, %ne3A_1771 : vector<16xf32>
      %and3A_1773 = arith.andi %lt3A_83, %ne3A_1772 : vector<16xi1>
      %jit3A_1774 = arith.constant 5.000000e-01 : f32
      %broadcast_in_dim3A_1775 = vector.broadcast %jit3A_1774 : f32 to vector<16xf32>
      %select_n3A_1776 = arith.select %and3A_1773, %gather3A_1769, %broadcast_in_dim3A_1775 : vector<16xi1>, vector<16xf32>
      %bitcast_convert_type3A_1777 = tpu.bitcast %select_n3A_1776 : vector<16xf32> -> vector<16xi32>
      %shift_right_arithmetic3A_1778 = arith.constant 23 : i32
      %shift_right_arithmetic3A_1779 = vector.broadcast %shift_right_arithmetic3A_1778 : i32 to vector<16xi32>
      %shift_right_arithmetic3A_1780 = arith.shrsi %bitcast_convert_type3A_1777, %shift_right_arithmetic3A_1779 : vector<16xi32>
      %sub3A_1781 = arith.constant 127 : i32
      %sub3A_1782 = vector.broadcast %sub3A_1781 : i32 to vector<16xi32>
      %sub3A_1783 = arith.subi %shift_right_arithmetic3A_1780, %sub3A_1782 : vector<16xi32>
      %and3A_1784 = arith.constant 8388607 : i32
      %and3A_1785 = vector.broadcast %and3A_1784 : i32 to vector<16xi32>
      %and3A_1786 = arith.andi %bitcast_convert_type3A_1777, %and3A_1785 : vector<16xi32>
      %or3A_1787 = arith.constant 1065353216 : i32
      %or3A_1788 = vector.broadcast %or3A_1787 : i32 to vector<16xi32>
      %or3A_1789 = arith.ori %and3A_1786, %or3A_1788 : vector<16xi32>
      %bitcast_convert_type3A_1790 = tpu.bitcast %or3A_1789 : vector<16xi32> -> vector<16xf32>
      %gt3A_1791 = arith.constant 1.41421354 : f32
      %gt3A_1792 = vector.broadcast %gt3A_1791 : f32 to vector<16xf32>
      %gt3A_1793 = arith.cmpf ogt, %bitcast_convert_type3A_1790, %gt3A_1792 : vector<16xf32>
      %mul3A_1794 = arith.constant 5.000000e-01 : f32
      %mul3A_1795 = vector.broadcast %mul3A_1794 : f32 to vector<16xf32>
      %mul3A_1796 = arith.mulf %bitcast_convert_type3A_1790, %mul3A_1795 : vector<16xf32>
      %select_n3A_1797 = arith.select %gt3A_1793, %mul3A_1796, %bitcast_convert_type3A_1790 : vector<16xi1>, vector<16xf32>
      %add3A_1798 = arith.constant 1 : i32
      %add3A_1799 = vector.broadcast %add3A_1798 : i32 to vector<16xi32>
      %add3A_1800 = arith.addi %sub3A_1783, %add3A_1799 : vector<16xi32>
      %select_n3A_1801 = arith.select %gt3A_1793, %add3A_1800, %sub3A_1783 : vector<16xi1>, vector<16xi32>
      %sub3A_1802 = arith.constant 1.000000e+00 : f32
      %sub3A_1803 = vector.broadcast %sub3A_1802 : f32 to vector<16xf32>
      %sub3A_1804 = arith.subf %select_n3A_1797, %sub3A_1803 : vector<16xf32>
      %broadcast_in_dim3A_1805 = arith.constant 0.0838350877 : f32
      %broadcast_in_dim3A_1806 = vector.broadcast %broadcast_in_dim3A_1805 : f32 to vector<16xf32>
      %mul3A_1807 = arith.mulf %broadcast_in_dim3A_1806, %sub3A_1804 : vector<16xf32>
      %add3A_1808 = arith.constant -0.142965987 : f32
      %add3A_1809 = vector.broadcast %add3A_1808 : f32 to vector<16xf32>
      %add3A_1810 = arith.addf %mul3A_1807, %add3A_1809 : vector<16xf32>
      %mul3A_1811 = arith.mulf %add3A_1810, %sub3A_1804 : vector<16xf32>
      %add3A_1812 = arith.constant 0.150563762 : f32
      %add3A_1813 = vector.broadcast %add3A_1812 : f32 to vector<16xf32>
      %add3A_1814 = arith.addf %mul3A_1811, %add3A_1813 : vector<16xf32>
      %mul3A_1815 = arith.mulf %add3A_1814, %sub3A_1804 : vector<16xf32>
      %add3A_1816 = arith.constant -0.165757507 : f32
      %add3A_1817 = vector.broadcast %add3A_1816 : f32 to vector<16xf32>
      %add3A_1818 = arith.addf %mul3A_1815, %add3A_1817 : vector<16xf32>
      %mul3A_1819 = arith.mulf %add3A_1818, %sub3A_1804 : vector<16xf32>
      %add3A_1820 = arith.constant 0.199447781 : f32
      %add3A_1821 = vector.broadcast %add3A_1820 : f32 to vector<16xf32>
      %add3A_1822 = arith.addf %mul3A_1819, %add3A_1821 : vector<16xf32>
      %mul3A_1823 = arith.mulf %add3A_1822, %sub3A_1804 : vector<16xf32>
      %add3A_1824 = arith.constant -0.250012517 : f32
      %add3A_1825 = vector.broadcast %add3A_1824 : f32 to vector<16xf32>
      %add3A_1826 = arith.addf %mul3A_1823, %add3A_1825 : vector<16xf32>
      %mul3A_1827 = arith.mulf %add3A_1826, %sub3A_1804 : vector<16xf32>
      %add3A_1828 = arith.constant 0.333347321 : f32
      %add3A_1829 = vector.broadcast %add3A_1828 : f32 to vector<16xf32>
      %add3A_1830 = arith.addf %mul3A_1827, %add3A_1829 : vector<16xf32>
      %mul3A_1831 = arith.mulf %add3A_1830, %sub3A_1804 : vector<16xf32>
      %add3A_1832 = arith.constant -5.000000e-01 : f32
      %add3A_1833 = vector.broadcast %add3A_1832 : f32 to vector<16xf32>
      %add3A_1834 = arith.addf %mul3A_1831, %add3A_1833 : vector<16xf32>
      %mul3A_1835 = arith.mulf %add3A_1834, %sub3A_1804 : vector<16xf32>
      %add3A_1836 = arith.constant 0.99999988 : f32
      %add3A_1837 = vector.broadcast %add3A_1836 : f32 to vector<16xf32>
      %add3A_1838 = arith.addf %mul3A_1835, %add3A_1837 : vector<16xf32>
      %mul3A_1839 = arith.mulf %add3A_1838, %sub3A_1804 : vector<16xf32>
      %add3A_1840 = arith.constant 2.6434574E-10 : f32
      %add3A_1841 = vector.broadcast %add3A_1840 : f32 to vector<16xf32>
      %add3A_1842 = arith.addf %mul3A_1839, %add3A_1841 : vector<16xf32>
      %convert_element_type3A_1843 = arith.sitofp %select_n3A_1801 : vector<16xi32> to vector<16xf32>
      %mul3A_1844 = arith.constant 0.693147182 : f32
      %mul3A_1845 = vector.broadcast %mul3A_1844 : f32 to vector<16xf32>
      %mul3A_1846 = arith.mulf %convert_element_type3A_1843, %mul3A_1845 : vector<16xf32>
      %add3A_1847 = arith.addf %mul3A_1846, %add3A_1842 : vector<16xf32>
      %sub3A_1848 = arith.constant 1.000000e+00 : f32
      %sub3A_1849 = vector.broadcast %sub3A_1848 : f32 to vector<16xf32>
      %sub3A_1850 = arith.subf %sub3A_1849, %select_n3A_1776 : vector<16xf32>
      %bitcast_convert_type3A_1851 = tpu.bitcast %sub3A_1850 : vector<16xf32> -> vector<16xi32>
      %shift_right_arithmetic3A_1852 = arith.constant 23 : i32
      %shift_right_arithmetic3A_1853 = vector.broadcast %shift_right_arithmetic3A_1852 : i32 to vector<16xi32>
      %shift_right_arithmetic3A_1854 = arith.shrsi %bitcast_convert_type3A_1851, %shift_right_arithmetic3A_1853 : vector<16xi32>
      %sub3A_1855 = arith.constant 127 : i32
      %sub3A_1856 = vector.broadcast %sub3A_1855 : i32 to vector<16xi32>
      %sub3A_1857 = arith.subi %shift_right_arithmetic3A_1854, %sub3A_1856 : vector<16xi32>
      %and3A_1858 = arith.constant 8388607 : i32
      %and3A_1859 = vector.broadcast %and3A_1858 : i32 to vector<16xi32>
      %and3A_1860 = arith.andi %bitcast_convert_type3A_1851, %and3A_1859 : vector<16xi32>
      %or3A_1861 = arith.constant 1065353216 : i32
      %or3A_1862 = vector.broadcast %or3A_1861 : i32 to vector<16xi32>
      %or3A_1863 = arith.ori %and3A_1860, %or3A_1862 : vector<16xi32>
      %bitcast_convert_type3A_1864 = tpu.bitcast %or3A_1863 : vector<16xi32> -> vector<16xf32>
      %gt3A_1865 = arith.constant 1.41421354 : f32
      %gt3A_1866 = vector.broadcast %gt3A_1865 : f32 to vector<16xf32>
      %gt3A_1867 = arith.cmpf ogt, %bitcast_convert_type3A_1864, %gt3A_1866 : vector<16xf32>
      %mul3A_1868 = arith.constant 5.000000e-01 : f32
      %mul3A_1869 = vector.broadcast %mul3A_1868 : f32 to vector<16xf32>
      %mul3A_1870 = arith.mulf %bitcast_convert_type3A_1864, %mul3A_1869 : vector<16xf32>
      %select_n3A_1871 = arith.select %gt3A_1867, %mul3A_1870, %bitcast_convert_type3A_1864 : vector<16xi1>, vector<16xf32>
      %add3A_1872 = arith.constant 1 : i32
      %add3A_1873 = vector.broadcast %add3A_1872 : i32 to vector<16xi32>
      %add3A_1874 = arith.addi %sub3A_1857, %add3A_1873 : vector<16xi32>
      %select_n3A_1875 = arith.select %gt3A_1867, %add3A_1874, %sub3A_1857 : vector<16xi1>, vector<16xi32>
      %sub3A_1876 = arith.constant 1.000000e+00 : f32
      %sub3A_1877 = vector.broadcast %sub3A_1876 : f32 to vector<16xf32>
      %sub3A_1878 = arith.subf %select_n3A_1871, %sub3A_1877 : vector<16xf32>
      %broadcast_in_dim3A_1879 = arith.constant 0.0838350877 : f32
      %broadcast_in_dim3A_1880 = vector.broadcast %broadcast_in_dim3A_1879 : f32 to vector<16xf32>
      %mul3A_1881 = arith.mulf %broadcast_in_dim3A_1880, %sub3A_1878 : vector<16xf32>
      %add3A_1882 = arith.constant -0.142965987 : f32
      %add3A_1883 = vector.broadcast %add3A_1882 : f32 to vector<16xf32>
      %add3A_1884 = arith.addf %mul3A_1881, %add3A_1883 : vector<16xf32>
      %mul3A_1885 = arith.mulf %add3A_1884, %sub3A_1878 : vector<16xf32>
      %add3A_1886 = arith.constant 0.150563762 : f32
      %add3A_1887 = vector.broadcast %add3A_1886 : f32 to vector<16xf32>
      %add3A_1888 = arith.addf %mul3A_1885, %add3A_1887 : vector<16xf32>
      %mul3A_1889 = arith.mulf %add3A_1888, %sub3A_1878 : vector<16xf32>
      %add3A_1890 = arith.constant -0.165757507 : f32
      %add3A_1891 = vector.broadcast %add3A_1890 : f32 to vector<16xf32>
      %add3A_1892 = arith.addf %mul3A_1889, %add3A_1891 : vector<16xf32>
      %mul3A_1893 = arith.mulf %add3A_1892, %sub3A_1878 : vector<16xf32>
      %add3A_1894 = arith.constant 0.199447781 : f32
      %add3A_1895 = vector.broadcast %add3A_1894 : f32 to vector<16xf32>
      %add3A_1896 = arith.addf %mul3A_1893, %add3A_1895 : vector<16xf32>
      %mul3A_1897 = arith.mulf %add3A_1896, %sub3A_1878 : vector<16xf32>
      %add3A_1898 = arith.constant -0.250012517 : f32
      %add3A_1899 = vector.broadcast %add3A_1898 : f32 to vector<16xf32>
      %add3A_1900 = arith.addf %mul3A_1897, %add3A_1899 : vector<16xf32>
      %mul3A_1901 = arith.mulf %add3A_1900, %sub3A_1878 : vector<16xf32>
      %add3A_1902 = arith.constant 0.333347321 : f32
      %add3A_1903 = vector.broadcast %add3A_1902 : f32 to vector<16xf32>
      %add3A_1904 = arith.addf %mul3A_1901, %add3A_1903 : vector<16xf32>
      %mul3A_1905 = arith.mulf %add3A_1904, %sub3A_1878 : vector<16xf32>
      %add3A_1906 = arith.constant -5.000000e-01 : f32
      %add3A_1907 = vector.broadcast %add3A_1906 : f32 to vector<16xf32>
      %add3A_1908 = arith.addf %mul3A_1905, %add3A_1907 : vector<16xf32>
      %mul3A_1909 = arith.mulf %add3A_1908, %sub3A_1878 : vector<16xf32>
      %add3A_1910 = arith.constant 0.99999988 : f32
      %add3A_1911 = vector.broadcast %add3A_1910 : f32 to vector<16xf32>
      %add3A_1912 = arith.addf %mul3A_1909, %add3A_1911 : vector<16xf32>
      %mul3A_1913 = arith.mulf %add3A_1912, %sub3A_1878 : vector<16xf32>
      %add3A_1914 = arith.constant 2.6434574E-10 : f32
      %add3A_1915 = vector.broadcast %add3A_1914 : f32 to vector<16xf32>
      %add3A_1916 = arith.addf %mul3A_1913, %add3A_1915 : vector<16xf32>
      %convert_element_type3A_1917 = arith.sitofp %select_n3A_1875 : vector<16xi32> to vector<16xf32>
      %mul3A_1918 = arith.constant 0.693147182 : f32
      %mul3A_1919 = vector.broadcast %mul3A_1918 : f32 to vector<16xf32>
      %mul3A_1920 = arith.mulf %convert_element_type3A_1917, %mul3A_1919 : vector<16xf32>
      %add3A_1921 = arith.addf %mul3A_1920, %add3A_1916 : vector<16xf32>
      %div3A_1922 = arith.constant 1.000000e+00 : f32
      %div3A_1923 = vector.broadcast %div3A_1922 : f32 to vector<16xf32>
      %div3A_1924 = arith.divf %div3A_1923, %select_n3A_1776 : vector<16xf32>
      %mul3A_1925 = arith.mulf %mul3A_85, %div3A_1924 : vector<16xf32>
      %sub3A_1926 = arith.subf %sub3A_339, %mul3A_1925 : vector<16xf32>
      %sub3A_1927 = arith.subf %sub3A_1926, %add3A_1847 : vector<16xf32>
      %mul3A_1928 = arith.mulf %select_n3A_50, %add3A_1921 : vector<16xf32>
      %add3A_1929 = arith.addf %sub3A_1927, %mul3A_1928 : vector<16xf32>
      %jit3A_1930 = arith.constant -1.000000e+01 : f32
      %jit3A_1931 = arith.constant 1.000000e+01 : f32
      %max3A_1932 = vector.broadcast %jit3A_1930 : f32 to vector<16xf32>
      %max3A_1933 = arith.maximumf %max3A_1932, %add3A_1929 : vector<16xf32>
      %min3A_1934 = vector.broadcast %jit3A_1931 : f32 to vector<16xf32>
      %min3A_1935 = arith.minimumf %min3A_1934, %max3A_1933 : vector<16xf32>
      %mul3A_1936 = arith.mulf %mul3A_86, %div3A_1924 : vector<16xf32>
      %sub3A_1937 = arith.subf %sub3A_598, %mul3A_1936 : vector<16xf32>
      %sub3A_1938 = arith.subf %sub3A_1937, %add3A_1847 : vector<16xf32>
      %mul3A_1939 = arith.mulf %select_n3A_56, %add3A_1921 : vector<16xf32>
      %add3A_1940 = arith.addf %sub3A_1938, %mul3A_1939 : vector<16xf32>
      %jit3A_1941 = arith.constant -1.000000e+01 : f32
      %jit3A_1942 = arith.constant 1.000000e+01 : f32
      %max3A_1943 = vector.broadcast %jit3A_1941 : f32 to vector<16xf32>
      %max3A_1944 = arith.maximumf %max3A_1943, %add3A_1940 : vector<16xf32>
      %min3A_1945 = vector.broadcast %jit3A_1942 : f32 to vector<16xf32>
      %min3A_1946 = arith.minimumf %min3A_1945, %max3A_1944 : vector<16xf32>
      %exp3A_1947 = math.exp %min3A_1935 : vector<16xf32>
      %sub3A_1948 = arith.constant 1.500000e+01 : f32
      %sub3A_1949 = vector.broadcast %sub3A_1948 : f32 to vector<16xf32>
      %sub3A_1950 = arith.subf %sub3A_1949, %exp3A_1947 : vector<16xf32>
      %exp3A_1951 = math.exp %min3A_1946 : vector<16xf32>
      %sub3A_1952 = arith.constant 1.500000e+01 : f32
      %sub3A_1953 = vector.broadcast %sub3A_1952 : f32 to vector<16xf32>
      %sub3A_1954 = arith.subf %sub3A_1953, %exp3A_1951 : vector<16xf32>
      %div3A_1955 = arith.divf %sub3A_1950, %sub3A_1954 : vector<16xf32>
      %jit3A_1956 = arith.constant 1.000000e+00 : f32
      %broadcast_in_dim3A_1957 = vector.broadcast %jit3A_1956 : f32 to vector<16xf32>
      %select_n3A_1958 = arith.select %and3A_1773, %div3A_1955, %broadcast_in_dim3A_1957 : vector<16xi1>, vector<16xf32>
      %mul3A_1959 = arith.mulf %mul3A_1764, %select_n3A_1958 : vector<16xf32>
      %add3A_1960 = vector.broadcast %mul3A_602 : i32 to vector<16xi32>
      %add3A_1961 = arith.addi %iota3A, %add3A_1960 : vector<16xi32>
      %broadcast_in_dim3A_1962 = arith.constant 7 : i32
      %broadcast_in_dim3A_1963 = vector.broadcast %broadcast_in_dim3A_1962 : i32 to vector<16xi32>
      %gather3A_1964 = tpu.vector_load_idx %arg6[%add3A_1961, %broadcast_in_dim3A_1963] : memref<256x16xf32, #tpu.memory_space<vmem>>[vector<16xi32>, vector<16xi32>], vector<16xf32>,
      %ne3A_1965 = arith.constant 0.000000e+00 : f32
      %ne3A_1966 = vector.broadcast %ne3A_1965 : f32 to vector<16xf32>
      %ne3A_1967 = arith.cmpf one, %gather3A_1964, %ne3A_1966 : vector<16xf32>
      %and3A_1968 = arith.andi %lt3A_83, %ne3A_1967 : vector<16xi1>
      %jit3A_1969 = arith.constant 5.000000e-01 : f32
      %broadcast_in_dim3A_1970 = vector.broadcast %jit3A_1969 : f32 to vector<16xf32>
      %select_n3A_1971 = arith.select %and3A_1968, %gather3A_1964, %broadcast_in_dim3A_1970 : vector<16xi1>, vector<16xf32>
      %bitcast_convert_type3A_1972 = tpu.bitcast %select_n3A_1971 : vector<16xf32> -> vector<16xi32>
      %shift_right_arithmetic3A_1973 = arith.constant 23 : i32
      %shift_right_arithmetic3A_1974 = vector.broadcast %shift_right_arithmetic3A_1973 : i32 to vector<16xi32>
      %shift_right_arithmetic3A_1975 = arith.shrsi %bitcast_convert_type3A_1972, %shift_right_arithmetic3A_1974 : vector<16xi32>
      %sub3A_1976 = arith.constant 127 : i32
      %sub3A_1977 = vector.broadcast %sub3A_1976 : i32 to vector<16xi32>
      %sub3A_1978 = arith.subi %shift_right_arithmetic3A_1975, %sub3A_1977 : vector<16xi32>
      %and3A_1979 = arith.constant 8388607 : i32
      %and3A_1980 = vector.broadcast %and3A_1979 : i32 to vector<16xi32>
      %and3A_1981 = arith.andi %bitcast_convert_type3A_1972, %and3A_1980 : vector<16xi32>
      %or3A_1982 = arith.constant 1065353216 : i32
      %or3A_1983 = vector.broadcast %or3A_1982 : i32 to vector<16xi32>
      %or3A_1984 = arith.ori %and3A_1981, %or3A_1983 : vector<16xi32>
      %bitcast_convert_type3A_1985 = tpu.bitcast %or3A_1984 : vector<16xi32> -> vector<16xf32>
      %gt3A_1986 = arith.constant 1.41421354 : f32
      %gt3A_1987 = vector.broadcast %gt3A_1986 : f32 to vector<16xf32>
      %gt3A_1988 = arith.cmpf ogt, %bitcast_convert_type3A_1985, %gt3A_1987 : vector<16xf32>
      %mul3A_1989 = arith.constant 5.000000e-01 : f32
      %mul3A_1990 = vector.broadcast %mul3A_1989 : f32 to vector<16xf32>
      %mul3A_1991 = arith.mulf %bitcast_convert_type3A_1985, %mul3A_1990 : vector<16xf32>
      %select_n3A_1992 = arith.select %gt3A_1988, %mul3A_1991, %bitcast_convert_type3A_1985 : vector<16xi1>, vector<16xf32>
      %add3A_1993 = arith.constant 1 : i32
      %add3A_1994 = vector.broadcast %add3A_1993 : i32 to vector<16xi32>
      %add3A_1995 = arith.addi %sub3A_1978, %add3A_1994 : vector<16xi32>
      %select_n3A_1996 = arith.select %gt3A_1988, %add3A_1995, %sub3A_1978 : vector<16xi1>, vector<16xi32>
      %sub3A_1997 = arith.constant 1.000000e+00 : f32
      %sub3A_1998 = vector.broadcast %sub3A_1997 : f32 to vector<16xf32>
      %sub3A_1999 = arith.subf %select_n3A_1992, %sub3A_1998 : vector<16xf32>
      %broadcast_in_dim3A_2000 = arith.constant 0.0838350877 : f32
      %broadcast_in_dim3A_2001 = vector.broadcast %broadcast_in_dim3A_2000 : f32 to vector<16xf32>
      %mul3A_2002 = arith.mulf %broadcast_in_dim3A_2001, %sub3A_1999 : vector<16xf32>
      %add3A_2003 = arith.constant -0.142965987 : f32
      %add3A_2004 = vector.broadcast %add3A_2003 : f32 to vector<16xf32>
      %add3A_2005 = arith.addf %mul3A_2002, %add3A_2004 : vector<16xf32>
      %mul3A_2006 = arith.mulf %add3A_2005, %sub3A_1999 : vector<16xf32>
      %add3A_2007 = arith.constant 0.150563762 : f32
      %add3A_2008 = vector.broadcast %add3A_2007 : f32 to vector<16xf32>
      %add3A_2009 = arith.addf %mul3A_2006, %add3A_2008 : vector<16xf32>
      %mul3A_2010 = arith.mulf %add3A_2009, %sub3A_1999 : vector<16xf32>
      %add3A_2011 = arith.constant -0.165757507 : f32
      %add3A_2012 = vector.broadcast %add3A_2011 : f32 to vector<16xf32>
      %add3A_2013 = arith.addf %mul3A_2010, %add3A_2012 : vector<16xf32>
      %mul3A_2014 = arith.mulf %add3A_2013, %sub3A_1999 : vector<16xf32>
      %add3A_2015 = arith.constant 0.199447781 : f32
      %add3A_2016 = vector.broadcast %add3A_2015 : f32 to vector<16xf32>
      %add3A_2017 = arith.addf %mul3A_2014, %add3A_2016 : vector<16xf32>
      %mul3A_2018 = arith.mulf %add3A_2017, %sub3A_1999 : vector<16xf32>
      %add3A_2019 = arith.constant -0.250012517 : f32
      %add3A_2020 = vector.broadcast %add3A_2019 : f32 to vector<16xf32>
      %add3A_2021 = arith.addf %mul3A_2018, %add3A_2020 : vector<16xf32>
      %mul3A_2022 = arith.mulf %add3A_2021, %sub3A_1999 : vector<16xf32>
      %add3A_2023 = arith.constant 0.333347321 : f32
      %add3A_2024 = vector.broadcast %add3A_2023 : f32 to vector<16xf32>
      %add3A_2025 = arith.addf %mul3A_2022, %add3A_2024 : vector<16xf32>
      %mul3A_2026 = arith.mulf %add3A_2025, %sub3A_1999 : vector<16xf32>
      %add3A_2027 = arith.constant -5.000000e-01 : f32
      %add3A_2028 = vector.broadcast %add3A_2027 : f32 to vector<16xf32>
      %add3A_2029 = arith.addf %mul3A_2026, %add3A_2028 : vector<16xf32>
      %mul3A_2030 = arith.mulf %add3A_2029, %sub3A_1999 : vector<16xf32>
      %add3A_2031 = arith.constant 0.99999988 : f32
      %add3A_2032 = vector.broadcast %add3A_2031 : f32 to vector<16xf32>
      %add3A_2033 = arith.addf %mul3A_2030, %add3A_2032 : vector<16xf32>
      %mul3A_2034 = arith.mulf %add3A_2033, %sub3A_1999 : vector<16xf32>
      %add3A_2035 = arith.constant 2.6434574E-10 : f32
      %add3A_2036 = vector.broadcast %add3A_2035 : f32 to vector<16xf32>
      %add3A_2037 = arith.addf %mul3A_2034, %add3A_2036 : vector<16xf32>
      %convert_element_type3A_2038 = arith.sitofp %select_n3A_1996 : vector<16xi32> to vector<16xf32>
      %mul3A_2039 = arith.constant 0.693147182 : f32
      %mul3A_2040 = vector.broadcast %mul3A_2039 : f32 to vector<16xf32>
      %mul3A_2041 = arith.mulf %convert_element_type3A_2038, %mul3A_2040 : vector<16xf32>
      %add3A_2042 = arith.addf %mul3A_2041, %add3A_2037 : vector<16xf32>
      %sub3A_2043 = arith.constant 1.000000e+00 : f32
      %sub3A_2044 = vector.broadcast %sub3A_2043 : f32 to vector<16xf32>
      %sub3A_2045 = arith.subf %sub3A_2044, %select_n3A_1971 : vector<16xf32>
      %bitcast_convert_type3A_2046 = tpu.bitcast %sub3A_2045 : vector<16xf32> -> vector<16xi32>
      %shift_right_arithmetic3A_2047 = arith.constant 23 : i32
      %shift_right_arithmetic3A_2048 = vector.broadcast %shift_right_arithmetic3A_2047 : i32 to vector<16xi32>
      %shift_right_arithmetic3A_2049 = arith.shrsi %bitcast_convert_type3A_2046, %shift_right_arithmetic3A_2048 : vector<16xi32>
      %sub3A_2050 = arith.constant 127 : i32
      %sub3A_2051 = vector.broadcast %sub3A_2050 : i32 to vector<16xi32>
      %sub3A_2052 = arith.subi %shift_right_arithmetic3A_2049, %sub3A_2051 : vector<16xi32>
      %and3A_2053 = arith.constant 8388607 : i32
      %and3A_2054 = vector.broadcast %and3A_2053 : i32 to vector<16xi32>
      %and3A_2055 = arith.andi %bitcast_convert_type3A_2046, %and3A_2054 : vector<16xi32>
      %or3A_2056 = arith.constant 1065353216 : i32
      %or3A_2057 = vector.broadcast %or3A_2056 : i32 to vector<16xi32>
      %or3A_2058 = arith.ori %and3A_2055, %or3A_2057 : vector<16xi32>
      %bitcast_convert_type3A_2059 = tpu.bitcast %or3A_2058 : vector<16xi32> -> vector<16xf32>
      %gt3A_2060 = arith.constant 1.41421354 : f32
      %gt3A_2061 = vector.broadcast %gt3A_2060 : f32 to vector<16xf32>
      %gt3A_2062 = arith.cmpf ogt, %bitcast_convert_type3A_2059, %gt3A_2061 : vector<16xf32>
      %mul3A_2063 = arith.constant 5.000000e-01 : f32
      %mul3A_2064 = vector.broadcast %mul3A_2063 : f32 to vector<16xf32>
      %mul3A_2065 = arith.mulf %bitcast_convert_type3A_2059, %mul3A_2064 : vector<16xf32>
      %select_n3A_2066 = arith.select %gt3A_2062, %mul3A_2065, %bitcast_convert_type3A_2059 : vector<16xi1>, vector<16xf32>
      %add3A_2067 = arith.constant 1 : i32
      %add3A_2068 = vector.broadcast %add3A_2067 : i32 to vector<16xi32>
      %add3A_2069 = arith.addi %sub3A_2052, %add3A_2068 : vector<16xi32>
      %select_n3A_2070 = arith.select %gt3A_2062, %add3A_2069, %sub3A_2052 : vector<16xi1>, vector<16xi32>
      %sub3A_2071 = arith.constant 1.000000e+00 : f32
      %sub3A_2072 = vector.broadcast %sub3A_2071 : f32 to vector<16xf32>
      %sub3A_2073 = arith.subf %select_n3A_2066, %sub3A_2072 : vector<16xf32>
      %broadcast_in_dim3A_2074 = arith.constant 0.0838350877 : f32
      %broadcast_in_dim3A_2075 = vector.broadcast %broadcast_in_dim3A_2074 : f32 to vector<16xf32>
      %mul3A_2076 = arith.mulf %broadcast_in_dim3A_2075, %sub3A_2073 : vector<16xf32>
      %add3A_2077 = arith.constant -0.142965987 : f32
      %add3A_2078 = vector.broadcast %add3A_2077 : f32 to vector<16xf32>
      %add3A_2079 = arith.addf %mul3A_2076, %add3A_2078 : vector<16xf32>
      %mul3A_2080 = arith.mulf %add3A_2079, %sub3A_2073 : vector<16xf32>
      %add3A_2081 = arith.constant 0.150563762 : f32
      %add3A_2082 = vector.broadcast %add3A_2081 : f32 to vector<16xf32>
      %add3A_2083 = arith.addf %mul3A_2080, %add3A_2082 : vector<16xf32>
      %mul3A_2084 = arith.mulf %add3A_2083, %sub3A_2073 : vector<16xf32>
      %add3A_2085 = arith.constant -0.165757507 : f32
      %add3A_2086 = vector.broadcast %add3A_2085 : f32 to vector<16xf32>
      %add3A_2087 = arith.addf %mul3A_2084, %add3A_2086 : vector<16xf32>
      %mul3A_2088 = arith.mulf %add3A_2087, %sub3A_2073 : vector<16xf32>
      %add3A_2089 = arith.constant 0.199447781 : f32
      %add3A_2090 = vector.broadcast %add3A_2089 : f32 to vector<16xf32>
      %add3A_2091 = arith.addf %mul3A_2088, %add3A_2090 : vector<16xf32>
      %mul3A_2092 = arith.mulf %add3A_2091, %sub3A_2073 : vector<16xf32>
      %add3A_2093 = arith.constant -0.250012517 : f32
      %add3A_2094 = vector.broadcast %add3A_2093 : f32 to vector<16xf32>
      %add3A_2095 = arith.addf %mul3A_2092, %add3A_2094 : vector<16xf32>
      %mul3A_2096 = arith.mulf %add3A_2095, %sub3A_2073 : vector<16xf32>
      %add3A_2097 = arith.constant 0.333347321 : f32
      %add3A_2098 = vector.broadcast %add3A_2097 : f32 to vector<16xf32>
      %add3A_2099 = arith.addf %mul3A_2096, %add3A_2098 : vector<16xf32>
      %mul3A_2100 = arith.mulf %add3A_2099, %sub3A_2073 : vector<16xf32>
      %add3A_2101 = arith.constant -5.000000e-01 : f32
      %add3A_2102 = vector.broadcast %add3A_2101 : f32 to vector<16xf32>
      %add3A_2103 = arith.addf %mul3A_2100, %add3A_2102 : vector<16xf32>
      %mul3A_2104 = arith.mulf %add3A_2103, %sub3A_2073 : vector<16xf32>
      %add3A_2105 = arith.constant 0.99999988 : f32
      %add3A_2106 = vector.broadcast %add3A_2105 : f32 to vector<16xf32>
      %add3A_2107 = arith.addf %mul3A_2104, %add3A_2106 : vector<16xf32>
      %mul3A_2108 = arith.mulf %add3A_2107, %sub3A_2073 : vector<16xf32>
      %add3A_2109 = arith.constant 2.6434574E-10 : f32
      %add3A_2110 = vector.broadcast %add3A_2109 : f32 to vector<16xf32>
      %add3A_2111 = arith.addf %mul3A_2108, %add3A_2110 : vector<16xf32>
      %convert_element_type3A_2112 = arith.sitofp %select_n3A_2070 : vector<16xi32> to vector<16xf32>
      %mul3A_2113 = arith.constant 0.693147182 : f32
      %mul3A_2114 = vector.broadcast %mul3A_2113 : f32 to vector<16xf32>
      %mul3A_2115 = arith.mulf %convert_element_type3A_2112, %mul3A_2114 : vector<16xf32>
      %add3A_2116 = arith.addf %mul3A_2115, %add3A_2111 : vector<16xf32>
      %div3A_2117 = arith.constant 1.000000e+00 : f32
      %div3A_2118 = vector.broadcast %div3A_2117 : f32 to vector<16xf32>
      %div3A_2119 = arith.divf %div3A_2118, %select_n3A_1971 : vector<16xf32>
      %mul3A_2120 = arith.mulf %mul3A_85, %div3A_2119 : vector<16xf32>
      %sub3A_2121 = arith.subf %sub3A_339, %mul3A_2120 : vector<16xf32>
      %sub3A_2122 = arith.subf %sub3A_2121, %add3A_2042 : vector<16xf32>
      %mul3A_2123 = arith.mulf %select_n3A_50, %add3A_2116 : vector<16xf32>
      %add3A_2124 = arith.addf %sub3A_2122, %mul3A_2123 : vector<16xf32>
      %jit3A_2125 = arith.constant -1.000000e+01 : f32
      %jit3A_2126 = arith.constant 1.000000e+01 : f32
      %max3A_2127 = vector.broadcast %jit3A_2125 : f32 to vector<16xf32>
      %max3A_2128 = arith.maximumf %max3A_2127, %add3A_2124 : vector<16xf32>
      %min3A_2129 = vector.broadcast %jit3A_2126 : f32 to vector<16xf32>
      %min3A_2130 = arith.minimumf %min3A_2129, %max3A_2128 : vector<16xf32>
      %mul3A_2131 = arith.mulf %mul3A_86, %div3A_2119 : vector<16xf32>
      %sub3A_2132 = arith.subf %sub3A_598, %mul3A_2131 : vector<16xf32>
      %sub3A_2133 = arith.subf %sub3A_2132, %add3A_2042 : vector<16xf32>
      %mul3A_2134 = arith.mulf %select_n3A_56, %add3A_2116 : vector<16xf32>
      %add3A_2135 = arith.addf %sub3A_2133, %mul3A_2134 : vector<16xf32>
      %jit3A_2136 = arith.constant -1.000000e+01 : f32
      %jit3A_2137 = arith.constant 1.000000e+01 : f32
      %max3A_2138 = vector.broadcast %jit3A_2136 : f32 to vector<16xf32>
      %max3A_2139 = arith.maximumf %max3A_2138, %add3A_2135 : vector<16xf32>
      %min3A_2140 = vector.broadcast %jit3A_2137 : f32 to vector<16xf32>
      %min3A_2141 = arith.minimumf %min3A_2140, %max3A_2139 : vector<16xf32>
      %exp3A_2142 = math.exp %min3A_2130 : vector<16xf32>
      %sub3A_2143 = arith.constant 1.500000e+01 : f32
      %sub3A_2144 = vector.broadcast %sub3A_2143 : f32 to vector<16xf32>
      %sub3A_2145 = arith.subf %sub3A_2144, %exp3A_2142 : vector<16xf32>
      %exp3A_2146 = math.exp %min3A_2141 : vector<16xf32>
      %sub3A_2147 = arith.constant 1.500000e+01 : f32
      %sub3A_2148 = vector.broadcast %sub3A_2147 : f32 to vector<16xf32>
      %sub3A_2149 = arith.subf %sub3A_2148, %exp3A_2146 : vector<16xf32>
      %div3A_2150 = arith.divf %sub3A_2145, %sub3A_2149 : vector<16xf32>
      %jit3A_2151 = arith.constant 1.000000e+00 : f32
      %broadcast_in_dim3A_2152 = vector.broadcast %jit3A_2151 : f32 to vector<16xf32>
      %select_n3A_2153 = arith.select %and3A_1968, %div3A_2150, %broadcast_in_dim3A_2152 : vector<16xi1>, vector<16xf32>
      %mul3A_2154 = arith.mulf %mul3A_1959, %select_n3A_2153 : vector<16xf32>
      %add3A_2155 = vector.broadcast %mul3A_602 : i32 to vector<16xi32>
      %add3A_2156 = arith.addi %iota3A, %add3A_2155 : vector<16xi32>
      %broadcast_in_dim3A_2157 = arith.constant 8 : i32
      %broadcast_in_dim3A_2158 = vector.broadcast %broadcast_in_dim3A_2157 : i32 to vector<16xi32>
      %gather3A_2159 = tpu.vector_load_idx %arg6[%add3A_2156, %broadcast_in_dim3A_2158] : memref<256x16xf32, #tpu.memory_space<vmem>>[vector<16xi32>, vector<16xi32>], vector<16xf32>,
      %ne3A_2160 = arith.constant 0.000000e+00 : f32
      %ne3A_2161 = vector.broadcast %ne3A_2160 : f32 to vector<16xf32>
      %ne3A_2162 = arith.cmpf one, %gather3A_2159, %ne3A_2161 : vector<16xf32>
      %and3A_2163 = arith.andi %lt3A_83, %ne3A_2162 : vector<16xi1>
      %jit3A_2164 = arith.constant 5.000000e-01 : f32
      %broadcast_in_dim3A_2165 = vector.broadcast %jit3A_2164 : f32 to vector<16xf32>
      %select_n3A_2166 = arith.select %and3A_2163, %gather3A_2159, %broadcast_in_dim3A_2165 : vector<16xi1>, vector<16xf32>
      %bitcast_convert_type3A_2167 = tpu.bitcast %select_n3A_2166 : vector<16xf32> -> vector<16xi32>
      %shift_right_arithmetic3A_2168 = arith.constant 23 : i32
      %shift_right_arithmetic3A_2169 = vector.broadcast %shift_right_arithmetic3A_2168 : i32 to vector<16xi32>
      %shift_right_arithmetic3A_2170 = arith.shrsi %bitcast_convert_type3A_2167, %shift_right_arithmetic3A_2169 : vector<16xi32>
      %sub3A_2171 = arith.constant 127 : i32
      %sub3A_2172 = vector.broadcast %sub3A_2171 : i32 to vector<16xi32>
      %sub3A_2173 = arith.subi %shift_right_arithmetic3A_2170, %sub3A_2172 : vector<16xi32>
      %and3A_2174 = arith.constant 8388607 : i32
      %and3A_2175 = vector.broadcast %and3A_2174 : i32 to vector<16xi32>
      %and3A_2176 = arith.andi %bitcast_convert_type3A_2167, %and3A_2175 : vector<16xi32>
      %or3A_2177 = arith.constant 1065353216 : i32
      %or3A_2178 = vector.broadcast %or3A_2177 : i32 to vector<16xi32>
      %or3A_2179 = arith.ori %and3A_2176, %or3A_2178 : vector<16xi32>
      %bitcast_convert_type3A_2180 = tpu.bitcast %or3A_2179 : vector<16xi32> -> vector<16xf32>
      %gt3A_2181 = arith.constant 1.41421354 : f32
      %gt3A_2182 = vector.broadcast %gt3A_2181 : f32 to vector<16xf32>
      %gt3A_2183 = arith.cmpf ogt, %bitcast_convert_type3A_2180, %gt3A_2182 : vector<16xf32>
      %mul3A_2184 = arith.constant 5.000000e-01 : f32
      %mul3A_2185 = vector.broadcast %mul3A_2184 : f32 to vector<16xf32>
      %mul3A_2186 = arith.mulf %bitcast_convert_type3A_2180, %mul3A_2185 : vector<16xf32>
      %select_n3A_2187 = arith.select %gt3A_2183, %mul3A_2186, %bitcast_convert_type3A_2180 : vector<16xi1>, vector<16xf32>
      %add3A_2188 = arith.constant 1 : i32
      %add3A_2189 = vector.broadcast %add3A_2188 : i32 to vector<16xi32>
      %add3A_2190 = arith.addi %sub3A_2173, %add3A_2189 : vector<16xi32>
      %select_n3A_2191 = arith.select %gt3A_2183, %add3A_2190, %sub3A_2173 : vector<16xi1>, vector<16xi32>
      %sub3A_2192 = arith.constant 1.000000e+00 : f32
      %sub3A_2193 = vector.broadcast %sub3A_2192 : f32 to vector<16xf32>
      %sub3A_2194 = arith.subf %select_n3A_2187, %sub3A_2193 : vector<16xf32>
      %broadcast_in_dim3A_2195 = arith.constant 0.0838350877 : f32
      %broadcast_in_dim3A_2196 = vector.broadcast %broadcast_in_dim3A_2195 : f32 to vector<16xf32>
      %mul3A_2197 = arith.mulf %broadcast_in_dim3A_2196, %sub3A_2194 : vector<16xf32>
      %add3A_2198 = arith.constant -0.142965987 : f32
      %add3A_2199 = vector.broadcast %add3A_2198 : f32 to vector<16xf32>
      %add3A_2200 = arith.addf %mul3A_2197, %add3A_2199 : vector<16xf32>
      %mul3A_2201 = arith.mulf %add3A_2200, %sub3A_2194 : vector<16xf32>
      %add3A_2202 = arith.constant 0.150563762 : f32
      %add3A_2203 = vector.broadcast %add3A_2202 : f32 to vector<16xf32>
      %add3A_2204 = arith.addf %mul3A_2201, %add3A_2203 : vector<16xf32>
      %mul3A_2205 = arith.mulf %add3A_2204, %sub3A_2194 : vector<16xf32>
      %add3A_2206 = arith.constant -0.165757507 : f32
      %add3A_2207 = vector.broadcast %add3A_2206 : f32 to vector<16xf32>
      %add3A_2208 = arith.addf %mul3A_2205, %add3A_2207 : vector<16xf32>
      %mul3A_2209 = arith.mulf %add3A_2208, %sub3A_2194 : vector<16xf32>
      %add3A_2210 = arith.constant 0.199447781 : f32
      %add3A_2211 = vector.broadcast %add3A_2210 : f32 to vector<16xf32>
      %add3A_2212 = arith.addf %mul3A_2209, %add3A_2211 : vector<16xf32>
      %mul3A_2213 = arith.mulf %add3A_2212, %sub3A_2194 : vector<16xf32>
      %add3A_2214 = arith.constant -0.250012517 : f32
      %add3A_2215 = vector.broadcast %add3A_2214 : f32 to vector<16xf32>
      %add3A_2216 = arith.addf %mul3A_2213, %add3A_2215 : vector<16xf32>
      %mul3A_2217 = arith.mulf %add3A_2216, %sub3A_2194 : vector<16xf32>
      %add3A_2218 = arith.constant 0.333347321 : f32
      %add3A_2219 = vector.broadcast %add3A_2218 : f32 to vector<16xf32>
      %add3A_2220 = arith.addf %mul3A_2217, %add3A_2219 : vector<16xf32>
      %mul3A_2221 = arith.mulf %add3A_2220, %sub3A_2194 : vector<16xf32>
      %add3A_2222 = arith.constant -5.000000e-01 : f32
      %add3A_2223 = vector.broadcast %add3A_2222 : f32 to vector<16xf32>
      %add3A_2224 = arith.addf %mul3A_2221, %add3A_2223 : vector<16xf32>
      %mul3A_2225 = arith.mulf %add3A_2224, %sub3A_2194 : vector<16xf32>
      %add3A_2226 = arith.constant 0.99999988 : f32
      %add3A_2227 = vector.broadcast %add3A_2226 : f32 to vector<16xf32>
      %add3A_2228 = arith.addf %mul3A_2225, %add3A_2227 : vector<16xf32>
      %mul3A_2229 = arith.mulf %add3A_2228, %sub3A_2194 : vector<16xf32>
      %add3A_2230 = arith.constant 2.6434574E-10 : f32
      %add3A_2231 = vector.broadcast %add3A_2230 : f32 to vector<16xf32>
      %add3A_2232 = arith.addf %mul3A_2229, %add3A_2231 : vector<16xf32>
      %convert_element_type3A_2233 = arith.sitofp %select_n3A_2191 : vector<16xi32> to vector<16xf32>
      %mul3A_2234 = arith.constant 0.693147182 : f32
      %mul3A_2235 = vector.broadcast %mul3A_2234 : f32 to vector<16xf32>
      %mul3A_2236 = arith.mulf %convert_element_type3A_2233, %mul3A_2235 : vector<16xf32>
      %add3A_2237 = arith.addf %mul3A_2236, %add3A_2232 : vector<16xf32>
      %sub3A_2238 = arith.constant 1.000000e+00 : f32
      %sub3A_2239 = vector.broadcast %sub3A_2238 : f32 to vector<16xf32>
      %sub3A_2240 = arith.subf %sub3A_2239, %select_n3A_2166 : vector<16xf32>
      %bitcast_convert_type3A_2241 = tpu.bitcast %sub3A_2240 : vector<16xf32> -> vector<16xi32>
      %shift_right_arithmetic3A_2242 = arith.constant 23 : i32
      %shift_right_arithmetic3A_2243 = vector.broadcast %shift_right_arithmetic3A_2242 : i32 to vector<16xi32>
      %shift_right_arithmetic3A_2244 = arith.shrsi %bitcast_convert_type3A_2241, %shift_right_arithmetic3A_2243 : vector<16xi32>
      %sub3A_2245 = arith.constant 127 : i32
      %sub3A_2246 = vector.broadcast %sub3A_2245 : i32 to vector<16xi32>
      %sub3A_2247 = arith.subi %shift_right_arithmetic3A_2244, %sub3A_2246 : vector<16xi32>
      %and3A_2248 = arith.constant 8388607 : i32
      %and3A_2249 = vector.broadcast %and3A_2248 : i32 to vector<16xi32>
      %and3A_2250 = arith.andi %bitcast_convert_type3A_2241, %and3A_2249 : vector<16xi32>
      %or3A_2251 = arith.constant 1065353216 : i32
      %or3A_2252 = vector.broadcast %or3A_2251 : i32 to vector<16xi32>
      %or3A_2253 = arith.ori %and3A_2250, %or3A_2252 : vector<16xi32>
      %bitcast_convert_type3A_2254 = tpu.bitcast %or3A_2253 : vector<16xi32> -> vector<16xf32>
      %gt3A_2255 = arith.constant 1.41421354 : f32
      %gt3A_2256 = vector.broadcast %gt3A_2255 : f32 to vector<16xf32>
      %gt3A_2257 = arith.cmpf ogt, %bitcast_convert_type3A_2254, %gt3A_2256 : vector<16xf32>
      %mul3A_2258 = arith.constant 5.000000e-01 : f32
      %mul3A_2259 = vector.broadcast %mul3A_2258 : f32 to vector<16xf32>
      %mul3A_2260 = arith.mulf %bitcast_convert_type3A_2254, %mul3A_2259 : vector<16xf32>
      %select_n3A_2261 = arith.select %gt3A_2257, %mul3A_2260, %bitcast_convert_type3A_2254 : vector<16xi1>, vector<16xf32>
      %add3A_2262 = arith.constant 1 : i32
      %add3A_2263 = vector.broadcast %add3A_2262 : i32 to vector<16xi32>
      %add3A_2264 = arith.addi %sub3A_2247, %add3A_2263 : vector<16xi32>
      %select_n3A_2265 = arith.select %gt3A_2257, %add3A_2264, %sub3A_2247 : vector<16xi1>, vector<16xi32>
      %sub3A_2266 = arith.constant 1.000000e+00 : f32
      %sub3A_2267 = vector.broadcast %sub3A_2266 : f32 to vector<16xf32>
      %sub3A_2268 = arith.subf %select_n3A_2261, %sub3A_2267 : vector<16xf32>
      %broadcast_in_dim3A_2269 = arith.constant 0.0838350877 : f32
      %broadcast_in_dim3A_2270 = vector.broadcast %broadcast_in_dim3A_2269 : f32 to vector<16xf32>
      %mul3A_2271 = arith.mulf %broadcast_in_dim3A_2270, %sub3A_2268 : vector<16xf32>
      %add3A_2272 = arith.constant -0.142965987 : f32
      %add3A_2273 = vector.broadcast %add3A_2272 : f32 to vector<16xf32>
      %add3A_2274 = arith.addf %mul3A_2271, %add3A_2273 : vector<16xf32>
      %mul3A_2275 = arith.mulf %add3A_2274, %sub3A_2268 : vector<16xf32>
      %add3A_2276 = arith.constant 0.150563762 : f32
      %add3A_2277 = vector.broadcast %add3A_2276 : f32 to vector<16xf32>
      %add3A_2278 = arith.addf %mul3A_2275, %add3A_2277 : vector<16xf32>
      %mul3A_2279 = arith.mulf %add3A_2278, %sub3A_2268 : vector<16xf32>
      %add3A_2280 = arith.constant -0.165757507 : f32
      %add3A_2281 = vector.broadcast %add3A_2280 : f32 to vector<16xf32>
      %add3A_2282 = arith.addf %mul3A_2279, %add3A_2281 : vector<16xf32>
      %mul3A_2283 = arith.mulf %add3A_2282, %sub3A_2268 : vector<16xf32>
      %add3A_2284 = arith.constant 0.199447781 : f32
      %add3A_2285 = vector.broadcast %add3A_2284 : f32 to vector<16xf32>
      %add3A_2286 = arith.addf %mul3A_2283, %add3A_2285 : vector<16xf32>
      %mul3A_2287 = arith.mulf %add3A_2286, %sub3A_2268 : vector<16xf32>
      %add3A_2288 = arith.constant -0.250012517 : f32
      %add3A_2289 = vector.broadcast %add3A_2288 : f32 to vector<16xf32>
      %add3A_2290 = arith.addf %mul3A_2287, %add3A_2289 : vector<16xf32>
      %mul3A_2291 = arith.mulf %add3A_2290, %sub3A_2268 : vector<16xf32>
      %add3A_2292 = arith.constant 0.333347321 : f32
      %add3A_2293 = vector.broadcast %add3A_2292 : f32 to vector<16xf32>
      %add3A_2294 = arith.addf %mul3A_2291, %add3A_2293 : vector<16xf32>
      %mul3A_2295 = arith.mulf %add3A_2294, %sub3A_2268 : vector<16xf32>
      %add3A_2296 = arith.constant -5.000000e-01 : f32
      %add3A_2297 = vector.broadcast %add3A_2296 : f32 to vector<16xf32>
      %add3A_2298 = arith.addf %mul3A_2295, %add3A_2297 : vector<16xf32>
      %mul3A_2299 = arith.mulf %add3A_2298, %sub3A_2268 : vector<16xf32>
      %add3A_2300 = arith.constant 0.99999988 : f32
      %add3A_2301 = vector.broadcast %add3A_2300 : f32 to vector<16xf32>
      %add3A_2302 = arith.addf %mul3A_2299, %add3A_2301 : vector<16xf32>
      %mul3A_2303 = arith.mulf %add3A_2302, %sub3A_2268 : vector<16xf32>
      %add3A_2304 = arith.constant 2.6434574E-10 : f32
      %add3A_2305 = vector.broadcast %add3A_2304 : f32 to vector<16xf32>
      %add3A_2306 = arith.addf %mul3A_2303, %add3A_2305 : vector<16xf32>
      %convert_element_type3A_2307 = arith.sitofp %select_n3A_2265 : vector<16xi32> to vector<16xf32>
      %mul3A_2308 = arith.constant 0.693147182 : f32
      %mul3A_2309 = vector.broadcast %mul3A_2308 : f32 to vector<16xf32>
      %mul3A_2310 = arith.mulf %convert_element_type3A_2307, %mul3A_2309 : vector<16xf32>
      %add3A_2311 = arith.addf %mul3A_2310, %add3A_2306 : vector<16xf32>
      %div3A_2312 = arith.constant 1.000000e+00 : f32
      %div3A_2313 = vector.broadcast %div3A_2312 : f32 to vector<16xf32>
      %div3A_2314 = arith.divf %div3A_2313, %select_n3A_2166 : vector<16xf32>
      %mul3A_2315 = arith.mulf %mul3A_85, %div3A_2314 : vector<16xf32>
      %sub3A_2316 = arith.subf %sub3A_339, %mul3A_2315 : vector<16xf32>
      %sub3A_2317 = arith.subf %sub3A_2316, %add3A_2237 : vector<16xf32>
      %mul3A_2318 = arith.mulf %select_n3A_50, %add3A_2311 : vector<16xf32>
      %add3A_2319 = arith.addf %sub3A_2317, %mul3A_2318 : vector<16xf32>
      %jit3A_2320 = arith.constant -1.000000e+01 : f32
      %jit3A_2321 = arith.constant 1.000000e+01 : f32
      %max3A_2322 = vector.broadcast %jit3A_2320 : f32 to vector<16xf32>
      %max3A_2323 = arith.maximumf %max3A_2322, %add3A_2319 : vector<16xf32>
      %min3A_2324 = vector.broadcast %jit3A_2321 : f32 to vector<16xf32>
      %min3A_2325 = arith.minimumf %min3A_2324, %max3A_2323 : vector<16xf32>
      %mul3A_2326 = arith.mulf %mul3A_86, %div3A_2314 : vector<16xf32>
      %sub3A_2327 = arith.subf %sub3A_598, %mul3A_2326 : vector<16xf32>
      %sub3A_2328 = arith.subf %sub3A_2327, %add3A_2237 : vector<16xf32>
      %mul3A_2329 = arith.mulf %select_n3A_56, %add3A_2311 : vector<16xf32>
      %add3A_2330 = arith.addf %sub3A_2328, %mul3A_2329 : vector<16xf32>
      %jit3A_2331 = arith.constant -1.000000e+01 : f32
      %jit3A_2332 = arith.constant 1.000000e+01 : f32
      %max3A_2333 = vector.broadcast %jit3A_2331 : f32 to vector<16xf32>
      %max3A_2334 = arith.maximumf %max3A_2333, %add3A_2330 : vector<16xf32>
      %min3A_2335 = vector.broadcast %jit3A_2332 : f32 to vector<16xf32>
      %min3A_2336 = arith.minimumf %min3A_2335, %max3A_2334 : vector<16xf32>
      %exp3A_2337 = math.exp %min3A_2325 : vector<16xf32>
      %sub3A_2338 = arith.constant 1.500000e+01 : f32
      %sub3A_2339 = vector.broadcast %sub3A_2338 : f32 to vector<16xf32>
      %sub3A_2340 = arith.subf %sub3A_2339, %exp3A_2337 : vector<16xf32>
      %exp3A_2341 = math.exp %min3A_2336 : vector<16xf32>
      %sub3A_2342 = arith.constant 1.500000e+01 : f32
      %sub3A_2343 = vector.broadcast %sub3A_2342 : f32 to vector<16xf32>
      %sub3A_2344 = arith.subf %sub3A_2343, %exp3A_2341 : vector<16xf32>
      %div3A_2345 = arith.divf %sub3A_2340, %sub3A_2344 : vector<16xf32>
      %jit3A_2346 = arith.constant 1.000000e+00 : f32
      %broadcast_in_dim3A_2347 = vector.broadcast %jit3A_2346 : f32 to vector<16xf32>
      %select_n3A_2348 = arith.select %and3A_2163, %div3A_2345, %broadcast_in_dim3A_2347 : vector<16xi1>, vector<16xf32>
      %mul3A_2349 = arith.mulf %mul3A_2154, %select_n3A_2348 : vector<16xf32>
      %add3A_2350 = vector.broadcast %mul3A_602 : i32 to vector<16xi32>
      %add3A_2351 = arith.addi %iota3A, %add3A_2350 : vector<16xi32>
      %broadcast_in_dim3A_2352 = arith.constant 9 : i32
      %broadcast_in_dim3A_2353 = vector.broadcast %broadcast_in_dim3A_2352 : i32 to vector<16xi32>
      %gather3A_2354 = tpu.vector_load_idx %arg6[%add3A_2351, %broadcast_in_dim3A_2353] : memref<256x16xf32, #tpu.memory_space<vmem>>[vector<16xi32>, vector<16xi32>], vector<16xf32>,
      %ne3A_2355 = arith.constant 0.000000e+00 : f32
      %ne3A_2356 = vector.broadcast %ne3A_2355 : f32 to vector<16xf32>
      %ne3A_2357 = arith.cmpf one, %gather3A_2354, %ne3A_2356 : vector<16xf32>
      %and3A_2358 = arith.andi %lt3A_83, %ne3A_2357 : vector<16xi1>
      %jit3A_2359 = arith.constant 5.000000e-01 : f32
      %broadcast_in_dim3A_2360 = vector.broadcast %jit3A_2359 : f32 to vector<16xf32>
      %select_n3A_2361 = arith.select %and3A_2358, %gather3A_2354, %broadcast_in_dim3A_2360 : vector<16xi1>, vector<16xf32>
      %bitcast_convert_type3A_2362 = tpu.bitcast %select_n3A_2361 : vector<16xf32> -> vector<16xi32>
      %shift_right_arithmetic3A_2363 = arith.constant 23 : i32
      %shift_right_arithmetic3A_2364 = vector.broadcast %shift_right_arithmetic3A_2363 : i32 to vector<16xi32>
      %shift_right_arithmetic3A_2365 = arith.shrsi %bitcast_convert_type3A_2362, %shift_right_arithmetic3A_2364 : vector<16xi32>
      %sub3A_2366 = arith.constant 127 : i32
      %sub3A_2367 = vector.broadcast %sub3A_2366 : i32 to vector<16xi32>
      %sub3A_2368 = arith.subi %shift_right_arithmetic3A_2365, %sub3A_2367 : vector<16xi32>
      %and3A_2369 = arith.constant 8388607 : i32
      %and3A_2370 = vector.broadcast %and3A_2369 : i32 to vector<16xi32>
      %and3A_2371 = arith.andi %bitcast_convert_type3A_2362, %and3A_2370 : vector<16xi32>
      %or3A_2372 = arith.constant 1065353216 : i32
      %or3A_2373 = vector.broadcast %or3A_2372 : i32 to vector<16xi32>
      %or3A_2374 = arith.ori %and3A_2371, %or3A_2373 : vector<16xi32>
      %bitcast_convert_type3A_2375 = tpu.bitcast %or3A_2374 : vector<16xi32> -> vector<16xf32>
      %gt3A_2376 = arith.constant 1.41421354 : f32
      %gt3A_2377 = vector.broadcast %gt3A_2376 : f32 to vector<16xf32>
      %gt3A_2378 = arith.cmpf ogt, %bitcast_convert_type3A_2375, %gt3A_2377 : vector<16xf32>
      %mul3A_2379 = arith.constant 5.000000e-01 : f32
      %mul3A_2380 = vector.broadcast %mul3A_2379 : f32 to vector<16xf32>
      %mul3A_2381 = arith.mulf %bitcast_convert_type3A_2375, %mul3A_2380 : vector<16xf32>
      %select_n3A_2382 = arith.select %gt3A_2378, %mul3A_2381, %bitcast_convert_type3A_2375 : vector<16xi1>, vector<16xf32>
      %add3A_2383 = arith.constant 1 : i32
      %add3A_2384 = vector.broadcast %add3A_2383 : i32 to vector<16xi32>
      %add3A_2385 = arith.addi %sub3A_2368, %add3A_2384 : vector<16xi32>
      %select_n3A_2386 = arith.select %gt3A_2378, %add3A_2385, %sub3A_2368 : vector<16xi1>, vector<16xi32>
      %sub3A_2387 = arith.constant 1.000000e+00 : f32
      %sub3A_2388 = vector.broadcast %sub3A_2387 : f32 to vector<16xf32>
      %sub3A_2389 = arith.subf %select_n3A_2382, %sub3A_2388 : vector<16xf32>
      %broadcast_in_dim3A_2390 = arith.constant 0.0838350877 : f32
      %broadcast_in_dim3A_2391 = vector.broadcast %broadcast_in_dim3A_2390 : f32 to vector<16xf32>
      %mul3A_2392 = arith.mulf %broadcast_in_dim3A_2391, %sub3A_2389 : vector<16xf32>
      %add3A_2393 = arith.constant -0.142965987 : f32
      %add3A_2394 = vector.broadcast %add3A_2393 : f32 to vector<16xf32>
      %add3A_2395 = arith.addf %mul3A_2392, %add3A_2394 : vector<16xf32>
      %mul3A_2396 = arith.mulf %add3A_2395, %sub3A_2389 : vector<16xf32>
      %add3A_2397 = arith.constant 0.150563762 : f32
      %add3A_2398 = vector.broadcast %add3A_2397 : f32 to vector<16xf32>
      %add3A_2399 = arith.addf %mul3A_2396, %add3A_2398 : vector<16xf32>
      %mul3A_2400 = arith.mulf %add3A_2399, %sub3A_2389 : vector<16xf32>
      %add3A_2401 = arith.constant -0.165757507 : f32
      %add3A_2402 = vector.broadcast %add3A_2401 : f32 to vector<16xf32>
      %add3A_2403 = arith.addf %mul3A_2400, %add3A_2402 : vector<16xf32>
      %mul3A_2404 = arith.mulf %add3A_2403, %sub3A_2389 : vector<16xf32>
      %add3A_2405 = arith.constant 0.199447781 : f32
      %add3A_2406 = vector.broadcast %add3A_2405 : f32 to vector<16xf32>
      %add3A_2407 = arith.addf %mul3A_2404, %add3A_2406 : vector<16xf32>
      %mul3A_2408 = arith.mulf %add3A_2407, %sub3A_2389 : vector<16xf32>
      %add3A_2409 = arith.constant -0.250012517 : f32
      %add3A_2410 = vector.broadcast %add3A_2409 : f32 to vector<16xf32>
      %add3A_2411 = arith.addf %mul3A_2408, %add3A_2410 : vector<16xf32>
      %mul3A_2412 = arith.mulf %add3A_2411, %sub3A_2389 : vector<16xf32>
      %add3A_2413 = arith.constant 0.333347321 : f32
      %add3A_2414 = vector.broadcast %add3A_2413 : f32 to vector<16xf32>
      %add3A_2415 = arith.addf %mul3A_2412, %add3A_2414 : vector<16xf32>
      %mul3A_2416 = arith.mulf %add3A_2415, %sub3A_2389 : vector<16xf32>
      %add3A_2417 = arith.constant -5.000000e-01 : f32
      %add3A_2418 = vector.broadcast %add3A_2417 : f32 to vector<16xf32>
      %add3A_2419 = arith.addf %mul3A_2416, %add3A_2418 : vector<16xf32>
      %mul3A_2420 = arith.mulf %add3A_2419, %sub3A_2389 : vector<16xf32>
      %add3A_2421 = arith.constant 0.99999988 : f32
      %add3A_2422 = vector.broadcast %add3A_2421 : f32 to vector<16xf32>
      %add3A_2423 = arith.addf %mul3A_2420, %add3A_2422 : vector<16xf32>
      %mul3A_2424 = arith.mulf %add3A_2423, %sub3A_2389 : vector<16xf32>
      %add3A_2425 = arith.constant 2.6434574E-10 : f32
      %add3A_2426 = vector.broadcast %add3A_2425 : f32 to vector<16xf32>
      %add3A_2427 = arith.addf %mul3A_2424, %add3A_2426 : vector<16xf32>
      %convert_element_type3A_2428 = arith.sitofp %select_n3A_2386 : vector<16xi32> to vector<16xf32>
      %mul3A_2429 = arith.constant 0.693147182 : f32
      %mul3A_2430 = vector.broadcast %mul3A_2429 : f32 to vector<16xf32>
      %mul3A_2431 = arith.mulf %convert_element_type3A_2428, %mul3A_2430 : vector<16xf32>
      %add3A_2432 = arith.addf %mul3A_2431, %add3A_2427 : vector<16xf32>
      %sub3A_2433 = arith.constant 1.000000e+00 : f32
      %sub3A_2434 = vector.broadcast %sub3A_2433 : f32 to vector<16xf32>
      %sub3A_2435 = arith.subf %sub3A_2434, %select_n3A_2361 : vector<16xf32>
      %bitcast_convert_type3A_2436 = tpu.bitcast %sub3A_2435 : vector<16xf32> -> vector<16xi32>
      %shift_right_arithmetic3A_2437 = arith.constant 23 : i32
      %shift_right_arithmetic3A_2438 = vector.broadcast %shift_right_arithmetic3A_2437 : i32 to vector<16xi32>
      %shift_right_arithmetic3A_2439 = arith.shrsi %bitcast_convert_type3A_2436, %shift_right_arithmetic3A_2438 : vector<16xi32>
      %sub3A_2440 = arith.constant 127 : i32
      %sub3A_2441 = vector.broadcast %sub3A_2440 : i32 to vector<16xi32>
      %sub3A_2442 = arith.subi %shift_right_arithmetic3A_2439, %sub3A_2441 : vector<16xi32>
      %and3A_2443 = arith.constant 8388607 : i32
      %and3A_2444 = vector.broadcast %and3A_2443 : i32 to vector<16xi32>
      %and3A_2445 = arith.andi %bitcast_convert_type3A_2436, %and3A_2444 : vector<16xi32>
      %or3A_2446 = arith.constant 1065353216 : i32
      %or3A_2447 = vector.broadcast %or3A_2446 : i32 to vector<16xi32>
      %or3A_2448 = arith.ori %and3A_2445, %or3A_2447 : vector<16xi32>
      %bitcast_convert_type3A_2449 = tpu.bitcast %or3A_2448 : vector<16xi32> -> vector<16xf32>
      %gt3A_2450 = arith.constant 1.41421354 : f32
      %gt3A_2451 = vector.broadcast %gt3A_2450 : f32 to vector<16xf32>
      %gt3A_2452 = arith.cmpf ogt, %bitcast_convert_type3A_2449, %gt3A_2451 : vector<16xf32>
      %mul3A_2453 = arith.constant 5.000000e-01 : f32
      %mul3A_2454 = vector.broadcast %mul3A_2453 : f32 to vector<16xf32>
      %mul3A_2455 = arith.mulf %bitcast_convert_type3A_2449, %mul3A_2454 : vector<16xf32>
      %select_n3A_2456 = arith.select %gt3A_2452, %mul3A_2455, %bitcast_convert_type3A_2449 : vector<16xi1>, vector<16xf32>
      %add3A_2457 = arith.constant 1 : i32
      %add3A_2458 = vector.broadcast %add3A_2457 : i32 to vector<16xi32>
      %add3A_2459 = arith.addi %sub3A_2442, %add3A_2458 : vector<16xi32>
      %select_n3A_2460 = arith.select %gt3A_2452, %add3A_2459, %sub3A_2442 : vector<16xi1>, vector<16xi32>
      %sub3A_2461 = arith.constant 1.000000e+00 : f32
      %sub3A_2462 = vector.broadcast %sub3A_2461 : f32 to vector<16xf32>
      %sub3A_2463 = arith.subf %select_n3A_2456, %sub3A_2462 : vector<16xf32>
      %broadcast_in_dim3A_2464 = arith.constant 0.0838350877 : f32
      %broadcast_in_dim3A_2465 = vector.broadcast %broadcast_in_dim3A_2464 : f32 to vector<16xf32>
      %mul3A_2466 = arith.mulf %broadcast_in_dim3A_2465, %sub3A_2463 : vector<16xf32>
      %add3A_2467 = arith.constant -0.142965987 : f32
      %add3A_2468 = vector.broadcast %add3A_2467 : f32 to vector<16xf32>
      %add3A_2469 = arith.addf %mul3A_2466, %add3A_2468 : vector<16xf32>
      %mul3A_2470 = arith.mulf %add3A_2469, %sub3A_2463 : vector<16xf32>
      %add3A_2471 = arith.constant 0.150563762 : f32
      %add3A_2472 = vector.broadcast %add3A_2471 : f32 to vector<16xf32>
      %add3A_2473 = arith.addf %mul3A_2470, %add3A_2472 : vector<16xf32>
      %mul3A_2474 = arith.mulf %add3A_2473, %sub3A_2463 : vector<16xf32>
      %add3A_2475 = arith.constant -0.165757507 : f32
      %add3A_2476 = vector.broadcast %add3A_2475 : f32 to vector<16xf32>
      %add3A_2477 = arith.addf %mul3A_2474, %add3A_2476 : vector<16xf32>
      %mul3A_2478 = arith.mulf %add3A_2477, %sub3A_2463 : vector<16xf32>
      %add3A_2479 = arith.constant 0.199447781 : f32
      %add3A_2480 = vector.broadcast %add3A_2479 : f32 to vector<16xf32>
      %add3A_2481 = arith.addf %mul3A_2478, %add3A_2480 : vector<16xf32>
      %mul3A_2482 = arith.mulf %add3A_2481, %sub3A_2463 : vector<16xf32>
      %add3A_2483 = arith.constant -0.250012517 : f32
      %add3A_2484 = vector.broadcast %add3A_2483 : f32 to vector<16xf32>
      %add3A_2485 = arith.addf %mul3A_2482, %add3A_2484 : vector<16xf32>
      %mul3A_2486 = arith.mulf %add3A_2485, %sub3A_2463 : vector<16xf32>
      %add3A_2487 = arith.constant 0.333347321 : f32
      %add3A_2488 = vector.broadcast %add3A_2487 : f32 to vector<16xf32>
      %add3A_2489 = arith.addf %mul3A_2486, %add3A_2488 : vector<16xf32>
      %mul3A_2490 = arith.mulf %add3A_2489, %sub3A_2463 : vector<16xf32>
      %add3A_2491 = arith.constant -5.000000e-01 : f32
      %add3A_2492 = vector.broadcast %add3A_2491 : f32 to vector<16xf32>
      %add3A_2493 = arith.addf %mul3A_2490, %add3A_2492 : vector<16xf32>
      %mul3A_2494 = arith.mulf %add3A_2493, %sub3A_2463 : vector<16xf32>
      %add3A_2495 = arith.constant 0.99999988 : f32
      %add3A_2496 = vector.broadcast %add3A_2495 : f32 to vector<16xf32>
      %add3A_2497 = arith.addf %mul3A_2494, %add3A_2496 : vector<16xf32>
      %mul3A_2498 = arith.mulf %add3A_2497, %sub3A_2463 : vector<16xf32>
      %add3A_2499 = arith.constant 2.6434574E-10 : f32
      %add3A_2500 = vector.broadcast %add3A_2499 : f32 to vector<16xf32>
      %add3A_2501 = arith.addf %mul3A_2498, %add3A_2500 : vector<16xf32>
      %convert_element_type3A_2502 = arith.sitofp %select_n3A_2460 : vector<16xi32> to vector<16xf32>
      %mul3A_2503 = arith.constant 0.693147182 : f32
      %mul3A_2504 = vector.broadcast %mul3A_2503 : f32 to vector<16xf32>
      %mul3A_2505 = arith.mulf %convert_element_type3A_2502, %mul3A_2504 : vector<16xf32>
      %add3A_2506 = arith.addf %mul3A_2505, %add3A_2501 : vector<16xf32>
      %div3A_2507 = arith.constant 1.000000e+00 : f32
      %div3A_2508 = vector.broadcast %div3A_2507 : f32 to vector<16xf32>
      %div3A_2509 = arith.divf %div3A_2508, %select_n3A_2361 : vector<16xf32>
      %mul3A_2510 = arith.mulf %mul3A_85, %div3A_2509 : vector<16xf32>
      %sub3A_2511 = arith.subf %sub3A_339, %mul3A_2510 : vector<16xf32>
      %sub3A_2512 = arith.subf %sub3A_2511, %add3A_2432 : vector<16xf32>
      %mul3A_2513 = arith.mulf %select_n3A_50, %add3A_2506 : vector<16xf32>
      %add3A_2514 = arith.addf %sub3A_2512, %mul3A_2513 : vector<16xf32>
      %jit3A_2515 = arith.constant -1.000000e+01 : f32
      %jit3A_2516 = arith.constant 1.000000e+01 : f32
      %max3A_2517 = vector.broadcast %jit3A_2515 : f32 to vector<16xf32>
      %max3A_2518 = arith.maximumf %max3A_2517, %add3A_2514 : vector<16xf32>
      %min3A_2519 = vector.broadcast %jit3A_2516 : f32 to vector<16xf32>
      %min3A_2520 = arith.minimumf %min3A_2519, %max3A_2518 : vector<16xf32>
      %mul3A_2521 = arith.mulf %mul3A_86, %div3A_2509 : vector<16xf32>
      %sub3A_2522 = arith.subf %sub3A_598, %mul3A_2521 : vector<16xf32>
      %sub3A_2523 = arith.subf %sub3A_2522, %add3A_2432 : vector<16xf32>
      %mul3A_2524 = arith.mulf %select_n3A_56, %add3A_2506 : vector<16xf32>
      %add3A_2525 = arith.addf %sub3A_2523, %mul3A_2524 : vector<16xf32>
      %jit3A_2526 = arith.constant -1.000000e+01 : f32
      %jit3A_2527 = arith.constant 1.000000e+01 : f32
      %max3A_2528 = vector.broadcast %jit3A_2526 : f32 to vector<16xf32>
      %max3A_2529 = arith.maximumf %max3A_2528, %add3A_2525 : vector<16xf32>
      %min3A_2530 = vector.broadcast %jit3A_2527 : f32 to vector<16xf32>
      %min3A_2531 = arith.minimumf %min3A_2530, %max3A_2529 : vector<16xf32>
      %exp3A_2532 = math.exp %min3A_2520 : vector<16xf32>
      %sub3A_2533 = arith.constant 1.500000e+01 : f32
      %sub3A_2534 = vector.broadcast %sub3A_2533 : f32 to vector<16xf32>
      %sub3A_2535 = arith.subf %sub3A_2534, %exp3A_2532 : vector<16xf32>
      %exp3A_2536 = math.exp %min3A_2531 : vector<16xf32>
      %sub3A_2537 = arith.constant 1.500000e+01 : f32
      %sub3A_2538 = vector.broadcast %sub3A_2537 : f32 to vector<16xf32>
      %sub3A_2539 = arith.subf %sub3A_2538, %exp3A_2536 : vector<16xf32>
      %div3A_2540 = arith.divf %sub3A_2535, %sub3A_2539 : vector<16xf32>
      %jit3A_2541 = arith.constant 1.000000e+00 : f32
      %broadcast_in_dim3A_2542 = vector.broadcast %jit3A_2541 : f32 to vector<16xf32>
      %select_n3A_2543 = arith.select %and3A_2358, %div3A_2540, %broadcast_in_dim3A_2542 : vector<16xi1>, vector<16xf32>
      %mul3A_2544 = arith.mulf %mul3A_2349, %select_n3A_2543 : vector<16xf32>
      %add3A_2545 = vector.broadcast %mul3A_602 : i32 to vector<16xi32>
      %add3A_2546 = arith.addi %iota3A, %add3A_2545 : vector<16xi32>
      %broadcast_in_dim3A_2547 = arith.constant 10 : i32
      %broadcast_in_dim3A_2548 = vector.broadcast %broadcast_in_dim3A_2547 : i32 to vector<16xi32>
      %gather3A_2549 = tpu.vector_load_idx %arg6[%add3A_2546, %broadcast_in_dim3A_2548] : memref<256x16xf32, #tpu.memory_space<vmem>>[vector<16xi32>, vector<16xi32>], vector<16xf32>,
      %ne3A_2550 = arith.constant 0.000000e+00 : f32
      %ne3A_2551 = vector.broadcast %ne3A_2550 : f32 to vector<16xf32>
      %ne3A_2552 = arith.cmpf one, %gather3A_2549, %ne3A_2551 : vector<16xf32>
      %and3A_2553 = arith.andi %lt3A_83, %ne3A_2552 : vector<16xi1>
      %jit3A_2554 = arith.constant 5.000000e-01 : f32
      %broadcast_in_dim3A_2555 = vector.broadcast %jit3A_2554 : f32 to vector<16xf32>
      %select_n3A_2556 = arith.select %and3A_2553, %gather3A_2549, %broadcast_in_dim3A_2555 : vector<16xi1>, vector<16xf32>
      %bitcast_convert_type3A_2557 = tpu.bitcast %select_n3A_2556 : vector<16xf32> -> vector<16xi32>
      %shift_right_arithmetic3A_2558 = arith.constant 23 : i32
      %shift_right_arithmetic3A_2559 = vector.broadcast %shift_right_arithmetic3A_2558 : i32 to vector<16xi32>
      %shift_right_arithmetic3A_2560 = arith.shrsi %bitcast_convert_type3A_2557, %shift_right_arithmetic3A_2559 : vector<16xi32>
      %sub3A_2561 = arith.constant 127 : i32
      %sub3A_2562 = vector.broadcast %sub3A_2561 : i32 to vector<16xi32>
      %sub3A_2563 = arith.subi %shift_right_arithmetic3A_2560, %sub3A_2562 : vector<16xi32>
      %and3A_2564 = arith.constant 8388607 : i32
      %and3A_2565 = vector.broadcast %and3A_2564 : i32 to vector<16xi32>
      %and3A_2566 = arith.andi %bitcast_convert_type3A_2557, %and3A_2565 : vector<16xi32>
      %or3A_2567 = arith.constant 1065353216 : i32
      %or3A_2568 = vector.broadcast %or3A_2567 : i32 to vector<16xi32>
      %or3A_2569 = arith.ori %and3A_2566, %or3A_2568 : vector<16xi32>
      %bitcast_convert_type3A_2570 = tpu.bitcast %or3A_2569 : vector<16xi32> -> vector<16xf32>
      %gt3A_2571 = arith.constant 1.41421354 : f32
      %gt3A_2572 = vector.broadcast %gt3A_2571 : f32 to vector<16xf32>
      %gt3A_2573 = arith.cmpf ogt, %bitcast_convert_type3A_2570, %gt3A_2572 : vector<16xf32>
      %mul3A_2574 = arith.constant 5.000000e-01 : f32
      %mul3A_2575 = vector.broadcast %mul3A_2574 : f32 to vector<16xf32>
      %mul3A_2576 = arith.mulf %bitcast_convert_type3A_2570, %mul3A_2575 : vector<16xf32>
      %select_n3A_2577 = arith.select %gt3A_2573, %mul3A_2576, %bitcast_convert_type3A_2570 : vector<16xi1>, vector<16xf32>
      %add3A_2578 = arith.constant 1 : i32
      %add3A_2579 = vector.broadcast %add3A_2578 : i32 to vector<16xi32>
      %add3A_2580 = arith.addi %sub3A_2563, %add3A_2579 : vector<16xi32>
      %select_n3A_2581 = arith.select %gt3A_2573, %add3A_2580, %sub3A_2563 : vector<16xi1>, vector<16xi32>
      %sub3A_2582 = arith.constant 1.000000e+00 : f32
      %sub3A_2583 = vector.broadcast %sub3A_2582 : f32 to vector<16xf32>
      %sub3A_2584 = arith.subf %select_n3A_2577, %sub3A_2583 : vector<16xf32>
      %broadcast_in_dim3A_2585 = arith.constant 0.0838350877 : f32
      %broadcast_in_dim3A_2586 = vector.broadcast %broadcast_in_dim3A_2585 : f32 to vector<16xf32>
      %mul3A_2587 = arith.mulf %broadcast_in_dim3A_2586, %sub3A_2584 : vector<16xf32>
      %add3A_2588 = arith.constant -0.142965987 : f32
      %add3A_2589 = vector.broadcast %add3A_2588 : f32 to vector<16xf32>
      %add3A_2590 = arith.addf %mul3A_2587, %add3A_2589 : vector<16xf32>
      %mul3A_2591 = arith.mulf %add3A_2590, %sub3A_2584 : vector<16xf32>
      %add3A_2592 = arith.constant 0.150563762 : f32
      %add3A_2593 = vector.broadcast %add3A_2592 : f32 to vector<16xf32>
      %add3A_2594 = arith.addf %mul3A_2591, %add3A_2593 : vector<16xf32>
      %mul3A_2595 = arith.mulf %add3A_2594, %sub3A_2584 : vector<16xf32>
      %add3A_2596 = arith.constant -0.165757507 : f32
      %add3A_2597 = vector.broadcast %add3A_2596 : f32 to vector<16xf32>
      %add3A_2598 = arith.addf %mul3A_2595, %add3A_2597 : vector<16xf32>
      %mul3A_2599 = arith.mulf %add3A_2598, %sub3A_2584 : vector<16xf32>
      %add3A_2600 = arith.constant 0.199447781 : f32
      %add3A_2601 = vector.broadcast %add3A_2600 : f32 to vector<16xf32>
      %add3A_2602 = arith.addf %mul3A_2599, %add3A_2601 : vector<16xf32>
      %mul3A_2603 = arith.mulf %add3A_2602, %sub3A_2584 : vector<16xf32>
      %add3A_2604 = arith.constant -0.250012517 : f32
      %add3A_2605 = vector.broadcast %add3A_2604 : f32 to vector<16xf32>
      %add3A_2606 = arith.addf %mul3A_2603, %add3A_2605 : vector<16xf32>
      %mul3A_2607 = arith.mulf %add3A_2606, %sub3A_2584 : vector<16xf32>
      %add3A_2608 = arith.constant 0.333347321 : f32
      %add3A_2609 = vector.broadcast %add3A_2608 : f32 to vector<16xf32>
      %add3A_2610 = arith.addf %mul3A_2607, %add3A_2609 : vector<16xf32>
      %mul3A_2611 = arith.mulf %add3A_2610, %sub3A_2584 : vector<16xf32>
      %add3A_2612 = arith.constant -5.000000e-01 : f32
      %add3A_2613 = vector.broadcast %add3A_2612 : f32 to vector<16xf32>
      %add3A_2614 = arith.addf %mul3A_2611, %add3A_2613 : vector<16xf32>
      %mul3A_2615 = arith.mulf %add3A_2614, %sub3A_2584 : vector<16xf32>
      %add3A_2616 = arith.constant 0.99999988 : f32
      %add3A_2617 = vector.broadcast %add3A_2616 : f32 to vector<16xf32>
      %add3A_2618 = arith.addf %mul3A_2615, %add3A_2617 : vector<16xf32>
      %mul3A_2619 = arith.mulf %add3A_2618, %sub3A_2584 : vector<16xf32>
      %add3A_2620 = arith.constant 2.6434574E-10 : f32
      %add3A_2621 = vector.broadcast %add3A_2620 : f32 to vector<16xf32>
      %add3A_2622 = arith.addf %mul3A_2619, %add3A_2621 : vector<16xf32>
      %convert_element_type3A_2623 = arith.sitofp %select_n3A_2581 : vector<16xi32> to vector<16xf32>
      %mul3A_2624 = arith.constant 0.693147182 : f32
      %mul3A_2625 = vector.broadcast %mul3A_2624 : f32 to vector<16xf32>
      %mul3A_2626 = arith.mulf %convert_element_type3A_2623, %mul3A_2625 : vector<16xf32>
      %add3A_2627 = arith.addf %mul3A_2626, %add3A_2622 : vector<16xf32>
      %sub3A_2628 = arith.constant 1.000000e+00 : f32
      %sub3A_2629 = vector.broadcast %sub3A_2628 : f32 to vector<16xf32>
      %sub3A_2630 = arith.subf %sub3A_2629, %select_n3A_2556 : vector<16xf32>
      %bitcast_convert_type3A_2631 = tpu.bitcast %sub3A_2630 : vector<16xf32> -> vector<16xi32>
      %shift_right_arithmetic3A_2632 = arith.constant 23 : i32
      %shift_right_arithmetic3A_2633 = vector.broadcast %shift_right_arithmetic3A_2632 : i32 to vector<16xi32>
      %shift_right_arithmetic3A_2634 = arith.shrsi %bitcast_convert_type3A_2631, %shift_right_arithmetic3A_2633 : vector<16xi32>
      %sub3A_2635 = arith.constant 127 : i32
      %sub3A_2636 = vector.broadcast %sub3A_2635 : i32 to vector<16xi32>
      %sub3A_2637 = arith.subi %shift_right_arithmetic3A_2634, %sub3A_2636 : vector<16xi32>
      %and3A_2638 = arith.constant 8388607 : i32
      %and3A_2639 = vector.broadcast %and3A_2638 : i32 to vector<16xi32>
      %and3A_2640 = arith.andi %bitcast_convert_type3A_2631, %and3A_2639 : vector<16xi32>
      %or3A_2641 = arith.constant 1065353216 : i32
      %or3A_2642 = vector.broadcast %or3A_2641 : i32 to vector<16xi32>
      %or3A_2643 = arith.ori %and3A_2640, %or3A_2642 : vector<16xi32>
      %bitcast_convert_type3A_2644 = tpu.bitcast %or3A_2643 : vector<16xi32> -> vector<16xf32>
      %gt3A_2645 = arith.constant 1.41421354 : f32
      %gt3A_2646 = vector.broadcast %gt3A_2645 : f32 to vector<16xf32>
      %gt3A_2647 = arith.cmpf ogt, %bitcast_convert_type3A_2644, %gt3A_2646 : vector<16xf32>
      %mul3A_2648 = arith.constant 5.000000e-01 : f32
      %mul3A_2649 = vector.broadcast %mul3A_2648 : f32 to vector<16xf32>
      %mul3A_2650 = arith.mulf %bitcast_convert_type3A_2644, %mul3A_2649 : vector<16xf32>
      %select_n3A_2651 = arith.select %gt3A_2647, %mul3A_2650, %bitcast_convert_type3A_2644 : vector<16xi1>, vector<16xf32>
      %add3A_2652 = arith.constant 1 : i32
      %add3A_2653 = vector.broadcast %add3A_2652 : i32 to vector<16xi32>
      %add3A_2654 = arith.addi %sub3A_2637, %add3A_2653 : vector<16xi32>
      %select_n3A_2655 = arith.select %gt3A_2647, %add3A_2654, %sub3A_2637 : vector<16xi1>, vector<16xi32>
      %sub3A_2656 = arith.constant 1.000000e+00 : f32
      %sub3A_2657 = vector.broadcast %sub3A_2656 : f32 to vector<16xf32>
      %sub3A_2658 = arith.subf %select_n3A_2651, %sub3A_2657 : vector<16xf32>
      %broadcast_in_dim3A_2659 = arith.constant 0.0838350877 : f32
      %broadcast_in_dim3A_2660 = vector.broadcast %broadcast_in_dim3A_2659 : f32 to vector<16xf32>
      %mul3A_2661 = arith.mulf %broadcast_in_dim3A_2660, %sub3A_2658 : vector<16xf32>
      %add3A_2662 = arith.constant -0.142965987 : f32
      %add3A_2663 = vector.broadcast %add3A_2662 : f32 to vector<16xf32>
      %add3A_2664 = arith.addf %mul3A_2661, %add3A_2663 : vector<16xf32>
      %mul3A_2665 = arith.mulf %add3A_2664, %sub3A_2658 : vector<16xf32>
      %add3A_2666 = arith.constant 0.150563762 : f32
      %add3A_2667 = vector.broadcast %add3A_2666 : f32 to vector<16xf32>
      %add3A_2668 = arith.addf %mul3A_2665, %add3A_2667 : vector<16xf32>
      %mul3A_2669 = arith.mulf %add3A_2668, %sub3A_2658 : vector<16xf32>
      %add3A_2670 = arith.constant -0.165757507 : f32
      %add3A_2671 = vector.broadcast %add3A_2670 : f32 to vector<16xf32>
      %add3A_2672 = arith.addf %mul3A_2669, %add3A_2671 : vector<16xf32>
      %mul3A_2673 = arith.mulf %add3A_2672, %sub3A_2658 : vector<16xf32>
      %add3A_2674 = arith.constant 0.199447781 : f32
      %add3A_2675 = vector.broadcast %add3A_2674 : f32 to vector<16xf32>
      %add3A_2676 = arith.addf %mul3A_2673, %add3A_2675 : vector<16xf32>
      %mul3A_2677 = arith.mulf %add3A_2676, %sub3A_2658 : vector<16xf32>
      %add3A_2678 = arith.constant -0.250012517 : f32
      %add3A_2679 = vector.broadcast %add3A_2678 : f32 to vector<16xf32>
      %add3A_2680 = arith.addf %mul3A_2677, %add3A_2679 : vector<16xf32>
      %mul3A_2681 = arith.mulf %add3A_2680, %sub3A_2658 : vector<16xf32>
      %add3A_2682 = arith.constant 0.333347321 : f32
      %add3A_2683 = vector.broadcast %add3A_2682 : f32 to vector<16xf32>
      %add3A_2684 = arith.addf %mul3A_2681, %add3A_2683 : vector<16xf32>
      %mul3A_2685 = arith.mulf %add3A_2684, %sub3A_2658 : vector<16xf32>
      %add3A_2686 = arith.constant -5.000000e-01 : f32
      %add3A_2687 = vector.broadcast %add3A_2686 : f32 to vector<16xf32>
      %add3A_2688 = arith.addf %mul3A_2685, %add3A_2687 : vector<16xf32>
      %mul3A_2689 = arith.mulf %add3A_2688, %sub3A_2658 : vector<16xf32>
      %add3A_2690 = arith.constant 0.99999988 : f32
      %add3A_2691 = vector.broadcast %add3A_2690 : f32 to vector<16xf32>
      %add3A_2692 = arith.addf %mul3A_2689, %add3A_2691 : vector<16xf32>
      %mul3A_2693 = arith.mulf %add3A_2692, %sub3A_2658 : vector<16xf32>
      %add3A_2694 = arith.constant 2.6434574E-10 : f32
      %add3A_2695 = vector.broadcast %add3A_2694 : f32 to vector<16xf32>
      %add3A_2696 = arith.addf %mul3A_2693, %add3A_2695 : vector<16xf32>
      %convert_element_type3A_2697 = arith.sitofp %select_n3A_2655 : vector<16xi32> to vector<16xf32>
      %mul3A_2698 = arith.constant 0.693147182 : f32
      %mul3A_2699 = vector.broadcast %mul3A_2698 : f32 to vector<16xf32>
      %mul3A_2700 = arith.mulf %convert_element_type3A_2697, %mul3A_2699 : vector<16xf32>
      %add3A_2701 = arith.addf %mul3A_2700, %add3A_2696 : vector<16xf32>
      %div3A_2702 = arith.constant 1.000000e+00 : f32
      %div3A_2703 = vector.broadcast %div3A_2702 : f32 to vector<16xf32>
      %div3A_2704 = arith.divf %div3A_2703, %select_n3A_2556 : vector<16xf32>
      %mul3A_2705 = arith.mulf %mul3A_85, %div3A_2704 : vector<16xf32>
      %sub3A_2706 = arith.subf %sub3A_339, %mul3A_2705 : vector<16xf32>
      %sub3A_2707 = arith.subf %sub3A_2706, %add3A_2627 : vector<16xf32>
      %mul3A_2708 = arith.mulf %select_n3A_50, %add3A_2701 : vector<16xf32>
      %add3A_2709 = arith.addf %sub3A_2707, %mul3A_2708 : vector<16xf32>
      %jit3A_2710 = arith.constant -1.000000e+01 : f32
      %jit3A_2711 = arith.constant 1.000000e+01 : f32
      %max3A_2712 = vector.broadcast %jit3A_2710 : f32 to vector<16xf32>
      %max3A_2713 = arith.maximumf %max3A_2712, %add3A_2709 : vector<16xf32>
      %min3A_2714 = vector.broadcast %jit3A_2711 : f32 to vector<16xf32>
      %min3A_2715 = arith.minimumf %min3A_2714, %max3A_2713 : vector<16xf32>
      %mul3A_2716 = arith.mulf %mul3A_86, %div3A_2704 : vector<16xf32>
      %sub3A_2717 = arith.subf %sub3A_598, %mul3A_2716 : vector<16xf32>
      %sub3A_2718 = arith.subf %sub3A_2717, %add3A_2627 : vector<16xf32>
      %mul3A_2719 = arith.mulf %select_n3A_56, %add3A_2701 : vector<16xf32>
      %add3A_2720 = arith.addf %sub3A_2718, %mul3A_2719 : vector<16xf32>
      %jit3A_2721 = arith.constant -1.000000e+01 : f32
      %jit3A_2722 = arith.constant 1.000000e+01 : f32
      %max3A_2723 = vector.broadcast %jit3A_2721 : f32 to vector<16xf32>
      %max3A_2724 = arith.maximumf %max3A_2723, %add3A_2720 : vector<16xf32>
      %min3A_2725 = vector.broadcast %jit3A_2722 : f32 to vector<16xf32>
      %min3A_2726 = arith.minimumf %min3A_2725, %max3A_2724 : vector<16xf32>
      %exp3A_2727 = math.exp %min3A_2715 : vector<16xf32>
      %sub3A_2728 = arith.constant 1.500000e+01 : f32
      %sub3A_2729 = vector.broadcast %sub3A_2728 : f32 to vector<16xf32>
      %sub3A_2730 = arith.subf %sub3A_2729, %exp3A_2727 : vector<16xf32>
      %exp3A_2731 = math.exp %min3A_2726 : vector<16xf32>
      %sub3A_2732 = arith.constant 1.500000e+01 : f32
      %sub3A_2733 = vector.broadcast %sub3A_2732 : f32 to vector<16xf32>
      %sub3A_2734 = arith.subf %sub3A_2733, %exp3A_2731 : vector<16xf32>
      %div3A_2735 = arith.divf %sub3A_2730, %sub3A_2734 : vector<16xf32>
      %jit3A_2736 = arith.constant 1.000000e+00 : f32
      %broadcast_in_dim3A_2737 = vector.broadcast %jit3A_2736 : f32 to vector<16xf32>
      %select_n3A_2738 = arith.select %and3A_2553, %div3A_2735, %broadcast_in_dim3A_2737 : vector<16xi1>, vector<16xf32>
      %mul3A_2739 = arith.mulf %mul3A_2544, %select_n3A_2738 : vector<16xf32>
      %add3A_2740 = vector.broadcast %mul3A_602 : i32 to vector<16xi32>
      %add3A_2741 = arith.addi %iota3A, %add3A_2740 : vector<16xi32>
      %broadcast_in_dim3A_2742 = arith.constant 11 : i32
      %broadcast_in_dim3A_2743 = vector.broadcast %broadcast_in_dim3A_2742 : i32 to vector<16xi32>
      %gather3A_2744 = tpu.vector_load_idx %arg6[%add3A_2741, %broadcast_in_dim3A_2743] : memref<256x16xf32, #tpu.memory_space<vmem>>[vector<16xi32>, vector<16xi32>], vector<16xf32>,
      %ne3A_2745 = arith.constant 0.000000e+00 : f32
      %ne3A_2746 = vector.broadcast %ne3A_2745 : f32 to vector<16xf32>
      %ne3A_2747 = arith.cmpf one, %gather3A_2744, %ne3A_2746 : vector<16xf32>
      %and3A_2748 = arith.andi %lt3A_83, %ne3A_2747 : vector<16xi1>
      %jit3A_2749 = arith.constant 5.000000e-01 : f32
      %broadcast_in_dim3A_2750 = vector.broadcast %jit3A_2749 : f32 to vector<16xf32>
      %select_n3A_2751 = arith.select %and3A_2748, %gather3A_2744, %broadcast_in_dim3A_2750 : vector<16xi1>, vector<16xf32>
      %bitcast_convert_type3A_2752 = tpu.bitcast %select_n3A_2751 : vector<16xf32> -> vector<16xi32>
      %shift_right_arithmetic3A_2753 = arith.constant 23 : i32
      %shift_right_arithmetic3A_2754 = vector.broadcast %shift_right_arithmetic3A_2753 : i32 to vector<16xi32>
      %shift_right_arithmetic3A_2755 = arith.shrsi %bitcast_convert_type3A_2752, %shift_right_arithmetic3A_2754 : vector<16xi32>
      %sub3A_2756 = arith.constant 127 : i32
      %sub3A_2757 = vector.broadcast %sub3A_2756 : i32 to vector<16xi32>
      %sub3A_2758 = arith.subi %shift_right_arithmetic3A_2755, %sub3A_2757 : vector<16xi32>
      %and3A_2759 = arith.constant 8388607 : i32
      %and3A_2760 = vector.broadcast %and3A_2759 : i32 to vector<16xi32>
      %and3A_2761 = arith.andi %bitcast_convert_type3A_2752, %and3A_2760 : vector<16xi32>
      %or3A_2762 = arith.constant 1065353216 : i32
      %or3A_2763 = vector.broadcast %or3A_2762 : i32 to vector<16xi32>
      %or3A_2764 = arith.ori %and3A_2761, %or3A_2763 : vector<16xi32>
      %bitcast_convert_type3A_2765 = tpu.bitcast %or3A_2764 : vector<16xi32> -> vector<16xf32>
      %gt3A_2766 = arith.constant 1.41421354 : f32
      %gt3A_2767 = vector.broadcast %gt3A_2766 : f32 to vector<16xf32>
      %gt3A_2768 = arith.cmpf ogt, %bitcast_convert_type3A_2765, %gt3A_2767 : vector<16xf32>
      %mul3A_2769 = arith.constant 5.000000e-01 : f32
      %mul3A_2770 = vector.broadcast %mul3A_2769 : f32 to vector<16xf32>
      %mul3A_2771 = arith.mulf %bitcast_convert_type3A_2765, %mul3A_2770 : vector<16xf32>
      %select_n3A_2772 = arith.select %gt3A_2768, %mul3A_2771, %bitcast_convert_type3A_2765 : vector<16xi1>, vector<16xf32>
      %add3A_2773 = arith.constant 1 : i32
      %add3A_2774 = vector.broadcast %add3A_2773 : i32 to vector<16xi32>
      %add3A_2775 = arith.addi %sub3A_2758, %add3A_2774 : vector<16xi32>
      %select_n3A_2776 = arith.select %gt3A_2768, %add3A_2775, %sub3A_2758 : vector<16xi1>, vector<16xi32>
      %sub3A_2777 = arith.constant 1.000000e+00 : f32
      %sub3A_2778 = vector.broadcast %sub3A_2777 : f32 to vector<16xf32>
      %sub3A_2779 = arith.subf %select_n3A_2772, %sub3A_2778 : vector<16xf32>
      %broadcast_in_dim3A_2780 = arith.constant 0.0838350877 : f32
      %broadcast_in_dim3A_2781 = vector.broadcast %broadcast_in_dim3A_2780 : f32 to vector<16xf32>
      %mul3A_2782 = arith.mulf %broadcast_in_dim3A_2781, %sub3A_2779 : vector<16xf32>
      %add3A_2783 = arith.constant -0.142965987 : f32
      %add3A_2784 = vector.broadcast %add3A_2783 : f32 to vector<16xf32>
      %add3A_2785 = arith.addf %mul3A_2782, %add3A_2784 : vector<16xf32>
      %mul3A_2786 = arith.mulf %add3A_2785, %sub3A_2779 : vector<16xf32>
      %add3A_2787 = arith.constant 0.150563762 : f32
      %add3A_2788 = vector.broadcast %add3A_2787 : f32 to vector<16xf32>
      %add3A_2789 = arith.addf %mul3A_2786, %add3A_2788 : vector<16xf32>
      %mul3A_2790 = arith.mulf %add3A_2789, %sub3A_2779 : vector<16xf32>
      %add3A_2791 = arith.constant -0.165757507 : f32
      %add3A_2792 = vector.broadcast %add3A_2791 : f32 to vector<16xf32>
      %add3A_2793 = arith.addf %mul3A_2790, %add3A_2792 : vector<16xf32>
      %mul3A_2794 = arith.mulf %add3A_2793, %sub3A_2779 : vector<16xf32>
      %add3A_2795 = arith.constant 0.199447781 : f32
      %add3A_2796 = vector.broadcast %add3A_2795 : f32 to vector<16xf32>
      %add3A_2797 = arith.addf %mul3A_2794, %add3A_2796 : vector<16xf32>
      %mul3A_2798 = arith.mulf %add3A_2797, %sub3A_2779 : vector<16xf32>
      %add3A_2799 = arith.constant -0.250012517 : f32
      %add3A_2800 = vector.broadcast %add3A_2799 : f32 to vector<16xf32>
      %add3A_2801 = arith.addf %mul3A_2798, %add3A_2800 : vector<16xf32>
      %mul3A_2802 = arith.mulf %add3A_2801, %sub3A_2779 : vector<16xf32>
      %add3A_2803 = arith.constant 0.333347321 : f32
      %add3A_2804 = vector.broadcast %add3A_2803 : f32 to vector<16xf32>
      %add3A_2805 = arith.addf %mul3A_2802, %add3A_2804 : vector<16xf32>
      %mul3A_2806 = arith.mulf %add3A_2805, %sub3A_2779 : vector<16xf32>
      %add3A_2807 = arith.constant -5.000000e-01 : f32
      %add3A_2808 = vector.broadcast %add3A_2807 : f32 to vector<16xf32>
      %add3A_2809 = arith.addf %mul3A_2806, %add3A_2808 : vector<16xf32>
      %mul3A_2810 = arith.mulf %add3A_2809, %sub3A_2779 : vector<16xf32>
      %add3A_2811 = arith.constant 0.99999988 : f32
      %add3A_2812 = vector.broadcast %add3A_2811 : f32 to vector<16xf32>
      %add3A_2813 = arith.addf %mul3A_2810, %add3A_2812 : vector<16xf32>
      %mul3A_2814 = arith.mulf %add3A_2813, %sub3A_2779 : vector<16xf32>
      %add3A_2815 = arith.constant 2.6434574E-10 : f32
      %add3A_2816 = vector.broadcast %add3A_2815 : f32 to vector<16xf32>
      %add3A_2817 = arith.addf %mul3A_2814, %add3A_2816 : vector<16xf32>
      %convert_element_type3A_2818 = arith.sitofp %select_n3A_2776 : vector<16xi32> to vector<16xf32>
      %mul3A_2819 = arith.constant 0.693147182 : f32
      %mul3A_2820 = vector.broadcast %mul3A_2819 : f32 to vector<16xf32>
      %mul3A_2821 = arith.mulf %convert_element_type3A_2818, %mul3A_2820 : vector<16xf32>
      %add3A_2822 = arith.addf %mul3A_2821, %add3A_2817 : vector<16xf32>
      %sub3A_2823 = arith.constant 1.000000e+00 : f32
      %sub3A_2824 = vector.broadcast %sub3A_2823 : f32 to vector<16xf32>
      %sub3A_2825 = arith.subf %sub3A_2824, %select_n3A_2751 : vector<16xf32>
      %bitcast_convert_type3A_2826 = tpu.bitcast %sub3A_2825 : vector<16xf32> -> vector<16xi32>
      %shift_right_arithmetic3A_2827 = arith.constant 23 : i32
      %shift_right_arithmetic3A_2828 = vector.broadcast %shift_right_arithmetic3A_2827 : i32 to vector<16xi32>
      %shift_right_arithmetic3A_2829 = arith.shrsi %bitcast_convert_type3A_2826, %shift_right_arithmetic3A_2828 : vector<16xi32>
      %sub3A_2830 = arith.constant 127 : i32
      %sub3A_2831 = vector.broadcast %sub3A_2830 : i32 to vector<16xi32>
      %sub3A_2832 = arith.subi %shift_right_arithmetic3A_2829, %sub3A_2831 : vector<16xi32>
      %and3A_2833 = arith.constant 8388607 : i32
      %and3A_2834 = vector.broadcast %and3A_2833 : i32 to vector<16xi32>
      %and3A_2835 = arith.andi %bitcast_convert_type3A_2826, %and3A_2834 : vector<16xi32>
      %or3A_2836 = arith.constant 1065353216 : i32
      %or3A_2837 = vector.broadcast %or3A_2836 : i32 to vector<16xi32>
      %or3A_2838 = arith.ori %and3A_2835, %or3A_2837 : vector<16xi32>
      %bitcast_convert_type3A_2839 = tpu.bitcast %or3A_2838 : vector<16xi32> -> vector<16xf32>
      %gt3A_2840 = arith.constant 1.41421354 : f32
      %gt3A_2841 = vector.broadcast %gt3A_2840 : f32 to vector<16xf32>
      %gt3A_2842 = arith.cmpf ogt, %bitcast_convert_type3A_2839, %gt3A_2841 : vector<16xf32>
      %mul3A_2843 = arith.constant 5.000000e-01 : f32
      %mul3A_2844 = vector.broadcast %mul3A_2843 : f32 to vector<16xf32>
      %mul3A_2845 = arith.mulf %bitcast_convert_type3A_2839, %mul3A_2844 : vector<16xf32>
      %select_n3A_2846 = arith.select %gt3A_2842, %mul3A_2845, %bitcast_convert_type3A_2839 : vector<16xi1>, vector<16xf32>
      %add3A_2847 = arith.constant 1 : i32
      %add3A_2848 = vector.broadcast %add3A_2847 : i32 to vector<16xi32>
      %add3A_2849 = arith.addi %sub3A_2832, %add3A_2848 : vector<16xi32>
      %select_n3A_2850 = arith.select %gt3A_2842, %add3A_2849, %sub3A_2832 : vector<16xi1>, vector<16xi32>
      %sub3A_2851 = arith.constant 1.000000e+00 : f32
      %sub3A_2852 = vector.broadcast %sub3A_2851 : f32 to vector<16xf32>
      %sub3A_2853 = arith.subf %select_n3A_2846, %sub3A_2852 : vector<16xf32>
      %broadcast_in_dim3A_2854 = arith.constant 0.0838350877 : f32
      %broadcast_in_dim3A_2855 = vector.broadcast %broadcast_in_dim3A_2854 : f32 to vector<16xf32>
      %mul3A_2856 = arith.mulf %broadcast_in_dim3A_2855, %sub3A_2853 : vector<16xf32>
      %add3A_2857 = arith.constant -0.142965987 : f32
      %add3A_2858 = vector.broadcast %add3A_2857 : f32 to vector<16xf32>
      %add3A_2859 = arith.addf %mul3A_2856, %add3A_2858 : vector<16xf32>
      %mul3A_2860 = arith.mulf %add3A_2859, %sub3A_2853 : vector<16xf32>
      %add3A_2861 = arith.constant 0.150563762 : f32
      %add3A_2862 = vector.broadcast %add3A_2861 : f32 to vector<16xf32>
      %add3A_2863 = arith.addf %mul3A_2860, %add3A_2862 : vector<16xf32>
      %mul3A_2864 = arith.mulf %add3A_2863, %sub3A_2853 : vector<16xf32>
      %add3A_2865 = arith.constant -0.165757507 : f32
      %add3A_2866 = vector.broadcast %add3A_2865 : f32 to vector<16xf32>
      %add3A_2867 = arith.addf %mul3A_2864, %add3A_2866 : vector<16xf32>
      %mul3A_2868 = arith.mulf %add3A_2867, %sub3A_2853 : vector<16xf32>
      %add3A_2869 = arith.constant 0.199447781 : f32
      %add3A_2870 = vector.broadcast %add3A_2869 : f32 to vector<16xf32>
      %add3A_2871 = arith.addf %mul3A_2868, %add3A_2870 : vector<16xf32>
      %mul3A_2872 = arith.mulf %add3A_2871, %sub3A_2853 : vector<16xf32>
      %add3A_2873 = arith.constant -0.250012517 : f32
      %add3A_2874 = vector.broadcast %add3A_2873 : f32 to vector<16xf32>
      %add3A_2875 = arith.addf %mul3A_2872, %add3A_2874 : vector<16xf32>
      %mul3A_2876 = arith.mulf %add3A_2875, %sub3A_2853 : vector<16xf32>
      %add3A_2877 = arith.constant 0.333347321 : f32
      %add3A_2878 = vector.broadcast %add3A_2877 : f32 to vector<16xf32>
      %add3A_2879 = arith.addf %mul3A_2876, %add3A_2878 : vector<16xf32>
      %mul3A_2880 = arith.mulf %add3A_2879, %sub3A_2853 : vector<16xf32>
      %add3A_2881 = arith.constant -5.000000e-01 : f32
      %add3A_2882 = vector.broadcast %add3A_2881 : f32 to vector<16xf32>
      %add3A_2883 = arith.addf %mul3A_2880, %add3A_2882 : vector<16xf32>
      %mul3A_2884 = arith.mulf %add3A_2883, %sub3A_2853 : vector<16xf32>
      %add3A_2885 = arith.constant 0.99999988 : f32
      %add3A_2886 = vector.broadcast %add3A_2885 : f32 to vector<16xf32>
      %add3A_2887 = arith.addf %mul3A_2884, %add3A_2886 : vector<16xf32>
      %mul3A_2888 = arith.mulf %add3A_2887, %sub3A_2853 : vector<16xf32>
      %add3A_2889 = arith.constant 2.6434574E-10 : f32
      %add3A_2890 = vector.broadcast %add3A_2889 : f32 to vector<16xf32>
      %add3A_2891 = arith.addf %mul3A_2888, %add3A_2890 : vector<16xf32>
      %convert_element_type3A_2892 = arith.sitofp %select_n3A_2850 : vector<16xi32> to vector<16xf32>
      %mul3A_2893 = arith.constant 0.693147182 : f32
      %mul3A_2894 = vector.broadcast %mul3A_2893 : f32 to vector<16xf32>
      %mul3A_2895 = arith.mulf %convert_element_type3A_2892, %mul3A_2894 : vector<16xf32>
      %add3A_2896 = arith.addf %mul3A_2895, %add3A_2891 : vector<16xf32>
      %div3A_2897 = arith.constant 1.000000e+00 : f32
      %div3A_2898 = vector.broadcast %div3A_2897 : f32 to vector<16xf32>
      %div3A_2899 = arith.divf %div3A_2898, %select_n3A_2751 : vector<16xf32>
      %mul3A_2900 = arith.mulf %mul3A_85, %div3A_2899 : vector<16xf32>
      %sub3A_2901 = arith.subf %sub3A_339, %mul3A_2900 : vector<16xf32>
      %sub3A_2902 = arith.subf %sub3A_2901, %add3A_2822 : vector<16xf32>
      %mul3A_2903 = arith.mulf %select_n3A_50, %add3A_2896 : vector<16xf32>
      %add3A_2904 = arith.addf %sub3A_2902, %mul3A_2903 : vector<16xf32>
      %jit3A_2905 = arith.constant -1.000000e+01 : f32
      %jit3A_2906 = arith.constant 1.000000e+01 : f32
      %max3A_2907 = vector.broadcast %jit3A_2905 : f32 to vector<16xf32>
      %max3A_2908 = arith.maximumf %max3A_2907, %add3A_2904 : vector<16xf32>
      %min3A_2909 = vector.broadcast %jit3A_2906 : f32 to vector<16xf32>
      %min3A_2910 = arith.minimumf %min3A_2909, %max3A_2908 : vector<16xf32>
      %mul3A_2911 = arith.mulf %mul3A_86, %div3A_2899 : vector<16xf32>
      %sub3A_2912 = arith.subf %sub3A_598, %mul3A_2911 : vector<16xf32>
      %sub3A_2913 = arith.subf %sub3A_2912, %add3A_2822 : vector<16xf32>
      %mul3A_2914 = arith.mulf %select_n3A_56, %add3A_2896 : vector<16xf32>
      %add3A_2915 = arith.addf %sub3A_2913, %mul3A_2914 : vector<16xf32>
      %jit3A_2916 = arith.constant -1.000000e+01 : f32
      %jit3A_2917 = arith.constant 1.000000e+01 : f32
      %max3A_2918 = vector.broadcast %jit3A_2916 : f32 to vector<16xf32>
      %max3A_2919 = arith.maximumf %max3A_2918, %add3A_2915 : vector<16xf32>
      %min3A_2920 = vector.broadcast %jit3A_2917 : f32 to vector<16xf32>
      %min3A_2921 = arith.minimumf %min3A_2920, %max3A_2919 : vector<16xf32>
      %exp3A_2922 = math.exp %min3A_2910 : vector<16xf32>
      %sub3A_2923 = arith.constant 1.500000e+01 : f32
      %sub3A_2924 = vector.broadcast %sub3A_2923 : f32 to vector<16xf32>
      %sub3A_2925 = arith.subf %sub3A_2924, %exp3A_2922 : vector<16xf32>
      %exp3A_2926 = math.exp %min3A_2921 : vector<16xf32>
      %sub3A_2927 = arith.constant 1.500000e+01 : f32
      %sub3A_2928 = vector.broadcast %sub3A_2927 : f32 to vector<16xf32>
      %sub3A_2929 = arith.subf %sub3A_2928, %exp3A_2926 : vector<16xf32>
      %div3A_2930 = arith.divf %sub3A_2925, %sub3A_2929 : vector<16xf32>
      %jit3A_2931 = arith.constant 1.000000e+00 : f32
      %broadcast_in_dim3A_2932 = vector.broadcast %jit3A_2931 : f32 to vector<16xf32>
      %select_n3A_2933 = arith.select %and3A_2748, %div3A_2930, %broadcast_in_dim3A_2932 : vector<16xi1>, vector<16xf32>
      %mul3A_2934 = arith.mulf %mul3A_2739, %select_n3A_2933 : vector<16xf32>
      %add3A_2935 = vector.broadcast %mul3A_602 : i32 to vector<16xi32>
      %add3A_2936 = arith.addi %iota3A, %add3A_2935 : vector<16xi32>
      %broadcast_in_dim3A_2937 = arith.constant 12 : i32
      %broadcast_in_dim3A_2938 = vector.broadcast %broadcast_in_dim3A_2937 : i32 to vector<16xi32>
      %gather3A_2939 = tpu.vector_load_idx %arg6[%add3A_2936, %broadcast_in_dim3A_2938] : memref<256x16xf32, #tpu.memory_space<vmem>>[vector<16xi32>, vector<16xi32>], vector<16xf32>,
      %ne3A_2940 = arith.constant 0.000000e+00 : f32
      %ne3A_2941 = vector.broadcast %ne3A_2940 : f32 to vector<16xf32>
      %ne3A_2942 = arith.cmpf one, %gather3A_2939, %ne3A_2941 : vector<16xf32>
      %and3A_2943 = arith.andi %lt3A_83, %ne3A_2942 : vector<16xi1>
      %jit3A_2944 = arith.constant 5.000000e-01 : f32
      %broadcast_in_dim3A_2945 = vector.broadcast %jit3A_2944 : f32 to vector<16xf32>
      %select_n3A_2946 = arith.select %and3A_2943, %gather3A_2939, %broadcast_in_dim3A_2945 : vector<16xi1>, vector<16xf32>
      %bitcast_convert_type3A_2947 = tpu.bitcast %select_n3A_2946 : vector<16xf32> -> vector<16xi32>
      %shift_right_arithmetic3A_2948 = arith.constant 23 : i32
      %shift_right_arithmetic3A_2949 = vector.broadcast %shift_right_arithmetic3A_2948 : i32 to vector<16xi32>
      %shift_right_arithmetic3A_2950 = arith.shrsi %bitcast_convert_type3A_2947, %shift_right_arithmetic3A_2949 : vector<16xi32>
      %sub3A_2951 = arith.constant 127 : i32
      %sub3A_2952 = vector.broadcast %sub3A_2951 : i32 to vector<16xi32>
      %sub3A_2953 = arith.subi %shift_right_arithmetic3A_2950, %sub3A_2952 : vector<16xi32>
      %and3A_2954 = arith.constant 8388607 : i32
      %and3A_2955 = vector.broadcast %and3A_2954 : i32 to vector<16xi32>
      %and3A_2956 = arith.andi %bitcast_convert_type3A_2947, %and3A_2955 : vector<16xi32>
      %or3A_2957 = arith.constant 1065353216 : i32
      %or3A_2958 = vector.broadcast %or3A_2957 : i32 to vector<16xi32>
      %or3A_2959 = arith.ori %and3A_2956, %or3A_2958 : vector<16xi32>
      %bitcast_convert_type3A_2960 = tpu.bitcast %or3A_2959 : vector<16xi32> -> vector<16xf32>
      %gt3A_2961 = arith.constant 1.41421354 : f32
      %gt3A_2962 = vector.broadcast %gt3A_2961 : f32 to vector<16xf32>
      %gt3A_2963 = arith.cmpf ogt, %bitcast_convert_type3A_2960, %gt3A_2962 : vector<16xf32>
      %mul3A_2964 = arith.constant 5.000000e-01 : f32
      %mul3A_2965 = vector.broadcast %mul3A_2964 : f32 to vector<16xf32>
      %mul3A_2966 = arith.mulf %bitcast_convert_type3A_2960, %mul3A_2965 : vector<16xf32>
      %select_n3A_2967 = arith.select %gt3A_2963, %mul3A_2966, %bitcast_convert_type3A_2960 : vector<16xi1>, vector<16xf32>
      %add3A_2968 = arith.constant 1 : i32
      %add3A_2969 = vector.broadcast %add3A_2968 : i32 to vector<16xi32>
      %add3A_2970 = arith.addi %sub3A_2953, %add3A_2969 : vector<16xi32>
      %select_n3A_2971 = arith.select %gt3A_2963, %add3A_2970, %sub3A_2953 : vector<16xi1>, vector<16xi32>
      %sub3A_2972 = arith.constant 1.000000e+00 : f32
      %sub3A_2973 = vector.broadcast %sub3A_2972 : f32 to vector<16xf32>
      %sub3A_2974 = arith.subf %select_n3A_2967, %sub3A_2973 : vector<16xf32>
      %broadcast_in_dim3A_2975 = arith.constant 0.0838350877 : f32
      %broadcast_in_dim3A_2976 = vector.broadcast %broadcast_in_dim3A_2975 : f32 to vector<16xf32>
      %mul3A_2977 = arith.mulf %broadcast_in_dim3A_2976, %sub3A_2974 : vector<16xf32>
      %add3A_2978 = arith.constant -0.142965987 : f32
      %add3A_2979 = vector.broadcast %add3A_2978 : f32 to vector<16xf32>
      %add3A_2980 = arith.addf %mul3A_2977, %add3A_2979 : vector<16xf32>
      %mul3A_2981 = arith.mulf %add3A_2980, %sub3A_2974 : vector<16xf32>
      %add3A_2982 = arith.constant 0.150563762 : f32
      %add3A_2983 = vector.broadcast %add3A_2982 : f32 to vector<16xf32>
      %add3A_2984 = arith.addf %mul3A_2981, %add3A_2983 : vector<16xf32>
      %mul3A_2985 = arith.mulf %add3A_2984, %sub3A_2974 : vector<16xf32>
      %add3A_2986 = arith.constant -0.165757507 : f32
      %add3A_2987 = vector.broadcast %add3A_2986 : f32 to vector<16xf32>
      %add3A_2988 = arith.addf %mul3A_2985, %add3A_2987 : vector<16xf32>
      %mul3A_2989 = arith.mulf %add3A_2988, %sub3A_2974 : vector<16xf32>
      %add3A_2990 = arith.constant 0.199447781 : f32
      %add3A_2991 = vector.broadcast %add3A_2990 : f32 to vector<16xf32>
      %add3A_2992 = arith.addf %mul3A_2989, %add3A_2991 : vector<16xf32>
      %mul3A_2993 = arith.mulf %add3A_2992, %sub3A_2974 : vector<16xf32>
      %add3A_2994 = arith.constant -0.250012517 : f32
      %add3A_2995 = vector.broadcast %add3A_2994 : f32 to vector<16xf32>
      %add3A_2996 = arith.addf %mul3A_2993, %add3A_2995 : vector<16xf32>
      %mul3A_2997 = arith.mulf %add3A_2996, %sub3A_2974 : vector<16xf32>
      %add3A_2998 = arith.constant 0.333347321 : f32
      %add3A_2999 = vector.broadcast %add3A_2998 : f32 to vector<16xf32>
      %add3A_3000 = arith.addf %mul3A_2997, %add3A_2999 : vector<16xf32>
      %mul3A_3001 = arith.mulf %add3A_3000, %sub3A_2974 : vector<16xf32>
      %add3A_3002 = arith.constant -5.000000e-01 : f32
      %add3A_3003 = vector.broadcast %add3A_3002 : f32 to vector<16xf32>
      %add3A_3004 = arith.addf %mul3A_3001, %add3A_3003 : vector<16xf32>
      %mul3A_3005 = arith.mulf %add3A_3004, %sub3A_2974 : vector<16xf32>
      %add3A_3006 = arith.constant 0.99999988 : f32
      %add3A_3007 = vector.broadcast %add3A_3006 : f32 to vector<16xf32>
      %add3A_3008 = arith.addf %mul3A_3005, %add3A_3007 : vector<16xf32>
      %mul3A_3009 = arith.mulf %add3A_3008, %sub3A_2974 : vector<16xf32>
      %add3A_3010 = arith.constant 2.6434574E-10 : f32
      %add3A_3011 = vector.broadcast %add3A_3010 : f32 to vector<16xf32>
      %add3A_3012 = arith.addf %mul3A_3009, %add3A_3011 : vector<16xf32>
      %convert_element_type3A_3013 = arith.sitofp %select_n3A_2971 : vector<16xi32> to vector<16xf32>
      %mul3A_3014 = arith.constant 0.693147182 : f32
      %mul3A_3015 = vector.broadcast %mul3A_3014 : f32 to vector<16xf32>
      %mul3A_3016 = arith.mulf %convert_element_type3A_3013, %mul3A_3015 : vector<16xf32>
      %add3A_3017 = arith.addf %mul3A_3016, %add3A_3012 : vector<16xf32>
      %sub3A_3018 = arith.constant 1.000000e+00 : f32
      %sub3A_3019 = vector.broadcast %sub3A_3018 : f32 to vector<16xf32>
      %sub3A_3020 = arith.subf %sub3A_3019, %select_n3A_2946 : vector<16xf32>
      %bitcast_convert_type3A_3021 = tpu.bitcast %sub3A_3020 : vector<16xf32> -> vector<16xi32>
      %shift_right_arithmetic3A_3022 = arith.constant 23 : i32
      %shift_right_arithmetic3A_3023 = vector.broadcast %shift_right_arithmetic3A_3022 : i32 to vector<16xi32>
      %shift_right_arithmetic3A_3024 = arith.shrsi %bitcast_convert_type3A_3021, %shift_right_arithmetic3A_3023 : vector<16xi32>
      %sub3A_3025 = arith.constant 127 : i32
      %sub3A_3026 = vector.broadcast %sub3A_3025 : i32 to vector<16xi32>
      %sub3A_3027 = arith.subi %shift_right_arithmetic3A_3024, %sub3A_3026 : vector<16xi32>
      %and3A_3028 = arith.constant 8388607 : i32
      %and3A_3029 = vector.broadcast %and3A_3028 : i32 to vector<16xi32>
      %and3A_3030 = arith.andi %bitcast_convert_type3A_3021, %and3A_3029 : vector<16xi32>
      %or3A_3031 = arith.constant 1065353216 : i32
      %or3A_3032 = vector.broadcast %or3A_3031 : i32 to vector<16xi32>
      %or3A_3033 = arith.ori %and3A_3030, %or3A_3032 : vector<16xi32>
      %bitcast_convert_type3A_3034 = tpu.bitcast %or3A_3033 : vector<16xi32> -> vector<16xf32>
      %gt3A_3035 = arith.constant 1.41421354 : f32
      %gt3A_3036 = vector.broadcast %gt3A_3035 : f32 to vector<16xf32>
      %gt3A_3037 = arith.cmpf ogt, %bitcast_convert_type3A_3034, %gt3A_3036 : vector<16xf32>
      %mul3A_3038 = arith.constant 5.000000e-01 : f32
      %mul3A_3039 = vector.broadcast %mul3A_3038 : f32 to vector<16xf32>
      %mul3A_3040 = arith.mulf %bitcast_convert_type3A_3034, %mul3A_3039 : vector<16xf32>
      %select_n3A_3041 = arith.select %gt3A_3037, %mul3A_3040, %bitcast_convert_type3A_3034 : vector<16xi1>, vector<16xf32>
      %add3A_3042 = arith.constant 1 : i32
      %add3A_3043 = vector.broadcast %add3A_3042 : i32 to vector<16xi32>
      %add3A_3044 = arith.addi %sub3A_3027, %add3A_3043 : vector<16xi32>
      %select_n3A_3045 = arith.select %gt3A_3037, %add3A_3044, %sub3A_3027 : vector<16xi1>, vector<16xi32>
      %sub3A_3046 = arith.constant 1.000000e+00 : f32
      %sub3A_3047 = vector.broadcast %sub3A_3046 : f32 to vector<16xf32>
      %sub3A_3048 = arith.subf %select_n3A_3041, %sub3A_3047 : vector<16xf32>
      %broadcast_in_dim3A_3049 = arith.constant 0.0838350877 : f32
      %broadcast_in_dim3A_3050 = vector.broadcast %broadcast_in_dim3A_3049 : f32 to vector<16xf32>
      %mul3A_3051 = arith.mulf %broadcast_in_dim3A_3050, %sub3A_3048 : vector<16xf32>
      %add3A_3052 = arith.constant -0.142965987 : f32
      %add3A_3053 = vector.broadcast %add3A_3052 : f32 to vector<16xf32>
      %add3A_3054 = arith.addf %mul3A_3051, %add3A_3053 : vector<16xf32>
      %mul3A_3055 = arith.mulf %add3A_3054, %sub3A_3048 : vector<16xf32>
      %add3A_3056 = arith.constant 0.150563762 : f32
      %add3A_3057 = vector.broadcast %add3A_3056 : f32 to vector<16xf32>
      %add3A_3058 = arith.addf %mul3A_3055, %add3A_3057 : vector<16xf32>
      %mul3A_3059 = arith.mulf %add3A_3058, %sub3A_3048 : vector<16xf32>
      %add3A_3060 = arith.constant -0.165757507 : f32
      %add3A_3061 = vector.broadcast %add3A_3060 : f32 to vector<16xf32>
      %add3A_3062 = arith.addf %mul3A_3059, %add3A_3061 : vector<16xf32>
      %mul3A_3063 = arith.mulf %add3A_3062, %sub3A_3048 : vector<16xf32>
      %add3A_3064 = arith.constant 0.199447781 : f32
      %add3A_3065 = vector.broadcast %add3A_3064 : f32 to vector<16xf32>
      %add3A_3066 = arith.addf %mul3A_3063, %add3A_3065 : vector<16xf32>
      %mul3A_3067 = arith.mulf %add3A_3066, %sub3A_3048 : vector<16xf32>
      %add3A_3068 = arith.constant -0.250012517 : f32
      %add3A_3069 = vector.broadcast %add3A_3068 : f32 to vector<16xf32>
      %add3A_3070 = arith.addf %mul3A_3067, %add3A_3069 : vector<16xf32>
      %mul3A_3071 = arith.mulf %add3A_3070, %sub3A_3048 : vector<16xf32>
      %add3A_3072 = arith.constant 0.333347321 : f32
      %add3A_3073 = vector.broadcast %add3A_3072 : f32 to vector<16xf32>
      %add3A_3074 = arith.addf %mul3A_3071, %add3A_3073 : vector<16xf32>
      %mul3A_3075 = arith.mulf %add3A_3074, %sub3A_3048 : vector<16xf32>
      %add3A_3076 = arith.constant -5.000000e-01 : f32
      %add3A_3077 = vector.broadcast %add3A_3076 : f32 to vector<16xf32>
      %add3A_3078 = arith.addf %mul3A_3075, %add3A_3077 : vector<16xf32>
      %mul3A_3079 = arith.mulf %add3A_3078, %sub3A_3048 : vector<16xf32>
      %add3A_3080 = arith.constant 0.99999988 : f32
      %add3A_3081 = vector.broadcast %add3A_3080 : f32 to vector<16xf32>
      %add3A_3082 = arith.addf %mul3A_3079, %add3A_3081 : vector<16xf32>
      %mul3A_3083 = arith.mulf %add3A_3082, %sub3A_3048 : vector<16xf32>
      %add3A_3084 = arith.constant 2.6434574E-10 : f32
      %add3A_3085 = vector.broadcast %add3A_3084 : f32 to vector<16xf32>
      %add3A_3086 = arith.addf %mul3A_3083, %add3A_3085 : vector<16xf32>
      %convert_element_type3A_3087 = arith.sitofp %select_n3A_3045 : vector<16xi32> to vector<16xf32>
      %mul3A_3088 = arith.constant 0.693147182 : f32
      %mul3A_3089 = vector.broadcast %mul3A_3088 : f32 to vector<16xf32>
      %mul3A_3090 = arith.mulf %convert_element_type3A_3087, %mul3A_3089 : vector<16xf32>
      %add3A_3091 = arith.addf %mul3A_3090, %add3A_3086 : vector<16xf32>
      %div3A_3092 = arith.constant 1.000000e+00 : f32
      %div3A_3093 = vector.broadcast %div3A_3092 : f32 to vector<16xf32>
      %div3A_3094 = arith.divf %div3A_3093, %select_n3A_2946 : vector<16xf32>
      %mul3A_3095 = arith.mulf %mul3A_85, %div3A_3094 : vector<16xf32>
      %sub3A_3096 = arith.subf %sub3A_339, %mul3A_3095 : vector<16xf32>
      %sub3A_3097 = arith.subf %sub3A_3096, %add3A_3017 : vector<16xf32>
      %mul3A_3098 = arith.mulf %select_n3A_50, %add3A_3091 : vector<16xf32>
      %add3A_3099 = arith.addf %sub3A_3097, %mul3A_3098 : vector<16xf32>
      %jit3A_3100 = arith.constant -1.000000e+01 : f32
      %jit3A_3101 = arith.constant 1.000000e+01 : f32
      %max3A_3102 = vector.broadcast %jit3A_3100 : f32 to vector<16xf32>
      %max3A_3103 = arith.maximumf %max3A_3102, %add3A_3099 : vector<16xf32>
      %min3A_3104 = vector.broadcast %jit3A_3101 : f32 to vector<16xf32>
      %min3A_3105 = arith.minimumf %min3A_3104, %max3A_3103 : vector<16xf32>
      %mul3A_3106 = arith.mulf %mul3A_86, %div3A_3094 : vector<16xf32>
      %sub3A_3107 = arith.subf %sub3A_598, %mul3A_3106 : vector<16xf32>
      %sub3A_3108 = arith.subf %sub3A_3107, %add3A_3017 : vector<16xf32>
      %mul3A_3109 = arith.mulf %select_n3A_56, %add3A_3091 : vector<16xf32>
      %add3A_3110 = arith.addf %sub3A_3108, %mul3A_3109 : vector<16xf32>
      %jit3A_3111 = arith.constant -1.000000e+01 : f32
      %jit3A_3112 = arith.constant 1.000000e+01 : f32
      %max3A_3113 = vector.broadcast %jit3A_3111 : f32 to vector<16xf32>
      %max3A_3114 = arith.maximumf %max3A_3113, %add3A_3110 : vector<16xf32>
      %min3A_3115 = vector.broadcast %jit3A_3112 : f32 to vector<16xf32>
      %min3A_3116 = arith.minimumf %min3A_3115, %max3A_3114 : vector<16xf32>
      %exp3A_3117 = math.exp %min3A_3105 : vector<16xf32>
      %sub3A_3118 = arith.constant 1.500000e+01 : f32
      %sub3A_3119 = vector.broadcast %sub3A_3118 : f32 to vector<16xf32>
      %sub3A_3120 = arith.subf %sub3A_3119, %exp3A_3117 : vector<16xf32>
      %exp3A_3121 = math.exp %min3A_3116 : vector<16xf32>
      %sub3A_3122 = arith.constant 1.500000e+01 : f32
      %sub3A_3123 = vector.broadcast %sub3A_3122 : f32 to vector<16xf32>
      %sub3A_3124 = arith.subf %sub3A_3123, %exp3A_3121 : vector<16xf32>
      %div3A_3125 = arith.divf %sub3A_3120, %sub3A_3124 : vector<16xf32>
      %jit3A_3126 = arith.constant 1.000000e+00 : f32
      %broadcast_in_dim3A_3127 = vector.broadcast %jit3A_3126 : f32 to vector<16xf32>
      %select_n3A_3128 = arith.select %and3A_2943, %div3A_3125, %broadcast_in_dim3A_3127 : vector<16xi1>, vector<16xf32>
      %mul3A_3129 = arith.mulf %mul3A_2934, %select_n3A_3128 : vector<16xf32>
      %add3A_3130 = vector.broadcast %mul3A_602 : i32 to vector<16xi32>
      %add3A_3131 = arith.addi %iota3A, %add3A_3130 : vector<16xi32>
      %broadcast_in_dim3A_3132 = arith.constant 13 : i32
      %broadcast_in_dim3A_3133 = vector.broadcast %broadcast_in_dim3A_3132 : i32 to vector<16xi32>
      %gather3A_3134 = tpu.vector_load_idx %arg6[%add3A_3131, %broadcast_in_dim3A_3133] : memref<256x16xf32, #tpu.memory_space<vmem>>[vector<16xi32>, vector<16xi32>], vector<16xf32>,
      %ne3A_3135 = arith.constant 0.000000e+00 : f32
      %ne3A_3136 = vector.broadcast %ne3A_3135 : f32 to vector<16xf32>
      %ne3A_3137 = arith.cmpf one, %gather3A_3134, %ne3A_3136 : vector<16xf32>
      %and3A_3138 = arith.andi %lt3A_83, %ne3A_3137 : vector<16xi1>
      %jit3A_3139 = arith.constant 5.000000e-01 : f32
      %broadcast_in_dim3A_3140 = vector.broadcast %jit3A_3139 : f32 to vector<16xf32>
      %select_n3A_3141 = arith.select %and3A_3138, %gather3A_3134, %broadcast_in_dim3A_3140 : vector<16xi1>, vector<16xf32>
      %bitcast_convert_type3A_3142 = tpu.bitcast %select_n3A_3141 : vector<16xf32> -> vector<16xi32>
      %shift_right_arithmetic3A_3143 = arith.constant 23 : i32
      %shift_right_arithmetic3A_3144 = vector.broadcast %shift_right_arithmetic3A_3143 : i32 to vector<16xi32>
      %shift_right_arithmetic3A_3145 = arith.shrsi %bitcast_convert_type3A_3142, %shift_right_arithmetic3A_3144 : vector<16xi32>
      %sub3A_3146 = arith.constant 127 : i32
      %sub3A_3147 = vector.broadcast %sub3A_3146 : i32 to vector<16xi32>
      %sub3A_3148 = arith.subi %shift_right_arithmetic3A_3145, %sub3A_3147 : vector<16xi32>
      %and3A_3149 = arith.constant 8388607 : i32
      %and3A_3150 = vector.broadcast %and3A_3149 : i32 to vector<16xi32>
      %and3A_3151 = arith.andi %bitcast_convert_type3A_3142, %and3A_3150 : vector<16xi32>
      %or3A_3152 = arith.constant 1065353216 : i32
      %or3A_3153 = vector.broadcast %or3A_3152 : i32 to vector<16xi32>
      %or3A_3154 = arith.ori %and3A_3151, %or3A_3153 : vector<16xi32>
      %bitcast_convert_type3A_3155 = tpu.bitcast %or3A_3154 : vector<16xi32> -> vector<16xf32>
      %gt3A_3156 = arith.constant 1.41421354 : f32
      %gt3A_3157 = vector.broadcast %gt3A_3156 : f32 to vector<16xf32>
      %gt3A_3158 = arith.cmpf ogt, %bitcast_convert_type3A_3155, %gt3A_3157 : vector<16xf32>
      %mul3A_3159 = arith.constant 5.000000e-01 : f32
      %mul3A_3160 = vector.broadcast %mul3A_3159 : f32 to vector<16xf32>
      %mul3A_3161 = arith.mulf %bitcast_convert_type3A_3155, %mul3A_3160 : vector<16xf32>
      %select_n3A_3162 = arith.select %gt3A_3158, %mul3A_3161, %bitcast_convert_type3A_3155 : vector<16xi1>, vector<16xf32>
      %add3A_3163 = arith.constant 1 : i32
      %add3A_3164 = vector.broadcast %add3A_3163 : i32 to vector<16xi32>
      %add3A_3165 = arith.addi %sub3A_3148, %add3A_3164 : vector<16xi32>
      %select_n3A_3166 = arith.select %gt3A_3158, %add3A_3165, %sub3A_3148 : vector<16xi1>, vector<16xi32>
      %sub3A_3167 = arith.constant 1.000000e+00 : f32
      %sub3A_3168 = vector.broadcast %sub3A_3167 : f32 to vector<16xf32>
      %sub3A_3169 = arith.subf %select_n3A_3162, %sub3A_3168 : vector<16xf32>
      %broadcast_in_dim3A_3170 = arith.constant 0.0838350877 : f32
      %broadcast_in_dim3A_3171 = vector.broadcast %broadcast_in_dim3A_3170 : f32 to vector<16xf32>
      %mul3A_3172 = arith.mulf %broadcast_in_dim3A_3171, %sub3A_3169 : vector<16xf32>
      %add3A_3173 = arith.constant -0.142965987 : f32
      %add3A_3174 = vector.broadcast %add3A_3173 : f32 to vector<16xf32>
      %add3A_3175 = arith.addf %mul3A_3172, %add3A_3174 : vector<16xf32>
      %mul3A_3176 = arith.mulf %add3A_3175, %sub3A_3169 : vector<16xf32>
      %add3A_3177 = arith.constant 0.150563762 : f32
      %add3A_3178 = vector.broadcast %add3A_3177 : f32 to vector<16xf32>
      %add3A_3179 = arith.addf %mul3A_3176, %add3A_3178 : vector<16xf32>
      %mul3A_3180 = arith.mulf %add3A_3179, %sub3A_3169 : vector<16xf32>
      %add3A_3181 = arith.constant -0.165757507 : f32
      %add3A_3182 = vector.broadcast %add3A_3181 : f32 to vector<16xf32>
      %add3A_3183 = arith.addf %mul3A_3180, %add3A_3182 : vector<16xf32>
      %mul3A_3184 = arith.mulf %add3A_3183, %sub3A_3169 : vector<16xf32>
      %add3A_3185 = arith.constant 0.199447781 : f32
      %add3A_3186 = vector.broadcast %add3A_3185 : f32 to vector<16xf32>
      %add3A_3187 = arith.addf %mul3A_3184, %add3A_3186 : vector<16xf32>
      %mul3A_3188 = arith.mulf %add3A_3187, %sub3A_3169 : vector<16xf32>
      %add3A_3189 = arith.constant -0.250012517 : f32
      %add3A_3190 = vector.broadcast %add3A_3189 : f32 to vector<16xf32>
      %add3A_3191 = arith.addf %mul3A_3188, %add3A_3190 : vector<16xf32>
      %mul3A_3192 = arith.mulf %add3A_3191, %sub3A_3169 : vector<16xf32>
      %add3A_3193 = arith.constant 0.333347321 : f32
      %add3A_3194 = vector.broadcast %add3A_3193 : f32 to vector<16xf32>
      %add3A_3195 = arith.addf %mul3A_3192, %add3A_3194 : vector<16xf32>
      %mul3A_3196 = arith.mulf %add3A_3195, %sub3A_3169 : vector<16xf32>
      %add3A_3197 = arith.constant -5.000000e-01 : f32
      %add3A_3198 = vector.broadcast %add3A_3197 : f32 to vector<16xf32>
      %add3A_3199 = arith.addf %mul3A_3196, %add3A_3198 : vector<16xf32>
      %mul3A_3200 = arith.mulf %add3A_3199, %sub3A_3169 : vector<16xf32>
      %add3A_3201 = arith.constant 0.99999988 : f32
      %add3A_3202 = vector.broadcast %add3A_3201 : f32 to vector<16xf32>
      %add3A_3203 = arith.addf %mul3A_3200, %add3A_3202 : vector<16xf32>
      %mul3A_3204 = arith.mulf %add3A_3203, %sub3A_3169 : vector<16xf32>
      %add3A_3205 = arith.constant 2.6434574E-10 : f32
      %add3A_3206 = vector.broadcast %add3A_3205 : f32 to vector<16xf32>
      %add3A_3207 = arith.addf %mul3A_3204, %add3A_3206 : vector<16xf32>
      %convert_element_type3A_3208 = arith.sitofp %select_n3A_3166 : vector<16xi32> to vector<16xf32>
      %mul3A_3209 = arith.constant 0.693147182 : f32
      %mul3A_3210 = vector.broadcast %mul3A_3209 : f32 to vector<16xf32>
      %mul3A_3211 = arith.mulf %convert_element_type3A_3208, %mul3A_3210 : vector<16xf32>
      %add3A_3212 = arith.addf %mul3A_3211, %add3A_3207 : vector<16xf32>
      %sub3A_3213 = arith.constant 1.000000e+00 : f32
      %sub3A_3214 = vector.broadcast %sub3A_3213 : f32 to vector<16xf32>
      %sub3A_3215 = arith.subf %sub3A_3214, %select_n3A_3141 : vector<16xf32>
      %bitcast_convert_type3A_3216 = tpu.bitcast %sub3A_3215 : vector<16xf32> -> vector<16xi32>
      %shift_right_arithmetic3A_3217 = arith.constant 23 : i32
      %shift_right_arithmetic3A_3218 = vector.broadcast %shift_right_arithmetic3A_3217 : i32 to vector<16xi32>
      %shift_right_arithmetic3A_3219 = arith.shrsi %bitcast_convert_type3A_3216, %shift_right_arithmetic3A_3218 : vector<16xi32>
      %sub3A_3220 = arith.constant 127 : i32
      %sub3A_3221 = vector.broadcast %sub3A_3220 : i32 to vector<16xi32>
      %sub3A_3222 = arith.subi %shift_right_arithmetic3A_3219, %sub3A_3221 : vector<16xi32>
      %and3A_3223 = arith.constant 8388607 : i32
      %and3A_3224 = vector.broadcast %and3A_3223 : i32 to vector<16xi32>
      %and3A_3225 = arith.andi %bitcast_convert_type3A_3216, %and3A_3224 : vector<16xi32>
      %or3A_3226 = arith.constant 1065353216 : i32
      %or3A_3227 = vector.broadcast %or3A_3226 : i32 to vector<16xi32>
      %or3A_3228 = arith.ori %and3A_3225, %or3A_3227 : vector<16xi32>
      %bitcast_convert_type3A_3229 = tpu.bitcast %or3A_3228 : vector<16xi32> -> vector<16xf32>
      %gt3A_3230 = arith.constant 1.41421354 : f32
      %gt3A_3231 = vector.broadcast %gt3A_3230 : f32 to vector<16xf32>
      %gt3A_3232 = arith.cmpf ogt, %bitcast_convert_type3A_3229, %gt3A_3231 : vector<16xf32>
      %mul3A_3233 = arith.constant 5.000000e-01 : f32
      %mul3A_3234 = vector.broadcast %mul3A_3233 : f32 to vector<16xf32>
      %mul3A_3235 = arith.mulf %bitcast_convert_type3A_3229, %mul3A_3234 : vector<16xf32>
      %select_n3A_3236 = arith.select %gt3A_3232, %mul3A_3235, %bitcast_convert_type3A_3229 : vector<16xi1>, vector<16xf32>
      %add3A_3237 = arith.constant 1 : i32
      %add3A_3238 = vector.broadcast %add3A_3237 : i32 to vector<16xi32>
      %add3A_3239 = arith.addi %sub3A_3222, %add3A_3238 : vector<16xi32>
      %select_n3A_3240 = arith.select %gt3A_3232, %add3A_3239, %sub3A_3222 : vector<16xi1>, vector<16xi32>
      %sub3A_3241 = arith.constant 1.000000e+00 : f32
      %sub3A_3242 = vector.broadcast %sub3A_3241 : f32 to vector<16xf32>
      %sub3A_3243 = arith.subf %select_n3A_3236, %sub3A_3242 : vector<16xf32>
      %broadcast_in_dim3A_3244 = arith.constant 0.0838350877 : f32
      %broadcast_in_dim3A_3245 = vector.broadcast %broadcast_in_dim3A_3244 : f32 to vector<16xf32>
      %mul3A_3246 = arith.mulf %broadcast_in_dim3A_3245, %sub3A_3243 : vector<16xf32>
      %add3A_3247 = arith.constant -0.142965987 : f32
      %add3A_3248 = vector.broadcast %add3A_3247 : f32 to vector<16xf32>
      %add3A_3249 = arith.addf %mul3A_3246, %add3A_3248 : vector<16xf32>
      %mul3A_3250 = arith.mulf %add3A_3249, %sub3A_3243 : vector<16xf32>
      %add3A_3251 = arith.constant 0.150563762 : f32
      %add3A_3252 = vector.broadcast %add3A_3251 : f32 to vector<16xf32>
      %add3A_3253 = arith.addf %mul3A_3250, %add3A_3252 : vector<16xf32>
      %mul3A_3254 = arith.mulf %add3A_3253, %sub3A_3243 : vector<16xf32>
      %add3A_3255 = arith.constant -0.165757507 : f32
      %add3A_3256 = vector.broadcast %add3A_3255 : f32 to vector<16xf32>
      %add3A_3257 = arith.addf %mul3A_3254, %add3A_3256 : vector<16xf32>
      %mul3A_3258 = arith.mulf %add3A_3257, %sub3A_3243 : vector<16xf32>
      %add3A_3259 = arith.constant 0.199447781 : f32
      %add3A_3260 = vector.broadcast %add3A_3259 : f32 to vector<16xf32>
      %add3A_3261 = arith.addf %mul3A_3258, %add3A_3260 : vector<16xf32>
      %mul3A_3262 = arith.mulf %add3A_3261, %sub3A_3243 : vector<16xf32>
      %add3A_3263 = arith.constant -0.250012517 : f32
      %add3A_3264 = vector.broadcast %add3A_3263 : f32 to vector<16xf32>
      %add3A_3265 = arith.addf %mul3A_3262, %add3A_3264 : vector<16xf32>
      %mul3A_3266 = arith.mulf %add3A_3265, %sub3A_3243 : vector<16xf32>
      %add3A_3267 = arith.constant 0.333347321 : f32
      %add3A_3268 = vector.broadcast %add3A_3267 : f32 to vector<16xf32>
      %add3A_3269 = arith.addf %mul3A_3266, %add3A_3268 : vector<16xf32>
      %mul3A_3270 = arith.mulf %add3A_3269, %sub3A_3243 : vector<16xf32>
      %add3A_3271 = arith.constant -5.000000e-01 : f32
      %add3A_3272 = vector.broadcast %add3A_3271 : f32 to vector<16xf32>
      %add3A_3273 = arith.addf %mul3A_3270, %add3A_3272 : vector<16xf32>
      %mul3A_3274 = arith.mulf %add3A_3273, %sub3A_3243 : vector<16xf32>
      %add3A_3275 = arith.constant 0.99999988 : f32
      %add3A_3276 = vector.broadcast %add3A_3275 : f32 to vector<16xf32>
      %add3A_3277 = arith.addf %mul3A_3274, %add3A_3276 : vector<16xf32>
      %mul3A_3278 = arith.mulf %add3A_3277, %sub3A_3243 : vector<16xf32>
      %add3A_3279 = arith.constant 2.6434574E-10 : f32
      %add3A_3280 = vector.broadcast %add3A_3279 : f32 to vector<16xf32>
      %add3A_3281 = arith.addf %mul3A_3278, %add3A_3280 : vector<16xf32>
      %convert_element_type3A_3282 = arith.sitofp %select_n3A_3240 : vector<16xi32> to vector<16xf32>
      %mul3A_3283 = arith.constant 0.693147182 : f32
      %mul3A_3284 = vector.broadcast %mul3A_3283 : f32 to vector<16xf32>
      %mul3A_3285 = arith.mulf %convert_element_type3A_3282, %mul3A_3284 : vector<16xf32>
      %add3A_3286 = arith.addf %mul3A_3285, %add3A_3281 : vector<16xf32>
      %div3A_3287 = arith.constant 1.000000e+00 : f32
      %div3A_3288 = vector.broadcast %div3A_3287 : f32 to vector<16xf32>
      %div3A_3289 = arith.divf %div3A_3288, %select_n3A_3141 : vector<16xf32>
      %mul3A_3290 = arith.mulf %mul3A_85, %div3A_3289 : vector<16xf32>
      %sub3A_3291 = arith.subf %sub3A_339, %mul3A_3290 : vector<16xf32>
      %sub3A_3292 = arith.subf %sub3A_3291, %add3A_3212 : vector<16xf32>
      %mul3A_3293 = arith.mulf %select_n3A_50, %add3A_3286 : vector<16xf32>
      %add3A_3294 = arith.addf %sub3A_3292, %mul3A_3293 : vector<16xf32>
      %jit3A_3295 = arith.constant -1.000000e+01 : f32
      %jit3A_3296 = arith.constant 1.000000e+01 : f32
      %max3A_3297 = vector.broadcast %jit3A_3295 : f32 to vector<16xf32>
      %max3A_3298 = arith.maximumf %max3A_3297, %add3A_3294 : vector<16xf32>
      %min3A_3299 = vector.broadcast %jit3A_3296 : f32 to vector<16xf32>
      %min3A_3300 = arith.minimumf %min3A_3299, %max3A_3298 : vector<16xf32>
      %mul3A_3301 = arith.mulf %mul3A_86, %div3A_3289 : vector<16xf32>
      %sub3A_3302 = arith.subf %sub3A_598, %mul3A_3301 : vector<16xf32>
      %sub3A_3303 = arith.subf %sub3A_3302, %add3A_3212 : vector<16xf32>
      %mul3A_3304 = arith.mulf %select_n3A_56, %add3A_3286 : vector<16xf32>
      %add3A_3305 = arith.addf %sub3A_3303, %mul3A_3304 : vector<16xf32>
      %jit3A_3306 = arith.constant -1.000000e+01 : f32
      %jit3A_3307 = arith.constant 1.000000e+01 : f32
      %max3A_3308 = vector.broadcast %jit3A_3306 : f32 to vector<16xf32>
      %max3A_3309 = arith.maximumf %max3A_3308, %add3A_3305 : vector<16xf32>
      %min3A_3310 = vector.broadcast %jit3A_3307 : f32 to vector<16xf32>
      %min3A_3311 = arith.minimumf %min3A_3310, %max3A_3309 : vector<16xf32>
      %exp3A_3312 = math.exp %min3A_3300 : vector<16xf32>
      %sub3A_3313 = arith.constant 1.500000e+01 : f32
      %sub3A_3314 = vector.broadcast %sub3A_3313 : f32 to vector<16xf32>
      %sub3A_3315 = arith.subf %sub3A_3314, %exp3A_3312 : vector<16xf32>
      %exp3A_3316 = math.exp %min3A_3311 : vector<16xf32>
      %sub3A_3317 = arith.constant 1.500000e+01 : f32
      %sub3A_3318 = vector.broadcast %sub3A_3317 : f32 to vector<16xf32>
      %sub3A_3319 = arith.subf %sub3A_3318, %exp3A_3316 : vector<16xf32>
      %div3A_3320 = arith.divf %sub3A_3315, %sub3A_3319 : vector<16xf32>
      %jit3A_3321 = arith.constant 1.000000e+00 : f32
      %broadcast_in_dim3A_3322 = vector.broadcast %jit3A_3321 : f32 to vector<16xf32>
      %select_n3A_3323 = arith.select %and3A_3138, %div3A_3320, %broadcast_in_dim3A_3322 : vector<16xi1>, vector<16xf32>
      %mul3A_3324 = arith.mulf %mul3A_3129, %select_n3A_3323 : vector<16xf32>
      %add3A_3325 = vector.broadcast %mul3A_602 : i32 to vector<16xi32>
      %add3A_3326 = arith.addi %iota3A, %add3A_3325 : vector<16xi32>
      %broadcast_in_dim3A_3327 = arith.constant 14 : i32
      %broadcast_in_dim3A_3328 = vector.broadcast %broadcast_in_dim3A_3327 : i32 to vector<16xi32>
      %gather3A_3329 = tpu.vector_load_idx %arg6[%add3A_3326, %broadcast_in_dim3A_3328] : memref<256x16xf32, #tpu.memory_space<vmem>>[vector<16xi32>, vector<16xi32>], vector<16xf32>,
      %ne3A_3330 = arith.constant 0.000000e+00 : f32
      %ne3A_3331 = vector.broadcast %ne3A_3330 : f32 to vector<16xf32>
      %ne3A_3332 = arith.cmpf one, %gather3A_3329, %ne3A_3331 : vector<16xf32>
      %and3A_3333 = arith.andi %lt3A_83, %ne3A_3332 : vector<16xi1>
      %jit3A_3334 = arith.constant 5.000000e-01 : f32
      %broadcast_in_dim3A_3335 = vector.broadcast %jit3A_3334 : f32 to vector<16xf32>
      %select_n3A_3336 = arith.select %and3A_3333, %gather3A_3329, %broadcast_in_dim3A_3335 : vector<16xi1>, vector<16xf32>
      %bitcast_convert_type3A_3337 = tpu.bitcast %select_n3A_3336 : vector<16xf32> -> vector<16xi32>
      %shift_right_arithmetic3A_3338 = arith.constant 23 : i32
      %shift_right_arithmetic3A_3339 = vector.broadcast %shift_right_arithmetic3A_3338 : i32 to vector<16xi32>
      %shift_right_arithmetic3A_3340 = arith.shrsi %bitcast_convert_type3A_3337, %shift_right_arithmetic3A_3339 : vector<16xi32>
      %sub3A_3341 = arith.constant 127 : i32
      %sub3A_3342 = vector.broadcast %sub3A_3341 : i32 to vector<16xi32>
      %sub3A_3343 = arith.subi %shift_right_arithmetic3A_3340, %sub3A_3342 : vector<16xi32>
      %and3A_3344 = arith.constant 8388607 : i32
      %and3A_3345 = vector.broadcast %and3A_3344 : i32 to vector<16xi32>
      %and3A_3346 = arith.andi %bitcast_convert_type3A_3337, %and3A_3345 : vector<16xi32>
      %or3A_3347 = arith.constant 1065353216 : i32
      %or3A_3348 = vector.broadcast %or3A_3347 : i32 to vector<16xi32>
      %or3A_3349 = arith.ori %and3A_3346, %or3A_3348 : vector<16xi32>
      %bitcast_convert_type3A_3350 = tpu.bitcast %or3A_3349 : vector<16xi32> -> vector<16xf32>
      %gt3A_3351 = arith.constant 1.41421354 : f32
      %gt3A_3352 = vector.broadcast %gt3A_3351 : f32 to vector<16xf32>
      %gt3A_3353 = arith.cmpf ogt, %bitcast_convert_type3A_3350, %gt3A_3352 : vector<16xf32>
      %mul3A_3354 = arith.constant 5.000000e-01 : f32
      %mul3A_3355 = vector.broadcast %mul3A_3354 : f32 to vector<16xf32>
      %mul3A_3356 = arith.mulf %bitcast_convert_type3A_3350, %mul3A_3355 : vector<16xf32>
      %select_n3A_3357 = arith.select %gt3A_3353, %mul3A_3356, %bitcast_convert_type3A_3350 : vector<16xi1>, vector<16xf32>
      %add3A_3358 = arith.constant 1 : i32
      %add3A_3359 = vector.broadcast %add3A_3358 : i32 to vector<16xi32>
      %add3A_3360 = arith.addi %sub3A_3343, %add3A_3359 : vector<16xi32>
      %select_n3A_3361 = arith.select %gt3A_3353, %add3A_3360, %sub3A_3343 : vector<16xi1>, vector<16xi32>
      %sub3A_3362 = arith.constant 1.000000e+00 : f32
      %sub3A_3363 = vector.broadcast %sub3A_3362 : f32 to vector<16xf32>
      %sub3A_3364 = arith.subf %select_n3A_3357, %sub3A_3363 : vector<16xf32>
      %broadcast_in_dim3A_3365 = arith.constant 0.0838350877 : f32
      %broadcast_in_dim3A_3366 = vector.broadcast %broadcast_in_dim3A_3365 : f32 to vector<16xf32>
      %mul3A_3367 = arith.mulf %broadcast_in_dim3A_3366, %sub3A_3364 : vector<16xf32>
      %add3A_3368 = arith.constant -0.142965987 : f32
      %add3A_3369 = vector.broadcast %add3A_3368 : f32 to vector<16xf32>
      %add3A_3370 = arith.addf %mul3A_3367, %add3A_3369 : vector<16xf32>
      %mul3A_3371 = arith.mulf %add3A_3370, %sub3A_3364 : vector<16xf32>
      %add3A_3372 = arith.constant 0.150563762 : f32
      %add3A_3373 = vector.broadcast %add3A_3372 : f32 to vector<16xf32>
      %add3A_3374 = arith.addf %mul3A_3371, %add3A_3373 : vector<16xf32>
      %mul3A_3375 = arith.mulf %add3A_3374, %sub3A_3364 : vector<16xf32>
      %add3A_3376 = arith.constant -0.165757507 : f32
      %add3A_3377 = vector.broadcast %add3A_3376 : f32 to vector<16xf32>
      %add3A_3378 = arith.addf %mul3A_3375, %add3A_3377 : vector<16xf32>
      %mul3A_3379 = arith.mulf %add3A_3378, %sub3A_3364 : vector<16xf32>
      %add3A_3380 = arith.constant 0.199447781 : f32
      %add3A_3381 = vector.broadcast %add3A_3380 : f32 to vector<16xf32>
      %add3A_3382 = arith.addf %mul3A_3379, %add3A_3381 : vector<16xf32>
      %mul3A_3383 = arith.mulf %add3A_3382, %sub3A_3364 : vector<16xf32>
      %add3A_3384 = arith.constant -0.250012517 : f32
      %add3A_3385 = vector.broadcast %add3A_3384 : f32 to vector<16xf32>
      %add3A_3386 = arith.addf %mul3A_3383, %add3A_3385 : vector<16xf32>
      %mul3A_3387 = arith.mulf %add3A_3386, %sub3A_3364 : vector<16xf32>
      %add3A_3388 = arith.constant 0.333347321 : f32
      %add3A_3389 = vector.broadcast %add3A_3388 : f32 to vector<16xf32>
      %add3A_3390 = arith.addf %mul3A_3387, %add3A_3389 : vector<16xf32>
      %mul3A_3391 = arith.mulf %add3A_3390, %sub3A_3364 : vector<16xf32>
      %add3A_3392 = arith.constant -5.000000e-01 : f32
      %add3A_3393 = vector.broadcast %add3A_3392 : f32 to vector<16xf32>
      %add3A_3394 = arith.addf %mul3A_3391, %add3A_3393 : vector<16xf32>
      %mul3A_3395 = arith.mulf %add3A_3394, %sub3A_3364 : vector<16xf32>
      %add3A_3396 = arith.constant 0.99999988 : f32
      %add3A_3397 = vector.broadcast %add3A_3396 : f32 to vector<16xf32>
      %add3A_3398 = arith.addf %mul3A_3395, %add3A_3397 : vector<16xf32>
      %mul3A_3399 = arith.mulf %add3A_3398, %sub3A_3364 : vector<16xf32>
      %add3A_3400 = arith.constant 2.6434574E-10 : f32
      %add3A_3401 = vector.broadcast %add3A_3400 : f32 to vector<16xf32>
      %add3A_3402 = arith.addf %mul3A_3399, %add3A_3401 : vector<16xf32>
      %convert_element_type3A_3403 = arith.sitofp %select_n3A_3361 : vector<16xi32> to vector<16xf32>
      %mul3A_3404 = arith.constant 0.693147182 : f32
      %mul3A_3405 = vector.broadcast %mul3A_3404 : f32 to vector<16xf32>
      %mul3A_3406 = arith.mulf %convert_element_type3A_3403, %mul3A_3405 : vector<16xf32>
      %add3A_3407 = arith.addf %mul3A_3406, %add3A_3402 : vector<16xf32>
      %sub3A_3408 = arith.constant 1.000000e+00 : f32
      %sub3A_3409 = vector.broadcast %sub3A_3408 : f32 to vector<16xf32>
      %sub3A_3410 = arith.subf %sub3A_3409, %select_n3A_3336 : vector<16xf32>
      %bitcast_convert_type3A_3411 = tpu.bitcast %sub3A_3410 : vector<16xf32> -> vector<16xi32>
      %shift_right_arithmetic3A_3412 = arith.constant 23 : i32
      %shift_right_arithmetic3A_3413 = vector.broadcast %shift_right_arithmetic3A_3412 : i32 to vector<16xi32>
      %shift_right_arithmetic3A_3414 = arith.shrsi %bitcast_convert_type3A_3411, %shift_right_arithmetic3A_3413 : vector<16xi32>
      %sub3A_3415 = arith.constant 127 : i32
      %sub3A_3416 = vector.broadcast %sub3A_3415 : i32 to vector<16xi32>
      %sub3A_3417 = arith.subi %shift_right_arithmetic3A_3414, %sub3A_3416 : vector<16xi32>
      %and3A_3418 = arith.constant 8388607 : i32
      %and3A_3419 = vector.broadcast %and3A_3418 : i32 to vector<16xi32>
      %and3A_3420 = arith.andi %bitcast_convert_type3A_3411, %and3A_3419 : vector<16xi32>
      %or3A_3421 = arith.constant 1065353216 : i32
      %or3A_3422 = vector.broadcast %or3A_3421 : i32 to vector<16xi32>
      %or3A_3423 = arith.ori %and3A_3420, %or3A_3422 : vector<16xi32>
      %bitcast_convert_type3A_3424 = tpu.bitcast %or3A_3423 : vector<16xi32> -> vector<16xf32>
      %gt3A_3425 = arith.constant 1.41421354 : f32
      %gt3A_3426 = vector.broadcast %gt3A_3425 : f32 to vector<16xf32>
      %gt3A_3427 = arith.cmpf ogt, %bitcast_convert_type3A_3424, %gt3A_3426 : vector<16xf32>
      %mul3A_3428 = arith.constant 5.000000e-01 : f32
      %mul3A_3429 = vector.broadcast %mul3A_3428 : f32 to vector<16xf32>
      %mul3A_3430 = arith.mulf %bitcast_convert_type3A_3424, %mul3A_3429 : vector<16xf32>
      %select_n3A_3431 = arith.select %gt3A_3427, %mul3A_3430, %bitcast_convert_type3A_3424 : vector<16xi1>, vector<16xf32>
      %add3A_3432 = arith.constant 1 : i32
      %add3A_3433 = vector.broadcast %add3A_3432 : i32 to vector<16xi32>
      %add3A_3434 = arith.addi %sub3A_3417, %add3A_3433 : vector<16xi32>
      %select_n3A_3435 = arith.select %gt3A_3427, %add3A_3434, %sub3A_3417 : vector<16xi1>, vector<16xi32>
      %sub3A_3436 = arith.constant 1.000000e+00 : f32
      %sub3A_3437 = vector.broadcast %sub3A_3436 : f32 to vector<16xf32>
      %sub3A_3438 = arith.subf %select_n3A_3431, %sub3A_3437 : vector<16xf32>
      %broadcast_in_dim3A_3439 = arith.constant 0.0838350877 : f32
      %broadcast_in_dim3A_3440 = vector.broadcast %broadcast_in_dim3A_3439 : f32 to vector<16xf32>
      %mul3A_3441 = arith.mulf %broadcast_in_dim3A_3440, %sub3A_3438 : vector<16xf32>
      %add3A_3442 = arith.constant -0.142965987 : f32
      %add3A_3443 = vector.broadcast %add3A_3442 : f32 to vector<16xf32>
      %add3A_3444 = arith.addf %mul3A_3441, %add3A_3443 : vector<16xf32>
      %mul3A_3445 = arith.mulf %add3A_3444, %sub3A_3438 : vector<16xf32>
      %add3A_3446 = arith.constant 0.150563762 : f32
      %add3A_3447 = vector.broadcast %add3A_3446 : f32 to vector<16xf32>
      %add3A_3448 = arith.addf %mul3A_3445, %add3A_3447 : vector<16xf32>
      %mul3A_3449 = arith.mulf %add3A_3448, %sub3A_3438 : vector<16xf32>
      %add3A_3450 = arith.constant -0.165757507 : f32
      %add3A_3451 = vector.broadcast %add3A_3450 : f32 to vector<16xf32>
      %add3A_3452 = arith.addf %mul3A_3449, %add3A_3451 : vector<16xf32>
      %mul3A_3453 = arith.mulf %add3A_3452, %sub3A_3438 : vector<16xf32>
      %add3A_3454 = arith.constant 0.199447781 : f32
      %add3A_3455 = vector.broadcast %add3A_3454 : f32 to vector<16xf32>
      %add3A_3456 = arith.addf %mul3A_3453, %add3A_3455 : vector<16xf32>
      %mul3A_3457 = arith.mulf %add3A_3456, %sub3A_3438 : vector<16xf32>
      %add3A_3458 = arith.constant -0.250012517 : f32
      %add3A_3459 = vector.broadcast %add3A_3458 : f32 to vector<16xf32>
      %add3A_3460 = arith.addf %mul3A_3457, %add3A_3459 : vector<16xf32>
      %mul3A_3461 = arith.mulf %add3A_3460, %sub3A_3438 : vector<16xf32>
      %add3A_3462 = arith.constant 0.333347321 : f32
      %add3A_3463 = vector.broadcast %add3A_3462 : f32 to vector<16xf32>
      %add3A_3464 = arith.addf %mul3A_3461, %add3A_3463 : vector<16xf32>
      %mul3A_3465 = arith.mulf %add3A_3464, %sub3A_3438 : vector<16xf32>
      %add3A_3466 = arith.constant -5.000000e-01 : f32
      %add3A_3467 = vector.broadcast %add3A_3466 : f32 to vector<16xf32>
      %add3A_3468 = arith.addf %mul3A_3465, %add3A_3467 : vector<16xf32>
      %mul3A_3469 = arith.mulf %add3A_3468, %sub3A_3438 : vector<16xf32>
      %add3A_3470 = arith.constant 0.99999988 : f32
      %add3A_3471 = vector.broadcast %add3A_3470 : f32 to vector<16xf32>
      %add3A_3472 = arith.addf %mul3A_3469, %add3A_3471 : vector<16xf32>
      %mul3A_3473 = arith.mulf %add3A_3472, %sub3A_3438 : vector<16xf32>
      %add3A_3474 = arith.constant 2.6434574E-10 : f32
      %add3A_3475 = vector.broadcast %add3A_3474 : f32 to vector<16xf32>
      %add3A_3476 = arith.addf %mul3A_3473, %add3A_3475 : vector<16xf32>
      %convert_element_type3A_3477 = arith.sitofp %select_n3A_3435 : vector<16xi32> to vector<16xf32>
      %mul3A_3478 = arith.constant 0.693147182 : f32
      %mul3A_3479 = vector.broadcast %mul3A_3478 : f32 to vector<16xf32>
      %mul3A_3480 = arith.mulf %convert_element_type3A_3477, %mul3A_3479 : vector<16xf32>
      %add3A_3481 = arith.addf %mul3A_3480, %add3A_3476 : vector<16xf32>
      %div3A_3482 = arith.constant 1.000000e+00 : f32
      %div3A_3483 = vector.broadcast %div3A_3482 : f32 to vector<16xf32>
      %div3A_3484 = arith.divf %div3A_3483, %select_n3A_3336 : vector<16xf32>
      %mul3A_3485 = arith.mulf %mul3A_85, %div3A_3484 : vector<16xf32>
      %sub3A_3486 = arith.subf %sub3A_339, %mul3A_3485 : vector<16xf32>
      %sub3A_3487 = arith.subf %sub3A_3486, %add3A_3407 : vector<16xf32>
      %mul3A_3488 = arith.mulf %select_n3A_50, %add3A_3481 : vector<16xf32>
      %add3A_3489 = arith.addf %sub3A_3487, %mul3A_3488 : vector<16xf32>
      %jit3A_3490 = arith.constant -1.000000e+01 : f32
      %jit3A_3491 = arith.constant 1.000000e+01 : f32
      %max3A_3492 = vector.broadcast %jit3A_3490 : f32 to vector<16xf32>
      %max3A_3493 = arith.maximumf %max3A_3492, %add3A_3489 : vector<16xf32>
      %min3A_3494 = vector.broadcast %jit3A_3491 : f32 to vector<16xf32>
      %min3A_3495 = arith.minimumf %min3A_3494, %max3A_3493 : vector<16xf32>
      %mul3A_3496 = arith.mulf %mul3A_86, %div3A_3484 : vector<16xf32>
      %sub3A_3497 = arith.subf %sub3A_598, %mul3A_3496 : vector<16xf32>
      %sub3A_3498 = arith.subf %sub3A_3497, %add3A_3407 : vector<16xf32>
      %mul3A_3499 = arith.mulf %select_n3A_56, %add3A_3481 : vector<16xf32>
      %add3A_3500 = arith.addf %sub3A_3498, %mul3A_3499 : vector<16xf32>
      %jit3A_3501 = arith.constant -1.000000e+01 : f32
      %jit3A_3502 = arith.constant 1.000000e+01 : f32
      %max3A_3503 = vector.broadcast %jit3A_3501 : f32 to vector<16xf32>
      %max3A_3504 = arith.maximumf %max3A_3503, %add3A_3500 : vector<16xf32>
      %min3A_3505 = vector.broadcast %jit3A_3502 : f32 to vector<16xf32>
      %min3A_3506 = arith.minimumf %min3A_3505, %max3A_3504 : vector<16xf32>
      %exp3A_3507 = math.exp %min3A_3495 : vector<16xf32>
      %sub3A_3508 = arith.constant 1.500000e+01 : f32
      %sub3A_3509 = vector.broadcast %sub3A_3508 : f32 to vector<16xf32>
      %sub3A_3510 = arith.subf %sub3A_3509, %exp3A_3507 : vector<16xf32>
      %exp3A_3511 = math.exp %min3A_3506 : vector<16xf32>
      %sub3A_3512 = arith.constant 1.500000e+01 : f32
      %sub3A_3513 = vector.broadcast %sub3A_3512 : f32 to vector<16xf32>
      %sub3A_3514 = arith.subf %sub3A_3513, %exp3A_3511 : vector<16xf32>
      %div3A_3515 = arith.divf %sub3A_3510, %sub3A_3514 : vector<16xf32>
      %jit3A_3516 = arith.constant 1.000000e+00 : f32
      %broadcast_in_dim3A_3517 = vector.broadcast %jit3A_3516 : f32 to vector<16xf32>
      %select_n3A_3518 = arith.select %and3A_3333, %div3A_3515, %broadcast_in_dim3A_3517 : vector<16xi1>, vector<16xf32>
      %mul3A_3519 = arith.mulf %mul3A_3324, %select_n3A_3518 : vector<16xf32>
      %add3A_3520 = vector.broadcast %mul3A_602 : i32 to vector<16xi32>
      %add3A_3521 = arith.addi %iota3A, %add3A_3520 : vector<16xi32>
      %broadcast_in_dim3A_3522 = arith.constant 15 : i32
      %broadcast_in_dim3A_3523 = vector.broadcast %broadcast_in_dim3A_3522 : i32 to vector<16xi32>
      %gather3A_3524 = tpu.vector_load_idx %arg6[%add3A_3521, %broadcast_in_dim3A_3523] : memref<256x16xf32, #tpu.memory_space<vmem>>[vector<16xi32>, vector<16xi32>], vector<16xf32>,
      %ne3A_3525 = arith.constant 0.000000e+00 : f32
      %ne3A_3526 = vector.broadcast %ne3A_3525 : f32 to vector<16xf32>
      %ne3A_3527 = arith.cmpf one, %gather3A_3524, %ne3A_3526 : vector<16xf32>
      %and3A_3528 = arith.andi %lt3A_83, %ne3A_3527 : vector<16xi1>
      %jit3A_3529 = arith.constant 5.000000e-01 : f32
      %broadcast_in_dim3A_3530 = vector.broadcast %jit3A_3529 : f32 to vector<16xf32>
      %select_n3A_3531 = arith.select %and3A_3528, %gather3A_3524, %broadcast_in_dim3A_3530 : vector<16xi1>, vector<16xf32>
      %bitcast_convert_type3A_3532 = tpu.bitcast %select_n3A_3531 : vector<16xf32> -> vector<16xi32>
      %shift_right_arithmetic3A_3533 = arith.constant 23 : i32
      %shift_right_arithmetic3A_3534 = vector.broadcast %shift_right_arithmetic3A_3533 : i32 to vector<16xi32>
      %shift_right_arithmetic3A_3535 = arith.shrsi %bitcast_convert_type3A_3532, %shift_right_arithmetic3A_3534 : vector<16xi32>
      %sub3A_3536 = arith.constant 127 : i32
      %sub3A_3537 = vector.broadcast %sub3A_3536 : i32 to vector<16xi32>
      %sub3A_3538 = arith.subi %shift_right_arithmetic3A_3535, %sub3A_3537 : vector<16xi32>
      %and3A_3539 = arith.constant 8388607 : i32
      %and3A_3540 = vector.broadcast %and3A_3539 : i32 to vector<16xi32>
      %and3A_3541 = arith.andi %bitcast_convert_type3A_3532, %and3A_3540 : vector<16xi32>
      %or3A_3542 = arith.constant 1065353216 : i32
      %or3A_3543 = vector.broadcast %or3A_3542 : i32 to vector<16xi32>
      %or3A_3544 = arith.ori %and3A_3541, %or3A_3543 : vector<16xi32>
      %bitcast_convert_type3A_3545 = tpu.bitcast %or3A_3544 : vector<16xi32> -> vector<16xf32>
      %gt3A_3546 = arith.constant 1.41421354 : f32
      %gt3A_3547 = vector.broadcast %gt3A_3546 : f32 to vector<16xf32>
      %gt3A_3548 = arith.cmpf ogt, %bitcast_convert_type3A_3545, %gt3A_3547 : vector<16xf32>
      %mul3A_3549 = arith.constant 5.000000e-01 : f32
      %mul3A_3550 = vector.broadcast %mul3A_3549 : f32 to vector<16xf32>
      %mul3A_3551 = arith.mulf %bitcast_convert_type3A_3545, %mul3A_3550 : vector<16xf32>
      %select_n3A_3552 = arith.select %gt3A_3548, %mul3A_3551, %bitcast_convert_type3A_3545 : vector<16xi1>, vector<16xf32>
      %add3A_3553 = arith.constant 1 : i32
      %add3A_3554 = vector.broadcast %add3A_3553 : i32 to vector<16xi32>
      %add3A_3555 = arith.addi %sub3A_3538, %add3A_3554 : vector<16xi32>
      %select_n3A_3556 = arith.select %gt3A_3548, %add3A_3555, %sub3A_3538 : vector<16xi1>, vector<16xi32>
      %sub3A_3557 = arith.constant 1.000000e+00 : f32
      %sub3A_3558 = vector.broadcast %sub3A_3557 : f32 to vector<16xf32>
      %sub3A_3559 = arith.subf %select_n3A_3552, %sub3A_3558 : vector<16xf32>
      %broadcast_in_dim3A_3560 = arith.constant 0.0838350877 : f32
      %broadcast_in_dim3A_3561 = vector.broadcast %broadcast_in_dim3A_3560 : f32 to vector<16xf32>
      %mul3A_3562 = arith.mulf %broadcast_in_dim3A_3561, %sub3A_3559 : vector<16xf32>
      %add3A_3563 = arith.constant -0.142965987 : f32
      %add3A_3564 = vector.broadcast %add3A_3563 : f32 to vector<16xf32>
      %add3A_3565 = arith.addf %mul3A_3562, %add3A_3564 : vector<16xf32>
      %mul3A_3566 = arith.mulf %add3A_3565, %sub3A_3559 : vector<16xf32>
      %add3A_3567 = arith.constant 0.150563762 : f32
      %add3A_3568 = vector.broadcast %add3A_3567 : f32 to vector<16xf32>
      %add3A_3569 = arith.addf %mul3A_3566, %add3A_3568 : vector<16xf32>
      %mul3A_3570 = arith.mulf %add3A_3569, %sub3A_3559 : vector<16xf32>
      %add3A_3571 = arith.constant -0.165757507 : f32
      %add3A_3572 = vector.broadcast %add3A_3571 : f32 to vector<16xf32>
      %add3A_3573 = arith.addf %mul3A_3570, %add3A_3572 : vector<16xf32>
      %mul3A_3574 = arith.mulf %add3A_3573, %sub3A_3559 : vector<16xf32>
      %add3A_3575 = arith.constant 0.199447781 : f32
      %add3A_3576 = vector.broadcast %add3A_3575 : f32 to vector<16xf32>
      %add3A_3577 = arith.addf %mul3A_3574, %add3A_3576 : vector<16xf32>
      %mul3A_3578 = arith.mulf %add3A_3577, %sub3A_3559 : vector<16xf32>
      %add3A_3579 = arith.constant -0.250012517 : f32
      %add3A_3580 = vector.broadcast %add3A_3579 : f32 to vector<16xf32>
      %add3A_3581 = arith.addf %mul3A_3578, %add3A_3580 : vector<16xf32>
      %mul3A_3582 = arith.mulf %add3A_3581, %sub3A_3559 : vector<16xf32>
      %add3A_3583 = arith.constant 0.333347321 : f32
      %add3A_3584 = vector.broadcast %add3A_3583 : f32 to vector<16xf32>
      %add3A_3585 = arith.addf %mul3A_3582, %add3A_3584 : vector<16xf32>
      %mul3A_3586 = arith.mulf %add3A_3585, %sub3A_3559 : vector<16xf32>
      %add3A_3587 = arith.constant -5.000000e-01 : f32
      %add3A_3588 = vector.broadcast %add3A_3587 : f32 to vector<16xf32>
      %add3A_3589 = arith.addf %mul3A_3586, %add3A_3588 : vector<16xf32>
      %mul3A_3590 = arith.mulf %add3A_3589, %sub3A_3559 : vector<16xf32>
      %add3A_3591 = arith.constant 0.99999988 : f32
      %add3A_3592 = vector.broadcast %add3A_3591 : f32 to vector<16xf32>
      %add3A_3593 = arith.addf %mul3A_3590, %add3A_3592 : vector<16xf32>
      %mul3A_3594 = arith.mulf %add3A_3593, %sub3A_3559 : vector<16xf32>
      %add3A_3595 = arith.constant 2.6434574E-10 : f32
      %add3A_3596 = vector.broadcast %add3A_3595 : f32 to vector<16xf32>
      %add3A_3597 = arith.addf %mul3A_3594, %add3A_3596 : vector<16xf32>
      %convert_element_type3A_3598 = arith.sitofp %select_n3A_3556 : vector<16xi32> to vector<16xf32>
      %mul3A_3599 = arith.constant 0.693147182 : f32
      %mul3A_3600 = vector.broadcast %mul3A_3599 : f32 to vector<16xf32>
      %mul3A_3601 = arith.mulf %convert_element_type3A_3598, %mul3A_3600 : vector<16xf32>
      %add3A_3602 = arith.addf %mul3A_3601, %add3A_3597 : vector<16xf32>
      %sub3A_3603 = arith.constant 1.000000e+00 : f32
      %sub3A_3604 = vector.broadcast %sub3A_3603 : f32 to vector<16xf32>
      %sub3A_3605 = arith.subf %sub3A_3604, %select_n3A_3531 : vector<16xf32>
      %bitcast_convert_type3A_3606 = tpu.bitcast %sub3A_3605 : vector<16xf32> -> vector<16xi32>
      %shift_right_arithmetic3A_3607 = arith.constant 23 : i32
      %shift_right_arithmetic3A_3608 = vector.broadcast %shift_right_arithmetic3A_3607 : i32 to vector<16xi32>
      %shift_right_arithmetic3A_3609 = arith.shrsi %bitcast_convert_type3A_3606, %shift_right_arithmetic3A_3608 : vector<16xi32>
      %sub3A_3610 = arith.constant 127 : i32
      %sub3A_3611 = vector.broadcast %sub3A_3610 : i32 to vector<16xi32>
      %sub3A_3612 = arith.subi %shift_right_arithmetic3A_3609, %sub3A_3611 : vector<16xi32>
      %and3A_3613 = arith.constant 8388607 : i32
      %and3A_3614 = vector.broadcast %and3A_3613 : i32 to vector<16xi32>
      %and3A_3615 = arith.andi %bitcast_convert_type3A_3606, %and3A_3614 : vector<16xi32>
      %or3A_3616 = arith.constant 1065353216 : i32
      %or3A_3617 = vector.broadcast %or3A_3616 : i32 to vector<16xi32>
      %or3A_3618 = arith.ori %and3A_3615, %or3A_3617 : vector<16xi32>
      %bitcast_convert_type3A_3619 = tpu.bitcast %or3A_3618 : vector<16xi32> -> vector<16xf32>
      %gt3A_3620 = arith.constant 1.41421354 : f32
      %gt3A_3621 = vector.broadcast %gt3A_3620 : f32 to vector<16xf32>
      %gt3A_3622 = arith.cmpf ogt, %bitcast_convert_type3A_3619, %gt3A_3621 : vector<16xf32>
      %mul3A_3623 = arith.constant 5.000000e-01 : f32
      %mul3A_3624 = vector.broadcast %mul3A_3623 : f32 to vector<16xf32>
      %mul3A_3625 = arith.mulf %bitcast_convert_type3A_3619, %mul3A_3624 : vector<16xf32>
      %select_n3A_3626 = arith.select %gt3A_3622, %mul3A_3625, %bitcast_convert_type3A_3619 : vector<16xi1>, vector<16xf32>
      %add3A_3627 = arith.constant 1 : i32
      %add3A_3628 = vector.broadcast %add3A_3627 : i32 to vector<16xi32>
      %add3A_3629 = arith.addi %sub3A_3612, %add3A_3628 : vector<16xi32>
      %select_n3A_3630 = arith.select %gt3A_3622, %add3A_3629, %sub3A_3612 : vector<16xi1>, vector<16xi32>
      %sub3A_3631 = arith.constant 1.000000e+00 : f32
      %sub3A_3632 = vector.broadcast %sub3A_3631 : f32 to vector<16xf32>
      %sub3A_3633 = arith.subf %select_n3A_3626, %sub3A_3632 : vector<16xf32>
      %broadcast_in_dim3A_3634 = arith.constant 0.0838350877 : f32
      %broadcast_in_dim3A_3635 = vector.broadcast %broadcast_in_dim3A_3634 : f32 to vector<16xf32>
      %mul3A_3636 = arith.mulf %broadcast_in_dim3A_3635, %sub3A_3633 : vector<16xf32>
      %add3A_3637 = arith.constant -0.142965987 : f32
      %add3A_3638 = vector.broadcast %add3A_3637 : f32 to vector<16xf32>
      %add3A_3639 = arith.addf %mul3A_3636, %add3A_3638 : vector<16xf32>
      %mul3A_3640 = arith.mulf %add3A_3639, %sub3A_3633 : vector<16xf32>
      %add3A_3641 = arith.constant 0.150563762 : f32
      %add3A_3642 = vector.broadcast %add3A_3641 : f32 to vector<16xf32>
      %add3A_3643 = arith.addf %mul3A_3640, %add3A_3642 : vector<16xf32>
      %mul3A_3644 = arith.mulf %add3A_3643, %sub3A_3633 : vector<16xf32>
      %add3A_3645 = arith.constant -0.165757507 : f32
      %add3A_3646 = vector.broadcast %add3A_3645 : f32 to vector<16xf32>
      %add3A_3647 = arith.addf %mul3A_3644, %add3A_3646 : vector<16xf32>
      %mul3A_3648 = arith.mulf %add3A_3647, %sub3A_3633 : vector<16xf32>
      %add3A_3649 = arith.constant 0.199447781 : f32
      %add3A_3650 = vector.broadcast %add3A_3649 : f32 to vector<16xf32>
      %add3A_3651 = arith.addf %mul3A_3648, %add3A_3650 : vector<16xf32>
      %mul3A_3652 = arith.mulf %add3A_3651, %sub3A_3633 : vector<16xf32>
      %add3A_3653 = arith.constant -0.250012517 : f32
      %add3A_3654 = vector.broadcast %add3A_3653 : f32 to vector<16xf32>
      %add3A_3655 = arith.addf %mul3A_3652, %add3A_3654 : vector<16xf32>
      %mul3A_3656 = arith.mulf %add3A_3655, %sub3A_3633 : vector<16xf32>
      %add3A_3657 = arith.constant 0.333347321 : f32
      %add3A_3658 = vector.broadcast %add3A_3657 : f32 to vector<16xf32>
      %add3A_3659 = arith.addf %mul3A_3656, %add3A_3658 : vector<16xf32>
      %mul3A_3660 = arith.mulf %add3A_3659, %sub3A_3633 : vector<16xf32>
      %add3A_3661 = arith.constant -5.000000e-01 : f32
      %add3A_3662 = vector.broadcast %add3A_3661 : f32 to vector<16xf32>
      %add3A_3663 = arith.addf %mul3A_3660, %add3A_3662 : vector<16xf32>
      %mul3A_3664 = arith.mulf %add3A_3663, %sub3A_3633 : vector<16xf32>
      %add3A_3665 = arith.constant 0.99999988 : f32
      %add3A_3666 = vector.broadcast %add3A_3665 : f32 to vector<16xf32>
      %add3A_3667 = arith.addf %mul3A_3664, %add3A_3666 : vector<16xf32>
      %mul3A_3668 = arith.mulf %add3A_3667, %sub3A_3633 : vector<16xf32>
      %add3A_3669 = arith.constant 2.6434574E-10 : f32
      %add3A_3670 = vector.broadcast %add3A_3669 : f32 to vector<16xf32>
      %add3A_3671 = arith.addf %mul3A_3668, %add3A_3670 : vector<16xf32>
      %convert_element_type3A_3672 = arith.sitofp %select_n3A_3630 : vector<16xi32> to vector<16xf32>
      %mul3A_3673 = arith.constant 0.693147182 : f32
      %mul3A_3674 = vector.broadcast %mul3A_3673 : f32 to vector<16xf32>
      %mul3A_3675 = arith.mulf %convert_element_type3A_3672, %mul3A_3674 : vector<16xf32>
      %add3A_3676 = arith.addf %mul3A_3675, %add3A_3671 : vector<16xf32>
      %div3A_3677 = arith.constant 1.000000e+00 : f32
      %div3A_3678 = vector.broadcast %div3A_3677 : f32 to vector<16xf32>
      %div3A_3679 = arith.divf %div3A_3678, %select_n3A_3531 : vector<16xf32>
      %mul3A_3680 = arith.mulf %mul3A_85, %div3A_3679 : vector<16xf32>
      %sub3A_3681 = arith.subf %sub3A_339, %mul3A_3680 : vector<16xf32>
      %sub3A_3682 = arith.subf %sub3A_3681, %add3A_3602 : vector<16xf32>
      %mul3A_3683 = arith.mulf %select_n3A_50, %add3A_3676 : vector<16xf32>
      %add3A_3684 = arith.addf %sub3A_3682, %mul3A_3683 : vector<16xf32>
      %jit3A_3685 = arith.constant -1.000000e+01 : f32
      %jit3A_3686 = arith.constant 1.000000e+01 : f32
      %max3A_3687 = vector.broadcast %jit3A_3685 : f32 to vector<16xf32>
      %max3A_3688 = arith.maximumf %max3A_3687, %add3A_3684 : vector<16xf32>
      %min3A_3689 = vector.broadcast %jit3A_3686 : f32 to vector<16xf32>
      %min3A_3690 = arith.minimumf %min3A_3689, %max3A_3688 : vector<16xf32>
      %mul3A_3691 = arith.mulf %mul3A_86, %div3A_3679 : vector<16xf32>
      %sub3A_3692 = arith.subf %sub3A_598, %mul3A_3691 : vector<16xf32>
      %sub3A_3693 = arith.subf %sub3A_3692, %add3A_3602 : vector<16xf32>
      %mul3A_3694 = arith.mulf %select_n3A_56, %add3A_3676 : vector<16xf32>
      %add3A_3695 = arith.addf %sub3A_3693, %mul3A_3694 : vector<16xf32>
      %jit3A_3696 = arith.constant -1.000000e+01 : f32
      %jit3A_3697 = arith.constant 1.000000e+01 : f32
      %max3A_3698 = vector.broadcast %jit3A_3696 : f32 to vector<16xf32>
      %max3A_3699 = arith.maximumf %max3A_3698, %add3A_3695 : vector<16xf32>
      %min3A_3700 = vector.broadcast %jit3A_3697 : f32 to vector<16xf32>
      %min3A_3701 = arith.minimumf %min3A_3700, %max3A_3699 : vector<16xf32>
      %exp3A_3702 = math.exp %min3A_3690 : vector<16xf32>
      %sub3A_3703 = arith.constant 1.500000e+01 : f32
      %sub3A_3704 = vector.broadcast %sub3A_3703 : f32 to vector<16xf32>
      %sub3A_3705 = arith.subf %sub3A_3704, %exp3A_3702 : vector<16xf32>
      %exp3A_3706 = math.exp %min3A_3701 : vector<16xf32>
      %sub3A_3707 = arith.constant 1.500000e+01 : f32
      %sub3A_3708 = vector.broadcast %sub3A_3707 : f32 to vector<16xf32>
      %sub3A_3709 = arith.subf %sub3A_3708, %exp3A_3706 : vector<16xf32>
      %div3A_3710 = arith.divf %sub3A_3705, %sub3A_3709 : vector<16xf32>
      %jit3A_3711 = arith.constant 1.000000e+00 : f32
      %broadcast_in_dim3A_3712 = vector.broadcast %jit3A_3711 : f32 to vector<16xf32>
      %select_n3A_3713 = arith.select %and3A_3528, %div3A_3710, %broadcast_in_dim3A_3712 : vector<16xi1>, vector<16xf32>
      %mul3A_3714 = arith.mulf %mul3A_3519, %select_n3A_3713 : vector<16xf32>
      %bitcast_convert_type3A_3715 = tpu.bitcast %mul3A_3714 : vector<16xf32> -> vector<16xi32>
      %shift_right_arithmetic3A_3716 = arith.constant 23 : i32
      %shift_right_arithmetic3A_3717 = vector.broadcast %shift_right_arithmetic3A_3716 : i32 to vector<16xi32>
      %shift_right_arithmetic3A_3718 = arith.shrsi %bitcast_convert_type3A_3715, %shift_right_arithmetic3A_3717 : vector<16xi32>
      %sub3A_3719 = arith.constant 127 : i32
      %sub3A_3720 = vector.broadcast %sub3A_3719 : i32 to vector<16xi32>
      %sub3A_3721 = arith.subi %shift_right_arithmetic3A_3718, %sub3A_3720 : vector<16xi32>
      %and3A_3722 = arith.constant 8388607 : i32
      %and3A_3723 = vector.broadcast %and3A_3722 : i32 to vector<16xi32>
      %and3A_3724 = arith.andi %bitcast_convert_type3A_3715, %and3A_3723 : vector<16xi32>
      %or3A_3725 = arith.constant 1065353216 : i32
      %or3A_3726 = vector.broadcast %or3A_3725 : i32 to vector<16xi32>
      %or3A_3727 = arith.ori %and3A_3724, %or3A_3726 : vector<16xi32>
      %bitcast_convert_type3A_3728 = tpu.bitcast %or3A_3727 : vector<16xi32> -> vector<16xf32>
      %gt3A_3729 = arith.constant 1.41421354 : f32
      %gt3A_3730 = vector.broadcast %gt3A_3729 : f32 to vector<16xf32>
      %gt3A_3731 = arith.cmpf ogt, %bitcast_convert_type3A_3728, %gt3A_3730 : vector<16xf32>
      %mul3A_3732 = arith.constant 5.000000e-01 : f32
      %mul3A_3733 = vector.broadcast %mul3A_3732 : f32 to vector<16xf32>
      %mul3A_3734 = arith.mulf %bitcast_convert_type3A_3728, %mul3A_3733 : vector<16xf32>
      %select_n3A_3735 = arith.select %gt3A_3731, %mul3A_3734, %bitcast_convert_type3A_3728 : vector<16xi1>, vector<16xf32>
      %add3A_3736 = arith.constant 1 : i32
      %add3A_3737 = vector.broadcast %add3A_3736 : i32 to vector<16xi32>
      %add3A_3738 = arith.addi %sub3A_3721, %add3A_3737 : vector<16xi32>
      %select_n3A_3739 = arith.select %gt3A_3731, %add3A_3738, %sub3A_3721 : vector<16xi1>, vector<16xi32>
      %sub3A_3740 = arith.constant 1.000000e+00 : f32
      %sub3A_3741 = vector.broadcast %sub3A_3740 : f32 to vector<16xf32>
      %sub3A_3742 = arith.subf %select_n3A_3735, %sub3A_3741 : vector<16xf32>
      %broadcast_in_dim3A_3743 = arith.constant 0.0838350877 : f32
      %broadcast_in_dim3A_3744 = vector.broadcast %broadcast_in_dim3A_3743 : f32 to vector<16xf32>
      %mul3A_3745 = arith.mulf %broadcast_in_dim3A_3744, %sub3A_3742 : vector<16xf32>
      %add3A_3746 = arith.constant -0.142965987 : f32
      %add3A_3747 = vector.broadcast %add3A_3746 : f32 to vector<16xf32>
      %add3A_3748 = arith.addf %mul3A_3745, %add3A_3747 : vector<16xf32>
      %mul3A_3749 = arith.mulf %add3A_3748, %sub3A_3742 : vector<16xf32>
      %add3A_3750 = arith.constant 0.150563762 : f32
      %add3A_3751 = vector.broadcast %add3A_3750 : f32 to vector<16xf32>
      %add3A_3752 = arith.addf %mul3A_3749, %add3A_3751 : vector<16xf32>
      %mul3A_3753 = arith.mulf %add3A_3752, %sub3A_3742 : vector<16xf32>
      %add3A_3754 = arith.constant -0.165757507 : f32
      %add3A_3755 = vector.broadcast %add3A_3754 : f32 to vector<16xf32>
      %add3A_3756 = arith.addf %mul3A_3753, %add3A_3755 : vector<16xf32>
      %mul3A_3757 = arith.mulf %add3A_3756, %sub3A_3742 : vector<16xf32>
      %add3A_3758 = arith.constant 0.199447781 : f32
      %add3A_3759 = vector.broadcast %add3A_3758 : f32 to vector<16xf32>
      %add3A_3760 = arith.addf %mul3A_3757, %add3A_3759 : vector<16xf32>
      %mul3A_3761 = arith.mulf %add3A_3760, %sub3A_3742 : vector<16xf32>
      %add3A_3762 = arith.constant -0.250012517 : f32
      %add3A_3763 = vector.broadcast %add3A_3762 : f32 to vector<16xf32>
      %add3A_3764 = arith.addf %mul3A_3761, %add3A_3763 : vector<16xf32>
      %mul3A_3765 = arith.mulf %add3A_3764, %sub3A_3742 : vector<16xf32>
      %add3A_3766 = arith.constant 0.333347321 : f32
      %add3A_3767 = vector.broadcast %add3A_3766 : f32 to vector<16xf32>
      %add3A_3768 = arith.addf %mul3A_3765, %add3A_3767 : vector<16xf32>
      %mul3A_3769 = arith.mulf %add3A_3768, %sub3A_3742 : vector<16xf32>
      %add3A_3770 = arith.constant -5.000000e-01 : f32
      %add3A_3771 = vector.broadcast %add3A_3770 : f32 to vector<16xf32>
      %add3A_3772 = arith.addf %mul3A_3769, %add3A_3771 : vector<16xf32>
      %mul3A_3773 = arith.mulf %add3A_3772, %sub3A_3742 : vector<16xf32>
      %add3A_3774 = arith.constant 0.99999988 : f32
      %add3A_3775 = vector.broadcast %add3A_3774 : f32 to vector<16xf32>
      %add3A_3776 = arith.addf %mul3A_3773, %add3A_3775 : vector<16xf32>
      %mul3A_3777 = arith.mulf %add3A_3776, %sub3A_3742 : vector<16xf32>
      %add3A_3778 = arith.constant 2.6434574E-10 : f32
      %add3A_3779 = vector.broadcast %add3A_3778 : f32 to vector<16xf32>
      %add3A_3780 = arith.addf %mul3A_3777, %add3A_3779 : vector<16xf32>
      %convert_element_type3A_3781 = arith.sitofp %select_n3A_3739 : vector<16xi32> to vector<16xf32>
      %mul3A_3782 = arith.constant 0.693147182 : f32
      %mul3A_3783 = vector.broadcast %mul3A_3782 : f32 to vector<16xf32>
      %mul3A_3784 = arith.mulf %convert_element_type3A_3781, %mul3A_3783 : vector<16xf32>
      %add3A_3785 = arith.addf %mul3A_3784, %add3A_3780 : vector<16xf32>
      %add3A_3786 = arith.addf %scan3A_74, %add3A_3785 : vector<16xf32>
      scf.yield %add3A_3786 : vector<16xf32>
    }
    %scan3A_63 = arith.constant 16 : i32
    %swap3A = arith.constant 0 : index
    %swap3A_64 = tpu.vector_load %arg9[%swap3A] {strides = array<i32>} : memref<16xf32, #tpu.memory_space<vmem>>, vector<16xf32>,
    tpu.vector_store %arg9[%swap3A], %scan3A_62 {strides = array<i32>} : memref<16xf32, #tpu.memory_space<vmem>>, vector<16xf32>,
    %mul3A_65 = arith.constant 16 : i32
    %mul3A_66 = arith.muli %arg0, %mul3A_65 : i32
    %add3A_67 = arith.constant 16 : i32
    %add3A_68 = arith.addi %add3A_67, %mul3A_66 : i32
    %add3A_69 = arith.addi %add3A_68, %arg1 : i32
    "tpu.region"() ({
      %run_scoped3A = tpu.sem_alloc : memref<!tpu.dma_semaphore, #tpu.memory_space<semaphore_mem>>
      %dma_start3A = arith.constant 0 : i32
      %dma_start3A_73 = tpu.memref_slice %arg5[%add3A_69, %dma_start3A] : memref<48x16xf32, #tpu.memory_space<hbm>> -> memref<1x16xf32, #tpu.memory_space<hbm>>
      %dma_start3A_74 = tpu.memref_squeeze %dma_start3A_73 : memref<1x16xf32, #tpu.memory_space<hbm>> -> memref<16xf32, #tpu.memory_space<hbm>>
      %dma_start3A_75 = arith.constant 0 : i32
      %dma_start3A_76 = tpu.memref_slice %arg5[%add3A_69, %dma_start3A_75] : memref<48x16xf32, #tpu.memory_space<hbm>> -> memref<1x16xf32, #tpu.memory_space<hbm>>
      %dma_start3A_77 = tpu.memref_squeeze %dma_start3A_76 : memref<1x16xf32, #tpu.memory_space<hbm>> -> memref<16xf32, #tpu.memory_space<hbm>>
      tpu.enqueue_dma source(%arg9 : memref<16xf32, #tpu.memory_space<vmem>>) target(%dma_start3A_77 : memref<16xf32, #tpu.memory_space<hbm>>) target_semaphore(%run_scoped3A : memref<!tpu.dma_semaphore, #tpu.memory_space<semaphore_mem>>)
      %dma_wait3A = arith.constant 0 : i32
      %dma_wait3A_78 = tpu.memref_slice %arg5[%add3A_69, %dma_wait3A] : memref<48x16xf32, #tpu.memory_space<hbm>> -> memref<1x16xf32, #tpu.memory_space<hbm>>
      %dma_wait3A_79 = tpu.memref_squeeze %dma_wait3A_78 : memref<1x16xf32, #tpu.memory_space<hbm>> -> memref<16xf32, #tpu.memory_space<hbm>>
      %dma_wait3A_80 = arith.constant 0 : i32
      %dma_wait3A_81 = tpu.memref_slice %arg5[%add3A_69, %dma_wait3A_80] : memref<48x16xf32, #tpu.memory_space<hbm>> -> memref<1x16xf32, #tpu.memory_space<hbm>>
      %dma_wait3A_82 = tpu.memref_squeeze %dma_wait3A_81 : memref<1x16xf32, #tpu.memory_space<hbm>> -> memref<16xf32, #tpu.memory_space<hbm>>
      tpu.wait_dma2 semaphore(%run_scoped3A : memref<!tpu.dma_semaphore, #tpu.memory_space<semaphore_mem>>) src(%arg9 : memref<16xf32, #tpu.memory_space<vmem>>) dst(%dma_wait3A_82 : memref<16xf32, #tpu.memory_space<hbm>>)
      tpu.yield
    }) : () -> ()
    %barrier3A = arith.constant 0 : index
    tpu.barrier barrier_id(%barrier3A)
    %eq3A_70 = arith.constant 0 : i32
    %eq3A_71 = arith.cmpi eq, %select_n3A_30, %eq3A_70 : i32
    %convert_element_type3A = arith.extui %eq3A_71 : i1 to i32
    %cond3A = arith.constant 0 : i32
    %cond3A_72 = arith.cmpi ne, %convert_element_type3A, %cond3A : i32
    scf.if %cond3A_72 {
      %mul3A_73 = arith.constant 16 : i32
      %mul3A_74 = arith.muli %arg0, %mul3A_73 : i32
      %add3A_75 = arith.constant 16 : i32
      %add3A_76 = arith.addi %add3A_75, %mul3A_74 : i32
      %add3A_77 = arith.addi %add3A_76, %arg1 : i32
      %add3A_78 = arith.constant 1 : i32
      %add3A_79 = arith.addi %add3A_77, %add3A_78 : i32
      "tpu.region"() ({
        %run_scoped3A = tpu.sem_alloc : memref<!tpu.dma_semaphore, #tpu.memory_space<semaphore_mem>>
        %dma_start3A = arith.constant 0 : i32
        %dma_start3A_88 = tpu.memref_slice %arg5[%add3A_79, %dma_start3A] : memref<48x16xf32, #tpu.memory_space<hbm>> -> memref<1x16xf32, #tpu.memory_space<hbm>>
        %dma_start3A_89 = tpu.memref_squeeze %dma_start3A_88 : memref<1x16xf32, #tpu.memory_space<hbm>> -> memref<16xf32, #tpu.memory_space<hbm>>
        %dma_start3A_90 = arith.constant 0 : i32
        %dma_start3A_91 = tpu.memref_slice %arg5[%add3A_79, %dma_start3A_90] : memref<48x16xf32, #tpu.memory_space<hbm>> -> memref<1x16xf32, #tpu.memory_space<hbm>>
        %dma_start3A_92 = tpu.memref_squeeze %dma_start3A_91 : memref<1x16xf32, #tpu.memory_space<hbm>> -> memref<16xf32, #tpu.memory_space<hbm>>
        tpu.enqueue_dma source(%dma_start3A_92 : memref<16xf32, #tpu.memory_space<hbm>>) target(%arg10 : memref<16xf32, #tpu.memory_space<vmem>>) target_semaphore(%run_scoped3A : memref<!tpu.dma_semaphore, #tpu.memory_space<semaphore_mem>>)
        %dma_wait3A = arith.constant 0 : i32
        %dma_wait3A_93 = tpu.memref_slice %arg5[%add3A_79, %dma_wait3A] : memref<48x16xf32, #tpu.memory_space<hbm>> -> memref<1x16xf32, #tpu.memory_space<hbm>>
        %dma_wait3A_94 = tpu.memref_squeeze %dma_wait3A_93 : memref<1x16xf32, #tpu.memory_space<hbm>> -> memref<16xf32, #tpu.memory_space<hbm>>
        %dma_wait3A_95 = arith.constant 0 : i32
        %dma_wait3A_96 = tpu.memref_slice %arg5[%add3A_79, %dma_wait3A_95] : memref<48x16xf32, #tpu.memory_space<hbm>> -> memref<1x16xf32, #tpu.memory_space<hbm>>
        %dma_wait3A_97 = tpu.memref_squeeze %dma_wait3A_96 : memref<1x16xf32, #tpu.memory_space<hbm>> -> memref<16xf32, #tpu.memory_space<hbm>>
        tpu.wait_dma2 semaphore(%run_scoped3A : memref<!tpu.dma_semaphore, #tpu.memory_space<semaphore_mem>>) src(%dma_wait3A_97 : memref<16xf32, #tpu.memory_space<hbm>>) dst(%arg10 : memref<16xf32, #tpu.memory_space<vmem>>)
        tpu.yield
      }) : () -> ()
      %get3A = arith.constant 0 : index
      %get3A_80 = tpu.vector_load %arg10[%get3A] {strides = array<i32>} : memref<16xf32, #tpu.memory_space<vmem>>, vector<16xf32>,
      %add3A_81 = arith.addf %scan3A_62, %get3A_80 : vector<16xf32>
      %reduce_sum3A = arith.constant true
      %reduce_sum3A_82 = vector.broadcast %reduce_sum3A : i1 to vector<16xi1>
      %reduce_sum3A_83 = tpu.scan <sum>, %add3A_81 masked %reduce_sum3A_82 : vector<16xf32>, vector<16xi1> -> vector<16xf32>
      %reduce_sum3A_84 = vector.extract %reduce_sum3A_83[15] : f32 from vector<16xf32>
      %broadcast_in_dim3A_85 = vector.broadcast %reduce_sum3A_84 : f32 to vector<16xf32>
      %exp3A = math.exp %broadcast_in_dim3A_85 : vector<16xf32>
      %swap3A_86 = arith.constant 0 : index
      %swap3A_87 = tpu.vector_load %arg9[%swap3A_86] {strides = array<i32>} : memref<16xf32, #tpu.memory_space<vmem>>, vector<16xf32>,
      tpu.vector_store %arg9[%swap3A_86], %exp3A {strides = array<i32>} : memref<16xf32, #tpu.memory_space<vmem>>, vector<16xf32>,
      "tpu.region"() ({
        %run_scoped3A = tpu.sem_alloc : memref<!tpu.dma_semaphore, #tpu.memory_space<semaphore_mem>>
        %dma_start3A = arith.constant 0 : i32
        %dma_start3A_88 = tpu.memref_slice %arg5[%add3A, %dma_start3A] : memref<48x16xf32, #tpu.memory_space<hbm>> -> memref<1x16xf32, #tpu.memory_space<hbm>>
        %dma_start3A_89 = tpu.memref_squeeze %dma_start3A_88 : memref<1x16xf32, #tpu.memory_space<hbm>> -> memref<16xf32, #tpu.memory_space<hbm>>
        %dma_start3A_90 = arith.constant 0 : i32
        %dma_start3A_91 = tpu.memref_slice %arg5[%add3A, %dma_start3A_90] : memref<48x16xf32, #tpu.memory_space<hbm>> -> memref<1x16xf32, #tpu.memory_space<hbm>>
        %dma_start3A_92 = tpu.memref_squeeze %dma_start3A_91 : memref<1x16xf32, #tpu.memory_space<hbm>> -> memref<16xf32, #tpu.memory_space<hbm>>
        tpu.enqueue_dma source(%arg9 : memref<16xf32, #tpu.memory_space<vmem>>) target(%dma_start3A_92 : memref<16xf32, #tpu.memory_space<hbm>>) target_semaphore(%run_scoped3A : memref<!tpu.dma_semaphore, #tpu.memory_space<semaphore_mem>>)
        %dma_wait3A = arith.constant 0 : i32
        %dma_wait3A_93 = tpu.memref_slice %arg5[%add3A, %dma_wait3A] : memref<48x16xf32, #tpu.memory_space<hbm>> -> memref<1x16xf32, #tpu.memory_space<hbm>>
        %dma_wait3A_94 = tpu.memref_squeeze %dma_wait3A_93 : memref<1x16xf32, #tpu.memory_space<hbm>> -> memref<16xf32, #tpu.memory_space<hbm>>
        %dma_wait3A_95 = arith.constant 0 : i32
        %dma_wait3A_96 = tpu.memref_slice %arg5[%add3A, %dma_wait3A_95] : memref<48x16xf32, #tpu.memory_space<hbm>> -> memref<1x16xf32, #tpu.memory_space<hbm>>
        %dma_wait3A_97 = tpu.memref_squeeze %dma_wait3A_96 : memref<1x16xf32, #tpu.memory_space<hbm>> -> memref<16xf32, #tpu.memory_space<hbm>>
        tpu.wait_dma2 semaphore(%run_scoped3A : memref<!tpu.dma_semaphore, #tpu.memory_space<semaphore_mem>>) src(%arg9 : memref<16xf32, #tpu.memory_space<vmem>>) dst(%dma_wait3A_97 : memref<16xf32, #tpu.memory_space<hbm>>)
        tpu.yield
      }) : () -> ()
    } else {
    }
    return
  }
}

</mosaic_0001>

<sc_bundles>
// kernel: kernel.3.cloned.1.call-start
scs
__scs_entry_jumppad:
0x0: {  	(pc) =	sbr.rel $0x88, $3  }
0x1: {  	(tag) =	ssettag $0x0;
	lr =	simm.s32 $0x1  }
0x2: {  	[smem:$0x3F9B] =	sst lr;
	_ =	strace $0xD0000000  }
0x3: {  	_ = 	snop  }
0x4: {  	_ = 	snop  }
0x5: {  	_ = 	snop  }
0x6: {  	_ = 	snop  }
0x7: {  	_ = 	snop  }
__scs_overlays_trampoline_lowered:
0x8: {  	[smem:$0x3FAA] =	sst s0  }
0x9: {  	[smem:$0x3FAB] =	sst s1  }
0xa: {  	[smem:$0x3FAC] =	sst s2  }
0xb: {  	[smem:$0x3FAD] =	sst s3  }
0xc: {  	[smem:$0x3FAE] =	sst s4  }
0xd: {  	[smem:$0x3FAF] =	sst s5  }
0xe: {  	[smem:$0x3FB0] =	sst s6  }
0xf: {  	[smem:$0x3FB1] =	sst s7  }
0x10: {  	[smem:$0x3FB2] =	sst s8  }
0x11: {  	[smem:$0x3FB3] =	sst s9;
	s0 =	simm.s32 @!p0 $0x0  }
0x12: {  	s1 =	sld [smem:$0x3F99];
	s0 =	simm.s32 @p0 $0x1  }
0x13: {  	[smem:$0x3FB4] =	sst s0;
	s0 =	simm.s32 @!p1 $0x0  }
0x14: {  	s2 =	sld [smem:$0x3F98];
	s0 =	simm.s32 @p1 $0x1  }
0x15: {  	[smem:$0x3FB5] =	sst s0;
	s0 =	simm.s32 @!p2 $0x0  }
0x16: {  	s3 =	sld [smem:$0x3FDB];
	s0 =	simm.s32 @p2 $0x1  }
0x17: {  	s4 =	simm.s32 $0x1BF5;
	[smem:$0x3FB7] =	sst s0  }
0x18: {  	s0 =	sld [smem:$0x3F9A];
	_ =	swait.ge [sflag:s4], $0x0  }
0x19: {  	s7 =	sld [smem:$0x3F9B]  }
0x1a: {  	s8 =	sadd.s32 $0xFFFFE003, lr  }
0x1b: {  	s9 =	sadd.s32 $0xFFFFFEF7, lr;
	s5 =	simm.s32 $0xFFFFFFFF;
	p2 =	slt.u32 s8, $0xFFFFF086  }
0x1c: {  	p1 =	slt.u32 s9, $0xF7A;
	s5 =	simm.s32 @!p2 $0x0  }
0x1d: {  	s5 =	simm.s32 @p1 $0x1;
	p0 =	seq.s32 s7, s2  }
0x1e: {  	s7 =	smul.u32 @!p0 $0xF7A, s2;
	p2 =	seq.s32 @!p0 s5, $0x0  }
0x1f: {  	s9 =	smul.u32 $0xF7A, s1;
	s8 =	simm.s32 @!p0 $0x1BF5;
	p2 =	por !p2, p0  }
0x20: {  	[sflag:s8] =	ssyncset.s32 @!p0 $0xFFFFF086;
	s6 =	sadd.s32 @!p0 s3, s7;
	s7 =	simm.s32 @!p0 $0x108  }
0x21: {  	s3 =	sadd.s32 s3, s9;
	s6 =	sadd.s32 @!p0 $0x88, s6;
	s7 =	simm.s32 @p2 $0x1082  }
0x22: {  	[simem:s7], [sflag:s8] =	dma.local @!p0 [hbm:s6], $0xF7A  }
0x23: {  	s9 =	sor.u32 $0xD0000000, s2;
	s6 =	simm.s32 $0x108;
	_ =	swait.ge @!p0 [sflag:s8], $0x0  }
0x24: {  	s3 =	sadd.s32 $0x88, s3;
	s6 =	simm.s32 @!p1 $0x1082;
	[sflag:s4] =	ssyncset.s32 $0xFFFFF086  }
0x25: {  	[simem:s6], [sflag:s4] =	dma.local [hbm:s3], $0xF7A  }
0x26: {  	[smem:$0x3F9B] =	sst s1;
	(tag) =	ssettag s2;
	_ =	strace s9  }
0x27: {  	s1 =	sld [smem:$0x3FAB]  }
0x28: {  	s2 =	sld [smem:$0x3FAC]  }
0x29: {  	s4 =	sld [smem:$0x3FAE]  }
0x2a: {  	p0 =	seq.s32 s5, $0x0;
	s5 =	sld [smem:$0x3FAF]  }
0x2b: {  	s6 =	sld [smem:$0x3FB0]  }
0x2c: {  	s7 =	sld [smem:$0x3FB1]  }
0x2d: {  	s3 =	simm.s32 $0x108;
	s8 =	sld [smem:$0x3FB2]  }
0x2e: {  	s3 =	simm.s32 @!p0 $0x1082;
	s9 =	sld [smem:$0x3FB3]  }
0x2f: {  	lr =	sadd.s32 s0, s3;
	s0 =	sld [smem:$0x3FAA]  }
0x30: {  	s3 =	sld [smem:$0x3FAD]  }
0x31: {  	[smem:$0x3FB6] =	sst s10  }
0x32: {  	s10 =	sld [smem:$0x3FB4];
	_ =	sdelay $0x3  }
0x33: {  	p0 =	seq.s32 s10, $0x1;
	s10 =	sld [smem:$0x3FB6];
	_ =	sdelay $0x3  }
0x34: {  	[smem:$0x3FB6] =	sst s10  }
0x35: {  	s10 =	sld [smem:$0x3FB5];
	_ =	sdelay $0x3  }
0x36: {  	p1 =	seq.s32 s10, $0x1;
	s10 =	sld [smem:$0x3FB6];
	_ =	sdelay $0x3  }
0x37: {  	[smem:$0x3FB6] =	sst s10  }
0x38: {  	s10 =	sld [smem:$0x3FB7]  }
0x39: {  	_ = 	snop;
	(pc) =	sbr.ind lr, $3  }
0x3a: {  	_ = 	snop  }
0x3b: {  	_ = 	snop  }
0x3c: {  	p2 =	seq.s32 s10, $0x1;
	s10 =	sld [smem:$0x3FB6]  }
0x3d: {  	_ =	shalt  }
0x3e: {  	_ =	shalt  }
0x3f: {  	_ =	shalt  }
0x40: {  	_ =	shalt  }
0x41: {  	_ =	shalt  }
0x42: {  	_ =	shalt  }
0x43: {  	_ =	shalt  }
0x44: {  	_ =	shalt  }
0x45: {  	_ =	shalt  }
0x46: {  	_ =	shalt  }
0x47: {  	_ =	shalt  }
0x48: {  	_ =	shalt  }
0x49: {  	_ =	shalt  }
0x4a: {  	_ =	shalt  }
0x4b: {  	_ =	shalt  }
0x4c: {  	_ =	shalt  }
0x4d: {  	_ =	shalt  }
0x4e: {  	_ =	shalt  }
0x4f: {  	_ =	shalt  }
0x50: {  	_ =	shalt  }
0x51: {  	_ =	shalt  }
0x52: {  	_ =	shalt  }
0x53: {  	_ =	shalt  }
0x54: {  	_ =	shalt  }
0x55: {  	_ =	shalt  }
0x56: {  	_ =	shalt  }
0x57: {  	_ =	shalt  }
0x58: {  	_ =	shalt  }
0x59: {  	_ =	shalt  }
0x5a: {  	_ =	shalt  }
0x5b: {  	_ =	shalt  }
0x5c: {  	_ =	shalt  }
0x5d: {  	_ =	shalt  }
0x5e: {  	_ =	shalt  }
0x5f: {  	_ =	shalt  }
0x60: {  	_ =	shalt  }
0x61: {  	_ =	shalt  }
0x62: {  	_ =	shalt  }
0x63: {  	_ =	shalt  }
0x64: {  	_ =	shalt  }
0x65: {  	_ =	shalt  }
0x66: {  	_ =	shalt  }
0x67: {  	_ =	shalt  }
0x68: {  	_ =	shalt  }
0x69: {  	_ =	shalt  }
0x6a: {  	_ =	shalt  }
0x6b: {  	_ =	shalt  }
0x6c: {  	_ =	shalt  }
0x6d: {  	_ =	shalt  }
0x6e: {  	_ =	shalt  }
0x6f: {  	_ =	shalt  }
0x70: {  	_ =	shalt  }
0x71: {  	_ =	shalt  }
0x72: {  	_ =	shalt  }
0x73: {  	_ =	shalt  }
0x74: {  	_ =	shalt  }
0x75: {  	_ =	shalt  }
0x76: {  	_ =	shalt  }
0x77: {  	_ =	shalt  }
0x78: {  	_ =	shalt  }
0x79: {  	_ =	shalt  }
0x7a: {  	_ =	shalt  }
0x7b: {  	_ =	shalt  }
0x7c: {  	_ =	shalt  }
0x7d: {  	_ =	shalt  }
0x7e: {  	_ =	shalt  }
0x7f: {  	_ =	shalt  }
0x80: {  	_ =	shalt  }
0x81: {  	_ =	shalt  }
0x82: {  	_ =	shalt  }
0x83: {  	_ =	shalt  }
0x84: {  	_ =	shalt  }
0x85: {  	_ =	shalt  }
0x86: {  	_ =	shalt  }
0x87: {  	_ =	shalt  }
.Lfunc_end0:
.L_simem_size_0:
called_computation_lowered:
.L_overlay_start_0:
0x88: {  	s2 =	sld [smem:$0x3FD9]  }
0x89: {  	s3 =	sld [smem:$0x3FFE];
	_ =	sdelay $0x1  }
0x8a: {  	s1 =	srdreg.scid  }
0x8b: {  	s0 =	sand.u32 $0x1, s1  }
0x8c: {  	s17 =	sshll.u32 s0, $0xA;
	s2 =	sadd.s32 s3, s2  }
0x8d: {  	s2 =	sadd.s32 s2, s17  }
0x8e: {  	[smem:$0x3FC2] =	sst s2  }
0x8f: {  	_ = 	snop  }
0x90: {  	s2 =	sld [smem:$0x3FC8];
	(tm) =	ssettm $0x1  }
0x91: {  	s18 =	sld [smem:$0x3FFB];
	_ =	sdelay $0x3  }
0x92: {  	_ =	strace s18  }
0x93: {  	s3 =	sld [smem:$0x3FFC];
	_ =	sdelay $0x3  }
0x94: {  	_ =	strace s3  }
0x95: {  	s3 =	sld [smem:$0x3FFD];
	_ =	sdelay $0x3  }
0x96: {  	_ =	strace s3  }
0x97: {  	_ =	strace $0x8FFFFFFF  }
0x98: {  	s19 =	sld [smem:$0x3FDB];
	_ =	sdelay $0x1  }
0x99: {  	s4 =	simm.s32 $_scs_section_size  }
0x9a: {  	s5 =	simm.s32 $_size__tile_overlayer_lowered;
	s6 =	simm.s32 $_tile_overlayer_lowered  }
0x9b: {  	s22 =	simm.s32 $0x1BFF;
	s21 =	sshll.u32 s6, $0x1;
	s3 =	sadd.s32 s4, s19  }
0x9c: {  	s7 =	simm.s32 $0x0;
	s20 =	sshll.u32 s5, $0x1;
	s5 =	sadd.s32 s21, s3  }
0x9d: {  	[timem:s7], [sflag:s22] =	dma.local [hbm:s5], s20  }
0x9e: {  	_ =	swait.ge [sflag:s22], s20  }
0x9f: {  	s4 =	ssub.s32 $0x0, s20;
	[sflag:s22] =	ssyncset.done $0x0  }
0xa0: {  	[sflag:s22] =	ssyncadd.s32 s4;
	_ =	sdelay $0x1  }
0xa1: {  	s23 =	simm.s32 $0x1B8B  }
0xa2: {  	_ =	swait.ge [sflag:s23], $0x1  }
0xa3: {  	[sflag:s23] =	ssyncset.done $0x0  }
0xa4: {  	s25 =	simm.s32 $0x1B8E;
	s24 =	sld [smem:$0x3FFE];
	[sflag:s23] =	ssyncadd.s32 $0xFFFFFFFF  }
0xa5: {  	s26 =	simm.s32 $execute0_lowered;
	[smem:$0x3FD2] =	sst s25  }
0xa6: {  	s5 =	sshll.u32 s26, $0x1;
	_ =	strace $0x80000046;
	[dreg:$0x1] =	wrdreg $0xFFFFFFFF  }
0xa7: {  	s28 =	simm.s32 $_size_execute0_lowered;
	s3 =	sadd.s32 s3, s5;
	[dreg:$0x0] =	wrdreg $0x0  }
0xa8: {  	s5 =	sshll.u32 s28, $0x1;
	[dreg:$0x2] =	wrdreg s3  }
0xa9: {  	[dreg:$0x3] =	wrdreg s5  }
0xaa: {  	[dreg:$0x4] =	wrdreg $0xC0  }
0xab: {  	_ =	task [dreg:s7], $0x5FFFF  }
0xac: {  	[dreg:$0x1] =	wrdreg $0xFFFFFFFF  }
0xad: {  	[dreg:$0x0] =	wrdreg $0x60  }
0xae: {  	[dreg:$0x2] =	wrdreg s24  }
0xaf: {  	[dreg:$0x3] =	wrdreg s2  }
0xb0: {  	[dreg:$0x4] =	wrdreg $0x9  }
0xb1: {  	_ =	task.clear_ibuf [dreg:s7], $0x5FFFF;
	_ =	strace $0x90000046  }
0xb2: {  	s29 =	simm.s32 $0x9;
	_ =	strace $0x80000048  }
0xb3: {  	_ =	swait.ge [sflag:s29], $0x1  }
0xb4: {  	[sflag:s29] =	ssyncadd.s32 $0xFFFFFFFF  }
0xb5: {  	_ =	strace $0x90000048  }
0xb6: {  	_ =	sfence  }
0xb7: {  	s30 =	sld [smem:$0x0];
	_ =	sdelay $0x2  }
0xb8: {  	s31 =	sshll.u32 s1, $0xD;
	s1 =	sshrl.u32 s1, $0x2  }
0xb9: {  	s3 =	sand.u32 $0x4000, s31;
	s1 =	sadd.s32 s1, s30  }
0xba: {  	s0 =	sor.u32 s3, s0;
	s1 =	sshll.u32 s1, $0x11  }
0xbb: {  	s0 =	sor.u32 s1, s0  }
0xbc: {  	s0 =	sadd.s32 $0x8F2B, s0  }
0xbd: {  	[sflag:s0] =	ssyncadd.remote.s32 $0x1  }
0xbe: {  	_ =	sfence.sel $0xFFFF  }
0xbf: {  	[dreg:$0x0] =	wrdreg $0xFFFFFFFF;
	(pc) =	sbr.abs _section_cstart, $3  }
0xc0: {  	[dreg:$0x1] =	wrdreg $0xFFFFFFFF  }
0xc1: {  	_ =	task.clear_ibuf [dreg:s7], $0x2FFFF;
	_ =	strace $0x9FFFFFFF  }
0xc2: {  	(tm) =	ssettm $0x7FFFFFFF  }
0xc3: {  	_ =	shalt  }
tec
execute0_lowered:
.L_overlay_start_1:
0x0: {  	(tag) =	ssettag $0x1  }
0x1: {  	s4 =	rddreg [dreg:$0x0]  }
0x2: {  	s6 =	rddreg [dreg:$0x1];
	s1 =	stileid.u32  }
0x3: {  	s0 =	rddreg [dreg:$0x2];
	s2 =	simm.s32 $0x0;
	s5 =	srdreg.scid  }
0x4: {  	s15 =	sand.u32 $0x1, s1;
	[smem:$0x7FF] =	sst s2;
	s8 =	sand.u32 $0x1, s5  }
0x5: {  	s10 =	sshrl.u32 s1, $0x1;
	s12 =	sadd.s32 $0x20600, s4;
	s16 =	sshll.u32 s1, $0x7  }
0x6: {  	s3 =	sshll.u32 s15, $0xC;
	_ =	strace $0x80000047;
	s5 =	ssub.s32 $0x2, s8  }
0x7: {  	s9 =	sshll.u32 s8, $0x3;
	s26 =	sshll.u32 s8, $0xC;
	s13 =	sshll.u32 s15, $0xB  }
0x8: {  	s14 =	sshll.u32 s8, $0xB;
	s29 =	sand.u32 $0x300, s16;
	s30 =	sand.u32 $0x380, s16  }
0x9: {  	s8 =	sshll.u32 s8, $0xA;
	p0 =	sne.s32 s15, $0x0;
	s7 =	sadd.s32 s3, s4  }
0xa: {  	s3 =	sadd.s32 $0x20400, s4;
	s11 =	sshrl.u32 s5, $0x1;
	s9 =	sor.u32 s10, s9  }
0xb: {  	s4 =	sshll.u32 s15, $0x8;
	s10 =	sshll.u32 s10, $0x7;
	s28 =	sor.u32 s16, s14  }
0xc: {  	s15 =	simm.s32 $0x8180;
	s16 =	simm.s32 $0x0;
	s25 =	sshll.u32 s9, $0xD  }
0xd: {  	s11 =	ssub.s32 s5, s11;
	s5 =	sadd.s32 s25, s7;
	s7 =	sor.u32 s26, s13  }
0xe: {  	s13 =	sadd.s32 $0x800, s28;
	s5 =	sadd.s32 $0x400, s5;
	s7 =	sor.u32 s10, s7  }
0xf: {  	s13 =	sand.u32 $0x1C00, s13;
	s10 =	sor.u32 s8, s10;
	s7 =	sshrl.u32 s7, $0x3  }
0x10: {  	s14 =	sor.u32 s13, s29;
	s10 =	sshrl.u32 s10, $0x3;
	s6 =	sadd.s32 s6, s7  }
0x11: {  	v0 =	vmov s9;
	s7 =	sor.u32 s30, s13;
	s31 =	sshrl.u32 s14, $0x3;
	s9 =	sadd.s32 s12, s10  }
0x12: {  	v1 =	vimm.s32 $0x10;
	s10 =	smax.u32 s11, $0x1;
	s11 =	simm.s32 $0x1;
	s7 =	sshrl.u32 s7, $0x3  }
0x13: {  	v2 =	vimm.s32 $0x11;
	v3 =	vimm.s32 $0x12;
	v4 =	vlaneseq.u32;
	s14 =	simm.s32 $0x8100;
	s13 =	sadd.s32 s31, s12;
	s7 =	sadd.s32 s12, s7  }
0x14: {  	v5 =	vimm.s32 $0x13;
	v6 =	vimm.s32 $0xFFFFFF81;
	v7 =	vmul.u32 $0x80, v4;
	s8 =	sadd.s32 $0x10, s13;
	s12 =	simm.s32 $0x80;
	s13 =	simm.s32 $0x400  }
.LBB2_1:
0x15: {  	[tilespmem:s2], [sflag:$0x1] =	stream.linear.gather [hbm4b:s5+s2], $0x8000, $0x38;
	[tilespmem:$0x8280] =	vst v63  }
0x16: {  	_ =	swait.ge [sflag:s11], $0x8000  }
0x17: {  	[sflag:s11] =	ssyncset.done $0x0  }
0x18: {  	s17 =	simm.s32 $0x8000;
	[sflag:s11] =	ssyncadd.s32 $0xFFFF8000  }
0x19: {  	[tilespmem:s17], [sflag:$0x1] =	stream.strided.gather [hbm4b:s6+s12], $0x100, s13, s12, $0x38;
	[tilespmem:$0x8280] =	vst v63  }
0x1a: {  	_ =	swait.ge [sflag:s11], $0x100  }
0x1b: {  	[sflag:s11] =	ssyncset.done $0x0  }
0x1c: {  	[sflag:s11] =	ssyncadd.s32 $0xFFFFFF00  }
0x1d: {  	[tilespmem:s14], [sflag:$0x1] =	stream.linear.gather [hbm4b:s3+s2], $0x80, $0x38;
	[tilespmem:$0x8280] =	vst v63  }
0x1e: {  	_ =	swait.ge [sflag:s11], $0x80  }
0x1f: {  	[sflag:s11] =	ssyncset.done $0x0  }
0x20: {  	[sflag:s11] =	ssyncadd.s32 $0xFFFFFF80  }
0x21: {  	v8 =	vld.idx.msk [tilespmem:v1+s14+$0x0], $0xffff  }
0x22: {  	v9 =	vld.idx.msk [tilespmem:v3+s14+$0x0], $0xffff;
	_ =	sdelay $0x3  }
0x23: {  	v10 =	vsub.f32 $1.000000000e+00, v8  }
0x24: {  	v11 =	vsub.f32 $1.000000000e+00, v9  }
0x25: {  	v12 =	vand.u32 $0x7FFFFFFF, v10  }
0x26: {  	vm0 =	vlt.f32 v12, $9.999999710e-10;
	v12 =	vand.u32 $0x7FFFFFFF, v11  }
0x27: {  	v10 =	vsel vm0, $0x3089705F, v10;
	vm12 =	vlt.f32 v12, $9.999999710e-10  }
0x28: {  	(erf) = vrcp.f32 v10;
	v10 =	vsel vm12, $0x3089705F, v11  }
0x29: {  	(erf) = vrcp.f32 v10;
	_ =	sdelay $0x1  }
0x2a: {  	v18 =	vadd.f32 $-1.000000000e+00, v9  }
0x2b: {  	v13 =	vimm.s32 $0x0;
	v17 =	vadd.f32 $-1.000000000e+00, v8  }
0x2c: {  	v63 =	vimm.s32 $0x0;
	vm1 =	vlt.f32 v9, $1.999999960e-02;
	v21 =	vand.u32 $0x7FFFFFFF, v18  }
0x2d: {  	v13 =	vsel vm1, $0xFFFFFFFF, v13;
	v20 =	vand.u32 $0x7FFFFFFF, v17;
	vm14 =	vlt.f32 v21, $9.999999770e-03  }
0x2e: {  	[tilespmem:$0x1FFD0] =	vst v13;
	vm15 =	vlt.f32 v20, $9.999999770e-03;
	v20 =	vimm.s32 $0x0;
	v21 =	vsel vm14, $0xFFFFFFFF, v63  }
0x2f: {  	v15 =	vld.idx.msk [tilespmem:v2+s14+$0x0], $0xffff;
	vm13 =	vlt.f32 v8, $1.999999960e-02;
	v20 =	vsel vm15, $0xFFFFFFFF, v20;
	[tilespmem:$0x1FFE0] =	vst v21;
	v10 =	vimm.s32 $0x0  }
0x30: {  	v16 =	vmul.f32 $4.000000000e+00, v8;
	v13 =	vsel vm1, $0x0, v9;
	v17 =	vld.idx.msk [tilespmem:v5+s14+$0x0], $0xffff;
	[tilespmem:$0x1FFF0] =	vst v20;
	v10 =	vsel vm13, $0xFFFFFFFF, v10;
	v14 =	vpop (erf)  }
0x31: {  	s18 =	simm.s32 $0x0;
	v18 =	vmul.f32 $4.000000000e+00, v9;
	v12 =	vsel vm13, $0x0, v8;
	v11 =	vld.idx.msk [tilespmem:v0+s14+$0x0], $0xffff;
	[tilespmem:$0x1FFC0] =	vst v10;
	v10 =	vimm.f32 $0.0e+00;
	v19 =	vpop (erf)  }
.LBB2_2:
0x32: {  	v20 =	vld [tilespmem:s17+$0x0];
	_ =	sdelay $0x4  }
0x33: {  	v21 =	vmul.f32 v20, v20;
	_ =	sdelay $0x1  }
0x34: {  	v20 =	vmul.f32 v21, v15;
	_ =	sdelay $0x1  }
0x35: {  	v22 =	vadd.f32 $-1.000000000e+00, v20;
	_ =	sdelay $0x1  }
0x36: {  	v23 =	vmul.f32 v20, v16;
	v22 =	vmul.f32 v22, v22;
	_ =	sdelay $0x1  }
0x37: {  	v22 =	vadd.f32 v22, v23;
	_ =	sdelay $0x1  }
0x38: {  	v22 =	vmax.f32 v22, $1.000000000e-30  }
0x39: {  	v38 =	vshra.s32 v22, $0x1;
	v24 =	vmul.f32 $5.000000000e-01, v22  }
0x3a: {  	v23 =	vsub.s32 $0x5F3759DF, v38  }
0x3b: {  	v25 =	vmul.f32 v23, v24;
	_ =	sdelay $0x1  }
0x3c: {  	v25 =	vmul.f32 v23, v25;
	_ =	sdelay $0x1  }
0x3d: {  	v25 =	vsub.f32 $1.500000000e+00, v25;
	_ =	sdelay $0x1  }
0x3e: {  	v23 =	vmul.f32 v23, v25;
	_ =	sdelay $0x1  }
0x3f: {  	v25 =	vmul.f32 v23, v24;
	_ =	sdelay $0x1  }
0x40: {  	v25 =	vmul.f32 v25, v23;
	_ =	sdelay $0x1  }
0x41: {  	v25 =	vsub.f32 $1.500000000e+00, v25;
	_ =	sdelay $0x1  }
0x42: {  	v23 =	vmul.f32 v25, v23;
	_ =	sdelay $0x1  }
0x43: {  	v21 =	vmul.f32 v21, v17;
	v24 =	vmul.f32 v23, v24;
	_ =	sdelay $0x1  }
0x44: {  	v26 =	vadd.f32 $-1.000000000e+00, v21;
	v24 =	vmul.f32 v24, v23;
	_ =	sdelay $0x1  }
0x45: {  	v41 =	vmul.f32 v21, v18;
	v40 =	vmul.f32 v26, v26;
	v24 =	vsub.f32 $1.500000000e+00, v24  }
0x46: {  	v39 =	vmax.f32 v20, $9.999999960e-13  }
0x47: {  	(erf) = vrcp.f32 v39;
	v43 =	vadd.f32 v40, v41;
	v23 =	vmul.f32 v24, v23;
	_ =	sdelay $0x1  }
0x48: {  	v22 =	vmul.f32 v23, v22;
	v23 =	vmax.f32 v43, $1.000000000e-30  }
0x49: {  	v44 =	vshra.s32 v23, $0x1;
	v45 =	vmul.f32 $5.000000000e-01, v23  }
0x4a: {  	v42 =	vadd.f32 $1.000000000e+00, v20;
	v24 =	vsub.s32 $0x5F3759DF, v44  }
0x4b: {  	v46 =	vmul.f32 v24, v45  }
0x4c: {  	(erf) = vrcp.f32 v42  }
0x4d: {  	v22 =	vsub.f32 v42, v22;
	v26 =	vmul.f32 v24, v46;
	_ =	sdelay $0x1  }
0x4e: {  	v27 =	vpop (erf);
	v22 =	vmul.f32 $5.000000000e-01, v22;
	v26 =	vsub.f32 $1.500000000e+00, v26  }
0x4f: {  	v27 =	vmul.f32 v27, v8  }
0x50: {  	v22 =	vmul.f32 v22, v14;
	v24 =	vmul.f32 v24, v26  }
0x51: {  	v48 =	vld [tilespmem:$0x1FFF0];
	v27 =	vsub.f32 $1.000000000e+00, v27  }
0x52: {  	v50 =	vld [tilespmem:$0x1FFC0];
	vm1 =	vgt.f32 v20, $1.000000000e+02;
	vm0 =	vgt.f32 v22, $9.998999830e-01;
	v49 =	vmul.f32 v24, v45  }
0x53: {  	v27 =	vmin.f32 v22, v27;
	vm0 =	vmand vm1, vm0  }
0x54: {  	v28 =	vpop (erf);
	v22 =	vsel vm0, v27, v22;
	v27 =	vmul.f32 v49, v24  }
0x55: {  	v28 =	vmul.f32 v28, v20  }
0x56: {  	vm12 =	vnez.u8 v48;
	vm11 =	vlt.f32 v20, $1.000000000e+00;
	v27 =	vsub.f32 $1.500000000e+00, v27  }
0x57: {  	vm13 =	vnez.u8 v50;
	v47 =	vnsel vm11, $0x3F800000, v20;
	v22 =	vsel vm12, v28, v22  }
0x58: {  	v22 =	vsel vm13, v47, v22;
	v24 =	vmul.f32 v27, v24  }
0x59: {  	v30 =	vmax.f32 v21, $9.999999960e-13;
	v26 =	vand.u32 $0x7FFFFF, v22;
	v52 =	vsub.f32 $1.000000000e+00, v22  }
0x5a: {  	v55 =	vadd.f32 $1.000000000e+00, v21;
	v26 =	vor.u32 $0x3F800000, v26;
	v25 =	vmul.f32 v24, v45  }
0x5b: {  	(erf) = vrcp.f32 v22;
	v51 =	vmul.f32 $5.000000000e-01, v26;
	v53 =	vmax.f32 v52, $9.999999350e-39  }
0x5c: {  	v32 =	vld [tilespmem:$0x1FFE0];
	vm2 =	vgt.f32 v26, $1.414213540e+00;
	v29 =	vand.u32 $0x7FFFFF, v53;
	v25 =	vmul.f32 v25, v24  }
0x5d: {  	v36 =	vld [tilespmem:$0x1FFD0];
	(erf) = vrcp.f32 v30;
	v26 =	vsel vm2, v51, v26;
	v29 =	vor.u32 $0x3F800000, v29  }
0x5e: {  	v26 =	vadd.f32 $-1.000000000e+00, v26;
	v31 =	vmul.f32 $5.000000000e-01, v29;
	v25 =	vsub.f32 $1.500000000e+00, v25  }
0x5f: {  	(erf) = vrcp.f32 v55;
	vm14 =	vgt.f32 v29, $1.414213540e+00  }
0x60: {  	v54 =	vmul.f32 $8.383508770e-02, v26;
	v29 =	vsel vm14, v31, v29;
	v24 =	vmul.f32 v25, v24  }
0x61: {  	vm7 =	vnez.u8 v32;
	v29 =	vadd.f32 $-1.000000000e+00, v29  }
0x62: {  	vm8 =	vnez.u8 v36;
	v28 =	vadd.f32 $-1.429659870e-01, v54;
	v23 =	vmul.f32 v24, v23  }
0x63: {  	vm3 =	vgt.f32 v21, $1.000000000e+02;
	vm6 =	vlt.f32 v21, $1.000000000e+00;
	v57 =	vmul.f32 $8.383508770e-02, v29  }
0x64: {  	v41 =	vmov s18;
	v28 =	vmul.f32 v28, v26;
	v23 =	vsub.f32 v55, v23  }
0x65: {  	v63 =	vnsel vm6, $0x3F800000, v21;
	v42 =	vshll.u32 v41, $0x7;
	v60 =	vpop (erf);
	v59 =	vadd.f32 $-1.429659870e-01, v57  }
0x66: {  	v22 =	vshra.s32 v22, $0x17;
	v61 =	vpop (erf);
	v56 =	vadd.f32 $1.505637620e-01, v28;
	v23 =	vmul.f32 $5.000000000e-01, v23  }
0x67: {  	v35 =	vsel vm2, $0xFFFFFF82, v6;
	v30 =	vmul.f32 v61, v9;
	v25 =	vmul.f32 v59, v29  }
0x68: {  	v22 =	vadd.s32 v22, v35;
	v58 =	vmul.f32 v56, v26;
	v23 =	vmul.f32 v23, v19  }
0x69: {  	v27 =	vshra.s32 v53, $0x17;
	v62 =	vpop (erf);
	v30 =	vsub.f32 $1.000000000e+00, v30;
	v25 =	vadd.f32 $1.505637620e-01, v25  }
0x6a: {  	v31 =	vmul.f32 v62, v21;
	v24 =	vadd.f32 $-1.657575070e-01, v58;
	vm15 =	vgt.f32 v23, $9.998999830e-01  }
0x6b: {  	v25 =	vmul.f32 v25, v29;
	v30 =	vmin.f32 v23, v30;
	vm1 =	vmand vm3, vm15  }
0x6c: {  	s19 =	sadd.s32 s18, s4;
	v22 =	vcvt.s32.f32 v22;
	v24 =	vmul.f32 v24, v26;
	v23 =	vsel vm1, v30, v23  }
0x6d: {  	v45 =	vor.u32 s19, v4;
	v25 =	vadd.f32 $-1.657575070e-01, v25;
	v23 =	vsel vm7, v31, v23  }
0x6e: {  	v48 =	vsel vm14, $0xFFFFFF82, v6;
	v24 =	vadd.f32 $1.994477810e-01, v24;
	v30 =	vsel vm8, v63, v23  }
0x6f: {  	vm6 =	vlt.s32 v45, v11;
	v37 =	vmul.f32 v25, v29;
	v38 =	vand.u32 $0x7FFFFF, v30  }
0x70: {  	v22 =	vmul.f32 $6.931471820e-01, v22;
	v24 =	vmul.f32 v24, v26;
	v25 =	vor.u32 $0x3F800000, v38  }
0x71: {  	v23 =	vadd.f32 $1.994477810e-01, v37;
	v40 =	vsub.f32 $1.000000000e+00, v30;
	v39 =	vmul.f32 $5.000000000e-01, v25  }
0x72: {  	v27 =	vadd.s32 v27, v48;
	v24 =	vadd.f32 $-2.500125170e-01, v24;
	vm9 =	vgt.f32 v25, $1.414213540e+00  }
0x73: {  	v23 =	vmul.f32 v23, v29;
	v31 =	vmax.f32 v40, $9.999999350e-39;
	v25 =	vsel vm9, v39, v25  }
0x74: {  	v24 =	vmul.f32 v24, v26;
	v34 =	vand.u32 $0x7FFFFF, v31;
	v25 =	vadd.f32 $-1.000000000e+00, v25  }
0x75: {  	v33 =	vadd.f32 $-2.500125170e-01, v23;
	v23 =	vor.u32 v7, v42;
	v34 =	vor.u32 $0x3F800000, v34  }
0x76: {  	v24 =	vadd.f32 $3.333473210e-01, v24;
	v36 =	vmul.f32 $5.000000000e-01, v34;
	v43 =	vmul.f32 $8.383508770e-02, v25  }
0x77: {  	v27 =	vcvt.s32.f32 v27;
	v33 =	vmul.f32 v33, v29;
	vm10 =	vgt.f32 v34, $1.414213540e+00  }
0x78: {  	v24 =	vmul.f32 v24, v26;
	v34 =	vsel vm10, v36, v34;
	v32 =	vadd.f32 $-1.429659870e-01, v43  }
0x79: {  	v27 =	vmul.f32 $6.931471820e-01, v27;
	v33 =	vadd.f32 $3.333473210e-01, v33;
	v34 =	vadd.f32 $-1.000000000e+00, v34  }
0x7a: {  	v28 =	vmul.f32 v60, v20;
	v24 =	vadd.f32 $-5.000000000e-01, v24;
	v44 =	vld.idx.msk [tilespmem:v23+s2+$0x0], $0xffff;
	v32 =	vmul.f32 v32, v25  }
0x7b: {  	v45 =	vimm.s32 $0x0;
	v33 =	vmul.f32 v33, v29;
	v47 =	vmul.f32 $8.383508770e-02, v34  }
0x7c: {  	(erf) = vrcp.f32 v30;
	v24 =	vmul.f32 v24, v26;
	v32 =	vadd.f32 $1.505637620e-01, v32  }
0x7d: {  	v40 =	vshra.s32 v30, $0x17;
	v46 =	vadd.f32 $-5.000000000e-01, v33;
	v33 =	vadd.f32 $-1.429659870e-01, v47  }
0x7e: {  	v61 =	vor.u32 $0x1, v23;
	v24 =	vadd.f32 $9.999998800e-01, v24;
	v32 =	vmul.f32 v32, v25  }
0x7f: {  	vm11 =	vlt.f32 v44, $0.0e+00;
	vm4 =	vgt.f32 v44, $0.0e+00;
	v33 =	vmul.f32 v33, v34  }
0x80: {  	v38 =	vsel vm9, $0xFFFFFF82, v6;
	vm12 =	vmor vm4, vm11;
	v32 =	vadd.f32 $-1.657575070e-01, v32  }
0x81: {  	v24 =	vmul.f32 v24, v26;
	vm0 =	vmand vm6, vm12;
	v33 =	vadd.f32 $1.505637620e-01, v33  }
0x82: {  	v26 =	vmul.f32 v46, v29;
	v35 =	vnsel vm0, $0x3F000000, v44;
	v32 =	vmul.f32 v32, v25  }
0x83: {  	v42 =	vld.idx.msk [tilespmem:v61+s2+$0x0], $0xffff;
	v43 =	vshra.s32 v31, $0x17;
	v50 =	vand.u32 $0x7FFFFF, v35;
	v33 =	vmul.f32 v33, v34  }
0x84: {  	v26 =	vadd.f32 $9.999998800e-01, v26;
	v49 =	vadd.f32 $1.994477810e-01, v32;
	v32 =	vor.u32 $0x3F800000, v50  }
0x85: {  	v24 =	vadd.f32 $2.643457400e-10, v24;
	v33 =	vadd.f32 $-1.657575070e-01, v33;
	v51 =	vmul.f32 $5.000000000e-01, v32  }
0x86: {  	v26 =	vmul.f32 v26, v29;
	vm13 =	vgt.f32 v32, $1.414213540e+00;
	v29 =	vmul.f32 v49, v25  }
0x87: {  	v36 =	vsub.f32 $1.000000000e+00, v35;
	v33 =	vmul.f32 v33, v34;
	v32 =	vsel vm13, v51, v32  }
0x88: {  	vm15 =	vlt.f32 v42, $0.0e+00;
	v29 =	vadd.f32 $-2.500125170e-01, v29;
	v32 =	vadd.f32 $-1.000000000e+00, v32  }
0x89: {  	v26 =	vadd.f32 $2.643457400e-10, v26;
	v56 =	vand.u32 $0x7FFFFF, v36;
	v54 =	vadd.f32 $1.994477810e-01, v33  }
0x8a: {  	v33 =	vor.u32 $0x3F800000, v56;
	v53 =	vmul.f32 v29, v25;
	v55 =	vmul.f32 $8.383508770e-02, v32  }
0x8b: {  	vm7 =	vgt.f32 v42, $0.0e+00;
	v52 =	vadd.f32 v26, v27;
	v57 =	vmul.f32 $5.000000000e-01, v33  }
0x8c: {  	vm14 =	vgt.f32 v33, $1.414213540e+00;
	v26 =	vadd.f32 $3.333473210e-01, v53;
	v29 =	vadd.f32 $-1.429659870e-01, v55  }
0x8d: {  	v22 =	vadd.f32 v24, v22;
	v27 =	vmul.f32 v54, v34;
	v59 =	vsel vm14, v57, v33  }
0x8e: {  	v26 =	vmul.f32 v26, v25;
	v58 =	vmul.f32 v29, v32;
	v29 =	vadd.f32 $-1.000000000e+00, v59  }
0x8f: {  	vm1 =	vmor vm7, vm15;
	v22 =	vadd.f32 v22, v28;
	v27 =	vadd.f32 $-2.500125170e-01, v27  }
0x90: {  	v26 =	vadd.f32 $-5.000000000e-01, v26;
	v28 =	vadd.f32 $1.505637620e-01, v58;
	v60 =	vmul.f32 $8.383508770e-02, v29  }
0x91: {  	v44 =	vsel vm10, $0xFFFFFF82, v6;
	vm1 =	vmand vm6, vm1;
	v27 =	vmul.f32 v27, v34  }
0x92: {  	v26 =	vmul.f32 v26, v25;
	v63 =	vmul.f32 v28, v32;
	v33 =	vadd.f32 $-1.429659870e-01, v60  }
0x93: {  	v47 =	vpop (erf);
	v30 =	vadd.s32 v43, v44;
	(erf) = vrcp.f32 v35;
	v62 =	vadd.f32 $3.333473210e-01, v27  }
0x94: {  	v26 =	vadd.f32 $9.999998800e-01, v26;
	v27 =	vadd.f32 $-1.657575070e-01, v63;
	v41 =	vmul.f32 v33, v29  }
0x95: {  	v31 =	vsel vm1, $0xFFFFFFFF, v45;
	v30 =	vcvt.s32.f32 v30;
	v24 =	vmul.f32 v52, v12  }
0x96: {  	v25 =	vmul.f32 v26, v25;
	v27 =	vmul.f32 v27, v32;
	v26 =	vadd.f32 $1.505637620e-01, v41  }
0x97: {  	[tilespmem:$0x1FF90] =	vst v31;
	v31 =	vnsel vm1, $0x3F000000, v42;
	v22 =	vsub.f32 v22, v24;
	v24 =	vmul.f32 v62, v34  }
0x98: {  	v48 =	vsub.f32 $1.000000000e+00, v31;
	v27 =	vadd.f32 $1.994477810e-01, v27;
	v26 =	vmul.f32 v26, v29  }
0x99: {  	v30 =	vmul.f32 $6.931471820e-01, v30;
	v28 =	vadd.s32 v40, v38;
	v24 =	vadd.f32 $-5.000000000e-01, v24  }
0x9a: {  	v28 =	vcvt.s32.f32 v28;
	v27 =	vmul.f32 v27, v32;
	v26 =	vadd.f32 $-1.657575070e-01, v26  }
0x9b: {  	v49 =	vand.u32 $0x7FFFFF, v48;
	v33 =	vand.u32 $0x7FFFFF, v31;
	v24 =	vmul.f32 v24, v34  }
0x9c: {  	v28 =	vmul.f32 $6.931471820e-01, v28;
	v27 =	vadd.f32 $-2.500125170e-01, v27;
	v26 =	vmul.f32 v26, v29  }
0x9d: {  	v46 =	vor.u32 $0x3F800000, v33;
	v24 =	vadd.f32 $9.999998800e-01, v24;
	v25 =	vadd.f32 $2.643457400e-10, v25  }
0x9e: {  	v33 =	vmul.f32 $5.000000000e-01, v46;
	v27 =	vmul.f32 v27, v32;
	v26 =	vadd.f32 $1.994477810e-01, v26  }
0x9f: {  	vm8 =	vgt.f32 v46, $1.414213540e+00;
	v24 =	vmul.f32 v24, v34;
	v25 =	vadd.f32 v25, v28  }
0xa0: {  	v28 =	vsel vm8, v33, v46;
	v27 =	vadd.f32 $3.333473210e-01, v27;
	v26 =	vmul.f32 v26, v29  }
0xa1: {  	v33 =	vor.u32 $0x3F800000, v49;
	v24 =	vadd.f32 $2.643457400e-10, v24;
	v28 =	vadd.f32 $-1.000000000e+00, v28  }
0xa2: {  	v51 =	vmul.f32 $5.000000000e-01, v33;
	v27 =	vmul.f32 v27, v32;
	v26 =	vadd.f32 $-2.500125170e-01, v26  }
0xa3: {  	v24 =	vadd.f32 v24, v30;
	v30 =	vmul.f32 v47, v21;
	v50 =	vmul.f32 $8.383508770e-02, v28  }
0xa4: {  	vm9 =	vgt.f32 v33, $1.414213540e+00;
	v27 =	vadd.f32 $-5.000000000e-01, v27;
	v26 =	vmul.f32 v26, v29  }
0xa5: {  	v33 =	vsel vm9, v51, v33;
	v25 =	vadd.f32 v25, v30;
	v30 =	vadd.f32 $-1.429659870e-01, v50  }
0xa6: {  	v33 =	vadd.f32 $-1.000000000e+00, v33;
	v27 =	vmul.f32 v27, v32;
	v26 =	vadd.f32 $3.333473210e-01, v26  }
0xa7: {  	v35 =	vshra.s32 v35, $0x17;
	v52 =	vsel vm13, $0xFFFFFF82, v6;
	v30 =	vmul.f32 v30, v28  }
0xa8: {  	v53 =	vmul.f32 $8.383508770e-02, v33;
	v27 =	vadd.f32 $9.999998800e-01, v27;
	v26 =	vmul.f32 v26, v29  }
0xa9: {  	v54 =	vadd.s32 v35, v52;
	v30 =	vadd.f32 $1.505637620e-01, v30  }
0xaa: {  	v27 =	vmul.f32 v27, v32;
	v26 =	vadd.f32 $-5.000000000e-01, v26;
	v32 =	vadd.f32 $-1.429659870e-01, v53  }
0xab: {  	v56 =	vsel vm14, $0xFFFFFF82, v6;
	v55 =	vshra.s32 v36, $0x17;
	v30 =	vmul.f32 v30, v28  }
0xac: {  	v35 =	vadd.s32 v55, v56;
	v26 =	vmul.f32 v26, v29;
	v32 =	vmul.f32 v32, v33  }
0xad: {  	v57 =	vcvt.s32.f32 v35;
	v58 =	vpop (erf);
	v24 =	vmul.f32 v24, v13;
	v30 =	vadd.f32 $-1.657575070e-01, v30  }
0xae: {  	v59 =	vmul.f32 v58, v20;
	v26 =	vadd.f32 $9.999998800e-01, v26;
	v32 =	vadd.f32 $1.505637620e-01, v32  }
0xaf: {  	v24 =	vsub.f32 v25, v24;
	v25 =	vcvt.s32.f32 v54;
	v30 =	vmul.f32 v30, v28  }
0xb0: {  	v63 =	vor.u32 $0x2, v23;
	v26 =	vmul.f32 v26, v29;
	v32 =	vmul.f32 v32, v33  }
0xb1: {  	v25 =	vmul.f32 $6.931471820e-01, v25;
	v30 =	vadd.f32 $1.994477810e-01, v30;
	v27 =	vadd.f32 $2.643457400e-10, v27  }
0xb2: {  	v29 =	vmul.f32 $6.931471820e-01, v57;
	v26 =	vadd.f32 $2.643457400e-10, v26;
	v60 =	vadd.f32 $-1.657575070e-01, v32  }
0xb3: {  	v35 =	vmul.f32 v58, v21;
	v30 =	vmul.f32 v30, v28;
	v25 =	vadd.f32 v27, v25  }
0xb4: {  	v27 =	vsub.f32 v22, v59;
	v26 =	vadd.f32 v26, v29;
	v29 =	vmul.f32 v60, v33  }
0xb5: {  	v37 =	vimm.s32 $0x0;
	v40 =	vld.idx.msk [tilespmem:v63+s2+$0x0], $0xffff;
	v61 =	vsub.f32 v24, v35;
	v30 =	vadd.f32 $-2.500125170e-01, v30  }
0xb6: {  	v37 =	vsel vm0, $0xFFFFFFFF, v37;
	v27 =	vsub.f32 v27, v25;
	v29 =	vadd.f32 $1.994477810e-01, v29  }
0xb7: {  	v25 =	vsub.f32 v61, v25;
	v62 =	vmul.f32 v26, v12;
	v26 =	vmul.f32 v26, v13  }
0xb8: {  	v43 =	vimm.s32 $0x0;
	v44 =	vshra.s32 v31, $0x17;
	v29 =	vmul.f32 v29, v33  }
0xb9: {  	v39 =	vmul.f32 v30, v28;
	v27 =	vadd.f32 v27, v62;
	v25 =	vadd.f32 v25, v26  }
0xba: {  	v48 =	vshra.s32 v48, $0x17;
	vm10 =	vlt.f32 v40, $0.0e+00;
	v29 =	vadd.f32 $-2.500125170e-01, v29  }
0xbb: {  	v26 =	vadd.f32 $3.333473210e-01, v39;
	v27 =	vmax.f32 v27, $-1.000000000e+01;
	v25 =	vmax.f32 v25, $-1.000000000e+01  }
0xbc: {  	v27 =	vmin.f32 v27, $1.000000000e+01;
	v25 =	vmin.f32 v25, $1.000000000e+01;
	v41 =	vmul.f32 v29, v33  }
0xbd: {  	vm11 =	vgt.f32 v40, $0.0e+00;
	v26 =	vmul.f32 v26, v28;
	v25 =	vsub.f32 v27, v25  }
0xbe: {  	v46 =	vsel vm8, $0xFFFFFF82, v6;
	vm0 =	vmor vm11, vm10;
	v27 =	vadd.f32 $3.333473210e-01, v41  }
0xbf: {  	vm0 =	vmand vm6, vm0;
	v26 =	vadd.f32 $-5.000000000e-01, v26;
	v25 =	vmul.f32 $1.442695020e+00, v25  }
0xc0: {  	v50 =	vsel vm9, $0xFFFFFF82, v6;
	v45 =	vnsel vm0, $0x3F000000, v40;
	v42 =	vmul.f32 v27, v33  }
0xc1: {  	v30 =	vand.u32 $0x7FFFFF, v45;
	v26 =	vmul.f32 v26, v28;
	(erf) = vpow2.f32 v25  }
0xc2: {  	v47 =	vor.u32 $0x3F800000, v30;
	(erf) = vrcp.f32 v31;
	v25 =	vadd.f32 $-5.000000000e-01, v42  }
0xc3: {  	v30 =	vmul.f32 $5.000000000e-01, v47;
	v26 =	vadd.f32 $9.999998800e-01, v26;
	v31 =	vsub.f32 $1.000000000e+00, v45  }
0xc4: {  	vm12 =	vgt.f32 v47, $1.414213540e+00;
	v27 =	vsel vm0, $0xFFFFFFFF, v43;
	v25 =	vmul.f32 v25, v33  }
0xc5: {  	[tilespmem:$0x1FFA0] =	vst v27;
	v27 =	vadd.s32 v44, v46;
	v26 =	vmul.f32 v26, v28;
	v49 =	vand.u32 $0x7FFFFF, v31  }
0xc6: {  	v28 =	vsel vm12, v30, v47;
	v32 =	vor.u32 $0x3F800000, v49;
	v25 =	vadd.f32 $9.999998800e-01, v25  }
0xc7: {  	v30 =	vadd.s32 v48, v50;
	v28 =	vadd.f32 $-1.000000000e+00, v28;
	v52 =	vmul.f32 $5.000000000e-01, v32  }
0xc8: {  	v27 =	vcvt.s32.f32 v27;
	v30 =	vcvt.s32.f32 v30;
	vm13 =	vgt.f32 v32, $1.414213540e+00  }
0xc9: {  	v51 =	vmul.f32 $8.383508770e-02, v28;
	v32 =	vsel vm13, v52, v32;
	v33 =	vmul.f32 v25, v33  }
0xca: {  	v26 =	vadd.f32 $2.643457400e-10, v26;
	v27 =	vmul.f32 $6.931471820e-01, v27;
	v32 =	vadd.f32 $-1.000000000e+00, v32;
	v25 =	vpop (erf)  }
0xcb: {  	v30 =	vmul.f32 $6.931471820e-01, v30;
	v34 =	vadd.f32 $-1.429659870e-01, v51;
	v33 =	vadd.f32 $2.643457400e-10, v33;
	v53 =	vpop (erf)  }
0xcc: {  	v26 =	vadd.f32 v26, v27;
	v57 =	vmul.f32 $8.383508770e-02, v32;
	v54 =	vmul.f32 v53, v20  }
0xcd: {  	v34 =	vmul.f32 v34, v28;
	v55 =	vmul.f32 v53, v21;
	v30 =	vadd.f32 v33, v30  }
0xce: {  	v35 =	vadd.f32 $-1.429659870e-01, v57;
	v56 =	vsub.f32 v22, v54  }
0xcf: {  	v34 =	vadd.f32 $1.505637620e-01, v34;
	v27 =	vsub.f32 v24, v55  }
0xd0: {  	v58 =	vmul.f32 v30, v12;
	v61 =	vmul.f32 v35, v32;
	v33 =	vsub.f32 v56, v26  }
0xd1: {  	v60 =	vmul.f32 v34, v28;
	v59 =	vmul.f32 v30, v13;
	v26 =	vsub.f32 v27, v26  }
0xd2: {  	v36 =	vadd.f32 $1.505637620e-01, v61;
	v33 =	vadd.f32 v33, v58  }
0xd3: {  	v62 =	vadd.f32 $-1.657575070e-01, v60;
	v26 =	vadd.f32 v26, v59  }
0xd4: {  	v63 =	vmax.f32 v33, $-1.000000000e+01;
	v33 =	vmul.f32 v36, v32  }
0xd5: {  	v27 =	vmul.f32 v62, v28;
	v26 =	vmax.f32 v26, $-1.000000000e+01;
	v30 =	vmin.f32 v63, $1.000000000e+01  }
0xd6: {  	[tilespmem:$0x1FF80] =	vst v37;
	v26 =	vmin.f32 v26, $1.000000000e+01;
	v30 =	vmul.f32 $1.442695020e+00, v30;
	v37 =	vadd.f32 $-1.657575070e-01, v33  }
0xd7: {  	v40 =	vor.u32 $0x3, v23;
	v27 =	vadd.f32 $1.994477810e-01, v27;
	v26 =	vmul.f32 $1.442695020e+00, v26  }
0xd8: {  	(erf) = vpow2.f32 v30;
	v39 =	vmul.f32 v37, v32  }
0xd9: {  	v38 =	vmul.f32 v27, v28;
	(erf) = vpow2.f32 v26  }
0xda: {  	v27 =	vadd.f32 $1.994477810e-01, v39  }
0xdb: {  	v26 =	vadd.f32 $-2.500125170e-01, v38  }
0xdc: {  	v30 =	vld.idx.msk [tilespmem:v40+s2+$0x0], $0xffff;
	v27 =	vmul.f32 v27, v32  }
0xdd: {  	v26 =	vmul.f32 v26, v28  }
0xde: {  	v27 =	vadd.f32 $-2.500125170e-01, v27  }
0xdf: {  	v44 =	vshra.s32 v45, $0x17;
	v46 =	vsel vm12, $0xFFFFFF82, v6  }
0xe0: {  	v43 =	vimm.s32 $0x0;
	v47 =	vadd.s32 v44, v46;
	v27 =	vmul.f32 v27, v32  }
0xe1: {  	v41 =	vadd.f32 $3.333473210e-01, v26;
	vm14 =	vlt.f32 v30, $0.0e+00;
	vm15 =	vgt.f32 v30, $0.0e+00;
	v26 =	vpop (erf)  }
0xe2: {  	v31 =	vshra.s32 v31, $0x17;
	vm2 =	vmor vm15, vm14;
	v42 =	vpop (erf);
	v27 =	vadd.f32 $3.333473210e-01, v27  }
0xe3: {  	v33 =	vmul.f32 v41, v28;
	vm2 =	vmand vm6, vm2;
	v34 =	vsub.f32 $1.500000000e+01, v42  }
0xe4: {  	v51 =	vsel vm13, $0xFFFFFF82, v6;
	v30 =	vnsel vm2, $0x3F000000, v30;
	v27 =	vmul.f32 v27, v32  }
0xe5: {  	v33 =	vadd.f32 $-5.000000000e-01, v33;
	v49 =	vsub.f32 $1.000000000e+00, v30;
	(erf) = vrcp.f32 v34  }
0xe6: {  	v27 =	vadd.f32 $-5.000000000e-01, v27;
	(erf) = vrcp.f32 v45;
	v45 =	vand.u32 $0x7FFFFF, v30  }
0xe7: {  	v33 =	vmul.f32 v33, v28;
	v50 =	vand.u32 $0x7FFFFF, v49;
	v29 =	vor.u32 $0x3F800000, v45  }
0xe8: {  	v34 =	vsel vm2, $0xFFFFFFFF, v43;
	v27 =	vmul.f32 v27, v32;
	v48 =	vmul.f32 $5.000000000e-01, v29  }
0xe9: {  	v33 =	vadd.f32 $9.999998800e-01, v33;
	[tilespmem:$0x1FFB0] =	vst v34;
	v34 =	vor.u32 $0x3F800000, v50;
	vm7 =	vgt.f32 v29, $1.414213540e+00  }
0xea: {  	v53 =	vmul.f32 $5.000000000e-01, v34;
	v27 =	vadd.f32 $9.999998800e-01, v27;
	v29 =	vsel vm7, v48, v29  }
0xeb: {  	v31 =	vadd.s32 v31, v51;
	vm12 =	vgt.f32 v34, $1.414213540e+00;
	v29 =	vadd.f32 $-1.000000000e+00, v29  }
0xec: {  	v28 =	vmul.f32 v33, v28;
	v33 =	vcvt.s32.f32 v47;
	v34 =	vsel vm12, v53, v34  }
0xed: {  	v31 =	vcvt.s32.f32 v31;
	v34 =	vadd.f32 $-1.000000000e+00, v34;
	v52 =	vmul.f32 $8.383508770e-02, v29  }
0xee: {  	v28 =	vadd.f32 $2.643457400e-10, v28;
	v33 =	vmul.f32 $6.931471820e-01, v33;
	v32 =	vmul.f32 v27, v32;
	v27 =	vpop (erf)  }
0xef: {  	v31 =	vmul.f32 $6.931471820e-01, v31;
	v58 =	vmul.f32 $8.383508770e-02, v34;
	v54 =	vpop (erf);
	v36 =	vadd.f32 $-1.429659870e-01, v52  }
0xf0: {  	v28 =	vadd.f32 v28, v33;
	v32 =	vadd.f32 $2.643457400e-10, v32;
	v55 =	vmul.f32 v54, v20  }
0xf1: {  	v37 =	vadd.f32 $-1.429659870e-01, v58;
	v56 =	vmul.f32 v54, v21;
	v36 =	vmul.f32 v36, v29  }
0xf2: {  	v31 =	vadd.f32 v32, v31;
	v57 =	vsub.f32 v22, v55  }
0xf3: {  	v33 =	vsub.f32 v24, v56;
	v36 =	vadd.f32 $1.505637620e-01, v36  }
0xf4: {  	v61 =	vmul.f32 v37, v34;
	v59 =	vmul.f32 v31, v12;
	v32 =	vsub.f32 v57, v28  }
0xf5: {  	v31 =	vmul.f32 v31, v13;
	v28 =	vsub.f32 v33, v28;
	v60 =	vmul.f32 v36, v29  }
0xf6: {  	v63 =	vadd.f32 $1.505637620e-01, v61;
	v32 =	vadd.f32 v32, v59  }
0xf7: {  	v28 =	vadd.f32 v28, v31;
	v62 =	vadd.f32 $-1.657575070e-01, v60  }
0xf8: {  	v33 =	vmul.f32 v63, v34;
	v32 =	vmax.f32 v32, $-1.000000000e+01  }
0xf9: {  	v28 =	vmax.f32 v28, $-1.000000000e+01;
	v32 =	vmin.f32 v32, $1.000000000e+01;
	v31 =	vmul.f32 v62, v29  }
0xfa: {  	v36 =	vadd.f32 $-1.657575070e-01, v33;
	v28 =	vmin.f32 v28, $1.000000000e+01;
	v32 =	vmul.f32 $1.442695020e+00, v32  }
0xfb: {  	v39 =	vor.u32 $0x4, v23;
	v28 =	vmul.f32 $1.442695020e+00, v28;
	v31 =	vadd.f32 $1.994477810e-01, v31  }
0xfc: {  	v38 =	vmul.f32 v36, v34;
	(erf) = vpow2.f32 v32  }
0xfd: {  	(erf) = vpow2.f32 v28;
	v37 =	vmul.f32 v31, v29;
	_ =	sdelay $0x1  }
0xfe: {  	v31 =	vadd.f32 $1.994477810e-01, v38;
	v28 =	vadd.f32 $-2.500125170e-01, v37  }
0xff: {  	v32 =	vld.idx.msk [tilespmem:v39+s2+$0x0], $0xffff  }
0x100: {  	v31 =	vmul.f32 v31, v34;
	v28 =	vmul.f32 v28, v29;
	_ =	sdelay $0x1  }
0x101: {  	v31 =	vadd.f32 $-2.500125170e-01, v31  }
0x102: {  	v42 =	vshra.s32 v30, $0x17;
	v49 =	vshra.s32 v49, $0x17;
	v40 =	vadd.f32 $3.333473210e-01, v28  }
0x103: {  	vm13 =	vlt.f32 v32, $0.0e+00;
	vm14 =	vgt.f32 v32, $0.0e+00;
	v31 =	vmul.f32 v31, v34;
	v28 =	vpop (erf)  }
0x104: {  	v44 =	vsel vm7, $0xFFFFFF82, v6;
	vm2 =	vmor vm14, vm13;
	v33 =	vmul.f32 v40, v29;
	v41 =	vpop (erf)  }
0x105: {  	vm9 =	vmand vm6, vm2;
	v31 =	vadd.f32 $3.333473210e-01, v31;
	v36 =	vsub.f32 $1.500000000e+01, v41  }
0x106: {  	v45 =	vadd.s32 v42, v44;
	v32 =	vnsel vm9, $0x3F000000, v32;
	v33 =	vadd.f32 $-5.000000000e-01, v33  }
0x107: {  	v43 =	vand.u32 $0x7FFFFF, v32;
	v31 =	vmul.f32 v31, v34;
	(erf) = vrcp.f32 v36  }
0x108: {  	v33 =	vmul.f32 v33, v29;
	(erf) = vrcp.f32 v30;
	v30 =	vor.u32 $0x3F800000, v43  }
0x109: {  	v38 =	vsub.f32 $1.000000000e+00, v32;
	v31 =	vadd.f32 $-5.000000000e-01, v31;
	v46 =	vmul.f32 $5.000000000e-01, v30  }
0x10a: {  	v52 =	vsel vm12, $0xFFFFFF82, v6;
	v33 =	vadd.f32 $9.999998800e-01, v33;
	vm15 =	vgt.f32 v30, $1.414213540e+00  }
0x10b: {  	v51 =	vand.u32 $0x7FFFFF, v38;
	v31 =	vmul.f32 v31, v34;
	v30 =	vsel vm15, v46, v30  }
0x10c: {  	v29 =	vmul.f32 v33, v29;
	v50 =	vadd.f32 $-1.000000000e+00, v30;
	v30 =	vor.u32 $0x3F800000, v51  }
0x10d: {  	v48 =	vadd.f32 $9.999998800e-01, v31;
	v31 =	vadd.s32 v49, v52;
	v39 =	vmul.f32 $5.000000000e-01, v30  }
0x10e: {  	v33 =	vcvt.s32.f32 v45;
	v31 =	vcvt.s32.f32 v31;
	vm7 =	vgt.f32 v30, $1.414213540e+00  }
0x10f: {  	v34 =	vmul.f32 v48, v34;
	v53 =	vmul.f32 $8.383508770e-02, v50;
	v30 =	vsel vm7, v39, v30  }
0x110: {  	v47 =	vadd.f32 $2.643457400e-10, v29;
	v33 =	vmul.f32 $6.931471820e-01, v33;
	v29 =	vpop (erf);
	v41 =	vadd.f32 $-1.000000000e+00, v30  }
0x111: {  	v31 =	vmul.f32 $6.931471820e-01, v31;
	v34 =	vadd.f32 $2.643457400e-10, v34;
	v36 =	vadd.f32 $-1.429659870e-01, v53;
	v40 =	vpop (erf)  }
0x112: {  	v55 =	vadd.f32 v47, v33;
	v54 =	vmul.f32 v40, v20;
	v58 =	vmul.f32 $8.383508770e-02, v41  }
0x113: {  	v31 =	vadd.f32 v34, v31;
	v56 =	vmul.f32 v40, v21;
	v36 =	vmul.f32 v36, v50  }
0x114: {  	v57 =	vsub.f32 v22, v54;
	v37 =	vadd.f32 $-1.429659870e-01, v58  }
0x115: {  	v33 =	vsub.f32 v24, v56;
	v36 =	vadd.f32 $1.505637620e-01, v36  }
0x116: {  	v59 =	vmul.f32 v31, v12;
	v34 =	vsub.f32 v57, v55;
	v61 =	vmul.f32 v37, v41  }
0x117: {  	v31 =	vmul.f32 v31, v13;
	v30 =	vsub.f32 v33, v55;
	v60 =	vmul.f32 v36, v50  }
0x118: {  	v34 =	vadd.f32 v34, v59;
	v36 =	vadd.f32 $1.505637620e-01, v61  }
0x119: {  	v30 =	vadd.f32 v30, v31;
	v62 =	vadd.f32 $-1.657575070e-01, v60  }
0x11a: {  	v63 =	vmax.f32 v34, $-1.000000000e+01;
	v34 =	vmul.f32 v36, v41  }
0x11b: {  	v30 =	vmax.f32 v30, $-1.000000000e+01;
	v31 =	vmul.f32 v62, v50;
	v33 =	vmin.f32 v63, $1.000000000e+01  }
0x11c: {  	v30 =	vmin.f32 v30, $1.000000000e+01;
	v33 =	vmul.f32 $1.442695020e+00, v33;
	v37 =	vadd.f32 $-1.657575070e-01, v34  }
0x11d: {  	v30 =	vmul.f32 $1.442695020e+00, v30;
	v31 =	vadd.f32 $1.994477810e-01, v31  }
0x11e: {  	v42 =	vor.u32 $0x5, v23;
	(erf) = vpow2.f32 v33;
	v40 =	vmul.f32 v37, v41  }
0x11f: {  	v39 =	vmul.f32 v31, v50;
	(erf) = vpow2.f32 v30  }
0x120: {  	v31 =	vadd.f32 $1.994477810e-01, v40  }
0x121: {  	v30 =	vadd.f32 $-2.500125170e-01, v39  }
0x122: {  	v31 =	vmul.f32 v31, v41  }
0x123: {  	v33 =	vld.idx.msk [tilespmem:v42+s2+$0x0], $0xffff;
	v30 =	vmul.f32 v30, v50  }
0x124: {  	v31 =	vadd.f32 $-2.500125170e-01, v31  }
0x125: {  	v43 =	vadd.f32 $3.333473210e-01, v30  }
0x126: {  	v31 =	vmul.f32 v31, v41  }
0x127: {  	v45 =	vshra.s32 v32, $0x17;
	v47 =	vsel vm15, $0xFFFFFF82, v6;
	v34 =	vmul.f32 v43, v50;
	v30 =	vpop (erf)  }
0x128: {  	vm10 =	vlt.f32 v33, $0.0e+00;
	vm11 =	vgt.f32 v33, $0.0e+00;
	v44 =	vpop (erf);
	v31 =	vadd.f32 $3.333473210e-01, v31  }
0x129: {  	vm2 =	vmor vm11, vm10;
	v34 =	vadd.f32 $-5.000000000e-01, v34;
	v36 =	vsub.f32 $1.500000000e+01, v44  }
0x12a: {  	v48 =	vadd.s32 v45, v47;
	vm10 =	vmand vm6, vm2;
	v31 =	vmul.f32 v31, v41  }
0x12b: {  	v33 =	vnsel vm10, $0x3F000000, v33;
	v34 =	vmul.f32 v34, v50;
	(erf) = vrcp.f32 v36  }
0x12c: {  	v46 =	vand.u32 $0x7FFFFF, v33;
	v31 =	vadd.f32 $-5.000000000e-01, v31;
	(erf) = vrcp.f32 v32  }
0x12d: {  	v35 =	vcvt.s32.f32 v48;
	v34 =	vadd.f32 $9.999998800e-01, v34;
	v32 =	vor.u32 $0x3F800000, v46  }
0x12e: {  	v52 =	vsel vm7, $0xFFFFFF82, v6;
	v49 =	vmul.f32 $5.000000000e-01, v32;
	v31 =	vmul.f32 v31, v41  }
0x12f: {  	v37 =	vsub.f32 $1.000000000e+00, v33;
	vm12 =	vgt.f32 v32, $1.414213540e+00;
	v34 =	vmul.f32 v34, v50  }
0x130: {  	v50 =	vshra.s32 v38, $0x17;
	v32 =	vsel vm12, v49, v32;
	v31 =	vadd.f32 $9.999998800e-01, v31  }
0x131: {  	v51 =	vand.u32 $0x7FFFFF, v37;
	v36 =	vadd.s32 v50, v52;
	v38 =	vadd.f32 $-1.000000000e+00, v32  }
0x132: {  	v35 =	vmul.f32 $6.931471820e-01, v35;
	v32 =	vor.u32 $0x3F800000, v51;
	v36 =	vcvt.s32.f32 v36  }
0x133: {  	v55 =	vmul.f32 $5.000000000e-01, v32;
	v54 =	vmul.f32 $8.383508770e-02, v38  }
0x134: {  	v34 =	vadd.f32 $2.643457400e-10, v34;
	vm13 =	vgt.f32 v32, $1.414213540e+00;
	v53 =	vmul.f32 v31, v41;
	v31 =	vpop (erf)  }
0x135: {  	v36 =	vmul.f32 $6.931471820e-01, v36;
	v32 =	vsel vm13, v55, v32;
	v39 =	vadd.f32 $-1.429659870e-01, v54;
	v42 =	vpop (erf)  }
0x136: {  	v40 =	vadd.f32 $2.643457400e-10, v53;
	v43 =	vadd.f32 $-1.000000000e+00, v32;
	v56 =	vmul.f32 v42, v20  }
0x137: {  	v57 =	vadd.f32 v34, v35;
	v58 =	vmul.f32 v42, v21;
	v59 =	vmul.f32 v39, v38  }
0x138: {  	v36 =	vadd.f32 v40, v36;
	v61 =	vmul.f32 $8.383508770e-02, v43;
	v60 =	vsub.f32 v22, v56  }
0x139: {  	v34 =	vsub.f32 v24, v58;
	v35 =	vadd.f32 $1.505637620e-01, v59  }
0x13a: {  	v62 =	vmul.f32 v36, v12;
	v40 =	vadd.f32 $-1.429659870e-01, v61;
	v39 =	vsub.f32 v60, v57  }
0x13b: {  	v63 =	vmul.f32 v36, v13;
	v32 =	vsub.f32 v34, v57;
	v35 =	vmul.f32 v35, v38  }
0x13c: {  	v44 =	vmul.f32 v40, v43;
	v42 =	vadd.f32 v39, v62  }
0x13d: {  	v32 =	vadd.f32 v32, v63;
	v45 =	vadd.f32 $-1.657575070e-01, v35  }
0x13e: {  	v47 =	vadd.f32 $1.505637620e-01, v44;
	v46 =	vmax.f32 v42, $-1.000000000e+01  }
0x13f: {  	v32 =	vmax.f32 v32, $-1.000000000e+01;
	v34 =	vmul.f32 v45, v38;
	v35 =	vmin.f32 v46, $1.000000000e+01  }
0x140: {  	v36 =	vmul.f32 v47, v43;
	v32 =	vmin.f32 v32, $1.000000000e+01;
	v35 =	vmul.f32 $1.442695020e+00, v35  }
0x141: {  	v51 =	vor.u32 $0x6, v23;
	v32 =	vmul.f32 $1.442695020e+00, v32;
	v34 =	vadd.f32 $1.994477810e-01, v34  }
0x142: {  	v48 =	vadd.f32 $-1.657575070e-01, v36;
	(erf) = vpow2.f32 v35  }
0x143: {  	v49 =	vmul.f32 v34, v38;
	(erf) = vpow2.f32 v32  }
0x144: {  	v50 =	vmul.f32 v48, v43  }
0x145: {  	v32 =	vadd.f32 $-2.500125170e-01, v49  }
0x146: {  	v35 =	vld.idx.msk [tilespmem:v51+s2+$0x0], $0xffff;
	v34 =	vadd.f32 $1.994477810e-01, v50  }
0x147: {  	v32 =	vmul.f32 v32, v38  }
0x148: {  	v34 =	vmul.f32 v34, v43;
	_ =	sdelay $0x1  }
0x149: {  	v37 =	vshra.s32 v37, $0x17;
	v34 =	vadd.f32 $-2.500125170e-01, v34  }
0x14a: {  	vm14 =	vlt.f32 v35, $0.0e+00;
	vm15 =	vgt.f32 v35, $0.0e+00;
	v52 =	vadd.f32 $3.333473210e-01, v32;
	v32 =	vpop (erf)  }
0x14b: {  	v54 =	vshra.s32 v33, $0x17;
	vm2 =	vmor vm15, vm14;
	v34 =	vmul.f32 v34, v43;
	v53 =	vpop (erf)  }
0x14c: {  	v56 =	vsel vm12, $0xFFFFFF82, v6;
	vm11 =	vmand vm6, vm2;
	v39 =	vsub.f32 $1.500000000e+01, v53  }
0x14d: {  	v36 =	vmul.f32 v52, v38;
	v35 =	vnsel vm11, $0x3F000000, v35;
	v34 =	vadd.f32 $3.333473210e-01, v34  }
0x14e: {  	v57 =	vadd.s32 v54, v56;
	v55 =	vand.u32 $0x7FFFFF, v35;
	(erf) = vrcp.f32 v39  }
0x14f: {  	v36 =	vadd.f32 $-5.000000000e-01, v36;
	v34 =	vmul.f32 v34, v43;
	(erf) = vrcp.f32 v33  }
0x150: {  	v60 =	vsel vm13, $0xFFFFFF82, v6;
	v40 =	vsub.f32 $1.000000000e+00, v35;
	v33 =	vor.u32 $0x3F800000, v55  }
0x151: {  	v36 =	vmul.f32 v36, v38;
	v34 =	vadd.f32 $-5.000000000e-01, v34;
	v58 =	vmul.f32 $5.000000000e-01, v33  }
0x152: {  	v37 =	vadd.s32 v37, v60;
	v59 =	vand.u32 $0x7FFFFF, v40;
	vm7 =	vgt.f32 v33, $1.414213540e+00  }
0x153: {  	v36 =	vadd.f32 $9.999998800e-01, v36;
	v34 =	vmul.f32 v34, v43;
	v33 =	vsel vm7, v58, v33  }
0x154: {  	v37 =	vcvt.s32.f32 v37;
	v61 =	vor.u32 $0x3F800000, v59;
	v39 =	vadd.f32 $-1.000000000e+00, v33  }
0x155: {  	v63 =	vmul.f32 $5.000000000e-01, v61;
	v36 =	vmul.f32 v36, v38;
	v34 =	vadd.f32 $9.999998800e-01, v34  }
0x156: {  	vm8 =	vgt.f32 v61, $1.414213540e+00;
	v38 =	vcvt.s32.f32 v57;
	v62 =	vmul.f32 $8.383508770e-02, v39  }
0x157: {  	v37 =	vmul.f32 $6.931471820e-01, v37;
	v42 =	vsel vm8, v63, v61;
	v34 =	vmul.f32 v34, v43;
	v33 =	vpop (erf)  }
0x158: {  	v36 =	vadd.f32 $2.643457400e-10, v36;
	v38 =	vmul.f32 $6.931471820e-01, v38;
	v41 =	vadd.f32 $-1.429659870e-01, v62;
	v44 =	vpop (erf)  }
0x159: {  	v42 =	vadd.f32 $-1.000000000e+00, v42;
	v34 =	vadd.f32 $2.643457400e-10, v34;
	v48 =	vmul.f32 v44, v20  }
0x15a: {  	v36 =	vadd.f32 v36, v38;
	v49 =	vmul.f32 v44, v21;
	v41 =	vmul.f32 v41, v39  }
0x15b: {  	v51 =	vmul.f32 $8.383508770e-02, v42;
	v34 =	vadd.f32 v34, v37;
	v50 =	vsub.f32 v22, v48  }
0x15c: {  	v38 =	vsub.f32 v24, v49;
	v41 =	vadd.f32 $1.505637620e-01, v41  }
0x15d: {  	v43 =	vadd.f32 $-1.429659870e-01, v51;
	v52 =	vmul.f32 v34, v12;
	v37 =	vsub.f32 v50, v36  }
0x15e: {  	v34 =	vmul.f32 v34, v13;
	v36 =	vsub.f32 v38, v36;
	v53 =	vmul.f32 v41, v39  }
0x15f: {  	v54 =	vmul.f32 v43, v42;
	v37 =	vadd.f32 v37, v52  }
0x160: {  	v34 =	vadd.f32 v36, v34;
	v55 =	vadd.f32 $-1.657575070e-01, v53  }
0x161: {  	v56 =	vadd.f32 $1.505637620e-01, v54;
	v37 =	vmax.f32 v37, $-1.000000000e+01  }
0x162: {  	v34 =	vmax.f32 v34, $-1.000000000e+01;
	v36 =	vmul.f32 v55, v39;
	v37 =	vmin.f32 v37, $1.000000000e+01  }
0x163: {  	v38 =	vmul.f32 v56, v42;
	v34 =	vmin.f32 v34, $1.000000000e+01;
	v37 =	vmul.f32 $1.442695020e+00, v37  }
0x164: {  	v60 =	vor.u32 $0x7, v23;
	v34 =	vmul.f32 $1.442695020e+00, v34;
	v36 =	vadd.f32 $1.994477810e-01, v36  }
0x165: {  	v57 =	vadd.f32 $-1.657575070e-01, v38;
	(erf) = vpow2.f32 v37  }
0x166: {  	v58 =	vmul.f32 v36, v39;
	(erf) = vpow2.f32 v34  }
0x167: {  	v59 =	vmul.f32 v57, v42  }
0x168: {  	v34 =	vadd.f32 $-2.500125170e-01, v58  }
0x169: {  	v36 =	vadd.f32 $1.994477810e-01, v59;
	v37 =	vld.idx.msk [tilespmem:v60+s2+$0x0], $0xffff  }
0x16a: {  	v34 =	vmul.f32 v34, v39  }
0x16b: {  	v36 =	vmul.f32 v36, v42;
	_ =	sdelay $0x1  }
0x16c: {  	v40 =	vshra.s32 v40, $0x17;
	v63 =	vshra.s32 v35, $0x17;
	v36 =	vadd.f32 $-2.500125170e-01, v36  }
0x16d: {  	vm14 =	vlt.f32 v37, $0.0e+00;
	vm15 =	vgt.f32 v37, $0.0e+00;
	v61 =	vadd.f32 $3.333473210e-01, v34;
	v34 =	vpop (erf)  }
0x16e: {  	v46 =	vsel vm7, $0xFFFFFF82, v6;
	v36 =	vmul.f32 v36, v42;
	vm2 =	vmor vm15, vm14;
	v62 =	vpop (erf)  }
0x16f: {  	v47 =	vadd.s32 v63, v46;
	vm12 =	vmand vm6, vm2;
	v41 =	vsub.f32 $1.500000000e+01, v62  }
0x170: {  	v38 =	vmul.f32 v61, v39;
	v36 =	vadd.f32 $3.333473210e-01, v36;
	v37 =	vnsel vm12, $0x3F000000, v37  }
0x171: {  	v50 =	vsel vm8, $0xFFFFFF82, v6;
	v45 =	vand.u32 $0x7FFFFF, v37;
	(erf) = vrcp.f32 v41  }
0x172: {  	v38 =	vadd.f32 $-5.000000000e-01, v38;
	v36 =	vmul.f32 v36, v42;
	(erf) = vrcp.f32 v35  }
0x173: {  	v40 =	vadd.s32 v40, v50;
	v43 =	vsub.f32 $1.000000000e+00, v37;
	v35 =	vor.u32 $0x3F800000, v45  }
0x174: {  	v38 =	vmul.f32 v38, v39;
	v36 =	vadd.f32 $-5.000000000e-01, v36;
	v48 =	vmul.f32 $5.000000000e-01, v35  }
0x175: {  	v40 =	vcvt.s32.f32 v40;
	v49 =	vand.u32 $0x7FFFFF, v43;
	vm7 =	vgt.f32 v35, $1.414213540e+00  }
0x176: {  	v38 =	vadd.f32 $9.999998800e-01, v38;
	v36 =	vmul.f32 v36, v42;
	v35 =	vsel vm7, v48, v35  }
0x177: {  	v40 =	vmul.f32 $6.931471820e-01, v40;
	v51 =	vor.u32 $0x3F800000, v49;
	v41 =	vadd.f32 $-1.000000000e+00, v35  }
0x178: {  	v45 =	vmul.f32 $5.000000000e-01, v51;
	v38 =	vmul.f32 v38, v39;
	v36 =	vadd.f32 $9.999998800e-01, v36  }
0x179: {  	v39 =	vcvt.s32.f32 v47;
	v52 =	vmul.f32 $8.383508770e-02, v41  }
0x17a: {  	vm8 =	vgt.f32 v51, $1.414213540e+00;
	v38 =	vadd.f32 $2.643457400e-10, v38;
	v36 =	vmul.f32 v36, v42;
	v35 =	vpop (erf)  }
0x17b: {  	v39 =	vmul.f32 $6.931471820e-01, v39;
	v42 =	vsel vm8, v45, v51;
	v44 =	vadd.f32 $-1.429659870e-01, v52;
	v46 =	vpop (erf)  }
0x17c: {  	v42 =	vadd.f32 $-1.000000000e+00, v42;
	v36 =	vadd.f32 $2.643457400e-10, v36;
	v53 =	vmul.f32 v46, v20  }
0x17d: {  	v38 =	vadd.f32 v38, v39;
	v54 =	vmul.f32 v46, v21;
	v44 =	vmul.f32 v44, v41  }
0x17e: {  	v56 =	vmul.f32 $8.383508770e-02, v42;
	v36 =	vadd.f32 v36, v40;
	v55 =	vsub.f32 v22, v53  }
0x17f: {  	v39 =	vsub.f32 v24, v54;
	v44 =	vadd.f32 $1.505637620e-01, v44  }
0x180: {  	v45 =	vadd.f32 $-1.429659870e-01, v56;
	v57 =	vmul.f32 v36, v12;
	v40 =	vsub.f32 v55, v38  }
0x181: {  	v36 =	vmul.f32 v36, v13;
	v38 =	vsub.f32 v39, v38;
	v58 =	vmul.f32 v44, v41  }
0x182: {  	v59 =	vmul.f32 v45, v42;
	v40 =	vadd.f32 v40, v57  }
0x183: {  	v36 =	vadd.f32 v38, v36;
	v60 =	vadd.f32 $-1.657575070e-01, v58  }
0x184: {  	v62 =	vadd.f32 $1.505637620e-01, v59;
	v61 =	vmax.f32 v40, $-1.000000000e+01  }
0x185: {  	v36 =	vmax.f32 v36, $-1.000000000e+01;
	v38 =	vmul.f32 v60, v41;
	v39 =	vmin.f32 v61, $1.000000000e+01  }
0x186: {  	v40 =	vmul.f32 v62, v42;
	v36 =	vmin.f32 v36, $1.000000000e+01;
	v39 =	vmul.f32 $1.442695020e+00, v39  }
0x187: {  	v46 =	vor.u32 $0x8, v23;
	v36 =	vmul.f32 $1.442695020e+00, v36;
	v38 =	vadd.f32 $1.994477810e-01, v38  }
0x188: {  	v63 =	vadd.f32 $-1.657575070e-01, v40;
	(erf) = vpow2.f32 v39  }
0x189: {  	v44 =	vmul.f32 v38, v41;
	(erf) = vpow2.f32 v36  }
0x18a: {  	v45 =	vmul.f32 v63, v42  }
0x18b: {  	v36 =	vadd.f32 $-2.500125170e-01, v44  }
0x18c: {  	v39 =	vld.idx.msk [tilespmem:v46+s2+$0x0], $0xffff;
	v38 =	vadd.f32 $1.994477810e-01, v45  }
0x18d: {  	v36 =	vmul.f32 v36, v41  }
0x18e: {  	v38 =	vmul.f32 v38, v42;
	_ =	sdelay $0x1  }
0x18f: {  	v43 =	vshra.s32 v43, $0x17;
	v49 =	vshra.s32 v37, $0x17;
	v38 =	vadd.f32 $-2.500125170e-01, v38  }
0x190: {  	vm14 =	vlt.f32 v39, $0.0e+00;
	vm15 =	vgt.f32 v39, $0.0e+00;
	v47 =	vadd.f32 $3.333473210e-01, v36;
	v36 =	vpop (erf)  }
0x191: {  	v51 =	vsel vm7, $0xFFFFFF82, v6;
	vm2 =	vmor vm15, vm14;
	v38 =	vmul.f32 v38, v42;
	v48 =	vpop (erf)  }
0x192: {  	v52 =	vadd.s32 v49, v51;
	vm13 =	vmand vm6, vm2;
	v44 =	vsub.f32 $1.500000000e+01, v48  }
0x193: {  	v40 =	vmul.f32 v47, v41;
	v39 =	vnsel vm13, $0x3F000000, v39;
	v38 =	vadd.f32 $3.333473210e-01, v38  }
0x194: {  	v55 =	vsel vm8, $0xFFFFFF82, v6;
	v50 =	vand.u32 $0x7FFFFF, v39;
	(erf) = vrcp.f32 v44  }
0x195: {  	v40 =	vadd.f32 $-5.000000000e-01, v40;
	v38 =	vmul.f32 v38, v42;
	(erf) = vrcp.f32 v37  }
0x196: {  	v43 =	vadd.s32 v43, v55;
	v45 =	vsub.f32 $1.000000000e+00, v39;
	v37 =	vor.u32 $0x3F800000, v50  }
0x197: {  	v40 =	vmul.f32 v40, v41;
	v38 =	vadd.f32 $-5.000000000e-01, v38;
	v53 =	vmul.f32 $5.000000000e-01, v37  }
0x198: {  	v43 =	vcvt.s32.f32 v43;
	v54 =	vand.u32 $0x7FFFFF, v45;
	vm7 =	vgt.f32 v37, $1.414213540e+00  }
0x199: {  	v40 =	vadd.f32 $9.999998800e-01, v40;
	v38 =	vmul.f32 v38, v42;
	v37 =	vsel vm7, v53, v37  }
0x19a: {  	v43 =	vmul.f32 $6.931471820e-01, v43;
	v56 =	vor.u32 $0x3F800000, v54;
	v44 =	vadd.f32 $-1.000000000e+00, v37  }
0x19b: {  	v47 =	vmul.f32 $5.000000000e-01, v56;
	v40 =	vmul.f32 v40, v41;
	v38 =	vadd.f32 $9.999998800e-01, v38  }
0x19c: {  	v41 =	vcvt.s32.f32 v52;
	v57 =	vmul.f32 $8.383508770e-02, v44  }
0x19d: {  	vm8 =	vgt.f32 v56, $1.414213540e+00;
	v40 =	vadd.f32 $2.643457400e-10, v40;
	v38 =	vmul.f32 v38, v42;
	v37 =	vpop (erf)  }
0x19e: {  	v41 =	vmul.f32 $6.931471820e-01, v41;
	v42 =	vsel vm8, v47, v56;
	v46 =	vadd.f32 $-1.429659870e-01, v57;
	v48 =	vpop (erf)  }
0x19f: {  	v42 =	vadd.f32 $-1.000000000e+00, v42;
	v38 =	vadd.f32 $2.643457400e-10, v38;
	v58 =	vmul.f32 v48, v20  }
0x1a0: {  	v40 =	vadd.f32 v40, v41;
	v59 =	vmul.f32 v48, v21;
	v46 =	vmul.f32 v46, v44  }
0x1a1: {  	v61 =	vmul.f32 $8.383508770e-02, v42;
	v38 =	vadd.f32 v38, v43;
	v60 =	vsub.f32 v22, v58  }
0x1a2: {  	v41 =	vsub.f32 v24, v59;
	v46 =	vadd.f32 $1.505637620e-01, v46  }
0x1a3: {  	v47 =	vadd.f32 $-1.429659870e-01, v61;
	v62 =	vmul.f32 v38, v12;
	v43 =	vsub.f32 v60, v40  }
0x1a4: {  	v38 =	vmul.f32 v38, v13;
	v40 =	vsub.f32 v41, v40;
	v63 =	vmul.f32 v46, v44  }
0x1a5: {  	v48 =	vmul.f32 v47, v42;
	v43 =	vadd.f32 v43, v62  }
0x1a6: {  	v38 =	vadd.f32 v40, v38;
	v49 =	vadd.f32 $-1.657575070e-01, v63  }
0x1a7: {  	v51 =	vadd.f32 $1.505637620e-01, v48;
	v50 =	vmax.f32 v43, $-1.000000000e+01  }
0x1a8: {  	v38 =	vmax.f32 v38, $-1.000000000e+01;
	v40 =	vmul.f32 v49, v44;
	v41 =	vmin.f32 v50, $1.000000000e+01  }
0x1a9: {  	v43 =	vmul.f32 v51, v42;
	v38 =	vmin.f32 v38, $1.000000000e+01;
	v41 =	vmul.f32 $1.442695020e+00, v41  }
0x1aa: {  	v55 =	vor.u32 $0x9, v23;
	v38 =	vmul.f32 $1.442695020e+00, v38;
	v40 =	vadd.f32 $1.994477810e-01, v40  }
0x1ab: {  	v52 =	vadd.f32 $-1.657575070e-01, v43;
	(erf) = vpow2.f32 v41  }
0x1ac: {  	v53 =	vmul.f32 v40, v44;
	(erf) = vpow2.f32 v38  }
0x1ad: {  	v54 =	vmul.f32 v52, v42  }
0x1ae: {  	v38 =	vadd.f32 $-2.500125170e-01, v53  }
0x1af: {  	v41 =	vld.idx.msk [tilespmem:v55+s2+$0x0], $0xffff;
	v40 =	vadd.f32 $1.994477810e-01, v54  }
0x1b0: {  	v38 =	vmul.f32 v38, v44  }
0x1b1: {  	v40 =	vmul.f32 v40, v42;
	_ =	sdelay $0x1  }
0x1b2: {  	v45 =	vshra.s32 v45, $0x17;
	v58 =	vshra.s32 v39, $0x17;
	v40 =	vadd.f32 $-2.500125170e-01, v40  }
0x1b3: {  	vm14 =	vlt.f32 v41, $0.0e+00;
	vm15 =	vgt.f32 v41, $0.0e+00;
	v56 =	vadd.f32 $3.333473210e-01, v38;
	v38 =	vpop (erf)  }
0x1b4: {  	v60 =	vsel vm7, $0xFFFFFF82, v6;
	vm2 =	vmor vm15, vm14;
	v40 =	vmul.f32 v40, v42;
	v57 =	vpop (erf)  }
0x1b5: {  	v61 =	vadd.s32 v58, v60;
	vm14 =	vmand vm6, vm2;
	v46 =	vsub.f32 $1.500000000e+01, v57  }
0x1b6: {  	v43 =	vmul.f32 v56, v44;
	v41 =	vnsel vm14, $0x3F000000, v41;
	v40 =	vadd.f32 $3.333473210e-01, v40  }
0x1b7: {  	v52 =	vsel vm8, $0xFFFFFF82, v6;
	v59 =	vand.u32 $0x7FFFFF, v41;
	(erf) = vrcp.f32 v46  }
0x1b8: {  	v43 =	vadd.f32 $-5.000000000e-01, v43;
	v40 =	vmul.f32 v40, v42;
	(erf) = vrcp.f32 v39  }
0x1b9: {  	v45 =	vadd.s32 v45, v52;
	v47 =	vsub.f32 $1.000000000e+00, v41;
	v39 =	vor.u32 $0x3F800000, v59  }
0x1ba: {  	v43 =	vmul.f32 v43, v44;
	v40 =	vadd.f32 $-5.000000000e-01, v40;
	v62 =	vmul.f32 $5.000000000e-01, v39  }
0x1bb: {  	v45 =	vcvt.s32.f32 v45;
	v63 =	vand.u32 $0x7FFFFF, v47;
	vm0 =	vgt.f32 v39, $1.414213540e+00  }
0x1bc: {  	v43 =	vadd.f32 $9.999998800e-01, v43;
	v40 =	vmul.f32 v40, v42;
	v39 =	vsel vm0, v62, v39  }
0x1bd: {  	v45 =	vmul.f32 $6.931471820e-01, v45;
	v53 =	vor.u32 $0x3F800000, v63;
	v46 =	vadd.f32 $-1.000000000e+00, v39  }
0x1be: {  	v49 =	vmul.f32 $5.000000000e-01, v53;
	v43 =	vmul.f32 v43, v44;
	v40 =	vadd.f32 $9.999998800e-01, v40  }
0x1bf: {  	v44 =	vcvt.s32.f32 v61;
	v54 =	vmul.f32 $8.383508770e-02, v46  }
0x1c0: {  	vm7 =	vgt.f32 v53, $1.414213540e+00;
	v43 =	vadd.f32 $2.643457400e-10, v43;
	v40 =	vmul.f32 v40, v42;
	v39 =	vpop (erf)  }
0x1c1: {  	v44 =	vmul.f32 $6.931471820e-01, v44;
	v42 =	vsel vm7, v49, v53;
	v48 =	vadd.f32 $-1.429659870e-01, v54;
	v50 =	vpop (erf)  }
0x1c2: {  	v42 =	vadd.f32 $-1.000000000e+00, v42;
	v40 =	vadd.f32 $2.643457400e-10, v40;
	v55 =	vmul.f32 v50, v20  }
0x1c3: {  	v43 =	vadd.f32 v43, v44;
	v56 =	vmul.f32 v50, v21;
	v48 =	vmul.f32 v48, v46  }
0x1c4: {  	v58 =	vmul.f32 $8.383508770e-02, v42;
	v40 =	vadd.f32 v40, v45;
	v57 =	vsub.f32 v22, v55  }
0x1c5: {  	v44 =	vsub.f32 v24, v56;
	v48 =	vadd.f32 $1.505637620e-01, v48  }
0x1c6: {  	v49 =	vadd.f32 $-1.429659870e-01, v58;
	v59 =	vmul.f32 v40, v12;
	v45 =	vsub.f32 v57, v43  }
0x1c7: {  	v40 =	vmul.f32 v40, v13;
	v43 =	vsub.f32 v44, v43;
	v60 =	vmul.f32 v48, v46  }
0x1c8: {  	v61 =	vmul.f32 v49, v42;
	v45 =	vadd.f32 v45, v59  }
0x1c9: {  	v40 =	vadd.f32 v43, v40;
	v62 =	vadd.f32 $-1.657575070e-01, v60  }
0x1ca: {  	v48 =	vadd.f32 $1.505637620e-01, v61;
	v63 =	vmax.f32 v45, $-1.000000000e+01  }
0x1cb: {  	v40 =	vmax.f32 v40, $-1.000000000e+01;
	v43 =	vmul.f32 v62, v46;
	v44 =	vmin.f32 v63, $1.000000000e+01  }
0x1cc: {  	v45 =	vmul.f32 v48, v42;
	v40 =	vmin.f32 v40, $1.000000000e+01;
	v44 =	vmul.f32 $1.442695020e+00, v44  }
0x1cd: {  	v52 =	vor.u32 $0xA, v23;
	v40 =	vmul.f32 $1.442695020e+00, v40;
	v43 =	vadd.f32 $1.994477810e-01, v43  }
0x1ce: {  	v49 =	vadd.f32 $-1.657575070e-01, v45;
	(erf) = vpow2.f32 v44  }
0x1cf: {  	v50 =	vmul.f32 v43, v46;
	(erf) = vpow2.f32 v40  }
0x1d0: {  	v51 =	vmul.f32 v49, v42  }
0x1d1: {  	v40 =	vadd.f32 $-2.500125170e-01, v50  }
0x1d2: {  	v44 =	vld.idx.msk [tilespmem:v52+s2+$0x0], $0xffff;
	v43 =	vadd.f32 $1.994477810e-01, v51  }
0x1d3: {  	v40 =	vmul.f32 v40, v46  }
0x1d4: {  	v43 =	vmul.f32 v43, v42;
	_ =	sdelay $0x1  }
0x1d5: {  	v47 =	vshra.s32 v47, $0x17;
	v55 =	vshra.s32 v41, $0x17;
	v43 =	vadd.f32 $-2.500125170e-01, v43  }
0x1d6: {  	vm8 =	vlt.f32 v44, $0.0e+00;
	vm15 =	vgt.f32 v44, $0.0e+00;
	v53 =	vadd.f32 $3.333473210e-01, v40;
	v40 =	vpop (erf)  }
0x1d7: {  	v57 =	vsel vm0, $0xFFFFFF82, v6;
	vm2 =	vmor vm15, vm8;
	v43 =	vmul.f32 v43, v42;
	v54 =	vpop (erf)  }
0x1d8: {  	v58 =	vadd.s32 v55, v57;
	vm15 =	vmand vm6, vm2;
	v48 =	vsub.f32 $1.500000000e+01, v54  }
0x1d9: {  	v45 =	vmul.f32 v53, v46;
	v44 =	vnsel vm15, $0x3F000000, v44;
	v43 =	vadd.f32 $3.333473210e-01, v43  }
0x1da: {  	v61 =	vsel vm7, $0xFFFFFF82, v6;
	v56 =	vand.u32 $0x7FFFFF, v44;
	(erf) = vrcp.f32 v48  }
0x1db: {  	v45 =	vadd.f32 $-5.000000000e-01, v45;
	v43 =	vmul.f32 v43, v42;
	(erf) = vrcp.f32 v41  }
0x1dc: {  	v47 =	vadd.s32 v47, v61;
	v49 =	vsub.f32 $1.000000000e+00, v44;
	v41 =	vor.u32 $0x3F800000, v56  }
0x1dd: {  	v45 =	vmul.f32 v45, v46;
	v43 =	vadd.f32 $-5.000000000e-01, v43;
	v59 =	vmul.f32 $5.000000000e-01, v41  }
0x1de: {  	v47 =	vcvt.s32.f32 v47;
	v60 =	vand.u32 $0x7FFFFF, v49;
	vm0 =	vgt.f32 v41, $1.414213540e+00  }
0x1df: {  	v45 =	vadd.f32 $9.999998800e-01, v45;
	v43 =	vmul.f32 v43, v42;
	v41 =	vsel vm0, v59, v41  }
0x1e0: {  	v47 =	vmul.f32 $6.931471820e-01, v47;
	v62 =	vor.u32 $0x3F800000, v60;
	v48 =	vadd.f32 $-1.000000000e+00, v41  }
0x1e1: {  	v51 =	vmul.f32 $5.000000000e-01, v62;
	v45 =	vmul.f32 v45, v46;
	v43 =	vadd.f32 $9.999998800e-01, v43  }
0x1e2: {  	v46 =	vcvt.s32.f32 v58;
	v63 =	vmul.f32 $8.383508770e-02, v48  }
0x1e3: {  	vm1 =	vgt.f32 v62, $1.414213540e+00;
	v45 =	vadd.f32 $2.643457400e-10, v45;
	v42 =	vmul.f32 v43, v42;
	v41 =	vpop (erf)  }
0x1e4: {  	v46 =	vmul.f32 $6.931471820e-01, v46;
	v43 =	vsel vm1, v51, v62;
	v50 =	vadd.f32 $-1.429659870e-01, v63;
	v52 =	vpop (erf)  }
0x1e5: {  	v43 =	vadd.f32 $-1.000000000e+00, v43;
	v42 =	vadd.f32 $2.643457400e-10, v42;
	v54 =	vmul.f32 v52, v20  }
0x1e6: {  	v45 =	vadd.f32 v45, v46;
	v55 =	vmul.f32 v52, v21;
	v50 =	vmul.f32 v50, v48  }
0x1e7: {  	v57 =	vmul.f32 $8.383508770e-02, v43;
	v42 =	vadd.f32 v42, v47;
	v56 =	vsub.f32 v22, v54  }
0x1e8: {  	v46 =	vsub.f32 v24, v55;
	v50 =	vadd.f32 $1.505637620e-01, v50  }
0x1e9: {  	v51 =	vadd.f32 $-1.429659870e-01, v57;
	v58 =	vmul.f32 v42, v12;
	v47 =	vsub.f32 v56, v45  }
0x1ea: {  	v42 =	vmul.f32 v42, v13;
	v45 =	vsub.f32 v46, v45;
	v59 =	vmul.f32 v50, v48  }
0x1eb: {  	v60 =	vmul.f32 v51, v43;
	v47 =	vadd.f32 v47, v58  }
0x1ec: {  	v42 =	vadd.f32 v45, v42;
	v61 =	vadd.f32 $-1.657575070e-01, v59  }
0x1ed: {  	v63 =	vadd.f32 $1.505637620e-01, v60;
	v62 =	vmax.f32 v47, $-1.000000000e+01  }
0x1ee: {  	v42 =	vmax.f32 v42, $-1.000000000e+01;
	v45 =	vmul.f32 v61, v48;
	v46 =	vmin.f32 v62, $1.000000000e+01  }
0x1ef: {  	v47 =	vmul.f32 v63, v43;
	v42 =	vmin.f32 v42, $1.000000000e+01;
	v46 =	vmul.f32 $1.442695020e+00, v46  }
0x1f0: {  	v42 =	vmul.f32 $1.442695020e+00, v42;
	v45 =	vadd.f32 $1.994477810e-01, v45  }
0x1f1: {  	v53 =	vor.u32 $0xB, v23;
	v50 =	vadd.f32 $-1.657575070e-01, v47;
	(erf) = vpow2.f32 v46  }
0x1f2: {  	v51 =	vmul.f32 v45, v48;
	(erf) = vpow2.f32 v42  }
0x1f3: {  	v52 =	vmul.f32 v50, v43  }
0x1f4: {  	v42 =	vadd.f32 $-2.500125170e-01, v51  }
0x1f5: {  	v45 =	vadd.f32 $1.994477810e-01, v52  }
0x1f6: {  	v46 =	vld.idx.msk [tilespmem:v53+s2+$0x0], $0xffff;
	v42 =	vmul.f32 v42, v48  }
0x1f7: {  	v45 =	vmul.f32 v45, v43;
	_ =	sdelay $0x1  }
0x1f8: {  	v49 =	vshra.s32 v49, $0x17;
	v45 =	vadd.f32 $-2.500125170e-01, v45  }
0x1f9: {  	v56 =	vshra.s32 v44, $0x17;
	v58 =	vsel vm0, $0xFFFFFF82, v6;
	v54 =	vadd.f32 $3.333473210e-01, v42;
	v42 =	vpop (erf)  }
0x1fa: {  	vm7 =	vlt.f32 v46, $0.0e+00;
	vm8 =	vgt.f32 v46, $0.0e+00;
	v45 =	vmul.f32 v45, v43;
	v55 =	vpop (erf)  }
0x1fb: {  	v59 =	vadd.s32 v56, v58;
	vm2 =	vmor vm8, vm7;
	v50 =	vsub.f32 $1.500000000e+01, v55  }
0x1fc: {  	v62 =	vsel vm1, $0xFFFFFF82, v6;
	vm8 =	vmand vm6, vm2;
	v45 =	vadd.f32 $3.333473210e-01, v45  }
0x1fd: {  	v47 =	vmul.f32 v54, v48;
	v46 =	vnsel vm8, $0x3F000000, v46;
	(erf) = vrcp.f32 v50  }
0x1fe: {  	v57 =	vand.u32 $0x7FFFFF, v46;
	v45 =	vmul.f32 v45, v43;
	(erf) = vrcp.f32 v44  }
0x1ff: {  	v49 =	vadd.s32 v49, v62;
	v47 =	vadd.f32 $-5.000000000e-01, v47;
	v44 =	vor.u32 $0x3F800000, v57  }
0x200: {  	v51 =	vsub.f32 $1.000000000e+00, v46;
	v45 =	vadd.f32 $-5.000000000e-01, v45;
	v60 =	vmul.f32 $5.000000000e-01, v44  }
0x201: {  	v49 =	vcvt.s32.f32 v49;
	v47 =	vmul.f32 v47, v48;
	vm0 =	vgt.f32 v44, $1.414213540e+00  }
0x202: {  	v61 =	vand.u32 $0x7FFFFF, v51;
	v45 =	vmul.f32 v45, v43;
	v44 =	vsel vm0, v60, v44  }
0x203: {  	v47 =	vadd.f32 $9.999998800e-01, v47;
	v50 =	vadd.f32 $-1.000000000e+00, v44;
	v44 =	vor.u32 $0x3F800000, v61  }
0x204: {  	v49 =	vmul.f32 $6.931471820e-01, v49;
	v45 =	vadd.f32 $9.999998800e-01, v45;
	v53 =	vmul.f32 $5.000000000e-01, v44  }
0x205: {  	v47 =	vmul.f32 v47, v48;
	v48 =	vcvt.s32.f32 v59;
	vm1 =	vgt.f32 v44, $1.414213540e+00  }
0x206: {  	v45 =	vmul.f32 v45, v43;
	v63 =	vmul.f32 $8.383508770e-02, v50;
	v44 =	vsel vm1, v53, v44;
	v43 =	vpop (erf)  }
0x207: {  	v47 =	vadd.f32 $2.643457400e-10, v47;
	v48 =	vmul.f32 $6.931471820e-01, v48;
	v55 =	vadd.f32 $-1.000000000e+00, v44;
	v54 =	vpop (erf)  }
0x208: {  	v45 =	vadd.f32 $2.643457400e-10, v45;
	v52 =	vadd.f32 $-1.429659870e-01, v63;
	v57 =	vmul.f32 v54, v20  }
0x209: {  	v58 =	vadd.f32 v47, v48;
	v59 =	vmul.f32 v54, v21;
	v62 =	vmul.f32 $8.383508770e-02, v55  }
0x20a: {  	v60 =	vmul.f32 v52, v50;
	v45 =	vadd.f32 v45, v49;
	v61 =	vsub.f32 v22, v57  }
0x20b: {  	v47 =	vsub.f32 v24, v59;
	v52 =	vadd.f32 $-1.429659870e-01, v62  }
0x20c: {  	v48 =	vadd.f32 $1.505637620e-01, v60;
	v63 =	vmul.f32 v45, v12  }
0x20d: {  	v49 =	vsub.f32 v61, v58;
	v44 =	vsub.f32 v47, v58;
	v58 =	vmul.f32 v52, v55  }
0x20e: {  	v45 =	vmul.f32 v45, v13;
	v56 =	vmul.f32 v48, v50  }
0x20f: {  	v57 =	vadd.f32 v49, v63;
	v61 =	vadd.f32 $1.505637620e-01, v58  }
0x210: {  	v44 =	vadd.f32 v44, v45;
	v59 =	vadd.f32 $-1.657575070e-01, v56  }
0x211: {  	v63 =	vor.u32 $0xC, v23;
	v60 =	vmax.f32 v57, $-1.000000000e+01;
	v48 =	vmul.f32 v61, v55  }
0x212: {  	v44 =	vmax.f32 v44, $-1.000000000e+01;
	v45 =	vmul.f32 v59, v50;
	v47 =	vmin.f32 v60, $1.000000000e+01  }
0x213: {  	v44 =	vmin.f32 v44, $1.000000000e+01;
	v47 =	vmul.f32 $1.442695020e+00, v47;
	v62 =	vadd.f32 $-1.657575070e-01, v48  }
0x214: {  	v44 =	vmul.f32 $1.442695020e+00, v44;
	v45 =	vadd.f32 $1.994477810e-01, v45  }
0x215: {  	(erf) = vpow2.f32 v47;
	v52 =	vmul.f32 v62, v55  }
0x216: {  	v49 =	vmul.f32 v45, v50;
	(erf) = vpow2.f32 v44  }
0x217: {  	v45 =	vadd.f32 $1.994477810e-01, v52  }
0x218: {  	v53 =	vld.idx.msk [tilespmem:v63+s2+$0x0], $0xffff;
	v44 =	vadd.f32 $-2.500125170e-01, v49  }
0x219: {  	v45 =	vmul.f32 v45, v55  }
0x21a: {  	v44 =	vmul.f32 v44, v50  }
0x21b: {  	v45 =	vadd.f32 $-2.500125170e-01, v45  }
0x21c: {  	v54 =	vadd.f32 $3.333473210e-01, v44  }
0x21d: {  	vm2 =	vlt.f32 v53, $0.0e+00;
	vm7 =	vgt.f32 v53, $0.0e+00;
	v45 =	vmul.f32 v45, v55  }
0x21e: {  	v51 =	vshra.s32 v51, $0x17;
	vm2 =	vmor vm7, vm2;
	v48 =	vmul.f32 v54, v50;
	v44 =	vpop (erf)  }
0x21f: {  	v57 =	vshra.s32 v46, $0x17;
	vm5 =	vmand vm6, vm2;
	v56 =	vpop (erf);
	v45 =	vadd.f32 $3.333473210e-01, v45  }
0x220: {  	v47 =	vnsel vm5, $0x3F000000, v53;
	v48 =	vadd.f32 $-5.000000000e-01, v48;
	v49 =	vsub.f32 $1.500000000e+01, v56  }
0x221: {  	v59 =	vsel vm0, $0xFFFFFF82, v6;
	v58 =	vand.u32 $0x7FFFFF, v47;
	v45 =	vmul.f32 v45, v55  }
0x222: {  	v52 =	vor.u32 $0x3F800000, v58;
	v48 =	vmul.f32 v48, v50;
	(erf) = vrcp.f32 v49  }
0x223: {  	v60 =	vmul.f32 $5.000000000e-01, v52;
	v45 =	vadd.f32 $-5.000000000e-01, v45;
	(erf) = vrcp.f32 v46  }
0x224: {  	v53 =	vsub.f32 $1.000000000e+00, v47;
	vm0 =	vgt.f32 v52, $1.414213540e+00;
	v48 =	vadd.f32 $9.999998800e-01, v48  }
0x225: {  	v62 =	vsel vm1, $0xFFFFFF82, v6;
	v46 =	vsel vm0, v60, v52;
	v45 =	vmul.f32 v45, v55  }
0x226: {  	v61 =	vand.u32 $0x7FFFFF, v53;
	v48 =	vmul.f32 v48, v50;
	v50 =	vadd.f32 $-1.000000000e+00, v46  }
0x227: {  	v51 =	vadd.s32 v51, v62;
	v46 =	vor.u32 $0x3F800000, v61;
	v45 =	vadd.f32 $9.999998800e-01, v45  }
0x228: {  	v49 =	vadd.s32 v57, v59;
	v56 =	vmul.f32 $5.000000000e-01, v46;
	v63 =	vmul.f32 $8.383508770e-02, v50  }
0x229: {  	v51 =	vcvt.s32.f32 v51;
	v49 =	vcvt.s32.f32 v49;
	vm1 =	vgt.f32 v46, $1.414213540e+00  }
0x22a: {  	v46 =	vsel vm1, v56, v46;
	v59 =	vmul.f32 v45, v55;
	v54 =	vadd.f32 $-1.429659870e-01, v63  }
0x22b: {  	v49 =	vmul.f32 $6.931471820e-01, v49;
	v48 =	vadd.f32 $2.643457400e-10, v48;
	v55 =	vadd.f32 $-1.000000000e+00, v46;
	v45 =	vpop (erf)  }
0x22c: {  	v51 =	vmul.f32 $6.931471820e-01, v51;
	v60 =	vadd.f32 $2.643457400e-10, v59;
	v54 =	vmul.f32 v54, v50;
	v61 =	vpop (erf)  }
0x22d: {  	v48 =	vadd.f32 v48, v49;
	v63 =	vmul.f32 $8.383508770e-02, v55;
	v62 =	vmul.f32 v61, v20  }
0x22e: {  	v46 =	vadd.f32 v60, v51;
	v59 =	vmul.f32 v61, v21;
	v60 =	vadd.f32 $1.505637620e-01, v54  }
0x22f: {  	v61 =	vadd.f32 $-1.429659870e-01, v63;
	v49 =	vsub.f32 v22, v62  }
0x230: {  	v51 =	vsub.f32 v24, v59;
	v52 =	vmul.f32 v60, v50  }
0x231: {  	v62 =	vmul.f32 v46, v12;
	v54 =	vmul.f32 v61, v55;
	v49 =	vsub.f32 v49, v48  }
0x232: {  	v46 =	vmul.f32 v46, v13;
	v48 =	vsub.f32 v51, v48;
	v63 =	vadd.f32 $-1.657575070e-01, v52  }
0x233: {  	v56 =	vadd.f32 $1.505637620e-01, v54;
	v49 =	vadd.f32 v49, v62  }
0x234: {  	v46 =	vadd.f32 v48, v46;
	v57 =	vmul.f32 v63, v50  }
0x235: {  	v58 =	vmul.f32 v56, v55;
	v49 =	vmax.f32 v49, $-1.000000000e+01  }
0x236: {  	v46 =	vmax.f32 v46, $-1.000000000e+01;
	v48 =	vadd.f32 $1.994477810e-01, v57;
	v49 =	vmin.f32 v49, $1.000000000e+01  }
0x237: {  	v60 =	vor.u32 $0xD, v23;
	v46 =	vmin.f32 v46, $1.000000000e+01;
	v49 =	vmul.f32 $1.442695020e+00, v49  }
0x238: {  	v51 =	vadd.f32 $-1.657575070e-01, v58;
	v46 =	vmul.f32 $1.442695020e+00, v46;
	v48 =	vmul.f32 v48, v50  }
0x239: {  	(erf) = vpow2.f32 v49  }
0x23a: {  	v59 =	vmul.f32 v51, v55;
	v61 =	vadd.f32 $-2.500125170e-01, v48;
	(erf) = vpow2.f32 v46;
	_ =	sdelay $0x1  }
0x23b: {  	v63 =	vld.idx.msk [tilespmem:v60+s2+$0x0], $0xffff;
	v62 =	vadd.f32 $1.994477810e-01, v59;
	v46 =	vmul.f32 v61, v50;
	_ =	sdelay $0x1  }
0x23c: {  	v48 =	vmul.f32 v62, v55;
	v46 =	vadd.f32 $3.333473210e-01, v46;
	_ =	sdelay $0x1  }
0x23d: {  	v48 =	vadd.f32 $-2.500125170e-01, v48  }
0x23e: {  	vm2 =	vlt.f32 v63, $0.0e+00;
	vm7 =	vgt.f32 v63, $0.0e+00;
	v57 =	vmul.f32 v46, v50  }
0x23f: {  	v53 =	vshra.s32 v53, $0x17;
	vm2 =	vmor vm7, vm2;
	v48 =	vmul.f32 v48, v55;
	v46 =	vpop (erf)  }
0x240: {  	v59 =	vsel vm0, $0xFFFFFF82, v6;
	vm4 =	vmand vm6, vm2;
	v51 =	vadd.f32 $-5.000000000e-01, v57;
	v58 =	vpop (erf)  }
0x241: {  	v49 =	vnsel vm4, $0x3F000000, v63;
	v48 =	vadd.f32 $3.333473210e-01, v48;
	v52 =	vsub.f32 $1.500000000e+01, v58  }
0x242: {  	v60 =	vand.u32 $0x7FFFFF, v49;
	v56 =	vsub.f32 $1.000000000e+00, v49;
	v51 =	vmul.f32 v51, v50  }
0x243: {  	v61 =	vor.u32 $0x3F800000, v60;
	v48 =	vmul.f32 v48, v55;
	(erf) = vrcp.f32 v52  }
0x244: {  	v51 =	vadd.f32 $9.999998800e-01, v51;
	v52 =	vmul.f32 $5.000000000e-01, v61;
	(erf) = vrcp.f32 v47  }
0x245: {  	v62 =	vsel vm1, $0xFFFFFF82, v6;
	vm1 =	vgt.f32 v61, $1.414213540e+00;
	v48 =	vadd.f32 $-5.000000000e-01, v48  }
0x246: {  	v60 =	vand.u32 $0x7FFFFF, v56;
	v50 =	vmul.f32 v51, v50;
	v51 =	vsel vm1, v52, v61  }
0x247: {  	v47 =	vshra.s32 v47, $0x17;
	v48 =	vmul.f32 v48, v55;
	v51 =	vadd.f32 $-1.000000000e+00, v51  }
0x248: {  	v53 =	vadd.s32 v53, v62;
	v47 =	vadd.s32 v47, v59;
	v61 =	vor.u32 $0x3F800000, v60  }
0x249: {  	v48 =	vadd.f32 $9.999998800e-01, v48;
	v57 =	vmul.f32 $5.000000000e-01, v61;
	v62 =	vmul.f32 $8.383508770e-02, v51  }
0x24a: {  	v53 =	vcvt.s32.f32 v53;
	v63 =	vcvt.s32.f32 v47;
	vm0 =	vgt.f32 v61, $1.414213540e+00  }
0x24b: {  	v48 =	vmul.f32 v48, v55;
	v55 =	vsel vm0, v57, v61;
	v54 =	vadd.f32 $-1.429659870e-01, v62  }
0x24c: {  	v50 =	vadd.f32 $2.643457400e-10, v50;
	v52 =	vmul.f32 $6.931471820e-01, v63;
	v55 =	vadd.f32 $-1.000000000e+00, v55;
	v47 =	vpop (erf)  }
0x24d: {  	v53 =	vmul.f32 $6.931471820e-01, v53;
	v48 =	vadd.f32 $2.643457400e-10, v48;
	v54 =	vmul.f32 v54, v51;
	v58 =	vpop (erf)  }
0x24e: {  	v50 =	vadd.f32 v50, v52;
	v62 =	vmul.f32 $8.383508770e-02, v55;
	v63 =	vmul.f32 v58, v20  }
0x24f: {  	v48 =	vadd.f32 v48, v53;
	v60 =	vmul.f32 v58, v21;
	v54 =	vadd.f32 $1.505637620e-01, v54  }
0x250: {  	v57 =	vadd.f32 $-1.429659870e-01, v62;
	v61 =	vsub.f32 v22, v63  }
0x251: {  	v52 =	vsub.f32 v24, v60;
	v60 =	vmul.f32 v54, v51  }
0x252: {  	v63 =	vmul.f32 v48, v12;
	v53 =	vsub.f32 v61, v50;
	v61 =	vmul.f32 v57, v55  }
0x253: {  	v48 =	vmul.f32 v48, v13;
	v50 =	vsub.f32 v52, v50;
	v62 =	vadd.f32 $-1.657575070e-01, v60  }
0x254: {  	v53 =	vadd.f32 v53, v63;
	v63 =	vadd.f32 $1.505637620e-01, v61  }
0x255: {  	v57 =	vor.u32 $0xE, v23;
	v48 =	vadd.f32 v50, v48;
	v50 =	vmul.f32 v62, v51  }
0x256: {  	v52 =	vmul.f32 v63, v55  }
0x257: {  	v53 =	vmax.f32 v53, $-1.000000000e+01;
	v48 =	vmax.f32 v48, $-1.000000000e+01;
	v50 =	vadd.f32 $1.994477810e-01, v50  }
0x258: {  	v53 =	vmin.f32 v53, $1.000000000e+01;
	v48 =	vmin.f32 v48, $1.000000000e+01;
	v52 =	vadd.f32 $-1.657575070e-01, v52  }
0x259: {  	v53 =	vmul.f32 $1.442695020e+00, v53;
	v48 =	vmul.f32 $1.442695020e+00, v48  }
0x25a: {  	v59 =	vld.idx.msk [tilespmem:v57+s2+$0x0], $0xffff;
	v50 =	vmul.f32 v50, v51;
	v58 =	vmul.f32 v52, v55  }
0x25b: {  	(erf) = vpow2.f32 v53  }
0x25c: {  	v50 =	vadd.f32 $-2.500125170e-01, v50;
	(erf) = vpow2.f32 v48;
	v48 =	vadd.f32 $1.994477810e-01, v58;
	_ =	sdelay $0x1  }
0x25d: {  	v50 =	vmul.f32 v50, v51;
	v48 =	vmul.f32 v48, v55  }
0x25e: {  	vm2 =	vlt.f32 v59, $0.0e+00;
	vm7 =	vgt.f32 v59, $0.0e+00  }
0x25f: {  	vm2 =	vmor vm7, vm2;
	v50 =	vadd.f32 $3.333473210e-01, v50;
	v60 =	vadd.f32 $-2.500125170e-01, v48  }
0x260: {  	vm3 =	vmand vm6, vm2  }
0x261: {  	v52 =	vnsel vm3, $0x3F000000, v59;
	v50 =	vmul.f32 v50, v51;
	v53 =	vmul.f32 v60, v55  }
0x262: {  	v63 =	vand.u32 $0x7FFFFF, v52  }
0x263: {  	v50 =	vadd.f32 $-5.000000000e-01, v50;
	v60 =	vor.u32 $0x3F800000, v63;
	v48 =	vpop (erf);
	v53 =	vadd.f32 $3.333473210e-01, v53  }
0x264: {  	v58 =	vmul.f32 $5.000000000e-01, v60;
	vm2 =	vgt.f32 v60, $1.414213540e+00;
	v61 =	vpop (erf)  }
0x265: {  	v50 =	vmul.f32 v50, v51;
	v54 =	vsub.f32 $1.500000000e+01, v61;
	v53 =	vmul.f32 v53, v55  }
0x266: {  	v62 =	vsel vm1, $0xFFFFFF82, v6;
	v61 =	vsel vm2, v58, v60  }
0x267: {  	v50 =	vadd.f32 $9.999998800e-01, v50;
	(erf) = vrcp.f32 v54;
	v53 =	vadd.f32 $-5.000000000e-01, v53  }
0x268: {  	v54 =	vsub.f32 $1.000000000e+00, v52;
	(erf) = vrcp.f32 v49;
	v49 =	vshra.s32 v49, $0x17  }
0x269: {  	v50 =	vmul.f32 v50, v51;
	v51 =	vadd.f32 $-1.000000000e+00, v61;
	v53 =	vmul.f32 v53, v55  }
0x26a: {  	v56 =	vshra.s32 v56, $0x17;
	v49 =	vadd.s32 v49, v62  }
0x26b: {  	v58 =	vand.u32 $0x7FFFFF, v54;
	v57 =	vmul.f32 $8.383508770e-02, v51;
	v53 =	vadd.f32 $9.999998800e-01, v53  }
0x26c: {  	v59 =	vsel vm0, $0xFFFFFF82, v6;
	v60 =	vcvt.s32.f32 v49;
	v58 =	vor.u32 $0x3F800000, v58  }
0x26d: {  	v53 =	vmul.f32 v53, v55;
	v55 =	vadd.f32 $-1.429659870e-01, v57;
	v57 =	vmul.f32 $5.000000000e-01, v58  }
0x26e: {  	v56 =	vadd.s32 v56, v59;
	vm1 =	vgt.f32 v58, $1.414213540e+00  }
0x26f: {  	v56 =	vcvt.s32.f32 v56;
	v57 =	vsel vm1, v57, v58  }
0x270: {  	v50 =	vadd.f32 $2.643457400e-10, v50;
	v59 =	vmul.f32 $6.931471820e-01, v60;
	v49 =	vpop (erf);
	v57 =	vadd.f32 $-1.000000000e+00, v57  }
0x271: {  	v56 =	vmul.f32 $6.931471820e-01, v56;
	v53 =	vadd.f32 $2.643457400e-10, v53;
	v55 =	vmul.f32 v55, v51;
	v60 =	vpop (erf)  }
0x272: {  	v50 =	vadd.f32 v50, v59;
	v62 =	vmul.f32 v60, v20;
	v58 =	vmul.f32 $8.383508770e-02, v57  }
0x273: {  	v63 =	vmul.f32 v60, v21;
	v55 =	vadd.f32 $1.505637620e-01, v55;
	v53 =	vadd.f32 v53, v56  }
0x274: {  	v60 =	vsub.f32 v22, v62;
	v58 =	vadd.f32 $-1.429659870e-01, v58  }
0x275: {  	v59 =	vsub.f32 v24, v63;
	v55 =	vmul.f32 v55, v51  }
0x276: {  	v56 =	vsub.f32 v60, v50;
	v60 =	vmul.f32 v53, v12;
	v58 =	vmul.f32 v58, v57  }
0x277: {  	v50 =	vsub.f32 v59, v50;
	v53 =	vmul.f32 v53, v13;
	v55 =	vadd.f32 $-1.657575070e-01, v55  }
0x278: {  	v56 =	vadd.f32 v56, v60;
	v63 =	vadd.f32 $1.505637620e-01, v58  }
0x279: {  	v50 =	vadd.f32 v50, v53;
	v61 =	vmul.f32 v55, v51  }
0x27a: {  	v62 =	vmax.f32 v56, $-1.000000000e+01;
	v56 =	vmul.f32 v63, v57  }
0x27b: {  	v50 =	vmax.f32 v50, $-1.000000000e+01;
	v53 =	vadd.f32 $1.994477810e-01, v61;
	v55 =	vmin.f32 v62, $1.000000000e+01  }
0x27c: {  	v50 =	vmin.f32 v50, $1.000000000e+01;
	v55 =	vmul.f32 $1.442695020e+00, v55;
	v59 =	vadd.f32 $-1.657575070e-01, v56  }
0x27d: {  	v50 =	vmul.f32 $1.442695020e+00, v50;
	v53 =	vmul.f32 v53, v51  }
0x27e: {  	(erf) = vpow2.f32 v55;
	v61 =	vmul.f32 v59, v57  }
0x27f: {  	v23 =	vor.u32 $0xF, v23;
	(erf) = vpow2.f32 v50  }
0x280: {  	v60 =	vadd.f32 $-2.500125170e-01, v53;
	v53 =	vadd.f32 $1.994477810e-01, v61;
	_ =	sdelay $0x1  }
0x281: {  	v50 =	vmul.f32 v60, v51;
	v53 =	vmul.f32 v53, v57;
	_ =	sdelay $0x1  }
0x282: {  	v55 =	vld.idx.msk [tilespmem:v23+s2+$0x0], $0xffff;
	v50 =	vadd.f32 $3.333473210e-01, v50;
	v53 =	vadd.f32 $-2.500125170e-01, v53;
	_ =	sdelay $0x1  }
0x283: {  	v50 =	vmul.f32 v50, v51;
	v53 =	vmul.f32 v53, v57  }
0x284: {  	v23 =	vpop (erf)  }
0x285: {  	v50 =	vadd.f32 $-5.000000000e-01, v50;
	v62 =	vpop (erf);
	v53 =	vadd.f32 $3.333473210e-01, v53  }
0x286: {  	v63 =	vsel vm2, $0xFFFFFF82, v6;
	vm7 =	vlt.f32 v55, $0.0e+00;
	v56 =	vsub.f32 $1.500000000e+01, v62  }
0x287: {  	vm0 =	vgt.f32 v55, $0.0e+00;
	v50 =	vmul.f32 v50, v51;
	v53 =	vmul.f32 v53, v57  }
0x288: {  	v60 =	vshra.s32 v52, $0x17;
	vm0 =	vmor vm0, vm7;
	(erf) = vrcp.f32 v56  }
0x289: {  	v50 =	vadd.f32 $9.999998800e-01, v50;
	(erf) = vrcp.f32 v52;
	v62 =	vadd.f32 $-5.000000000e-01, v53  }
0x28a: {  	v54 =	vshra.s32 v54, $0x17;
	v61 =	vadd.s32 v60, v63;
	vm6 =	vmand vm6, vm0  }
0x28b: {  	v55 =	vnsel vm6, $0x3F000000, v55;
	v50 =	vmul.f32 v50, v51;
	v60 =	vmul.f32 v62, v57  }
0x28c: {  	v63 =	vsel vm1, $0xFFFFFF82, v6;
	v52 =	vcvt.s32.f32 v61;
	v51 =	vsub.f32 $1.000000000e+00, v55  }
0x28d: {  	v61 =	vand.u32 $0x7FFFFF, v55;
	v56 =	vadd.f32 $2.643457400e-10, v50;
	v50 =	vadd.f32 $9.999998800e-01, v60  }
0x28e: {  	v58 =	vor.u32 $0x3F800000, v61;
	v53 =	vadd.s32 v54, v63;
	v62 =	vand.u32 $0x7FFFFF, v51  }
0x28f: {  	v52 =	vmul.f32 $6.931471820e-01, v52;
	v54 =	vmul.f32 $5.000000000e-01, v58;
	v59 =	vor.u32 $0x3F800000, v62  }
0x290: {  	vm0 =	vgt.f32 v58, $1.414213540e+00;
	v53 =	vcvt.s32.f32 v53;
	v60 =	vmul.f32 $5.000000000e-01, v59  }
0x291: {  	v54 =	vsel vm0, v54, v58;
	vm7 =	vgt.f32 v59, $1.414213540e+00;
	v57 =	vmul.f32 v50, v57;
	v50 =	vpop (erf)  }
0x292: {  	v53 =	vmul.f32 $6.931471820e-01, v53;
	v54 =	vadd.f32 $-1.000000000e+00, v54;
	v59 =	vsel vm7, v60, v59;
	v58 =	vpop (erf)  }
0x293: {  	v59 =	vadd.f32 $-1.000000000e+00, v59;
	v57 =	vadd.f32 $2.643457400e-10, v57;
	v60 =	vmul.f32 v58, v20  }
0x294: {  	v52 =	vadd.f32 v56, v52;
	v56 =	vmul.f32 v58, v21;
	v58 =	vmul.f32 $8.383508770e-02, v54  }
0x295: {  	v53 =	vadd.f32 v57, v53;
	v57 =	vsub.f32 v22, v60;
	v60 =	vmul.f32 $8.383508770e-02, v59  }
0x296: {  	v56 =	vsub.f32 v24, v56;
	v58 =	vadd.f32 $-1.429659870e-01, v58  }
0x297: {  	v61 =	vmul.f32 v53, v12;
	v57 =	vsub.f32 v57, v52;
	v60 =	vadd.f32 $-1.429659870e-01, v60  }
0x298: {  	v53 =	vmul.f32 v53, v13;
	v52 =	vsub.f32 v56, v52;
	v63 =	vmul.f32 v58, v54  }
0x299: {  	v57 =	vadd.f32 v57, v61;
	v60 =	vmul.f32 v60, v59  }
0x29a: {  	v52 =	vadd.f32 v52, v53;
	v61 =	vadd.f32 $1.505637620e-01, v63  }
0x29b: {  	v62 =	vmax.f32 v57, $-1.000000000e+01;
	v63 =	vadd.f32 $1.505637620e-01, v60  }
0x29c: {  	v52 =	vmax.f32 v52, $-1.000000000e+01;
	v53 =	vmul.f32 v61, v54;
	v56 =	vmin.f32 v62, $1.000000000e+01  }
0x29d: {  	v52 =	vmin.f32 v52, $1.000000000e+01;
	v56 =	vmul.f32 $1.442695020e+00, v56;
	v57 =	vmul.f32 v63, v59  }
0x29e: {  	v52 =	vmul.f32 $1.442695020e+00, v52;
	v53 =	vadd.f32 $-1.657575070e-01, v53  }
0x29f: {  	(erf) = vpow2.f32 v56;
	v60 =	vadd.f32 $-1.657575070e-01, v57  }
0x2a0: {  	v61 =	vmul.f32 v53, v54;
	(erf) = vpow2.f32 v52  }
0x2a1: {  	v62 =	vmul.f32 v60, v59  }
0x2a2: {  	v52 =	vadd.f32 $1.994477810e-01, v61  }
0x2a3: {  	v53 =	vadd.f32 $1.994477810e-01, v62  }
0x2a4: {  	v52 =	vmul.f32 v52, v54  }
0x2a5: {  	v53 =	vmul.f32 v53, v59  }
0x2a6: {  	v52 =	vadd.f32 $-2.500125170e-01, v52  }
0x2a7: {  	v53 =	vadd.f32 $-2.500125170e-01, v53  }
0x2a8: {  	v52 =	vmul.f32 v52, v54;
	v56 =	vpop (erf)  }
0x2a9: {  	v63 =	vpop (erf);
	v53 =	vmul.f32 v53, v59  }
0x2aa: {  	v52 =	vadd.f32 $3.333473210e-01, v52;
	v57 =	vsub.f32 $1.500000000e+01, v63  }
0x2ab: {  	v53 =	vadd.f32 $3.333473210e-01, v53  }
0x2ac: {  	v52 =	vmul.f32 v52, v54;
	(erf) = vrcp.f32 v57  }
0x2ad: {  	v53 =	vmul.f32 v53, v59;
	(erf) = vrcp.f32 v55  }
0x2ae: {  	v52 =	vadd.f32 $-5.000000000e-01, v52  }
0x2af: {  	v53 =	vadd.f32 $-5.000000000e-01, v53  }
0x2b0: {  	v51 =	vshra.s32 v51, $0x17;
	v60 =	vsel vm0, $0xFFFFFF82, v6;
	v52 =	vmul.f32 v52, v54  }
0x2b1: {  	v61 =	vsel vm7, $0xFFFFFF82, v6;
	v55 =	vshra.s32 v55, $0x17;
	v53 =	vmul.f32 v53, v59  }
0x2b2: {  	v51 =	vadd.s32 v51, v61;
	v61 =	vld [tilespmem:$0x1FF80];
	v55 =	vadd.s32 v55, v60;
	v52 =	vadd.f32 $9.999998800e-01, v52  }
0x2b3: {  	v62 =	vcvt.s32.f32 v55;
	v53 =	vadd.f32 $9.999998800e-01, v53  }
0x2b4: {  	v51 =	vcvt.s32.f32 v51;
	v52 =	vmul.f32 v52, v54  }
0x2b5: {  	v54 =	vmul.f32 $6.931471820e-01, v62;
	v62 =	vld [tilespmem:$0x1FF90];
	v55 =	vpop (erf);
	v53 =	vmul.f32 v53, v59  }
0x2b6: {  	v58 =	vsub.f32 $1.500000000e+01, v26;
	v51 =	vmul.f32 $6.931471820e-01, v51;
	v52 =	vadd.f32 $2.643457400e-10, v52;
	v63 =	vpop (erf)  }
0x2b7: {  	vm7 =	vnez.u8 v61;
	v53 =	vadd.f32 $2.643457400e-10, v53;
	v20 =	vmul.f32 v63, v20  }
0x2b8: {  	v52 =	vadd.f32 v52, v54;
	v21 =	vmul.f32 v63, v21;
	v63 =	vsub.f32 $1.500000000e+01, v28  }
0x2b9: {  	v25 =	vnsel vm7, $0x3F800000, v25;
	v51 =	vadd.f32 v53, v51;
	v20 =	vsub.f32 v22, v20  }
0x2ba: {  	v28 =	vsub.f32 $1.500000000e+01, v30;
	vm7 =	vnez.u8 v62;
	v21 =	vsub.f32 v24, v21  }
0x2bb: {  	v22 =	vmul.f32 v27, v58;
	v20 =	vsub.f32 v20, v52;
	v59 =	vmul.f32 v51, v12  }
0x2bc: {  	v24 =	vmul.f32 v29, v63;
	v29 =	vld [tilespmem:$0x1FFA0];
	v21 =	vsub.f32 v21, v52;
	v60 =	vmul.f32 v51, v13  }
0x2bd: {  	v22 =	vnsel vm7, $0x3F800000, v22;
	v20 =	vadd.f32 v20, v59  }
0x2be: {  	v22 =	vmul.f32 v22, v25;
	v25 =	vmul.f32 v31, v28;
	v31 =	vld [tilespmem:$0x1FFB0];
	v21 =	vadd.f32 v21, v60  }
0x2bf: {  	v20 =	vmax.f32 v20, $-1.000000000e+01  }
0x2c0: {  	v30 =	vsub.f32 $1.500000000e+01, v32;
	v21 =	vmax.f32 v21, $-1.000000000e+01;
	v20 =	vmin.f32 v20, $1.000000000e+01  }
0x2c1: {  	vm7 =	vnez.u8 v29;
	v21 =	vmin.f32 v21, $1.000000000e+01;
	v20 =	vmul.f32 $1.442695020e+00, v20  }
0x2c2: {  	v32 =	vsub.f32 $1.500000000e+01, v34;
	v24 =	vnsel vm7, $0x3F800000, v24;
	v21 =	vmul.f32 $1.442695020e+00, v21  }
0x2c3: {  	v22 =	vmul.f32 v22, v24;
	vm7 =	vnez.u8 v31;
	(erf) = vpow2.f32 v20  }
0x2c4: {  	v25 =	vnsel vm7, $0x3F800000, v25;
	v20 =	vmul.f32 v33, v30;
	(erf) = vpow2.f32 v21  }
0x2c5: {  	v22 =	vmul.f32 v22, v25  }
0x2c6: {  	v33 =	vsub.f32 $1.500000000e+01, v36;
	v21 =	vmul.f32 v35, v32;
	v20 =	vnsel vm9, $0x3F800000, v20  }
0x2c7: {  	v20 =	vmul.f32 v22, v20  }
0x2c8: {  	v35 =	vsub.f32 $1.500000000e+01, v38;
	v34 =	vmul.f32 v37, v33;
	v21 =	vnsel vm10, $0x3F800000, v21  }
0x2c9: {  	v20 =	vmul.f32 v20, v21  }
0x2ca: {  	v38 =	vsub.f32 $1.500000000e+01, v40;
	v37 =	vmul.f32 v39, v35;
	v36 =	vnsel vm11, $0x3F800000, v34  }
0x2cb: {  	v39 =	vsub.f32 $1.500000000e+01, v42;
	v20 =	vmul.f32 v20, v36  }
0x2cc: {  	v24 =	vmul.f32 v41, v38;
	v22 =	vnsel vm12, $0x3F800000, v37;
	v40 =	vpop (erf)  }
0x2cd: {  	v21 =	vmul.f32 v43, v39;
	v20 =	vmul.f32 v20, v22;
	v42 =	vpop (erf)  }
0x2ce: {  	v24 =	vnsel vm13, $0x3F800000, v24;
	v43 =	vsub.f32 $1.500000000e+01, v44;
	v22 =	vsub.f32 $1.500000000e+01, v42  }
0x2cf: {  	v21 =	vnsel vm14, $0x3F800000, v21;
	v20 =	vmul.f32 v20, v24  }
0x2d0: {  	v44 =	vmul.f32 v45, v43;
	v45 =	vsub.f32 $1.500000000e+01, v46;
	(erf) = vrcp.f32 v22  }
0x2d1: {  	v20 =	vmul.f32 v20, v21  }
0x2d2: {  	v48 =	vsub.f32 $1.500000000e+01, v48;
	v46 =	vnsel vm15, $0x3F800000, v44;
	v22 =	vmul.f32 v47, v45  }
0x2d3: {  	v20 =	vmul.f32 v20, v46  }
0x2d4: {  	v23 =	vsub.f32 $1.500000000e+01, v23;
	v52 =	vmul.f32 v49, v48;
	v51 =	vnsel vm8, $0x3F800000, v22  }
0x2d5: {  	v20 =	vmul.f32 v20, v51  }
0x2d6: {  	v56 =	vsub.f32 $1.500000000e+01, v56;
	v54 =	vmul.f32 v50, v23;
	v53 =	vnsel vm5, $0x3F800000, v52  }
0x2d7: {  	v20 =	vmul.f32 v20, v53  }
0x2d8: {  	v57 =	vnsel vm4, $0x3F800000, v54;
	v58 =	vmul.f32 v55, v56;
	v59 =	vsub.f32 $1.500000000e+01, v40  }
0x2d9: {  	v20 =	vmul.f32 v20, v57;
	v60 =	vpop (erf)  }
0x2da: {  	v22 =	vnsel vm3, $0x3F800000, v58;
	v21 =	vmul.f32 v60, v59  }
0x2db: {  	v20 =	vmul.f32 v20, v22  }
0x2dc: {  	v21 =	vnsel vm6, $0x3F800000, v21  }
0x2dd: {  	v20 =	vmul.f32 v20, v21;
	_ =	sdelay $0x1  }
0x2de: {  	v21 =	vand.u32 $0x7FFFFF, v20  }
0x2df: {  	v21 =	vor.u32 $0x3F800000, v21  }
0x2e0: {  	v61 =	vmul.f32 $5.000000000e-01, v21  }
0x2e1: {  	vm15 =	vgt.f32 v21, $1.414213540e+00  }
0x2e2: {  	v21 =	vsel vm15, v61, v21  }
0x2e3: {  	v21 =	vadd.f32 $-1.000000000e+00, v21;
	_ =	sdelay $0x1  }
0x2e4: {  	v62 =	vmul.f32 $8.383508770e-02, v21;
	_ =	sdelay $0x1  }
0x2e5: {  	v22 =	vadd.f32 $-1.429659870e-01, v62;
	_ =	sdelay $0x1  }
0x2e6: {  	v22 =	vmul.f32 v22, v21;
	_ =	sdelay $0x1  }
0x2e7: {  	v22 =	vadd.f32 $1.505637620e-01, v22;
	_ =	sdelay $0x1  }
0x2e8: {  	v22 =	vmul.f32 v22, v21;
	_ =	sdelay $0x1  }
0x2e9: {  	v22 =	vadd.f32 $-1.657575070e-01, v22;
	_ =	sdelay $0x1  }
0x2ea: {  	v22 =	vmul.f32 v22, v21;
	_ =	sdelay $0x1  }
0x2eb: {  	v22 =	vadd.f32 $1.994477810e-01, v22;
	_ =	sdelay $0x1  }
0x2ec: {  	v22 =	vmul.f32 v22, v21;
	_ =	sdelay $0x1  }
0x2ed: {  	v22 =	vadd.f32 $-2.500125170e-01, v22;
	_ =	sdelay $0x1  }
0x2ee: {  	v22 =	vmul.f32 v22, v21;
	_ =	sdelay $0x1  }
0x2ef: {  	v22 =	vadd.f32 $3.333473210e-01, v22;
	_ =	sdelay $0x1  }
0x2f0: {  	v22 =	vmul.f32 v22, v21;
	_ =	sdelay $0x1  }
0x2f1: {  	v22 =	vadd.f32 $-5.000000000e-01, v22;
	_ =	sdelay $0x1  }
0x2f2: {  	v22 =	vmul.f32 v22, v21;
	_ =	sdelay $0x1  }
0x2f3: {  	v20 =	vshra.s32 v20, $0x17;
	v63 =	vsel vm15, $0xFFFFFF82, v6;
	v22 =	vadd.f32 $9.999998800e-01, v22  }
0x2f4: {  	v20 =	vadd.s32 v20, v63  }
0x2f5: {  	v20 =	vcvt.s32.f32 v20;
	v21 =	vmul.f32 v22, v21  }
0x2f6: {  	p1 =	sne.s32 s18, $0xF0  }
.Ltmp0:
0x2f7: {  	v20 =	vmul.f32 $6.931471820e-01, v20;
	v21 =	vadd.f32 $2.643457400e-10, v21;
	(pc) =	sbr.rel @p1 .LBB2_2-.Ltmp0, $3  }
0x2f8: {  	_ = 	snop  }
0x2f9: {  	v20 =	vadd.f32 v21, v20;
	_ =	sdelay $0x1  }
0x2fa: {  	s17 =	sadd.s32 $0x10, s17;
	s18 =	sadd.s32 $0x10, s18;
	v10 =	vadd.f32 v20, v10  }
0x2fb: {  	_ = 	snop  }
0x2fc: {  	[tilespmem:$0x8180] =	vst v10  }
0x2fd: {  	[hbm4b:s7+s2] =	stream.linear.scatter [tilespmem:s15], [sflag:$0x1], $0x80, $0x38;
	[tilespmem:$0x8280] =	vst v63  }
0x2fe: {  	_ =	swait.ge [sflag:s11], $0x80  }
0x2ff: {  	[sflag:s11] =	ssyncset.done $0x0  }
0x300: {  	[sflag:s11] =	ssyncadd.s32 $0xFFFFFF80  }
0x301: {  	s17 =	simm.s32 @!p0 $0x0;
	s18 =	simm.s32 @!p0 $0x8200;
	[bflag:$0x0] =	sbarrier.arrive $0xFFFF  }
0x302: {  	[tilespmem:s18], [sflag:$0x1] =	stream.linear.gather @!p0 [hbm4b:s8+s17], $0x80, $0x38;
	[tilespmem:$0x8280] =	vst v63  }
0x303: {  	s18 =	simm.s32 @!p0 $0x1  }
0x304: {  	_ =	swait.ge @!p0 [sflag:s18], $0x80  }
0x305: {  	[sflag:s18] =	ssyncset.done @!p0 $0x0  }
0x306: {  	[sflag:s18] =	ssyncadd.s32 @!p0 $0xFFFFFF80  }
0x307: {  	v8 =	vld @!p0 [tilespmem:$0x8200];
	_ =	sdelay $0x4  }
0x308: {  	v8 =	vadd.f32 @!p0 v8, v10;
	_ =	sdelay $0x1  }
0x309: {  	(xrf2) =	vadd.scan.msk.f32 @!p0 $0xffff, v8;
	_ =	sdelay $0x9  }
0x30a: {  	v8, _, _ =	vpop @!p0 (xrf2)  }
0x30b: {  	v8 =	vmul.f32 @!p0 $1.442695020e+00, v8;
	_ =	sdelay $0x1  }
0x30c: {  	v8 =	vbroadcast @!p0 v8, $0xF;
	_ =	sdelay $0x1  }
0x30d: {  	(erf) = vpow2.f32 @!p0 v8;
	_ =	sdelay $0x7  }
0x30e: {  	s16 =	sadd.s32 $0x1, s16  }
0x30f: {  	p1 =	sne.s32 s16, s10;
	v8 =	vpop @!p0 (erf)  }
.Ltmp1:
0x310: {  	s19 =	simm.s32 @!p0 $0x8180;
	[tilespmem:$0x8180] =	vst @!p0 v8;
	(pc) =	sbr.rel @p1 .LBB2_1-.Ltmp1, $4  }
0x311: {  	[hbm4b:s9+s17] =	stream.linear.scatter @!p0 [tilespmem:s19], [sflag:$0x1], $0x80, $0x38;
	[tilespmem:$0x8280] =	vst v63  }
0x312: {  	_ =	swait.ge @!p0 [sflag:s18], $0x80  }
0x313: {  	[sflag:s18] =	ssyncset.done @!p0 $0x0  }
0x314: {  	[sflag:s18] =	ssyncadd.s32 @!p0 $0xFFFFFF80  }
0x315: {  	_ =	sfence.sel $0x180000  }
0x316: {  	[bflag:$0x0] =	sbarrier.arrive $0xFFFF  }
0x317: {  	p0 =	sne.s32 s1, $0x0;
	_ =	strace $0x90000047  }
0x318: {  	s0 =	sadd.s32 @!p0 $0x100000, s0;
	[bflag:$0x2] =	sbarrier.arrive $0xFFFF  }
0x319: {  	[sflag:s0] =	ssyncadd.tile.s32 @!p0 $0x1;
	_ =	shalt  }
.Lfunc_end2:
_tile_overlayer_lowered:
.L_overlay_start_2:
0x31a: {  	(tag) =	ssettag $0x2  }
0x31b: {  	s0 =	rddreg [dreg:$0x0];
	s2 =	stileid.u32  }
0x31c: {  	s1 =	rddreg [dreg:$0x1];
	p0 =	sne.s32 s2, $0x0  }
0x31d: {  	s3 =	rddreg [dreg:$0x2];
	[bflag:$0x3] =	sbarrier.arrive $0xFFFF;
	s2 =	simm.s32 @!p0 $0x1C01  }
0x31e: {  	[timem:s3], [sflag:s2] =	dma.local @!p0 [hbm:s0], s1  }
0x31f: {  	s0 =	simm.s32 @!p0 $0x1  }
0x320: {  	_ =	swait.ge @!p0 [sflag:s0], s1  }
0x321: {  	s1 =	ssub.s32 @!p0 $0x0, s1;
	[sflag:s0] =	ssyncset.done @!p0 $0x0  }
0x322: {  	[sflag:s0] =	ssyncadd.s32 @!p0 s1  }
0x323: {  	[bflag:$0x3] =	sbarrier.arrive $0xFFFF  }
0x324: {  	_ =	shalt  }

</sc_bundles>
